<compile_context>
chip_gen: v7x
topology: tpu7x:2x2x1
jax: 0.10.2.dev20260603
libtpu: 0.0.44.dev20260713+nightly
codegen_flags: <defaults>
</compile_context>

<pallas_src>
import jax
import jax.numpy as jnp
from jax import lax
from jax.experimental import pallas as pl
from jax.experimental.pallas import tpu as pltpu, tpu_sc as plsc

NU = 50000
NN = 100000
DD = 32
EE = 1600000
BB = 4096

NC, NS = 2, 16
HALF = NN // NC
ACC_ROWS = 50048
ZB_ROWS = 391
CH = 80
KK = 5
NSUB = 10
SUP = CH * NSUB
EPT = EE // NS
NSUP = EPT // SUP
WB = 3128
WB_LAST = HALF - (NS - 1) * WB

_MESH = dict(core_axis_name="c", subcore_axis_name="s")


def _zero_fill(zbuf, width):
    zv = jnp.zeros((16,), jnp.float32)
    ngroups = width // 16

    def zb(i, carry):
        r = i // ngroups
        g = i % ngroups
        zbuf[r, pl.ds(g * 16, 16)] = zv
        return carry

    lax.fori_loop(0, ZB_ROWS * ngroups, zb, 0)


def _localize_dst(dstag, didx, j, base):
    for g in range(CH // 16):
        d = dstag[pl.ds(j * CH + g * 16, 16)]
        loc = d - base
        ok = (loc >= 0) & (loc < HALF)
        didx[pl.ds(g * 16, 16)] = jnp.where(ok, loc, HALF)


def _prop_body(feat_hbm, src_hbm, dst_hbm, out_hbm, *sc):
    acc, zbuf, sstag, dstag = sc[0], sc[1], sc[2], sc[3]
    rows = sc[4:4 + KK]
    didx = sc[4 + KK:4 + 2 * KK]
    sem = sc[4 + 2 * KK]
    c = lax.axis_index("c")
    s = lax.axis_index("s")
    base = c * HALF

    _zero_fill(zbuf, DD)
    for b in range(8):
        pltpu.sync_copy(zbuf, acc.at[pl.ds(s * 3128 + b * ZB_ROWS, ZB_ROWS)])
    plsc.subcore_barrier()

    e0 = s * EPT

    def step(i, carry):
        eoff = pl.multiple_of(e0 + i * SUP, 8)
        pltpu.sync_copy(src_hbm.at[pl.ds(eoff, SUP)], sstag)
        pltpu.sync_copy(dst_hbm.at[pl.ds(eoff, SUP)], dstag)
        descs = [None] * NSUB
        for j in range(KK):
            descs[j] = pltpu.async_copy(
                feat_hbm.at[sstag.at[pl.ds(j * CH, CH)]], rows[j], sem)
        for j in range(NSUB):
            descs[j].wait()
            _localize_dst(dstag, didx[j % KK], j, base)
            pltpu.sync_copy(rows[j % KK], acc.at[didx[j % KK]], add=True)
            if j + KK < NSUB:
                descs[j + KK] = pltpu.async_copy(
                    feat_hbm.at[sstag.at[pl.ds((j + KK) * CH, CH)]],
                    rows[(j + KK) % KK], sem)
        return carry

    lax.fori_loop(0, NSUP, step, 0)
    plsc.subcore_barrier()
    _writeback(acc, out_hbm, s, base)


def _writeback(acc, out_hbm, s, base):
    @pl.when(s < NS - 1)
    def _():
        off = pl.multiple_of(s * WB, 8)
        pltpu.sync_copy(acc.at[pl.ds(off, WB)],
                        out_hbm.at[pl.ds(pl.multiple_of(base + off, 8), WB)])

    @pl.when(s == NS - 1)
    def _():
        off = (NS - 1) * WB
        pltpu.sync_copy(acc.at[pl.ds(off, WB_LAST)],
                        out_hbm.at[pl.ds(pl.multiple_of(base + off, 8), WB_LAST)])


_prop = pl.kernel(
    _prop_body,
    out_type=jax.ShapeDtypeStruct((NN, DD), jnp.float32),
    mesh=plsc.VectorSubcoreMesh(num_cores=NC, num_subcores=NS, **_MESH),
    compiler_params=pltpu.CompilerParams(use_tc_tiling_on_sc=False),
    scratch_types=(
        [
            pltpu.VMEM_SHARED((ACC_ROWS, DD), jnp.float32),
            pltpu.VMEM((ZB_ROWS, DD), jnp.float32),
            pltpu.VMEM((SUP,), jnp.int32),
            pltpu.VMEM((SUP,), jnp.int32),
        ]
        + [pltpu.VMEM((CH, DD), jnp.float32) for _ in range(KK)]
        + [pltpu.VMEM((CH,), jnp.int32) for _ in range(KK)]
        + [pltpu.SemaphoreType.DMA]
    ),
)


def _deg_body(dst_hbm, out_hbm, *sc):
    acc, zbuf, ones_v, dstag = sc[0], sc[1], sc[2], sc[3]
    didx = sc[4:4 + NSUB]
    sem = sc[4 + NSUB]
    c = lax.axis_index("c")
    s = lax.axis_index("s")
    base = c * HALF

    _zero_fill(zbuf, DD)
    for b in range(8):
        pltpu.sync_copy(zbuf, acc.at[pl.ds(s * 3128 + b * ZB_ROWS, ZB_ROWS)])
    ov = jnp.ones((16,), jnp.float32)

    def ob(i, carry):
        r = i // (DD // 16)
        g = i % (DD // 16)
        ones_v[r, pl.ds(g * 16, 16)] = ov
        return carry

    lax.fori_loop(0, CH * (DD // 16), ob, 0)
    plsc.subcore_barrier()

    e0 = s * EPT

    def step(i, carry):
        eoff = pl.multiple_of(e0 + i * SUP, 8)
        pltpu.sync_copy(dst_hbm.at[pl.ds(eoff, SUP)], dstag)
        for j in range(NSUB):
            _localize_dst(dstag, didx[j], j, base)
        sds = [pltpu.async_copy(ones_v, acc.at[didx[j]], sem, add=True)
               for j in range(NSUB)]
        for d in sds:
            d.wait()
        return carry

    lax.fori_loop(0, NSUP, step, 0)
    plsc.subcore_barrier()
    _writeback(acc, out_hbm, s, base)


_deg = pl.kernel(
    _deg_body,
    out_type=jax.ShapeDtypeStruct((NN, DD), jnp.float32),
    mesh=plsc.VectorSubcoreMesh(num_cores=NC, num_subcores=NS, **_MESH),
    compiler_params=pltpu.CompilerParams(use_tc_tiling_on_sc=False),
    scratch_types=(
        [
            pltpu.VMEM_SHARED((ACC_ROWS, DD), jnp.float32),
            pltpu.VMEM((ZB_ROWS, DD), jnp.float32),
            pltpu.VMEM((CH, DD), jnp.float32),
            pltpu.VMEM((SUP,), jnp.int32),
        ]
        + [pltpu.VMEM((CH,), jnp.int32) for _ in range(NSUB)]
        + [pltpu.SemaphoreType.DMA]
    ),
)


def _gather3_body(feat_hbm, u_hbm, p_hbm, n_hbm, uo_hbm, po_hbm, no_hbm,
                  idxv, rows_v, sem):
    w = lax.axis_index("s") * NC + lax.axis_index("c")
    b0 = pl.multiple_of(w * (BB // (NC * NS)), 8)
    for ih, oh in ((u_hbm, uo_hbm), (p_hbm, po_hbm), (n_hbm, no_hbm)):
        pltpu.sync_copy(ih.at[pl.ds(b0, BB // (NC * NS))], idxv)
        pltpu.async_copy(feat_hbm.at[idxv], rows_v, sem).wait()
        pltpu.sync_copy(rows_v, oh.at[pl.ds(b0, BB // (NC * NS))])


_gather3 = pl.kernel(
    _gather3_body,
    out_type=(
        jax.ShapeDtypeStruct((BB, DD), jnp.float32),
        jax.ShapeDtypeStruct((BB, DD), jnp.float32),
        jax.ShapeDtypeStruct((BB, DD), jnp.float32),
    ),
    mesh=plsc.VectorSubcoreMesh(num_cores=NC, num_subcores=NS, **_MESH),
    compiler_params=pltpu.CompilerParams(use_tc_tiling_on_sc=False),
    scratch_types=[
        pltpu.VMEM((BB // (NC * NS),), jnp.int32),
        pltpu.VMEM((BB // (NC * NS), DD), jnp.float32),
        pltpu.SemaphoreType.DMA,
    ],
)


_ROWS = NN * DD // 128
_BLK = 1000
_GRID = _ROWS // _BLK
_spec = pl.BlockSpec((_BLK, 128), lambda i: (i, 0))
_fullshape = jax.ShapeDtypeStruct((_ROWS, 128), jnp.float32)


def _tc1_body(deg_ref, emb_ref, norm_ref, s0_ref):
    n = lax.rsqrt(jnp.maximum(deg_ref[...], 1.0))
    norm_ref[...] = n
    s0_ref[...] = emb_ref[...] * n


_tc1 = pl.pallas_call(
    _tc1_body,
    grid=(_GRID,),
    in_specs=[_spec, _spec],
    out_specs=[_spec, _spec],
    out_shape=[_fullshape, _fullshape],
)


def _tc2_body(a1_ref, norm_ref, h1_ref, s1_ref):
    n = norm_ref[...]
    h1 = a1_ref[...] * n
    h1_ref[...] = h1
    s1_ref[...] = h1 * n


_tc2 = pl.pallas_call(
    _tc2_body,
    grid=(_GRID,),
    in_specs=[_spec, _spec],
    out_specs=[_spec, _spec],
    out_shape=[_fullshape, _fullshape],
)


def _tc3_body(emb_ref, h1_ref, a2_ref, norm_ref, f_ref):
    f_ref[...] = (emb_ref[...] + h1_ref[...] + a2_ref[...] * norm_ref[...]) * (1.0 / 3.0)


_tc3 = pl.pallas_call(
    _tc3_body,
    grid=(_GRID,),
    in_specs=[_spec, _spec, _spec, _spec],
    out_specs=_spec,
    out_shape=_fullshape,
)


def _tc4_body(u_ref, p_ref, n_ref, ps_ref, ns_ref):
    u = u_ref[...]
    ps_ref[...] = jnp.sum(u * p_ref[...], axis=1, keepdims=True)
    ns_ref[...] = jnp.sum(u * n_ref[...], axis=1, keepdims=True)


_tc4 = pl.pallas_call(
    _tc4_body,
    out_shape=[
        jax.ShapeDtypeStruct((BB, 1), jnp.float32),
        jax.ShapeDtypeStruct((BB, 1), jnp.float32),
    ],
)


def kernel(embeddings, user, item_p, item_n, edge_index):
    src = edge_index[0]
    dst = edge_index[1]
    u_idx = user[:, 0]
    p_idx = item_p[:, 0] + NU
    n_idx = item_n[:, 0] + NU

    deg = _deg(dst)
    norm, s0 = _tc1(deg.reshape(_ROWS, 128), embeddings.reshape(_ROWS, 128))
    a1 = _prop(s0.reshape(NN, DD), src, dst)
    h1, s1 = _tc2(a1.reshape(_ROWS, 128), norm)
    a2 = _prop(s1.reshape(NN, DD), src, dst)
    feats = _tc3(embeddings.reshape(_ROWS, 128), h1, a2.reshape(_ROWS, 128), norm)
    ur, pr, nr = _gather3(feats.reshape(NN, DD), u_idx, p_idx, n_idx)
    p_score, n_score = _tc4(ur, pr, nr)
    return p_score, n_score

# --- scband reference (transcript-rebuilt; emitter-appended) ---
"""Pipeline reference for scband-lgn-21852793602105 (READ-ONLY COPY).

The authoritative reference and input builder live on the scoring server;
editing this copy changes nothing except your own understanding.
"""

import jax, jax.numpy as jnp
import numpy as np

N_USER = 50000
N_ITEM = 50000
N_NODES = N_USER + N_ITEM
D = 32
N_LAYERS = 2
E = 1600000
B = 4096


def setup_inputs(seed: int = 0) -> dict:
    key = jax.random.key(seed)
    k1, k2, k3, k4, k5 = jax.random.split(key, 5)
    stdv = 1.0 / np.sqrt(D)
    embeddings = jax.random.uniform(k1, (N_NODES, D), minval=-stdv, maxval=stdv, dtype=jnp.float32)
    edge_index = jax.random.randint(k2, (2, E), 0, N_NODES, dtype=jnp.int32)
    user = jax.random.randint(k3, (B, 1), 0, N_USER, dtype=jnp.int32)
    item_p = jax.random.randint(k4, (B, 1), 0, N_ITEM, dtype=jnp.int32)
    item_n = jax.random.randint(k5, (B, 1), 0, N_ITEM, dtype=jnp.int32)
    return {"embeddings": embeddings, "user": user, "item_p": item_p, "item_n": item_n, "edge_index": edge_index}


def _lgconv(feat, src, dst):
    # in-degrees of dst nodes, clamp(min=1), symmetric-ish norm as in LGConv
    deg = jnp.zeros((N_NODES,), jnp.float32).at[dst].add(1.0)
    deg = jnp.clip(deg, 1.0, None)
    norm = jnp.power(deg, -0.5)[:, None]
    # k = 1 propagation step per layer
    feat = feat * norm
    agg = jnp.zeros_like(feat).at[dst].add(feat[src])
    feat = agg * norm
    return feat


def reference(embeddings, user, item_p, item_n, edge_index):
    src = edge_index[0]
    dst = edge_index[1]
    feats = [embeddings]
    h = embeddings
    for _ in range(N_LAYERS):
        h = _lgconv(h, src, dst)
        # dropout p=0.0 -> identity
        feats.append(h)
    features = jnp.mean(jnp.stack(feats, axis=2), axis=2)
    ip = item_p + N_USER
    inn = item_n + N_USER
    u = features[user]
    p = features[ip]
    n = features[inn]
    p_score = jnp.sum(u * p, axis=2)
    n_score = jnp.sum(u * n, axis=2)
    return (p_score, n_score)

if __name__ == "__main__":
    import jax
    _d = setup_inputs()
    print(jax.jit(kernel)(*tuple(_d.values())))

</pallas_src>

<mosaic_0001>
#map = affine_map<(d0, d1) -> (0, 0)>
#map1 = affine_map<(d0, d1) -> (0)>
module attributes {stable_mosaic.version = 14 : i64} {
  func.func @_gather3_body(%arg0: i32, %arg1: i32, %arg2: memref<100000x32xf32, #tpu.memory_space<hbm>>, %arg3: memref<4096xi32, #tpu.memory_space<hbm>>, %arg4: memref<4096xi32, #tpu.memory_space<hbm>>, %arg5: memref<4096xi32, #tpu.memory_space<hbm>>, %arg6: memref<4096x32xf32, #tpu.memory_space<hbm>>, %arg7: memref<4096x32xf32, #tpu.memory_space<hbm>>, %arg8: memref<4096x32xf32, #tpu.memory_space<hbm>>, %arg9: memref<128xi32, #tpu.memory_space<vmem>>, %arg10: memref<128x32xf32, #tpu.memory_space<vmem>>, %arg11: memref<!tpu.dma_semaphore, #tpu.memory_space<semaphore_mem>>) attributes {dimension_semantics = [#tpu.dimension_semantics<core_parallel>, #tpu.dimension_semantics<subcore_parallel>], iteration_bounds = array<i64: 2, 16>, scalar_prefetch = 0 : i64, scratch_operands = 3 : i64, tpu.core_type = #tpu.core_type<sc_vector_subcore>, window_params = [{transform_indices = #map}, {transform_indices = #map1}, {transform_indices = #map1}, {transform_indices = #map1}, {transform_indices = #map}, {transform_indices = #map}, {transform_indices = #map}]} {
    %mul3A = arith.constant 2 : i32
    %mul3A_0 = arith.muli %arg1, %mul3A : i32
    %add3A = arith.addi %mul3A_0, %arg0 : i32
    %mul3A_1 = arith.constant 128 : i32
    %mul3A_2 = arith.muli %add3A, %mul3A_1 : i32
    %multiple_of3A = tpu.assume_multiple %mul3A_2, 8 : i32
    "tpu.region"() ({
      %run_scoped3A = tpu.sem_alloc : memref<!tpu.dma_semaphore, #tpu.memory_space<semaphore_mem>>
      %dma_start3A_19 = tpu.memref_slice %arg3[%multiple_of3A] : memref<4096xi32, #tpu.memory_space<hbm>> -> memref<128xi32, #tpu.memory_space<hbm>>
      %dma_start3A_20 = tpu.memref_slice %arg3[%multiple_of3A] : memref<4096xi32, #tpu.memory_space<hbm>> -> memref<128xi32, #tpu.memory_space<hbm>>
      tpu.enqueue_dma source(%dma_start3A_20 : memref<128xi32, #tpu.memory_space<hbm>>) target(%arg9 : memref<128xi32, #tpu.memory_space<vmem>>) target_semaphore(%run_scoped3A : memref<!tpu.dma_semaphore, #tpu.memory_space<semaphore_mem>>)
      %dma_wait3A_21 = tpu.memref_slice %arg3[%multiple_of3A] : memref<4096xi32, #tpu.memory_space<hbm>> -> memref<128xi32, #tpu.memory_space<hbm>>
      %dma_wait3A_22 = tpu.memref_slice %arg3[%multiple_of3A] : memref<4096xi32, #tpu.memory_space<hbm>> -> memref<128xi32, #tpu.memory_space<hbm>>
      tpu.wait_dma2 semaphore(%run_scoped3A : memref<!tpu.dma_semaphore, #tpu.memory_space<semaphore_mem>>) src(%dma_wait3A_22 : memref<128xi32, #tpu.memory_space<hbm>>) dst(%arg9 : memref<128xi32, #tpu.memory_space<vmem>>)
      tpu.yield
    }) : () -> ()
    %dma_start3A = arith.constant 0 : i32
    %dma_start3A_3 = arith.constant 0 : i32
    %dma_start3A_4 = tpu.memref_slice %arg2[%dma_start3A, %dma_start3A_3] : memref<100000x32xf32, #tpu.memory_space<hbm>> -> memref<100000x32xf32, #tpu.memory_space<hbm>>
    tpu.enqueue_indirect_dma source(%dma_start3A_4 : memref<100000x32xf32, #tpu.memory_space<hbm>>) target(%arg10 : memref<128x32xf32, #tpu.memory_space<vmem>>) offsets(%arg9 : memref<128xi32, #tpu.memory_space<vmem>>) semaphore(%arg11 : memref<!tpu.dma_semaphore, #tpu.memory_space<semaphore_mem>>)
    %dma_wait3A = arith.constant 0 : i32
    %dma_wait3A_5 = arith.constant 0 : i32
    %dma_wait3A_6 = tpu.memref_slice %arg2[%dma_wait3A, %dma_wait3A_5] : memref<100000x32xf32, #tpu.memory_space<hbm>> -> memref<100000x32xf32, #tpu.memory_space<hbm>>
    tpu.wait_indirect_dma semaphore(%arg11 : memref<!tpu.dma_semaphore, #tpu.memory_space<semaphore_mem>>) src(%dma_wait3A_6 : memref<100000x32xf32, #tpu.memory_space<hbm>>) dst(%arg10 : memref<128x32xf32, #tpu.memory_space<vmem>>)
    "tpu.region"() ({
      %run_scoped3A = tpu.sem_alloc : memref<!tpu.dma_semaphore, #tpu.memory_space<semaphore_mem>>
      %dma_start3A_19 = arith.constant 0 : i32
      %dma_start3A_20 = tpu.memref_slice %arg6[%multiple_of3A, %dma_start3A_19] : memref<4096x32xf32, #tpu.memory_space<hbm>> -> memref<128x32xf32, #tpu.memory_space<hbm>>
      %dma_start3A_21 = arith.constant 0 : i32
      %dma_start3A_22 = tpu.memref_slice %arg6[%multiple_of3A, %dma_start3A_21] : memref<4096x32xf32, #tpu.memory_space<hbm>> -> memref<128x32xf32, #tpu.memory_space<hbm>>
      tpu.enqueue_dma source(%arg10 : memref<128x32xf32, #tpu.memory_space<vmem>>) target(%dma_start3A_22 : memref<128x32xf32, #tpu.memory_space<hbm>>) target_semaphore(%run_scoped3A : memref<!tpu.dma_semaphore, #tpu.memory_space<semaphore_mem>>)
      %dma_wait3A_23 = arith.constant 0 : i32
      %dma_wait3A_24 = tpu.memref_slice %arg6[%multiple_of3A, %dma_wait3A_23] : memref<4096x32xf32, #tpu.memory_space<hbm>> -> memref<128x32xf32, #tpu.memory_space<hbm>>
      %dma_wait3A_25 = arith.constant 0 : i32
      %dma_wait3A_26 = tpu.memref_slice %arg6[%multiple_of3A, %dma_wait3A_25] : memref<4096x32xf32, #tpu.memory_space<hbm>> -> memref<128x32xf32, #tpu.memory_space<hbm>>
      tpu.wait_dma2 semaphore(%run_scoped3A : memref<!tpu.dma_semaphore, #tpu.memory_space<semaphore_mem>>) src(%arg10 : memref<128x32xf32, #tpu.memory_space<vmem>>) dst(%dma_wait3A_26 : memref<128x32xf32, #tpu.memory_space<hbm>>)
      tpu.yield
    }) : () -> ()
    "tpu.region"() ({
      %run_scoped3A = tpu.sem_alloc : memref<!tpu.dma_semaphore, #tpu.memory_space<semaphore_mem>>
      %dma_start3A_19 = tpu.memref_slice %arg4[%multiple_of3A] : memref<4096xi32, #tpu.memory_space<hbm>> -> memref<128xi32, #tpu.memory_space<hbm>>
      %dma_start3A_20 = tpu.memref_slice %arg4[%multiple_of3A] : memref<4096xi32, #tpu.memory_space<hbm>> -> memref<128xi32, #tpu.memory_space<hbm>>
      tpu.enqueue_dma source(%dma_start3A_20 : memref<128xi32, #tpu.memory_space<hbm>>) target(%arg9 : memref<128xi32, #tpu.memory_space<vmem>>) target_semaphore(%run_scoped3A : memref<!tpu.dma_semaphore, #tpu.memory_space<semaphore_mem>>)
      %dma_wait3A_21 = tpu.memref_slice %arg4[%multiple_of3A] : memref<4096xi32, #tpu.memory_space<hbm>> -> memref<128xi32, #tpu.memory_space<hbm>>
      %dma_wait3A_22 = tpu.memref_slice %arg4[%multiple_of3A] : memref<4096xi32, #tpu.memory_space<hbm>> -> memref<128xi32, #tpu.memory_space<hbm>>
      tpu.wait_dma2 semaphore(%run_scoped3A : memref<!tpu.dma_semaphore, #tpu.memory_space<semaphore_mem>>) src(%dma_wait3A_22 : memref<128xi32, #tpu.memory_space<hbm>>) dst(%arg9 : memref<128xi32, #tpu.memory_space<vmem>>)
      tpu.yield
    }) : () -> ()
    %dma_start3A_7 = arith.constant 0 : i32
    %dma_start3A_8 = arith.constant 0 : i32
    %dma_start3A_9 = tpu.memref_slice %arg2[%dma_start3A_7, %dma_start3A_8] : memref<100000x32xf32, #tpu.memory_space<hbm>> -> memref<100000x32xf32, #tpu.memory_space<hbm>>
    tpu.enqueue_indirect_dma source(%dma_start3A_9 : memref<100000x32xf32, #tpu.memory_space<hbm>>) target(%arg10 : memref<128x32xf32, #tpu.memory_space<vmem>>) offsets(%arg9 : memref<128xi32, #tpu.memory_space<vmem>>) semaphore(%arg11 : memref<!tpu.dma_semaphore, #tpu.memory_space<semaphore_mem>>)
    %dma_wait3A_10 = arith.constant 0 : i32
    %dma_wait3A_11 = arith.constant 0 : i32
    %dma_wait3A_12 = tpu.memref_slice %arg2[%dma_wait3A_10, %dma_wait3A_11] : memref<100000x32xf32, #tpu.memory_space<hbm>> -> memref<100000x32xf32, #tpu.memory_space<hbm>>
    tpu.wait_indirect_dma semaphore(%arg11 : memref<!tpu.dma_semaphore, #tpu.memory_space<semaphore_mem>>) src(%dma_wait3A_12 : memref<100000x32xf32, #tpu.memory_space<hbm>>) dst(%arg10 : memref<128x32xf32, #tpu.memory_space<vmem>>)
    "tpu.region"() ({
      %run_scoped3A = tpu.sem_alloc : memref<!tpu.dma_semaphore, #tpu.memory_space<semaphore_mem>>
      %dma_start3A_19 = arith.constant 0 : i32
      %dma_start3A_20 = tpu.memref_slice %arg7[%multiple_of3A, %dma_start3A_19] : memref<4096x32xf32, #tpu.memory_space<hbm>> -> memref<128x32xf32, #tpu.memory_space<hbm>>
      %dma_start3A_21 = arith.constant 0 : i32
      %dma_start3A_22 = tpu.memref_slice %arg7[%multiple_of3A, %dma_start3A_21] : memref<4096x32xf32, #tpu.memory_space<hbm>> -> memref<128x32xf32, #tpu.memory_space<hbm>>
      tpu.enqueue_dma source(%arg10 : memref<128x32xf32, #tpu.memory_space<vmem>>) target(%dma_start3A_22 : memref<128x32xf32, #tpu.memory_space<hbm>>) target_semaphore(%run_scoped3A : memref<!tpu.dma_semaphore, #tpu.memory_space<semaphore_mem>>)
      %dma_wait3A_23 = arith.constant 0 : i32
      %dma_wait3A_24 = tpu.memref_slice %arg7[%multiple_of3A, %dma_wait3A_23] : memref<4096x32xf32, #tpu.memory_space<hbm>> -> memref<128x32xf32, #tpu.memory_space<hbm>>
      %dma_wait3A_25 = arith.constant 0 : i32
      %dma_wait3A_26 = tpu.memref_slice %arg7[%multiple_of3A, %dma_wait3A_25] : memref<4096x32xf32, #tpu.memory_space<hbm>> -> memref<128x32xf32, #tpu.memory_space<hbm>>
      tpu.wait_dma2 semaphore(%run_scoped3A : memref<!tpu.dma_semaphore, #tpu.memory_space<semaphore_mem>>) src(%arg10 : memref<128x32xf32, #tpu.memory_space<vmem>>) dst(%dma_wait3A_26 : memref<128x32xf32, #tpu.memory_space<hbm>>)
      tpu.yield
    }) : () -> ()
    "tpu.region"() ({
      %run_scoped3A = tpu.sem_alloc : memref<!tpu.dma_semaphore, #tpu.memory_space<semaphore_mem>>
      %dma_start3A_19 = tpu.memref_slice %arg5[%multiple_of3A] : memref<4096xi32, #tpu.memory_space<hbm>> -> memref<128xi32, #tpu.memory_space<hbm>>
      %dma_start3A_20 = tpu.memref_slice %arg5[%multiple_of3A] : memref<4096xi32, #tpu.memory_space<hbm>> -> memref<128xi32, #tpu.memory_space<hbm>>
      tpu.enqueue_dma source(%dma_start3A_20 : memref<128xi32, #tpu.memory_space<hbm>>) target(%arg9 : memref<128xi32, #tpu.memory_space<vmem>>) target_semaphore(%run_scoped3A : memref<!tpu.dma_semaphore, #tpu.memory_space<semaphore_mem>>)
      %dma_wait3A_21 = tpu.memref_slice %arg5[%multiple_of3A] : memref<4096xi32, #tpu.memory_space<hbm>> -> memref<128xi32, #tpu.memory_space<hbm>>
      %dma_wait3A_22 = tpu.memref_slice %arg5[%multiple_of3A] : memref<4096xi32, #tpu.memory_space<hbm>> -> memref<128xi32, #tpu.memory_space<hbm>>
      tpu.wait_dma2 semaphore(%run_scoped3A : memref<!tpu.dma_semaphore, #tpu.memory_space<semaphore_mem>>) src(%dma_wait3A_22 : memref<128xi32, #tpu.memory_space<hbm>>) dst(%arg9 : memref<128xi32, #tpu.memory_space<vmem>>)
      tpu.yield
    }) : () -> ()
    %dma_start3A_13 = arith.constant 0 : i32
    %dma_start3A_14 = arith.constant 0 : i32
    %dma_start3A_15 = tpu.memref_slice %arg2[%dma_start3A_13, %dma_start3A_14] : memref<100000x32xf32, #tpu.memory_space<hbm>> -> memref<100000x32xf32, #tpu.memory_space<hbm>>
    tpu.enqueue_indirect_dma source(%dma_start3A_15 : memref<100000x32xf32, #tpu.memory_space<hbm>>) target(%arg10 : memref<128x32xf32, #tpu.memory_space<vmem>>) offsets(%arg9 : memref<128xi32, #tpu.memory_space<vmem>>) semaphore(%arg11 : memref<!tpu.dma_semaphore, #tpu.memory_space<semaphore_mem>>)
    %dma_wait3A_16 = arith.constant 0 : i32
    %dma_wait3A_17 = arith.constant 0 : i32
    %dma_wait3A_18 = tpu.memref_slice %arg2[%dma_wait3A_16, %dma_wait3A_17] : memref<100000x32xf32, #tpu.memory_space<hbm>> -> memref<100000x32xf32, #tpu.memory_space<hbm>>
    tpu.wait_indirect_dma semaphore(%arg11 : memref<!tpu.dma_semaphore, #tpu.memory_space<semaphore_mem>>) src(%dma_wait3A_18 : memref<100000x32xf32, #tpu.memory_space<hbm>>) dst(%arg10 : memref<128x32xf32, #tpu.memory_space<vmem>>)
    "tpu.region"() ({
      %run_scoped3A = tpu.sem_alloc : memref<!tpu.dma_semaphore, #tpu.memory_space<semaphore_mem>>
      %dma_start3A_19 = arith.constant 0 : i32
      %dma_start3A_20 = tpu.memref_slice %arg8[%multiple_of3A, %dma_start3A_19] : memref<4096x32xf32, #tpu.memory_space<hbm>> -> memref<128x32xf32, #tpu.memory_space<hbm>>
      %dma_start3A_21 = arith.constant 0 : i32
      %dma_start3A_22 = tpu.memref_slice %arg8[%multiple_of3A, %dma_start3A_21] : memref<4096x32xf32, #tpu.memory_space<hbm>> -> memref<128x32xf32, #tpu.memory_space<hbm>>
      tpu.enqueue_dma source(%arg10 : memref<128x32xf32, #tpu.memory_space<vmem>>) target(%dma_start3A_22 : memref<128x32xf32, #tpu.memory_space<hbm>>) target_semaphore(%run_scoped3A : memref<!tpu.dma_semaphore, #tpu.memory_space<semaphore_mem>>)
      %dma_wait3A_23 = arith.constant 0 : i32
      %dma_wait3A_24 = tpu.memref_slice %arg8[%multiple_of3A, %dma_wait3A_23] : memref<4096x32xf32, #tpu.memory_space<hbm>> -> memref<128x32xf32, #tpu.memory_space<hbm>>
      %dma_wait3A_25 = arith.constant 0 : i32
      %dma_wait3A_26 = tpu.memref_slice %arg8[%multiple_of3A, %dma_wait3A_25] : memref<4096x32xf32, #tpu.memory_space<hbm>> -> memref<128x32xf32, #tpu.memory_space<hbm>>
      tpu.wait_dma2 semaphore(%run_scoped3A : memref<!tpu.dma_semaphore, #tpu.memory_space<semaphore_mem>>) src(%arg10 : memref<128x32xf32, #tpu.memory_space<vmem>>) dst(%dma_wait3A_26 : memref<128x32xf32, #tpu.memory_space<hbm>>)
      tpu.yield
    }) : () -> ()
    return
  }
}

#map = affine_map<(d0, d1) -> (0, 0)>
#map1 = affine_map<(d0, d1) -> (0)>
module attributes {stable_mosaic.version = 14 : i64} {
  func.func @_prop_body(%arg0: i32, %arg1: i32, %arg2: memref<100000x32xf32, #tpu.memory_space<hbm>>, %arg3: memref<1600000xi32, #tpu.memory_space<hbm>>, %arg4: memref<1600000xi32, #tpu.memory_space<hbm>>, %arg5: memref<100000x32xf32, #tpu.memory_space<hbm>>, %arg6: memref<50048x32xf32, #tpu.memory_space<vmem_shared>>, %arg7: memref<391x32xf32, #tpu.memory_space<vmem>>, %arg8: memref<800xi32, #tpu.memory_space<vmem>>, %arg9: memref<800xi32, #tpu.memory_space<vmem>>, %arg10: memref<80x32xf32, #tpu.memory_space<vmem>>, %arg11: memref<80x32xf32, #tpu.memory_space<vmem>>, %arg12: memref<80x32xf32, #tpu.memory_space<vmem>>, %arg13: memref<80x32xf32, #tpu.memory_space<vmem>>, %arg14: memref<80x32xf32, #tpu.memory_space<vmem>>, %arg15: memref<80xi32, #tpu.memory_space<vmem>>, %arg16: memref<80xi32, #tpu.memory_space<vmem>>, %arg17: memref<80xi32, #tpu.memory_space<vmem>>, %arg18: memref<80xi32, #tpu.memory_space<vmem>>, %arg19: memref<80xi32, #tpu.memory_space<vmem>>, %arg20: memref<!tpu.dma_semaphore, #tpu.memory_space<semaphore_mem>>) attributes {dimension_semantics = [#tpu.dimension_semantics<core_parallel>, #tpu.dimension_semantics<subcore_parallel>], iteration_bounds = array<i64: 2, 16>, scalar_prefetch = 0 : i64, scratch_operands = 15 : i64, tpu.core_type = #tpu.core_type<sc_vector_subcore>, window_params = [{transform_indices = #map}, {transform_indices = #map1}, {transform_indices = #map1}, {transform_indices = #map}]} {
    %mul3A = arith.constant 50000 : i32
    %mul3A_0 = arith.muli %arg0, %mul3A : i32
    %broadcast_in_dim3A = arith.constant 0.000000e+00 : f32
    %broadcast_in_dim3A_1 = vector.broadcast %broadcast_in_dim3A : f32 to vector<16xf32>
    %scan3A = arith.constant 0 : i32
    %scan3A_2 = arith.constant 0 : i32
    %scan3A_3 = arith.constant 782 : i32
    %scan3A_4 = arith.addi %scan3A_2, %scan3A_3 : i32
    %scan3A_5 = arith.constant 1 : i32
    scf.for %scan3A_53 = %scan3A_2 to %scan3A_4 step %scan3A_5  : i32 {
      %jit3A = arith.constant 2 : i32
      %div3A = arith.divsi %scan3A_53, %jit3A : i32
      %sign3A = arith.constant 0 : i32
      %sign3A_54 = arith.cmpi sgt, %scan3A_53, %sign3A : i32
      %sign3A_55 = arith.extui %sign3A_54 : i1 to i32
      %sign3A_56 = arith.constant 0 : i32
      %sign3A_57 = arith.cmpi slt, %scan3A_53, %sign3A_56 : i32
      %sign3A_58 = arith.extui %sign3A_57 : i1 to i32
      %sign3A_59 = arith.subi %sign3A_55, %sign3A_58 : i32
      %sign3A_60 = arith.constant 0 : i32
      %sign3A_61 = arith.cmpi sgt, %jit3A, %sign3A_60 : i32
      %sign3A_62 = arith.extui %sign3A_61 : i1 to i32
      %sign3A_63 = arith.constant 0 : i32
      %sign3A_64 = arith.cmpi slt, %jit3A, %sign3A_63 : i32
      %sign3A_65 = arith.extui %sign3A_64 : i1 to i32
      %sign3A_66 = arith.subi %sign3A_62, %sign3A_65 : i32
      %ne3A = arith.cmpi ne, %sign3A_59, %sign3A_66 : i32
      %rem3A = arith.remsi %scan3A_53, %jit3A : i32
      %ne3A_67 = arith.constant 0 : i32
      %ne3A_68 = arith.cmpi ne, %rem3A, %ne3A_67 : i32
      %and3A = arith.andi %ne3A, %ne3A_68 : i1
      %sub3A = arith.constant 1 : i32
      %sub3A_69 = arith.subi %div3A, %sub3A : i32
      %select_n3A = arith.select %and3A, %sub3A_69, %div3A : i32
      %jit3A_70 = arith.constant 2 : i32
      %eq3A_71 = arith.constant 0 : i32
      %eq3A_72 = arith.cmpi eq, %jit3A_70, %eq3A_71 : i32
      %jit3A_73 = arith.constant 1 : i32
      %select_n3A_74 = arith.select %eq3A_72, %jit3A_73, %jit3A_70 : i32
      %rem3A_75 = arith.remsi %scan3A_53, %select_n3A_74 : i32
      %ne3A_76 = arith.constant 0 : i32
      %ne3A_77 = arith.cmpi ne, %rem3A_75, %ne3A_76 : i32
      %lt3A_78 = arith.constant 0 : i32
      %lt3A_79 = arith.cmpi slt, %rem3A_75, %lt3A_78 : i32
      %lt3A_80 = arith.constant 0 : i32
      %lt3A_81 = arith.cmpi slt, %select_n3A_74, %lt3A_80 : i32
      %ne3A_82 = arith.xori %lt3A_79, %lt3A_81 : i1
      %and3A_83 = arith.andi %ne3A_82, %ne3A_77 : i1
      %add3A_84 = arith.addi %rem3A_75, %select_n3A_74 : i32
      %select_n3A_85 = arith.select %and3A_83, %add3A_84, %rem3A_75 : i32
      %mul3A_86 = arith.constant 16 : i32
      %mul3A_87 = arith.muli %select_n3A_85, %mul3A_86 : i32
      %swap3A = arith.index_cast %select_n3A : i32 to index
      %swap3A_88 = arith.index_cast %mul3A_87 : i32 to index
      %swap3A_89 = tpu.vector_load %arg7[%swap3A, %swap3A_88] {strides = array<i32>} : memref<391x32xf32, #tpu.memory_space<vmem>>, vector<1x16xf32>,
      %swap3A_90 = vector.shape_cast %swap3A_89 : vector<1x16xf32> to vector<16xf32>
      %swap3A_91 = vector.shape_cast %broadcast_in_dim3A_1 : vector<16xf32> to vector<1x16xf32>
      tpu.vector_store %arg7[%swap3A, %swap3A_88], %swap3A_91 {strides = array<i32>} : memref<391x32xf32, #tpu.memory_space<vmem>>, vector<1x16xf32>,
    }
    %scan3A_6 = arith.constant 782 : i32
    %mul3A_7 = arith.constant 3128 : i32
    %mul3A_8 = arith.muli %arg1, %mul3A_7 : i32
    %add3A = arith.constant 0 : i32
    %add3A_9 = arith.addi %mul3A_8, %add3A : i32
    "tpu.region"() ({
      %run_scoped3A = tpu.sem_alloc : memref<!tpu.dma_semaphore, #tpu.memory_space<semaphore_mem>>
      %dma_start3A = arith.constant 0 : i32
      %dma_start3A_53 = tpu.memref_slice %arg6[%add3A_9, %dma_start3A] : memref<50048x32xf32, #tpu.memory_space<vmem_shared>> -> memref<391x32xf32, #tpu.memory_space<vmem_shared>>
      %dma_start3A_54 = arith.constant 0 : i32
      %dma_start3A_55 = tpu.memref_slice %arg6[%add3A_9, %dma_start3A_54] : memref<50048x32xf32, #tpu.memory_space<vmem_shared>> -> memref<391x32xf32, #tpu.memory_space<vmem_shared>>
      tpu.enqueue_dma source(%arg7 : memref<391x32xf32, #tpu.memory_space<vmem>>) target(%dma_start3A_55 : memref<391x32xf32, #tpu.memory_space<vmem_shared>>) target_semaphore(%run_scoped3A : memref<!tpu.dma_semaphore, #tpu.memory_space<semaphore_mem>>)
      %dma_wait3A = arith.constant 0 : i32
      %dma_wait3A_56 = tpu.memref_slice %arg6[%add3A_9, %dma_wait3A] : memref<50048x32xf32, #tpu.memory_space<vmem_shared>> -> memref<391x32xf32, #tpu.memory_space<vmem_shared>>
      %dma_wait3A_57 = arith.constant 0 : i32
      %dma_wait3A_58 = tpu.memref_slice %arg6[%add3A_9, %dma_wait3A_57] : memref<50048x32xf32, #tpu.memory_space<vmem_shared>> -> memref<391x32xf32, #tpu.memory_space<vmem_shared>>
      tpu.wait_dma2 semaphore(%run_scoped3A : memref<!tpu.dma_semaphore, #tpu.memory_space<semaphore_mem>>) src(%arg7 : memref<391x32xf32, #tpu.memory_space<vmem>>) dst(%dma_wait3A_58 : memref<391x32xf32, #tpu.memory_space<vmem_shared>>)
      tpu.yield
    }) : () -> ()
    %mul3A_10 = arith.constant 3128 : i32
    %mul3A_11 = arith.muli %arg1, %mul3A_10 : i32
    %add3A_12 = arith.constant 391 : i32
    %add3A_13 = arith.addi %mul3A_11, %add3A_12 : i32
    "tpu.region"() ({
      %run_scoped3A = tpu.sem_alloc : memref<!tpu.dma_semaphore, #tpu.memory_space<semaphore_mem>>
      %dma_start3A = arith.constant 0 : i32
      %dma_start3A_53 = tpu.memref_slice %arg6[%add3A_13, %dma_start3A] : memref<50048x32xf32, #tpu.memory_space<vmem_shared>> -> memref<391x32xf32, #tpu.memory_space<vmem_shared>>
      %dma_start3A_54 = arith.constant 0 : i32
      %dma_start3A_55 = tpu.memref_slice %arg6[%add3A_13, %dma_start3A_54] : memref<50048x32xf32, #tpu.memory_space<vmem_shared>> -> memref<391x32xf32, #tpu.memory_space<vmem_shared>>
      tpu.enqueue_dma source(%arg7 : memref<391x32xf32, #tpu.memory_space<vmem>>) target(%dma_start3A_55 : memref<391x32xf32, #tpu.memory_space<vmem_shared>>) target_semaphore(%run_scoped3A : memref<!tpu.dma_semaphore, #tpu.memory_space<semaphore_mem>>)
      %dma_wait3A = arith.constant 0 : i32
      %dma_wait3A_56 = tpu.memref_slice %arg6[%add3A_13, %dma_wait3A] : memref<50048x32xf32, #tpu.memory_space<vmem_shared>> -> memref<391x32xf32, #tpu.memory_space<vmem_shared>>
      %dma_wait3A_57 = arith.constant 0 : i32
      %dma_wait3A_58 = tpu.memref_slice %arg6[%add3A_13, %dma_wait3A_57] : memref<50048x32xf32, #tpu.memory_space<vmem_shared>> -> memref<391x32xf32, #tpu.memory_space<vmem_shared>>
      tpu.wait_dma2 semaphore(%run_scoped3A : memref<!tpu.dma_semaphore, #tpu.memory_space<semaphore_mem>>) src(%arg7 : memref<391x32xf32, #tpu.memory_space<vmem>>) dst(%dma_wait3A_58 : memref<391x32xf32, #tpu.memory_space<vmem_shared>>)
      tpu.yield
    }) : () -> ()
    %mul3A_14 = arith.constant 3128 : i32
    %mul3A_15 = arith.muli %arg1, %mul3A_14 : i32
    %add3A_16 = arith.constant 782 : i32
    %add3A_17 = arith.addi %mul3A_15, %add3A_16 : i32
    "tpu.region"() ({
      %run_scoped3A = tpu.sem_alloc : memref<!tpu.dma_semaphore, #tpu.memory_space<semaphore_mem>>
      %dma_start3A = arith.constant 0 : i32
      %dma_start3A_53 = tpu.memref_slice %arg6[%add3A_17, %dma_start3A] : memref<50048x32xf32, #tpu.memory_space<vmem_shared>> -> memref<391x32xf32, #tpu.memory_space<vmem_shared>>
      %dma_start3A_54 = arith.constant 0 : i32
      %dma_start3A_55 = tpu.memref_slice %arg6[%add3A_17, %dma_start3A_54] : memref<50048x32xf32, #tpu.memory_space<vmem_shared>> -> memref<391x32xf32, #tpu.memory_space<vmem_shared>>
      tpu.enqueue_dma source(%arg7 : memref<391x32xf32, #tpu.memory_space<vmem>>) target(%dma_start3A_55 : memref<391x32xf32, #tpu.memory_space<vmem_shared>>) target_semaphore(%run_scoped3A : memref<!tpu.dma_semaphore, #tpu.memory_space<semaphore_mem>>)
      %dma_wait3A = arith.constant 0 : i32
      %dma_wait3A_56 = tpu.memref_slice %arg6[%add3A_17, %dma_wait3A] : memref<50048x32xf32, #tpu.memory_space<vmem_shared>> -> memref<391x32xf32, #tpu.memory_space<vmem_shared>>
      %dma_wait3A_57 = arith.constant 0 : i32
      %dma_wait3A_58 = tpu.memref_slice %arg6[%add3A_17, %dma_wait3A_57] : memref<50048x32xf32, #tpu.memory_space<vmem_shared>> -> memref<391x32xf32, #tpu.memory_space<vmem_shared>>
      tpu.wait_dma2 semaphore(%run_scoped3A : memref<!tpu.dma_semaphore, #tpu.memory_space<semaphore_mem>>) src(%arg7 : memref<391x32xf32, #tpu.memory_space<vmem>>) dst(%dma_wait3A_58 : memref<391x32xf32, #tpu.memory_space<vmem_shared>>)
      tpu.yield
    }) : () -> ()
    %mul3A_18 = arith.constant 3128 : i32
    %mul3A_19 = arith.muli %arg1, %mul3A_18 : i32
    %add3A_20 = arith.constant 1173 : i32
    %add3A_21 = arith.addi %mul3A_19, %add3A_20 : i32
    "tpu.region"() ({
      %run_scoped3A = tpu.sem_alloc : memref<!tpu.dma_semaphore, #tpu.memory_space<semaphore_mem>>
      %dma_start3A = arith.constant 0 : i32
      %dma_start3A_53 = tpu.memref_slice %arg6[%add3A_21, %dma_start3A] : memref<50048x32xf32, #tpu.memory_space<vmem_shared>> -> memref<391x32xf32, #tpu.memory_space<vmem_shared>>
      %dma_start3A_54 = arith.constant 0 : i32
      %dma_start3A_55 = tpu.memref_slice %arg6[%add3A_21, %dma_start3A_54] : memref<50048x32xf32, #tpu.memory_space<vmem_shared>> -> memref<391x32xf32, #tpu.memory_space<vmem_shared>>
      tpu.enqueue_dma source(%arg7 : memref<391x32xf32, #tpu.memory_space<vmem>>) target(%dma_start3A_55 : memref<391x32xf32, #tpu.memory_space<vmem_shared>>) target_semaphore(%run_scoped3A : memref<!tpu.dma_semaphore, #tpu.memory_space<semaphore_mem>>)
      %dma_wait3A = arith.constant 0 : i32
      %dma_wait3A_56 = tpu.memref_slice %arg6[%add3A_21, %dma_wait3A] : memref<50048x32xf32, #tpu.memory_space<vmem_shared>> -> memref<391x32xf32, #tpu.memory_space<vmem_shared>>
      %dma_wait3A_57 = arith.constant 0 : i32
      %dma_wait3A_58 = tpu.memref_slice %arg6[%add3A_21, %dma_wait3A_57] : memref<50048x32xf32, #tpu.memory_space<vmem_shared>> -> memref<391x32xf32, #tpu.memory_space<vmem_shared>>
      tpu.wait_dma2 semaphore(%run_scoped3A : memref<!tpu.dma_semaphore, #tpu.memory_space<semaphore_mem>>) src(%arg7 : memref<391x32xf32, #tpu.memory_space<vmem>>) dst(%dma_wait3A_58 : memref<391x32xf32, #tpu.memory_space<vmem_shared>>)
      tpu.yield
    }) : () -> ()
    %mul3A_22 = arith.constant 3128 : i32
    %mul3A_23 = arith.muli %arg1, %mul3A_22 : i32
    %add3A_24 = arith.constant 1564 : i32
    %add3A_25 = arith.addi %mul3A_23, %add3A_24 : i32
    "tpu.region"() ({
      %run_scoped3A = tpu.sem_alloc : memref<!tpu.dma_semaphore, #tpu.memory_space<semaphore_mem>>
      %dma_start3A = arith.constant 0 : i32
      %dma_start3A_53 = tpu.memref_slice %arg6[%add3A_25, %dma_start3A] : memref<50048x32xf32, #tpu.memory_space<vmem_shared>> -> memref<391x32xf32, #tpu.memory_space<vmem_shared>>
      %dma_start3A_54 = arith.constant 0 : i32
      %dma_start3A_55 = tpu.memref_slice %arg6[%add3A_25, %dma_start3A_54] : memref<50048x32xf32, #tpu.memory_space<vmem_shared>> -> memref<391x32xf32, #tpu.memory_space<vmem_shared>>
      tpu.enqueue_dma source(%arg7 : memref<391x32xf32, #tpu.memory_space<vmem>>) target(%dma_start3A_55 : memref<391x32xf32, #tpu.memory_space<vmem_shared>>) target_semaphore(%run_scoped3A : memref<!tpu.dma_semaphore, #tpu.memory_space<semaphore_mem>>)
      %dma_wait3A = arith.constant 0 : i32
      %dma_wait3A_56 = tpu.memref_slice %arg6[%add3A_25, %dma_wait3A] : memref<50048x32xf32, #tpu.memory_space<vmem_shared>> -> memref<391x32xf32, #tpu.memory_space<vmem_shared>>
      %dma_wait3A_57 = arith.constant 0 : i32
      %dma_wait3A_58 = tpu.memref_slice %arg6[%add3A_25, %dma_wait3A_57] : memref<50048x32xf32, #tpu.memory_space<vmem_shared>> -> memref<391x32xf32, #tpu.memory_space<vmem_shared>>
      tpu.wait_dma2 semaphore(%run_scoped3A : memref<!tpu.dma_semaphore, #tpu.memory_space<semaphore_mem>>) src(%arg7 : memref<391x32xf32, #tpu.memory_space<vmem>>) dst(%dma_wait3A_58 : memref<391x32xf32, #tpu.memory_space<vmem_shared>>)
      tpu.yield
    }) : () -> ()
    %mul3A_26 = arith.constant 3128 : i32
    %mul3A_27 = arith.muli %arg1, %mul3A_26 : i32
    %add3A_28 = arith.constant 1955 : i32
    %add3A_29 = arith.addi %mul3A_27, %add3A_28 : i32
    "tpu.region"() ({
      %run_scoped3A = tpu.sem_alloc : memref<!tpu.dma_semaphore, #tpu.memory_space<semaphore_mem>>
      %dma_start3A = arith.constant 0 : i32
      %dma_start3A_53 = tpu.memref_slice %arg6[%add3A_29, %dma_start3A] : memref<50048x32xf32, #tpu.memory_space<vmem_shared>> -> memref<391x32xf32, #tpu.memory_space<vmem_shared>>
      %dma_start3A_54 = arith.constant 0 : i32
      %dma_start3A_55 = tpu.memref_slice %arg6[%add3A_29, %dma_start3A_54] : memref<50048x32xf32, #tpu.memory_space<vmem_shared>> -> memref<391x32xf32, #tpu.memory_space<vmem_shared>>
      tpu.enqueue_dma source(%arg7 : memref<391x32xf32, #tpu.memory_space<vmem>>) target(%dma_start3A_55 : memref<391x32xf32, #tpu.memory_space<vmem_shared>>) target_semaphore(%run_scoped3A : memref<!tpu.dma_semaphore, #tpu.memory_space<semaphore_mem>>)
      %dma_wait3A = arith.constant 0 : i32
      %dma_wait3A_56 = tpu.memref_slice %arg6[%add3A_29, %dma_wait3A] : memref<50048x32xf32, #tpu.memory_space<vmem_shared>> -> memref<391x32xf32, #tpu.memory_space<vmem_shared>>
      %dma_wait3A_57 = arith.constant 0 : i32
      %dma_wait3A_58 = tpu.memref_slice %arg6[%add3A_29, %dma_wait3A_57] : memref<50048x32xf32, #tpu.memory_space<vmem_shared>> -> memref<391x32xf32, #tpu.memory_space<vmem_shared>>
      tpu.wait_dma2 semaphore(%run_scoped3A : memref<!tpu.dma_semaphore, #tpu.memory_space<semaphore_mem>>) src(%arg7 : memref<391x32xf32, #tpu.memory_space<vmem>>) dst(%dma_wait3A_58 : memref<391x32xf32, #tpu.memory_space<vmem_shared>>)
      tpu.yield
    }) : () -> ()
    %mul3A_30 = arith.constant 3128 : i32
    %mul3A_31 = arith.muli %arg1, %mul3A_30 : i32
    %add3A_32 = arith.constant 2346 : i32
    %add3A_33 = arith.addi %mul3A_31, %add3A_32 : i32
    "tpu.region"() ({
      %run_scoped3A = tpu.sem_alloc : memref<!tpu.dma_semaphore, #tpu.memory_space<semaphore_mem>>
      %dma_start3A = arith.constant 0 : i32
      %dma_start3A_53 = tpu.memref_slice %arg6[%add3A_33, %dma_start3A] : memref<50048x32xf32, #tpu.memory_space<vmem_shared>> -> memref<391x32xf32, #tpu.memory_space<vmem_shared>>
      %dma_start3A_54 = arith.constant 0 : i32
      %dma_start3A_55 = tpu.memref_slice %arg6[%add3A_33, %dma_start3A_54] : memref<50048x32xf32, #tpu.memory_space<vmem_shared>> -> memref<391x32xf32, #tpu.memory_space<vmem_shared>>
      tpu.enqueue_dma source(%arg7 : memref<391x32xf32, #tpu.memory_space<vmem>>) target(%dma_start3A_55 : memref<391x32xf32, #tpu.memory_space<vmem_shared>>) target_semaphore(%run_scoped3A : memref<!tpu.dma_semaphore, #tpu.memory_space<semaphore_mem>>)
      %dma_wait3A = arith.constant 0 : i32
      %dma_wait3A_56 = tpu.memref_slice %arg6[%add3A_33, %dma_wait3A] : memref<50048x32xf32, #tpu.memory_space<vmem_shared>> -> memref<391x32xf32, #tpu.memory_space<vmem_shared>>
      %dma_wait3A_57 = arith.constant 0 : i32
      %dma_wait3A_58 = tpu.memref_slice %arg6[%add3A_33, %dma_wait3A_57] : memref<50048x32xf32, #tpu.memory_space<vmem_shared>> -> memref<391x32xf32, #tpu.memory_space<vmem_shared>>
      tpu.wait_dma2 semaphore(%run_scoped3A : memref<!tpu.dma_semaphore, #tpu.memory_space<semaphore_mem>>) src(%arg7 : memref<391x32xf32, #tpu.memory_space<vmem>>) dst(%dma_wait3A_58 : memref<391x32xf32, #tpu.memory_space<vmem_shared>>)
      tpu.yield
    }) : () -> ()
    %mul3A_34 = arith.constant 3128 : i32
    %mul3A_35 = arith.muli %arg1, %mul3A_34 : i32
    %add3A_36 = arith.constant 2737 : i32
    %add3A_37 = arith.addi %mul3A_35, %add3A_36 : i32
    "tpu.region"() ({
      %run_scoped3A = tpu.sem_alloc : memref<!tpu.dma_semaphore, #tpu.memory_space<semaphore_mem>>
      %dma_start3A = arith.constant 0 : i32
      %dma_start3A_53 = tpu.memref_slice %arg6[%add3A_37, %dma_start3A] : memref<50048x32xf32, #tpu.memory_space<vmem_shared>> -> memref<391x32xf32, #tpu.memory_space<vmem_shared>>
      %dma_start3A_54 = arith.constant 0 : i32
      %dma_start3A_55 = tpu.memref_slice %arg6[%add3A_37, %dma_start3A_54] : memref<50048x32xf32, #tpu.memory_space<vmem_shared>> -> memref<391x32xf32, #tpu.memory_space<vmem_shared>>
      tpu.enqueue_dma source(%arg7 : memref<391x32xf32, #tpu.memory_space<vmem>>) target(%dma_start3A_55 : memref<391x32xf32, #tpu.memory_space<vmem_shared>>) target_semaphore(%run_scoped3A : memref<!tpu.dma_semaphore, #tpu.memory_space<semaphore_mem>>)
      %dma_wait3A = arith.constant 0 : i32
      %dma_wait3A_56 = tpu.memref_slice %arg6[%add3A_37, %dma_wait3A] : memref<50048x32xf32, #tpu.memory_space<vmem_shared>> -> memref<391x32xf32, #tpu.memory_space<vmem_shared>>
      %dma_wait3A_57 = arith.constant 0 : i32
      %dma_wait3A_58 = tpu.memref_slice %arg6[%add3A_37, %dma_wait3A_57] : memref<50048x32xf32, #tpu.memory_space<vmem_shared>> -> memref<391x32xf32, #tpu.memory_space<vmem_shared>>
      tpu.wait_dma2 semaphore(%run_scoped3A : memref<!tpu.dma_semaphore, #tpu.memory_space<semaphore_mem>>) src(%arg7 : memref<391x32xf32, #tpu.memory_space<vmem>>) dst(%dma_wait3A_58 : memref<391x32xf32, #tpu.memory_space<vmem_shared>>)
      tpu.yield
    }) : () -> ()
    %barrier3A = arith.constant 0 : index
    tpu.barrier barrier_id(%barrier3A)
    %mul3A_38 = arith.constant 100000 : i32
    %mul3A_39 = arith.muli %arg1, %mul3A_38 : i32
    %scan3A_40 = arith.constant 0 : i32
    %scan3A_41 = arith.constant 0 : i32
    %scan3A_42 = arith.constant 125 : i32
    %scan3A_43 = arith.addi %scan3A_41, %scan3A_42 : i32
    %scan3A_44 = arith.constant 1 : i32
    scf.for %scan3A_53 = %scan3A_41 to %scan3A_43 step %scan3A_44  : i32 {
      %mul3A_54 = arith.constant 800 : i32
      %mul3A_55 = arith.muli %scan3A_53, %mul3A_54 : i32
      %add3A_56 = arith.addi %mul3A_39, %mul3A_55 : i32
      %multiple_of3A = tpu.assume_multiple %add3A_56, 8 : i32
      "tpu.region"() ({
        %run_scoped3A = tpu.sem_alloc : memref<!tpu.dma_semaphore, #tpu.memory_space<semaphore_mem>>
        %dma_start3A_1098 = tpu.memref_slice %arg3[%multiple_of3A] : memref<1600000xi32, #tpu.memory_space<hbm>> -> memref<800xi32, #tpu.memory_space<hbm>>
        %dma_start3A_1099 = tpu.memref_slice %arg3[%multiple_of3A] : memref<1600000xi32, #tpu.memory_space<hbm>> -> memref<800xi32, #tpu.memory_space<hbm>>
        tpu.enqueue_dma source(%dma_start3A_1099 : memref<800xi32, #tpu.memory_space<hbm>>) target(%arg8 : memref<800xi32, #tpu.memory_space<vmem>>) target_semaphore(%run_scoped3A : memref<!tpu.dma_semaphore, #tpu.memory_space<semaphore_mem>>)
        %dma_wait3A_1100 = tpu.memref_slice %arg3[%multiple_of3A] : memref<1600000xi32, #tpu.memory_space<hbm>> -> memref<800xi32, #tpu.memory_space<hbm>>
        %dma_wait3A_1101 = tpu.memref_slice %arg3[%multiple_of3A] : memref<1600000xi32, #tpu.memory_space<hbm>> -> memref<800xi32, #tpu.memory_space<hbm>>
        tpu.wait_dma2 semaphore(%run_scoped3A : memref<!tpu.dma_semaphore, #tpu.memory_space<semaphore_mem>>) src(%dma_wait3A_1101 : memref<800xi32, #tpu.memory_space<hbm>>) dst(%arg8 : memref<800xi32, #tpu.memory_space<vmem>>)
        tpu.yield
      }) : () -> ()
      "tpu.region"() ({
        %run_scoped3A = tpu.sem_alloc : memref<!tpu.dma_semaphore, #tpu.memory_space<semaphore_mem>>
        %dma_start3A_1098 = tpu.memref_slice %arg4[%multiple_of3A] : memref<1600000xi32, #tpu.memory_space<hbm>> -> memref<800xi32, #tpu.memory_space<hbm>>
        %dma_start3A_1099 = tpu.memref_slice %arg4[%multiple_of3A] : memref<1600000xi32, #tpu.memory_space<hbm>> -> memref<800xi32, #tpu.memory_space<hbm>>
        tpu.enqueue_dma source(%dma_start3A_1099 : memref<800xi32, #tpu.memory_space<hbm>>) target(%arg9 : memref<800xi32, #tpu.memory_space<vmem>>) target_semaphore(%run_scoped3A : memref<!tpu.dma_semaphore, #tpu.memory_space<semaphore_mem>>)
        %dma_wait3A_1100 = tpu.memref_slice %arg4[%multiple_of3A] : memref<1600000xi32, #tpu.memory_space<hbm>> -> memref<800xi32, #tpu.memory_space<hbm>>
        %dma_wait3A_1101 = tpu.memref_slice %arg4[%multiple_of3A] : memref<1600000xi32, #tpu.memory_space<hbm>> -> memref<800xi32, #tpu.memory_space<hbm>>
        tpu.wait_dma2 semaphore(%run_scoped3A : memref<!tpu.dma_semaphore, #tpu.memory_space<semaphore_mem>>) src(%dma_wait3A_1101 : memref<800xi32, #tpu.memory_space<hbm>>) dst(%arg9 : memref<800xi32, #tpu.memory_space<vmem>>)
        tpu.yield
      }) : () -> ()
      %dma_start3A = arith.constant 0 : i32
      %dma_start3A_57 = tpu.memref_slice %arg8[%dma_start3A] : memref<800xi32, #tpu.memory_space<vmem>> -> memref<80xi32, #tpu.memory_space<vmem>>
      %dma_start3A_58 = arith.constant 0 : i32
      %dma_start3A_59 = arith.constant 0 : i32
      %dma_start3A_60 = tpu.memref_slice %arg2[%dma_start3A_58, %dma_start3A_59] : memref<100000x32xf32, #tpu.memory_space<hbm>> -> memref<100000x32xf32, #tpu.memory_space<hbm>>
      tpu.enqueue_indirect_dma source(%dma_start3A_60 : memref<100000x32xf32, #tpu.memory_space<hbm>>) target(%arg10 : memref<80x32xf32, #tpu.memory_space<vmem>>) offsets(%dma_start3A_57 : memref<80xi32, #tpu.memory_space<vmem>>) semaphore(%arg20 : memref<!tpu.dma_semaphore, #tpu.memory_space<semaphore_mem>>)
      %dma_start3A_61 = arith.constant 80 : i32
      %dma_start3A_62 = tpu.memref_slice %arg8[%dma_start3A_61] : memref<800xi32, #tpu.memory_space<vmem>> -> memref<80xi32, #tpu.memory_space<vmem>>
      %dma_start3A_63 = arith.constant 0 : i32
      %dma_start3A_64 = arith.constant 0 : i32
      %dma_start3A_65 = tpu.memref_slice %arg2[%dma_start3A_63, %dma_start3A_64] : memref<100000x32xf32, #tpu.memory_space<hbm>> -> memref<100000x32xf32, #tpu.memory_space<hbm>>
      tpu.enqueue_indirect_dma source(%dma_start3A_65 : memref<100000x32xf32, #tpu.memory_space<hbm>>) target(%arg11 : memref<80x32xf32, #tpu.memory_space<vmem>>) offsets(%dma_start3A_62 : memref<80xi32, #tpu.memory_space<vmem>>) semaphore(%arg20 : memref<!tpu.dma_semaphore, #tpu.memory_space<semaphore_mem>>)
      %dma_start3A_66 = arith.constant 160 : i32
      %dma_start3A_67 = tpu.memref_slice %arg8[%dma_start3A_66] : memref<800xi32, #tpu.memory_space<vmem>> -> memref<80xi32, #tpu.memory_space<vmem>>
      %dma_start3A_68 = arith.constant 0 : i32
      %dma_start3A_69 = arith.constant 0 : i32
      %dma_start3A_70 = tpu.memref_slice %arg2[%dma_start3A_68, %dma_start3A_69] : memref<100000x32xf32, #tpu.memory_space<hbm>> -> memref<100000x32xf32, #tpu.memory_space<hbm>>
      tpu.enqueue_indirect_dma source(%dma_start3A_70 : memref<100000x32xf32, #tpu.memory_space<hbm>>) target(%arg12 : memref<80x32xf32, #tpu.memory_space<vmem>>) offsets(%dma_start3A_67 : memref<80xi32, #tpu.memory_space<vmem>>) semaphore(%arg20 : memref<!tpu.dma_semaphore, #tpu.memory_space<semaphore_mem>>)
      %dma_start3A_71 = arith.constant 240 : i32
      %dma_start3A_72 = tpu.memref_slice %arg8[%dma_start3A_71] : memref<800xi32, #tpu.memory_space<vmem>> -> memref<80xi32, #tpu.memory_space<vmem>>
      %dma_start3A_73 = arith.constant 0 : i32
      %dma_start3A_74 = arith.constant 0 : i32
      %dma_start3A_75 = tpu.memref_slice %arg2[%dma_start3A_73, %dma_start3A_74] : memref<100000x32xf32, #tpu.memory_space<hbm>> -> memref<100000x32xf32, #tpu.memory_space<hbm>>
      tpu.enqueue_indirect_dma source(%dma_start3A_75 : memref<100000x32xf32, #tpu.memory_space<hbm>>) target(%arg13 : memref<80x32xf32, #tpu.memory_space<vmem>>) offsets(%dma_start3A_72 : memref<80xi32, #tpu.memory_space<vmem>>) semaphore(%arg20 : memref<!tpu.dma_semaphore, #tpu.memory_space<semaphore_mem>>)
      %dma_start3A_76 = arith.constant 320 : i32
      %dma_start3A_77 = tpu.memref_slice %arg8[%dma_start3A_76] : memref<800xi32, #tpu.memory_space<vmem>> -> memref<80xi32, #tpu.memory_space<vmem>>
      %dma_start3A_78 = arith.constant 0 : i32
      %dma_start3A_79 = arith.constant 0 : i32
      %dma_start3A_80 = tpu.memref_slice %arg2[%dma_start3A_78, %dma_start3A_79] : memref<100000x32xf32, #tpu.memory_space<hbm>> -> memref<100000x32xf32, #tpu.memory_space<hbm>>
      tpu.enqueue_indirect_dma source(%dma_start3A_80 : memref<100000x32xf32, #tpu.memory_space<hbm>>) target(%arg14 : memref<80x32xf32, #tpu.memory_space<vmem>>) offsets(%dma_start3A_77 : memref<80xi32, #tpu.memory_space<vmem>>) semaphore(%arg20 : memref<!tpu.dma_semaphore, #tpu.memory_space<semaphore_mem>>)
      %dma_wait3A = arith.constant 0 : i32
      %dma_wait3A_81 = tpu.memref_slice %arg8[%dma_wait3A] : memref<800xi32, #tpu.memory_space<vmem>> -> memref<80xi32, #tpu.memory_space<vmem>>
      %dma_wait3A_82 = arith.constant 0 : i32
      %dma_wait3A_83 = arith.constant 0 : i32
      %dma_wait3A_84 = tpu.memref_slice %arg2[%dma_wait3A_82, %dma_wait3A_83] : memref<100000x32xf32, #tpu.memory_space<hbm>> -> memref<100000x32xf32, #tpu.memory_space<hbm>>
      tpu.wait_indirect_dma semaphore(%arg20 : memref<!tpu.dma_semaphore, #tpu.memory_space<semaphore_mem>>) src(%dma_wait3A_84 : memref<100000x32xf32, #tpu.memory_space<hbm>>) dst(%arg10 : memref<80x32xf32, #tpu.memory_space<vmem>>)
      %get3A = arith.constant 0 : index
      %get3A_85 = tpu.vector_load %arg9[%get3A] {strides = array<i32>} : memref<800xi32, #tpu.memory_space<vmem>>, vector<16xi32>,
      %get3A_86 = vector.shape_cast %get3A_85 : vector<16xi32> to vector<16xi32>
      %sub3A = vector.broadcast %mul3A_0 : i32 to vector<16xi32>
      %sub3A_87 = arith.subi %get3A_86, %sub3A : vector<16xi32>
      %ge3A = arith.constant 0 : i32
      %ge3A_88 = vector.broadcast %ge3A : i32 to vector<16xi32>
      %ge3A_89 = arith.cmpi sge, %sub3A_87, %ge3A_88 : vector<16xi32>
      %lt3A_90 = arith.constant 50000 : i32
      %lt3A_91 = vector.broadcast %lt3A_90 : i32 to vector<16xi32>
      %lt3A_92 = arith.cmpi slt, %sub3A_87, %lt3A_91 : vector<16xi32>
      %and3A = arith.andi %ge3A_89, %lt3A_92 : vector<16xi1>
      %jit3A = arith.constant 50000 : i32
      %broadcast_in_dim3A_93 = vector.broadcast %jit3A : i32 to vector<16xi32>
      %select_n3A = arith.select %and3A, %sub3A_87, %broadcast_in_dim3A_93 : vector<16xi1>, vector<16xi32>
      %swap3A = arith.constant 0 : index
      %swap3A_94 = tpu.vector_load %arg15[%swap3A] {strides = array<i32>} : memref<80xi32, #tpu.memory_space<vmem>>, vector<16xi32>,
      %swap3A_95 = vector.shape_cast %swap3A_94 : vector<16xi32> to vector<16xi32>
      %swap3A_96 = vector.shape_cast %select_n3A : vector<16xi32> to vector<16xi32>
      tpu.vector_store %arg15[%swap3A], %swap3A_96 {strides = array<i32>} : memref<80xi32, #tpu.memory_space<vmem>>, vector<16xi32>,
      %get3A_97 = arith.constant 16 : index
      %get3A_98 = tpu.vector_load %arg9[%get3A_97] {strides = array<i32>} : memref<800xi32, #tpu.memory_space<vmem>>, vector<16xi32>,
      %get3A_99 = vector.shape_cast %get3A_98 : vector<16xi32> to vector<16xi32>
      %sub3A_100 = vector.broadcast %mul3A_0 : i32 to vector<16xi32>
      %sub3A_101 = arith.subi %get3A_99, %sub3A_100 : vector<16xi32>
      %ge3A_102 = arith.constant 0 : i32
      %ge3A_103 = vector.broadcast %ge3A_102 : i32 to vector<16xi32>
      %ge3A_104 = arith.cmpi sge, %sub3A_101, %ge3A_103 : vector<16xi32>
      %lt3A_105 = arith.constant 50000 : i32
      %lt3A_106 = vector.broadcast %lt3A_105 : i32 to vector<16xi32>
      %lt3A_107 = arith.cmpi slt, %sub3A_101, %lt3A_106 : vector<16xi32>
      %and3A_108 = arith.andi %ge3A_104, %lt3A_107 : vector<16xi1>
      %jit3A_109 = arith.constant 50000 : i32
      %broadcast_in_dim3A_110 = vector.broadcast %jit3A_109 : i32 to vector<16xi32>
      %select_n3A_111 = arith.select %and3A_108, %sub3A_101, %broadcast_in_dim3A_110 : vector<16xi1>, vector<16xi32>
      %swap3A_112 = arith.constant 16 : index
      %swap3A_113 = tpu.vector_load %arg15[%swap3A_112] {strides = array<i32>} : memref<80xi32, #tpu.memory_space<vmem>>, vector<16xi32>,
      %swap3A_114 = vector.shape_cast %swap3A_113 : vector<16xi32> to vector<16xi32>
      %swap3A_115 = vector.shape_cast %select_n3A_111 : vector<16xi32> to vector<16xi32>
      tpu.vector_store %arg15[%swap3A_112], %swap3A_115 {strides = array<i32>} : memref<80xi32, #tpu.memory_space<vmem>>, vector<16xi32>,
      %get3A_116 = arith.constant 32 : index
      %get3A_117 = tpu.vector_load %arg9[%get3A_116] {strides = array<i32>} : memref<800xi32, #tpu.memory_space<vmem>>, vector<16xi32>,
      %get3A_118 = vector.shape_cast %get3A_117 : vector<16xi32> to vector<16xi32>
      %sub3A_119 = vector.broadcast %mul3A_0 : i32 to vector<16xi32>
      %sub3A_120 = arith.subi %get3A_118, %sub3A_119 : vector<16xi32>
      %ge3A_121 = arith.constant 0 : i32
      %ge3A_122 = vector.broadcast %ge3A_121 : i32 to vector<16xi32>
      %ge3A_123 = arith.cmpi sge, %sub3A_120, %ge3A_122 : vector<16xi32>
      %lt3A_124 = arith.constant 50000 : i32
      %lt3A_125 = vector.broadcast %lt3A_124 : i32 to vector<16xi32>
      %lt3A_126 = arith.cmpi slt, %sub3A_120, %lt3A_125 : vector<16xi32>
      %and3A_127 = arith.andi %ge3A_123, %lt3A_126 : vector<16xi1>
      %jit3A_128 = arith.constant 50000 : i32
      %broadcast_in_dim3A_129 = vector.broadcast %jit3A_128 : i32 to vector<16xi32>
      %select_n3A_130 = arith.select %and3A_127, %sub3A_120, %broadcast_in_dim3A_129 : vector<16xi1>, vector<16xi32>
      %swap3A_131 = arith.constant 32 : index
      %swap3A_132 = tpu.vector_load %arg15[%swap3A_131] {strides = array<i32>} : memref<80xi32, #tpu.memory_space<vmem>>, vector<16xi32>,
      %swap3A_133 = vector.shape_cast %swap3A_132 : vector<16xi32> to vector<16xi32>
      %swap3A_134 = vector.shape_cast %select_n3A_130 : vector<16xi32> to vector<16xi32>
      tpu.vector_store %arg15[%swap3A_131], %swap3A_134 {strides = array<i32>} : memref<80xi32, #tpu.memory_space<vmem>>, vector<16xi32>,
      %get3A_135 = arith.constant 48 : index
      %get3A_136 = tpu.vector_load %arg9[%get3A_135] {strides = array<i32>} : memref<800xi32, #tpu.memory_space<vmem>>, vector<16xi32>,
      %get3A_137 = vector.shape_cast %get3A_136 : vector<16xi32> to vector<16xi32>
      %sub3A_138 = vector.broadcast %mul3A_0 : i32 to vector<16xi32>
      %sub3A_139 = arith.subi %get3A_137, %sub3A_138 : vector<16xi32>
      %ge3A_140 = arith.constant 0 : i32
      %ge3A_141 = vector.broadcast %ge3A_140 : i32 to vector<16xi32>
      %ge3A_142 = arith.cmpi sge, %sub3A_139, %ge3A_141 : vector<16xi32>
      %lt3A_143 = arith.constant 50000 : i32
      %lt3A_144 = vector.broadcast %lt3A_143 : i32 to vector<16xi32>
      %lt3A_145 = arith.cmpi slt, %sub3A_139, %lt3A_144 : vector<16xi32>
      %and3A_146 = arith.andi %ge3A_142, %lt3A_145 : vector<16xi1>
      %jit3A_147 = arith.constant 50000 : i32
      %broadcast_in_dim3A_148 = vector.broadcast %jit3A_147 : i32 to vector<16xi32>
      %select_n3A_149 = arith.select %and3A_146, %sub3A_139, %broadcast_in_dim3A_148 : vector<16xi1>, vector<16xi32>
      %swap3A_150 = arith.constant 48 : index
      %swap3A_151 = tpu.vector_load %arg15[%swap3A_150] {strides = array<i32>} : memref<80xi32, #tpu.memory_space<vmem>>, vector<16xi32>,
      %swap3A_152 = vector.shape_cast %swap3A_151 : vector<16xi32> to vector<16xi32>
      %swap3A_153 = vector.shape_cast %select_n3A_149 : vector<16xi32> to vector<16xi32>
      tpu.vector_store %arg15[%swap3A_150], %swap3A_153 {strides = array<i32>} : memref<80xi32, #tpu.memory_space<vmem>>, vector<16xi32>,
      %get3A_154 = arith.constant 64 : index
      %get3A_155 = tpu.vector_load %arg9[%get3A_154] {strides = array<i32>} : memref<800xi32, #tpu.memory_space<vmem>>, vector<16xi32>,
      %get3A_156 = vector.shape_cast %get3A_155 : vector<16xi32> to vector<16xi32>
      %sub3A_157 = vector.broadcast %mul3A_0 : i32 to vector<16xi32>
      %sub3A_158 = arith.subi %get3A_156, %sub3A_157 : vector<16xi32>
      %ge3A_159 = arith.constant 0 : i32
      %ge3A_160 = vector.broadcast %ge3A_159 : i32 to vector<16xi32>
      %ge3A_161 = arith.cmpi sge, %sub3A_158, %ge3A_160 : vector<16xi32>
      %lt3A_162 = arith.constant 50000 : i32
      %lt3A_163 = vector.broadcast %lt3A_162 : i32 to vector<16xi32>
      %lt3A_164 = arith.cmpi slt, %sub3A_158, %lt3A_163 : vector<16xi32>
      %and3A_165 = arith.andi %ge3A_161, %lt3A_164 : vector<16xi1>
      %jit3A_166 = arith.constant 50000 : i32
      %broadcast_in_dim3A_167 = vector.broadcast %jit3A_166 : i32 to vector<16xi32>
      %select_n3A_168 = arith.select %and3A_165, %sub3A_158, %broadcast_in_dim3A_167 : vector<16xi1>, vector<16xi32>
      %swap3A_169 = arith.constant 64 : index
      %swap3A_170 = tpu.vector_load %arg15[%swap3A_169] {strides = array<i32>} : memref<80xi32, #tpu.memory_space<vmem>>, vector<16xi32>,
      %swap3A_171 = vector.shape_cast %swap3A_170 : vector<16xi32> to vector<16xi32>
      %swap3A_172 = vector.shape_cast %select_n3A_168 : vector<16xi32> to vector<16xi32>
      tpu.vector_store %arg15[%swap3A_169], %swap3A_172 {strides = array<i32>} : memref<80xi32, #tpu.memory_space<vmem>>, vector<16xi32>,
      "tpu.region"() ({
        %run_scoped3A = tpu.sem_alloc : memref<!tpu.dma_semaphore, #tpu.memory_space<semaphore_mem>>
        %dma_start3A_1098 = arith.constant 0 : i32
        %dma_start3A_1099 = arith.constant 0 : i32
        %dma_start3A_1100 = tpu.memref_slice %arg6[%dma_start3A_1098, %dma_start3A_1099] : memref<50048x32xf32, #tpu.memory_space<vmem_shared>> -> memref<50048x32xf32, #tpu.memory_space<vmem_shared>>
        tpu.enqueue_indirect_dma source(%arg10 : memref<80x32xf32, #tpu.memory_space<vmem>>) target(%dma_start3A_1100 : memref<50048x32xf32, #tpu.memory_space<vmem_shared>>) offsets(%arg15 : memref<80xi32, #tpu.memory_space<vmem>>) semaphore(%run_scoped3A : memref<!tpu.dma_semaphore, #tpu.memory_space<semaphore_mem>>) {add = true}
        %dma_wait3A_1101 = arith.constant 0 : i32
        %dma_wait3A_1102 = arith.constant 0 : i32
        %dma_wait3A_1103 = tpu.memref_slice %arg6[%dma_wait3A_1101, %dma_wait3A_1102] : memref<50048x32xf32, #tpu.memory_space<vmem_shared>> -> memref<50048x32xf32, #tpu.memory_space<vmem_shared>>
        tpu.wait_indirect_dma semaphore(%run_scoped3A : memref<!tpu.dma_semaphore, #tpu.memory_space<semaphore_mem>>) src(%arg10 : memref<80x32xf32, #tpu.memory_space<vmem>>) dst(%dma_wait3A_1103 : memref<50048x32xf32, #tpu.memory_space<vmem_shared>>)
        tpu.yield
      }) : () -> ()
      %dma_start3A_173 = arith.constant 400 : i32
      %dma_start3A_174 = tpu.memref_slice %arg8[%dma_start3A_173] : memref<800xi32, #tpu.memory_space<vmem>> -> memref<80xi32, #tpu.memory_space<vmem>>
      %dma_start3A_175 = arith.constant 0 : i32
      %dma_start3A_176 = arith.constant 0 : i32
      %dma_start3A_177 = tpu.memref_slice %arg2[%dma_start3A_175, %dma_start3A_176] : memref<100000x32xf32, #tpu.memory_space<hbm>> -> memref<100000x32xf32, #tpu.memory_space<hbm>>
      tpu.enqueue_indirect_dma source(%dma_start3A_177 : memref<100000x32xf32, #tpu.memory_space<hbm>>) target(%arg10 : memref<80x32xf32, #tpu.memory_space<vmem>>) offsets(%dma_start3A_174 : memref<80xi32, #tpu.memory_space<vmem>>) semaphore(%arg20 : memref<!tpu.dma_semaphore, #tpu.memory_space<semaphore_mem>>)
      %dma_wait3A_178 = arith.constant 80 : i32
      %dma_wait3A_179 = tpu.memref_slice %arg8[%dma_wait3A_178] : memref<800xi32, #tpu.memory_space<vmem>> -> memref<80xi32, #tpu.memory_space<vmem>>
      %dma_wait3A_180 = arith.constant 0 : i32
      %dma_wait3A_181 = arith.constant 0 : i32
      %dma_wait3A_182 = tpu.memref_slice %arg2[%dma_wait3A_180, %dma_wait3A_181] : memref<100000x32xf32, #tpu.memory_space<hbm>> -> memref<100000x32xf32, #tpu.memory_space<hbm>>
      tpu.wait_indirect_dma semaphore(%arg20 : memref<!tpu.dma_semaphore, #tpu.memory_space<semaphore_mem>>) src(%dma_wait3A_182 : memref<100000x32xf32, #tpu.memory_space<hbm>>) dst(%arg11 : memref<80x32xf32, #tpu.memory_space<vmem>>)
      %get3A_183 = arith.constant 80 : index
      %get3A_184 = tpu.vector_load %arg9[%get3A_183] {strides = array<i32>} : memref<800xi32, #tpu.memory_space<vmem>>, vector<16xi32>,
      %get3A_185 = vector.shape_cast %get3A_184 : vector<16xi32> to vector<16xi32>
      %sub3A_186 = vector.broadcast %mul3A_0 : i32 to vector<16xi32>
      %sub3A_187 = arith.subi %get3A_185, %sub3A_186 : vector<16xi32>
      %ge3A_188 = arith.constant 0 : i32
      %ge3A_189 = vector.broadcast %ge3A_188 : i32 to vector<16xi32>
      %ge3A_190 = arith.cmpi sge, %sub3A_187, %ge3A_189 : vector<16xi32>
      %lt3A_191 = arith.constant 50000 : i32
      %lt3A_192 = vector.broadcast %lt3A_191 : i32 to vector<16xi32>
      %lt3A_193 = arith.cmpi slt, %sub3A_187, %lt3A_192 : vector<16xi32>
      %and3A_194 = arith.andi %ge3A_190, %lt3A_193 : vector<16xi1>
      %jit3A_195 = arith.constant 50000 : i32
      %broadcast_in_dim3A_196 = vector.broadcast %jit3A_195 : i32 to vector<16xi32>
      %select_n3A_197 = arith.select %and3A_194, %sub3A_187, %broadcast_in_dim3A_196 : vector<16xi1>, vector<16xi32>
      %swap3A_198 = arith.constant 0 : index
      %swap3A_199 = tpu.vector_load %arg16[%swap3A_198] {strides = array<i32>} : memref<80xi32, #tpu.memory_space<vmem>>, vector<16xi32>,
      %swap3A_200 = vector.shape_cast %swap3A_199 : vector<16xi32> to vector<16xi32>
      %swap3A_201 = vector.shape_cast %select_n3A_197 : vector<16xi32> to vector<16xi32>
      tpu.vector_store %arg16[%swap3A_198], %swap3A_201 {strides = array<i32>} : memref<80xi32, #tpu.memory_space<vmem>>, vector<16xi32>,
      %get3A_202 = arith.constant 96 : index
      %get3A_203 = tpu.vector_load %arg9[%get3A_202] {strides = array<i32>} : memref<800xi32, #tpu.memory_space<vmem>>, vector<16xi32>,
      %get3A_204 = vector.shape_cast %get3A_203 : vector<16xi32> to vector<16xi32>
      %sub3A_205 = vector.broadcast %mul3A_0 : i32 to vector<16xi32>
      %sub3A_206 = arith.subi %get3A_204, %sub3A_205 : vector<16xi32>
      %ge3A_207 = arith.constant 0 : i32
      %ge3A_208 = vector.broadcast %ge3A_207 : i32 to vector<16xi32>
      %ge3A_209 = arith.cmpi sge, %sub3A_206, %ge3A_208 : vector<16xi32>
      %lt3A_210 = arith.constant 50000 : i32
      %lt3A_211 = vector.broadcast %lt3A_210 : i32 to vector<16xi32>
      %lt3A_212 = arith.cmpi slt, %sub3A_206, %lt3A_211 : vector<16xi32>
      %and3A_213 = arith.andi %ge3A_209, %lt3A_212 : vector<16xi1>
      %jit3A_214 = arith.constant 50000 : i32
      %broadcast_in_dim3A_215 = vector.broadcast %jit3A_214 : i32 to vector<16xi32>
      %select_n3A_216 = arith.select %and3A_213, %sub3A_206, %broadcast_in_dim3A_215 : vector<16xi1>, vector<16xi32>
      %swap3A_217 = arith.constant 16 : index
      %swap3A_218 = tpu.vector_load %arg16[%swap3A_217] {strides = array<i32>} : memref<80xi32, #tpu.memory_space<vmem>>, vector<16xi32>,
      %swap3A_219 = vector.shape_cast %swap3A_218 : vector<16xi32> to vector<16xi32>
      %swap3A_220 = vector.shape_cast %select_n3A_216 : vector<16xi32> to vector<16xi32>
      tpu.vector_store %arg16[%swap3A_217], %swap3A_220 {strides = array<i32>} : memref<80xi32, #tpu.memory_space<vmem>>, vector<16xi32>,
      %get3A_221 = arith.constant 112 : index
      %get3A_222 = tpu.vector_load %arg9[%get3A_221] {strides = array<i32>} : memref<800xi32, #tpu.memory_space<vmem>>, vector<16xi32>,
      %get3A_223 = vector.shape_cast %get3A_222 : vector<16xi32> to vector<16xi32>
      %sub3A_224 = vector.broadcast %mul3A_0 : i32 to vector<16xi32>
      %sub3A_225 = arith.subi %get3A_223, %sub3A_224 : vector<16xi32>
      %ge3A_226 = arith.constant 0 : i32
      %ge3A_227 = vector.broadcast %ge3A_226 : i32 to vector<16xi32>
      %ge3A_228 = arith.cmpi sge, %sub3A_225, %ge3A_227 : vector<16xi32>
      %lt3A_229 = arith.constant 50000 : i32
      %lt3A_230 = vector.broadcast %lt3A_229 : i32 to vector<16xi32>
      %lt3A_231 = arith.cmpi slt, %sub3A_225, %lt3A_230 : vector<16xi32>
      %and3A_232 = arith.andi %ge3A_228, %lt3A_231 : vector<16xi1>
      %jit3A_233 = arith.constant 50000 : i32
      %broadcast_in_dim3A_234 = vector.broadcast %jit3A_233 : i32 to vector<16xi32>
      %select_n3A_235 = arith.select %and3A_232, %sub3A_225, %broadcast_in_dim3A_234 : vector<16xi1>, vector<16xi32>
      %swap3A_236 = arith.constant 32 : index
      %swap3A_237 = tpu.vector_load %arg16[%swap3A_236] {strides = array<i32>} : memref<80xi32, #tpu.memory_space<vmem>>, vector<16xi32>,
      %swap3A_238 = vector.shape_cast %swap3A_237 : vector<16xi32> to vector<16xi32>
      %swap3A_239 = vector.shape_cast %select_n3A_235 : vector<16xi32> to vector<16xi32>
      tpu.vector_store %arg16[%swap3A_236], %swap3A_239 {strides = array<i32>} : memref<80xi32, #tpu.memory_space<vmem>>, vector<16xi32>,
      %get3A_240 = arith.constant 128 : index
      %get3A_241 = tpu.vector_load %arg9[%get3A_240] {strides = array<i32>} : memref<800xi32, #tpu.memory_space<vmem>>, vector<16xi32>,
      %get3A_242 = vector.shape_cast %get3A_241 : vector<16xi32> to vector<16xi32>
      %sub3A_243 = vector.broadcast %mul3A_0 : i32 to vector<16xi32>
      %sub3A_244 = arith.subi %get3A_242, %sub3A_243 : vector<16xi32>
      %ge3A_245 = arith.constant 0 : i32
      %ge3A_246 = vector.broadcast %ge3A_245 : i32 to vector<16xi32>
      %ge3A_247 = arith.cmpi sge, %sub3A_244, %ge3A_246 : vector<16xi32>
      %lt3A_248 = arith.constant 50000 : i32
      %lt3A_249 = vector.broadcast %lt3A_248 : i32 to vector<16xi32>
      %lt3A_250 = arith.cmpi slt, %sub3A_244, %lt3A_249 : vector<16xi32>
      %and3A_251 = arith.andi %ge3A_247, %lt3A_250 : vector<16xi1>
      %jit3A_252 = arith.constant 50000 : i32
      %broadcast_in_dim3A_253 = vector.broadcast %jit3A_252 : i32 to vector<16xi32>
      %select_n3A_254 = arith.select %and3A_251, %sub3A_244, %broadcast_in_dim3A_253 : vector<16xi1>, vector<16xi32>
      %swap3A_255 = arith.constant 48 : index
      %swap3A_256 = tpu.vector_load %arg16[%swap3A_255] {strides = array<i32>} : memref<80xi32, #tpu.memory_space<vmem>>, vector<16xi32>,
      %swap3A_257 = vector.shape_cast %swap3A_256 : vector<16xi32> to vector<16xi32>
      %swap3A_258 = vector.shape_cast %select_n3A_254 : vector<16xi32> to vector<16xi32>
      tpu.vector_store %arg16[%swap3A_255], %swap3A_258 {strides = array<i32>} : memref<80xi32, #tpu.memory_space<vmem>>, vector<16xi32>,
      %get3A_259 = arith.constant 144 : index
      %get3A_260 = tpu.vector_load %arg9[%get3A_259] {strides = array<i32>} : memref<800xi32, #tpu.memory_space<vmem>>, vector<16xi32>,
      %get3A_261 = vector.shape_cast %get3A_260 : vector<16xi32> to vector<16xi32>
      %sub3A_262 = vector.broadcast %mul3A_0 : i32 to vector<16xi32>
      %sub3A_263 = arith.subi %get3A_261, %sub3A_262 : vector<16xi32>
      %ge3A_264 = arith.constant 0 : i32
      %ge3A_265 = vector.broadcast %ge3A_264 : i32 to vector<16xi32>
      %ge3A_266 = arith.cmpi sge, %sub3A_263, %ge3A_265 : vector<16xi32>
      %lt3A_267 = arith.constant 50000 : i32
      %lt3A_268 = vector.broadcast %lt3A_267 : i32 to vector<16xi32>
      %lt3A_269 = arith.cmpi slt, %sub3A_263, %lt3A_268 : vector<16xi32>
      %and3A_270 = arith.andi %ge3A_266, %lt3A_269 : vector<16xi1>
      %jit3A_271 = arith.constant 50000 : i32
      %broadcast_in_dim3A_272 = vector.broadcast %jit3A_271 : i32 to vector<16xi32>
      %select_n3A_273 = arith.select %and3A_270, %sub3A_263, %broadcast_in_dim3A_272 : vector<16xi1>, vector<16xi32>
      %swap3A_274 = arith.constant 64 : index
      %swap3A_275 = tpu.vector_load %arg16[%swap3A_274] {strides = array<i32>} : memref<80xi32, #tpu.memory_space<vmem>>, vector<16xi32>,
      %swap3A_276 = vector.shape_cast %swap3A_275 : vector<16xi32> to vector<16xi32>
      %swap3A_277 = vector.shape_cast %select_n3A_273 : vector<16xi32> to vector<16xi32>
      tpu.vector_store %arg16[%swap3A_274], %swap3A_277 {strides = array<i32>} : memref<80xi32, #tpu.memory_space<vmem>>, vector<16xi32>,
      "tpu.region"() ({
        %run_scoped3A = tpu.sem_alloc : memref<!tpu.dma_semaphore, #tpu.memory_space<semaphore_mem>>
        %dma_start3A_1098 = arith.constant 0 : i32
        %dma_start3A_1099 = arith.constant 0 : i32
        %dma_start3A_1100 = tpu.memref_slice %arg6[%dma_start3A_1098, %dma_start3A_1099] : memref<50048x32xf32, #tpu.memory_space<vmem_shared>> -> memref<50048x32xf32, #tpu.memory_space<vmem_shared>>
        tpu.enqueue_indirect_dma source(%arg11 : memref<80x32xf32, #tpu.memory_space<vmem>>) target(%dma_start3A_1100 : memref<50048x32xf32, #tpu.memory_space<vmem_shared>>) offsets(%arg16 : memref<80xi32, #tpu.memory_space<vmem>>) semaphore(%run_scoped3A : memref<!tpu.dma_semaphore, #tpu.memory_space<semaphore_mem>>) {add = true}
        %dma_wait3A_1101 = arith.constant 0 : i32
        %dma_wait3A_1102 = arith.constant 0 : i32
        %dma_wait3A_1103 = tpu.memref_slice %arg6[%dma_wait3A_1101, %dma_wait3A_1102] : memref<50048x32xf32, #tpu.memory_space<vmem_shared>> -> memref<50048x32xf32, #tpu.memory_space<vmem_shared>>
        tpu.wait_indirect_dma semaphore(%run_scoped3A : memref<!tpu.dma_semaphore, #tpu.memory_space<semaphore_mem>>) src(%arg11 : memref<80x32xf32, #tpu.memory_space<vmem>>) dst(%dma_wait3A_1103 : memref<50048x32xf32, #tpu.memory_space<vmem_shared>>)
        tpu.yield
      }) : () -> ()
      %dma_start3A_278 = arith.constant 480 : i32
      %dma_start3A_279 = tpu.memref_slice %arg8[%dma_start3A_278] : memref<800xi32, #tpu.memory_space<vmem>> -> memref<80xi32, #tpu.memory_space<vmem>>
      %dma_start3A_280 = arith.constant 0 : i32
      %dma_start3A_281 = arith.constant 0 : i32
      %dma_start3A_282 = tpu.memref_slice %arg2[%dma_start3A_280, %dma_start3A_281] : memref<100000x32xf32, #tpu.memory_space<hbm>> -> memref<100000x32xf32, #tpu.memory_space<hbm>>
      tpu.enqueue_indirect_dma source(%dma_start3A_282 : memref<100000x32xf32, #tpu.memory_space<hbm>>) target(%arg11 : memref<80x32xf32, #tpu.memory_space<vmem>>) offsets(%dma_start3A_279 : memref<80xi32, #tpu.memory_space<vmem>>) semaphore(%arg20 : memref<!tpu.dma_semaphore, #tpu.memory_space<semaphore_mem>>)
      %dma_wait3A_283 = arith.constant 160 : i32
      %dma_wait3A_284 = tpu.memref_slice %arg8[%dma_wait3A_283] : memref<800xi32, #tpu.memory_space<vmem>> -> memref<80xi32, #tpu.memory_space<vmem>>
      %dma_wait3A_285 = arith.constant 0 : i32
      %dma_wait3A_286 = arith.constant 0 : i32
      %dma_wait3A_287 = tpu.memref_slice %arg2[%dma_wait3A_285, %dma_wait3A_286] : memref<100000x32xf32, #tpu.memory_space<hbm>> -> memref<100000x32xf32, #tpu.memory_space<hbm>>
      tpu.wait_indirect_dma semaphore(%arg20 : memref<!tpu.dma_semaphore, #tpu.memory_space<semaphore_mem>>) src(%dma_wait3A_287 : memref<100000x32xf32, #tpu.memory_space<hbm>>) dst(%arg12 : memref<80x32xf32, #tpu.memory_space<vmem>>)
      %get3A_288 = arith.constant 160 : index
      %get3A_289 = tpu.vector_load %arg9[%get3A_288] {strides = array<i32>} : memref<800xi32, #tpu.memory_space<vmem>>, vector<16xi32>,
      %get3A_290 = vector.shape_cast %get3A_289 : vector<16xi32> to vector<16xi32>
      %sub3A_291 = vector.broadcast %mul3A_0 : i32 to vector<16xi32>
      %sub3A_292 = arith.subi %get3A_290, %sub3A_291 : vector<16xi32>
      %ge3A_293 = arith.constant 0 : i32
      %ge3A_294 = vector.broadcast %ge3A_293 : i32 to vector<16xi32>
      %ge3A_295 = arith.cmpi sge, %sub3A_292, %ge3A_294 : vector<16xi32>
      %lt3A_296 = arith.constant 50000 : i32
      %lt3A_297 = vector.broadcast %lt3A_296 : i32 to vector<16xi32>
      %lt3A_298 = arith.cmpi slt, %sub3A_292, %lt3A_297 : vector<16xi32>
      %and3A_299 = arith.andi %ge3A_295, %lt3A_298 : vector<16xi1>
      %jit3A_300 = arith.constant 50000 : i32
      %broadcast_in_dim3A_301 = vector.broadcast %jit3A_300 : i32 to vector<16xi32>
      %select_n3A_302 = arith.select %and3A_299, %sub3A_292, %broadcast_in_dim3A_301 : vector<16xi1>, vector<16xi32>
      %swap3A_303 = arith.constant 0 : index
      %swap3A_304 = tpu.vector_load %arg17[%swap3A_303] {strides = array<i32>} : memref<80xi32, #tpu.memory_space<vmem>>, vector<16xi32>,
      %swap3A_305 = vector.shape_cast %swap3A_304 : vector<16xi32> to vector<16xi32>
      %swap3A_306 = vector.shape_cast %select_n3A_302 : vector<16xi32> to vector<16xi32>
      tpu.vector_store %arg17[%swap3A_303], %swap3A_306 {strides = array<i32>} : memref<80xi32, #tpu.memory_space<vmem>>, vector<16xi32>,
      %get3A_307 = arith.constant 176 : index
      %get3A_308 = tpu.vector_load %arg9[%get3A_307] {strides = array<i32>} : memref<800xi32, #tpu.memory_space<vmem>>, vector<16xi32>,
      %get3A_309 = vector.shape_cast %get3A_308 : vector<16xi32> to vector<16xi32>
      %sub3A_310 = vector.broadcast %mul3A_0 : i32 to vector<16xi32>
      %sub3A_311 = arith.subi %get3A_309, %sub3A_310 : vector<16xi32>
      %ge3A_312 = arith.constant 0 : i32
      %ge3A_313 = vector.broadcast %ge3A_312 : i32 to vector<16xi32>
      %ge3A_314 = arith.cmpi sge, %sub3A_311, %ge3A_313 : vector<16xi32>
      %lt3A_315 = arith.constant 50000 : i32
      %lt3A_316 = vector.broadcast %lt3A_315 : i32 to vector<16xi32>
      %lt3A_317 = arith.cmpi slt, %sub3A_311, %lt3A_316 : vector<16xi32>
      %and3A_318 = arith.andi %ge3A_314, %lt3A_317 : vector<16xi1>
      %jit3A_319 = arith.constant 50000 : i32
      %broadcast_in_dim3A_320 = vector.broadcast %jit3A_319 : i32 to vector<16xi32>
      %select_n3A_321 = arith.select %and3A_318, %sub3A_311, %broadcast_in_dim3A_320 : vector<16xi1>, vector<16xi32>
      %swap3A_322 = arith.constant 16 : index
      %swap3A_323 = tpu.vector_load %arg17[%swap3A_322] {strides = array<i32>} : memref<80xi32, #tpu.memory_space<vmem>>, vector<16xi32>,
      %swap3A_324 = vector.shape_cast %swap3A_323 : vector<16xi32> to vector<16xi32>
      %swap3A_325 = vector.shape_cast %select_n3A_321 : vector<16xi32> to vector<16xi32>
      tpu.vector_store %arg17[%swap3A_322], %swap3A_325 {strides = array<i32>} : memref<80xi32, #tpu.memory_space<vmem>>, vector<16xi32>,
      %get3A_326 = arith.constant 192 : index
      %get3A_327 = tpu.vector_load %arg9[%get3A_326] {strides = array<i32>} : memref<800xi32, #tpu.memory_space<vmem>>, vector<16xi32>,
      %get3A_328 = vector.shape_cast %get3A_327 : vector<16xi32> to vector<16xi32>
      %sub3A_329 = vector.broadcast %mul3A_0 : i32 to vector<16xi32>
      %sub3A_330 = arith.subi %get3A_328, %sub3A_329 : vector<16xi32>
      %ge3A_331 = arith.constant 0 : i32
      %ge3A_332 = vector.broadcast %ge3A_331 : i32 to vector<16xi32>
      %ge3A_333 = arith.cmpi sge, %sub3A_330, %ge3A_332 : vector<16xi32>
      %lt3A_334 = arith.constant 50000 : i32
      %lt3A_335 = vector.broadcast %lt3A_334 : i32 to vector<16xi32>
      %lt3A_336 = arith.cmpi slt, %sub3A_330, %lt3A_335 : vector<16xi32>
      %and3A_337 = arith.andi %ge3A_333, %lt3A_336 : vector<16xi1>
      %jit3A_338 = arith.constant 50000 : i32
      %broadcast_in_dim3A_339 = vector.broadcast %jit3A_338 : i32 to vector<16xi32>
      %select_n3A_340 = arith.select %and3A_337, %sub3A_330, %broadcast_in_dim3A_339 : vector<16xi1>, vector<16xi32>
      %swap3A_341 = arith.constant 32 : index
      %swap3A_342 = tpu.vector_load %arg17[%swap3A_341] {strides = array<i32>} : memref<80xi32, #tpu.memory_space<vmem>>, vector<16xi32>,
      %swap3A_343 = vector.shape_cast %swap3A_342 : vector<16xi32> to vector<16xi32>
      %swap3A_344 = vector.shape_cast %select_n3A_340 : vector<16xi32> to vector<16xi32>
      tpu.vector_store %arg17[%swap3A_341], %swap3A_344 {strides = array<i32>} : memref<80xi32, #tpu.memory_space<vmem>>, vector<16xi32>,
      %get3A_345 = arith.constant 208 : index
      %get3A_346 = tpu.vector_load %arg9[%get3A_345] {strides = array<i32>} : memref<800xi32, #tpu.memory_space<vmem>>, vector<16xi32>,
      %get3A_347 = vector.shape_cast %get3A_346 : vector<16xi32> to vector<16xi32>
      %sub3A_348 = vector.broadcast %mul3A_0 : i32 to vector<16xi32>
      %sub3A_349 = arith.subi %get3A_347, %sub3A_348 : vector<16xi32>
      %ge3A_350 = arith.constant 0 : i32
      %ge3A_351 = vector.broadcast %ge3A_350 : i32 to vector<16xi32>
      %ge3A_352 = arith.cmpi sge, %sub3A_349, %ge3A_351 : vector<16xi32>
      %lt3A_353 = arith.constant 50000 : i32
      %lt3A_354 = vector.broadcast %lt3A_353 : i32 to vector<16xi32>
      %lt3A_355 = arith.cmpi slt, %sub3A_349, %lt3A_354 : vector<16xi32>
      %and3A_356 = arith.andi %ge3A_352, %lt3A_355 : vector<16xi1>
      %jit3A_357 = arith.constant 50000 : i32
      %broadcast_in_dim3A_358 = vector.broadcast %jit3A_357 : i32 to vector<16xi32>
      %select_n3A_359 = arith.select %and3A_356, %sub3A_349, %broadcast_in_dim3A_358 : vector<16xi1>, vector<16xi32>
      %swap3A_360 = arith.constant 48 : index
      %swap3A_361 = tpu.vector_load %arg17[%swap3A_360] {strides = array<i32>} : memref<80xi32, #tpu.memory_space<vmem>>, vector<16xi32>,
      %swap3A_362 = vector.shape_cast %swap3A_361 : vector<16xi32> to vector<16xi32>
      %swap3A_363 = vector.shape_cast %select_n3A_359 : vector<16xi32> to vector<16xi32>
      tpu.vector_store %arg17[%swap3A_360], %swap3A_363 {strides = array<i32>} : memref<80xi32, #tpu.memory_space<vmem>>, vector<16xi32>,
      %get3A_364 = arith.constant 224 : index
      %get3A_365 = tpu.vector_load %arg9[%get3A_364] {strides = array<i32>} : memref<800xi32, #tpu.memory_space<vmem>>, vector<16xi32>,
      %get3A_366 = vector.shape_cast %get3A_365 : vector<16xi32> to vector<16xi32>
      %sub3A_367 = vector.broadcast %mul3A_0 : i32 to vector<16xi32>
      %sub3A_368 = arith.subi %get3A_366, %sub3A_367 : vector<16xi32>
      %ge3A_369 = arith.constant 0 : i32
      %ge3A_370 = vector.broadcast %ge3A_369 : i32 to vector<16xi32>
      %ge3A_371 = arith.cmpi sge, %sub3A_368, %ge3A_370 : vector<16xi32>
      %lt3A_372 = arith.constant 50000 : i32
      %lt3A_373 = vector.broadcast %lt3A_372 : i32 to vector<16xi32>
      %lt3A_374 = arith.cmpi slt, %sub3A_368, %lt3A_373 : vector<16xi32>
      %and3A_375 = arith.andi %ge3A_371, %lt3A_374 : vector<16xi1>
      %jit3A_376 = arith.constant 50000 : i32
      %broadcast_in_dim3A_377 = vector.broadcast %jit3A_376 : i32 to vector<16xi32>
      %select_n3A_378 = arith.select %and3A_375, %sub3A_368, %broadcast_in_dim3A_377 : vector<16xi1>, vector<16xi32>
      %swap3A_379 = arith.constant 64 : index
      %swap3A_380 = tpu.vector_load %arg17[%swap3A_379] {strides = array<i32>} : memref<80xi32, #tpu.memory_space<vmem>>, vector<16xi32>,
      %swap3A_381 = vector.shape_cast %swap3A_380 : vector<16xi32> to vector<16xi32>
      %swap3A_382 = vector.shape_cast %select_n3A_378 : vector<16xi32> to vector<16xi32>
      tpu.vector_store %arg17[%swap3A_379], %swap3A_382 {strides = array<i32>} : memref<80xi32, #tpu.memory_space<vmem>>, vector<16xi32>,
      "tpu.region"() ({
        %run_scoped3A = tpu.sem_alloc : memref<!tpu.dma_semaphore, #tpu.memory_space<semaphore_mem>>
        %dma_start3A_1098 = arith.constant 0 : i32
        %dma_start3A_1099 = arith.constant 0 : i32
        %dma_start3A_1100 = tpu.memref_slice %arg6[%dma_start3A_1098, %dma_start3A_1099] : memref<50048x32xf32, #tpu.memory_space<vmem_shared>> -> memref<50048x32xf32, #tpu.memory_space<vmem_shared>>
        tpu.enqueue_indirect_dma source(%arg12 : memref<80x32xf32, #tpu.memory_space<vmem>>) target(%dma_start3A_1100 : memref<50048x32xf32, #tpu.memory_space<vmem_shared>>) offsets(%arg17 : memref<80xi32, #tpu.memory_space<vmem>>) semaphore(%run_scoped3A : memref<!tpu.dma_semaphore, #tpu.memory_space<semaphore_mem>>) {add = true}
        %dma_wait3A_1101 = arith.constant 0 : i32
        %dma_wait3A_1102 = arith.constant 0 : i32
        %dma_wait3A_1103 = tpu.memref_slice %arg6[%dma_wait3A_1101, %dma_wait3A_1102] : memref<50048x32xf32, #tpu.memory_space<vmem_shared>> -> memref<50048x32xf32, #tpu.memory_space<vmem_shared>>
        tpu.wait_indirect_dma semaphore(%run_scoped3A : memref<!tpu.dma_semaphore, #tpu.memory_space<semaphore_mem>>) src(%arg12 : memref<80x32xf32, #tpu.memory_space<vmem>>) dst(%dma_wait3A_1103 : memref<50048x32xf32, #tpu.memory_space<vmem_shared>>)
        tpu.yield
      }) : () -> ()
      %dma_start3A_383 = arith.constant 560 : i32
      %dma_start3A_384 = tpu.memref_slice %arg8[%dma_start3A_383] : memref<800xi32, #tpu.memory_space<vmem>> -> memref<80xi32, #tpu.memory_space<vmem>>
      %dma_start3A_385 = arith.constant 0 : i32
      %dma_start3A_386 = arith.constant 0 : i32
      %dma_start3A_387 = tpu.memref_slice %arg2[%dma_start3A_385, %dma_start3A_386] : memref<100000x32xf32, #tpu.memory_space<hbm>> -> memref<100000x32xf32, #tpu.memory_space<hbm>>
      tpu.enqueue_indirect_dma source(%dma_start3A_387 : memref<100000x32xf32, #tpu.memory_space<hbm>>) target(%arg12 : memref<80x32xf32, #tpu.memory_space<vmem>>) offsets(%dma_start3A_384 : memref<80xi32, #tpu.memory_space<vmem>>) semaphore(%arg20 : memref<!tpu.dma_semaphore, #tpu.memory_space<semaphore_mem>>)
      %dma_wait3A_388 = arith.constant 240 : i32
      %dma_wait3A_389 = tpu.memref_slice %arg8[%dma_wait3A_388] : memref<800xi32, #tpu.memory_space<vmem>> -> memref<80xi32, #tpu.memory_space<vmem>>
      %dma_wait3A_390 = arith.constant 0 : i32
      %dma_wait3A_391 = arith.constant 0 : i32
      %dma_wait3A_392 = tpu.memref_slice %arg2[%dma_wait3A_390, %dma_wait3A_391] : memref<100000x32xf32, #tpu.memory_space<hbm>> -> memref<100000x32xf32, #tpu.memory_space<hbm>>
      tpu.wait_indirect_dma semaphore(%arg20 : memref<!tpu.dma_semaphore, #tpu.memory_space<semaphore_mem>>) src(%dma_wait3A_392 : memref<100000x32xf32, #tpu.memory_space<hbm>>) dst(%arg13 : memref<80x32xf32, #tpu.memory_space<vmem>>)
      %get3A_393 = arith.constant 240 : index
      %get3A_394 = tpu.vector_load %arg9[%get3A_393] {strides = array<i32>} : memref<800xi32, #tpu.memory_space<vmem>>, vector<16xi32>,
      %get3A_395 = vector.shape_cast %get3A_394 : vector<16xi32> to vector<16xi32>
      %sub3A_396 = vector.broadcast %mul3A_0 : i32 to vector<16xi32>
      %sub3A_397 = arith.subi %get3A_395, %sub3A_396 : vector<16xi32>
      %ge3A_398 = arith.constant 0 : i32
      %ge3A_399 = vector.broadcast %ge3A_398 : i32 to vector<16xi32>
      %ge3A_400 = arith.cmpi sge, %sub3A_397, %ge3A_399 : vector<16xi32>
      %lt3A_401 = arith.constant 50000 : i32
      %lt3A_402 = vector.broadcast %lt3A_401 : i32 to vector<16xi32>
      %lt3A_403 = arith.cmpi slt, %sub3A_397, %lt3A_402 : vector<16xi32>
      %and3A_404 = arith.andi %ge3A_400, %lt3A_403 : vector<16xi1>
      %jit3A_405 = arith.constant 50000 : i32
      %broadcast_in_dim3A_406 = vector.broadcast %jit3A_405 : i32 to vector<16xi32>
      %select_n3A_407 = arith.select %and3A_404, %sub3A_397, %broadcast_in_dim3A_406 : vector<16xi1>, vector<16xi32>
      %swap3A_408 = arith.constant 0 : index
      %swap3A_409 = tpu.vector_load %arg18[%swap3A_408] {strides = array<i32>} : memref<80xi32, #tpu.memory_space<vmem>>, vector<16xi32>,
      %swap3A_410 = vector.shape_cast %swap3A_409 : vector<16xi32> to vector<16xi32>
      %swap3A_411 = vector.shape_cast %select_n3A_407 : vector<16xi32> to vector<16xi32>
      tpu.vector_store %arg18[%swap3A_408], %swap3A_411 {strides = array<i32>} : memref<80xi32, #tpu.memory_space<vmem>>, vector<16xi32>,
      %get3A_412 = arith.constant 256 : index
      %get3A_413 = tpu.vector_load %arg9[%get3A_412] {strides = array<i32>} : memref<800xi32, #tpu.memory_space<vmem>>, vector<16xi32>,
      %get3A_414 = vector.shape_cast %get3A_413 : vector<16xi32> to vector<16xi32>
      %sub3A_415 = vector.broadcast %mul3A_0 : i32 to vector<16xi32>
      %sub3A_416 = arith.subi %get3A_414, %sub3A_415 : vector<16xi32>
      %ge3A_417 = arith.constant 0 : i32
      %ge3A_418 = vector.broadcast %ge3A_417 : i32 to vector<16xi32>
      %ge3A_419 = arith.cmpi sge, %sub3A_416, %ge3A_418 : vector<16xi32>
      %lt3A_420 = arith.constant 50000 : i32
      %lt3A_421 = vector.broadcast %lt3A_420 : i32 to vector<16xi32>
      %lt3A_422 = arith.cmpi slt, %sub3A_416, %lt3A_421 : vector<16xi32>
      %and3A_423 = arith.andi %ge3A_419, %lt3A_422 : vector<16xi1>
      %jit3A_424 = arith.constant 50000 : i32
      %broadcast_in_dim3A_425 = vector.broadcast %jit3A_424 : i32 to vector<16xi32>
      %select_n3A_426 = arith.select %and3A_423, %sub3A_416, %broadcast_in_dim3A_425 : vector<16xi1>, vector<16xi32>
      %swap3A_427 = arith.constant 16 : index
      %swap3A_428 = tpu.vector_load %arg18[%swap3A_427] {strides = array<i32>} : memref<80xi32, #tpu.memory_space<vmem>>, vector<16xi32>,
      %swap3A_429 = vector.shape_cast %swap3A_428 : vector<16xi32> to vector<16xi32>
      %swap3A_430 = vector.shape_cast %select_n3A_426 : vector<16xi32> to vector<16xi32>
      tpu.vector_store %arg18[%swap3A_427], %swap3A_430 {strides = array<i32>} : memref<80xi32, #tpu.memory_space<vmem>>, vector<16xi32>,
      %get3A_431 = arith.constant 272 : index
      %get3A_432 = tpu.vector_load %arg9[%get3A_431] {strides = array<i32>} : memref<800xi32, #tpu.memory_space<vmem>>, vector<16xi32>,
      %get3A_433 = vector.shape_cast %get3A_432 : vector<16xi32> to vector<16xi32>
      %sub3A_434 = vector.broadcast %mul3A_0 : i32 to vector<16xi32>
      %sub3A_435 = arith.subi %get3A_433, %sub3A_434 : vector<16xi32>
      %ge3A_436 = arith.constant 0 : i32
      %ge3A_437 = vector.broadcast %ge3A_436 : i32 to vector<16xi32>
      %ge3A_438 = arith.cmpi sge, %sub3A_435, %ge3A_437 : vector<16xi32>
      %lt3A_439 = arith.constant 50000 : i32
      %lt3A_440 = vector.broadcast %lt3A_439 : i32 to vector<16xi32>
      %lt3A_441 = arith.cmpi slt, %sub3A_435, %lt3A_440 : vector<16xi32>
      %and3A_442 = arith.andi %ge3A_438, %lt3A_441 : vector<16xi1>
      %jit3A_443 = arith.constant 50000 : i32
      %broadcast_in_dim3A_444 = vector.broadcast %jit3A_443 : i32 to vector<16xi32>
      %select_n3A_445 = arith.select %and3A_442, %sub3A_435, %broadcast_in_dim3A_444 : vector<16xi1>, vector<16xi32>
      %swap3A_446 = arith.constant 32 : index
      %swap3A_447 = tpu.vector_load %arg18[%swap3A_446] {strides = array<i32>} : memref<80xi32, #tpu.memory_space<vmem>>, vector<16xi32>,
      %swap3A_448 = vector.shape_cast %swap3A_447 : vector<16xi32> to vector<16xi32>
      %swap3A_449 = vector.shape_cast %select_n3A_445 : vector<16xi32> to vector<16xi32>
      tpu.vector_store %arg18[%swap3A_446], %swap3A_449 {strides = array<i32>} : memref<80xi32, #tpu.memory_space<vmem>>, vector<16xi32>,
      %get3A_450 = arith.constant 288 : index
      %get3A_451 = tpu.vector_load %arg9[%get3A_450] {strides = array<i32>} : memref<800xi32, #tpu.memory_space<vmem>>, vector<16xi32>,
      %get3A_452 = vector.shape_cast %get3A_451 : vector<16xi32> to vector<16xi32>
      %sub3A_453 = vector.broadcast %mul3A_0 : i32 to vector<16xi32>
      %sub3A_454 = arith.subi %get3A_452, %sub3A_453 : vector<16xi32>
      %ge3A_455 = arith.constant 0 : i32
      %ge3A_456 = vector.broadcast %ge3A_455 : i32 to vector<16xi32>
      %ge3A_457 = arith.cmpi sge, %sub3A_454, %ge3A_456 : vector<16xi32>
      %lt3A_458 = arith.constant 50000 : i32
      %lt3A_459 = vector.broadcast %lt3A_458 : i32 to vector<16xi32>
      %lt3A_460 = arith.cmpi slt, %sub3A_454, %lt3A_459 : vector<16xi32>
      %and3A_461 = arith.andi %ge3A_457, %lt3A_460 : vector<16xi1>
      %jit3A_462 = arith.constant 50000 : i32
      %broadcast_in_dim3A_463 = vector.broadcast %jit3A_462 : i32 to vector<16xi32>
      %select_n3A_464 = arith.select %and3A_461, %sub3A_454, %broadcast_in_dim3A_463 : vector<16xi1>, vector<16xi32>
      %swap3A_465 = arith.constant 48 : index
      %swap3A_466 = tpu.vector_load %arg18[%swap3A_465] {strides = array<i32>} : memref<80xi32, #tpu.memory_space<vmem>>, vector<16xi32>,
      %swap3A_467 = vector.shape_cast %swap3A_466 : vector<16xi32> to vector<16xi32>
      %swap3A_468 = vector.shape_cast %select_n3A_464 : vector<16xi32> to vector<16xi32>
      tpu.vector_store %arg18[%swap3A_465], %swap3A_468 {strides = array<i32>} : memref<80xi32, #tpu.memory_space<vmem>>, vector<16xi32>,
      %get3A_469 = arith.constant 304 : index
      %get3A_470 = tpu.vector_load %arg9[%get3A_469] {strides = array<i32>} : memref<800xi32, #tpu.memory_space<vmem>>, vector<16xi32>,
      %get3A_471 = vector.shape_cast %get3A_470 : vector<16xi32> to vector<16xi32>
      %sub3A_472 = vector.broadcast %mul3A_0 : i32 to vector<16xi32>
      %sub3A_473 = arith.subi %get3A_471, %sub3A_472 : vector<16xi32>
      %ge3A_474 = arith.constant 0 : i32
      %ge3A_475 = vector.broadcast %ge3A_474 : i32 to vector<16xi32>
      %ge3A_476 = arith.cmpi sge, %sub3A_473, %ge3A_475 : vector<16xi32>
      %lt3A_477 = arith.constant 50000 : i32
      %lt3A_478 = vector.broadcast %lt3A_477 : i32 to vector<16xi32>
      %lt3A_479 = arith.cmpi slt, %sub3A_473, %lt3A_478 : vector<16xi32>
      %and3A_480 = arith.andi %ge3A_476, %lt3A_479 : vector<16xi1>
      %jit3A_481 = arith.constant 50000 : i32
      %broadcast_in_dim3A_482 = vector.broadcast %jit3A_481 : i32 to vector<16xi32>
      %select_n3A_483 = arith.select %and3A_480, %sub3A_473, %broadcast_in_dim3A_482 : vector<16xi1>, vector<16xi32>
      %swap3A_484 = arith.constant 64 : index
      %swap3A_485 = tpu.vector_load %arg18[%swap3A_484] {strides = array<i32>} : memref<80xi32, #tpu.memory_space<vmem>>, vector<16xi32>,
      %swap3A_486 = vector.shape_cast %swap3A_485 : vector<16xi32> to vector<16xi32>
      %swap3A_487 = vector.shape_cast %select_n3A_483 : vector<16xi32> to vector<16xi32>
      tpu.vector_store %arg18[%swap3A_484], %swap3A_487 {strides = array<i32>} : memref<80xi32, #tpu.memory_space<vmem>>, vector<16xi32>,
      "tpu.region"() ({
        %run_scoped3A = tpu.sem_alloc : memref<!tpu.dma_semaphore, #tpu.memory_space<semaphore_mem>>
        %dma_start3A_1098 = arith.constant 0 : i32
        %dma_start3A_1099 = arith.constant 0 : i32
        %dma_start3A_1100 = tpu.memref_slice %arg6[%dma_start3A_1098, %dma_start3A_1099] : memref<50048x32xf32, #tpu.memory_space<vmem_shared>> -> memref<50048x32xf32, #tpu.memory_space<vmem_shared>>
        tpu.enqueue_indirect_dma source(%arg13 : memref<80x32xf32, #tpu.memory_space<vmem>>) target(%dma_start3A_1100 : memref<50048x32xf32, #tpu.memory_space<vmem_shared>>) offsets(%arg18 : memref<80xi32, #tpu.memory_space<vmem>>) semaphore(%run_scoped3A : memref<!tpu.dma_semaphore, #tpu.memory_space<semaphore_mem>>) {add = true}
        %dma_wait3A_1101 = arith.constant 0 : i32
        %dma_wait3A_1102 = arith.constant 0 : i32
        %dma_wait3A_1103 = tpu.memref_slice %arg6[%dma_wait3A_1101, %dma_wait3A_1102] : memref<50048x32xf32, #tpu.memory_space<vmem_shared>> -> memref<50048x32xf32, #tpu.memory_space<vmem_shared>>
        tpu.wait_indirect_dma semaphore(%run_scoped3A : memref<!tpu.dma_semaphore, #tpu.memory_space<semaphore_mem>>) src(%arg13 : memref<80x32xf32, #tpu.memory_space<vmem>>) dst(%dma_wait3A_1103 : memref<50048x32xf32, #tpu.memory_space<vmem_shared>>)
        tpu.yield
      }) : () -> ()
      %dma_start3A_488 = arith.constant 640 : i32
      %dma_start3A_489 = tpu.memref_slice %arg8[%dma_start3A_488] : memref<800xi32, #tpu.memory_space<vmem>> -> memref<80xi32, #tpu.memory_space<vmem>>
      %dma_start3A_490 = arith.constant 0 : i32
      %dma_start3A_491 = arith.constant 0 : i32
      %dma_start3A_492 = tpu.memref_slice %arg2[%dma_start3A_490, %dma_start3A_491] : memref<100000x32xf32, #tpu.memory_space<hbm>> -> memref<100000x32xf32, #tpu.memory_space<hbm>>
      tpu.enqueue_indirect_dma source(%dma_start3A_492 : memref<100000x32xf32, #tpu.memory_space<hbm>>) target(%arg13 : memref<80x32xf32, #tpu.memory_space<vmem>>) offsets(%dma_start3A_489 : memref<80xi32, #tpu.memory_space<vmem>>) semaphore(%arg20 : memref<!tpu.dma_semaphore, #tpu.memory_space<semaphore_mem>>)
      %dma_wait3A_493 = arith.constant 320 : i32
      %dma_wait3A_494 = tpu.memref_slice %arg8[%dma_wait3A_493] : memref<800xi32, #tpu.memory_space<vmem>> -> memref<80xi32, #tpu.memory_space<vmem>>
      %dma_wait3A_495 = arith.constant 0 : i32
      %dma_wait3A_496 = arith.constant 0 : i32
      %dma_wait3A_497 = tpu.memref_slice %arg2[%dma_wait3A_495, %dma_wait3A_496] : memref<100000x32xf32, #tpu.memory_space<hbm>> -> memref<100000x32xf32, #tpu.memory_space<hbm>>
      tpu.wait_indirect_dma semaphore(%arg20 : memref<!tpu.dma_semaphore, #tpu.memory_space<semaphore_mem>>) src(%dma_wait3A_497 : memref<100000x32xf32, #tpu.memory_space<hbm>>) dst(%arg14 : memref<80x32xf32, #tpu.memory_space<vmem>>)
      %get3A_498 = arith.constant 320 : index
      %get3A_499 = tpu.vector_load %arg9[%get3A_498] {strides = array<i32>} : memref<800xi32, #tpu.memory_space<vmem>>, vector<16xi32>,
      %get3A_500 = vector.shape_cast %get3A_499 : vector<16xi32> to vector<16xi32>
      %sub3A_501 = vector.broadcast %mul3A_0 : i32 to vector<16xi32>
      %sub3A_502 = arith.subi %get3A_500, %sub3A_501 : vector<16xi32>
      %ge3A_503 = arith.constant 0 : i32
      %ge3A_504 = vector.broadcast %ge3A_503 : i32 to vector<16xi32>
      %ge3A_505 = arith.cmpi sge, %sub3A_502, %ge3A_504 : vector<16xi32>
      %lt3A_506 = arith.constant 50000 : i32
      %lt3A_507 = vector.broadcast %lt3A_506 : i32 to vector<16xi32>
      %lt3A_508 = arith.cmpi slt, %sub3A_502, %lt3A_507 : vector<16xi32>
      %and3A_509 = arith.andi %ge3A_505, %lt3A_508 : vector<16xi1>
      %jit3A_510 = arith.constant 50000 : i32
      %broadcast_in_dim3A_511 = vector.broadcast %jit3A_510 : i32 to vector<16xi32>
      %select_n3A_512 = arith.select %and3A_509, %sub3A_502, %broadcast_in_dim3A_511 : vector<16xi1>, vector<16xi32>
      %swap3A_513 = arith.constant 0 : index
      %swap3A_514 = tpu.vector_load %arg19[%swap3A_513] {strides = array<i32>} : memref<80xi32, #tpu.memory_space<vmem>>, vector<16xi32>,
      %swap3A_515 = vector.shape_cast %swap3A_514 : vector<16xi32> to vector<16xi32>
      %swap3A_516 = vector.shape_cast %select_n3A_512 : vector<16xi32> to vector<16xi32>
      tpu.vector_store %arg19[%swap3A_513], %swap3A_516 {strides = array<i32>} : memref<80xi32, #tpu.memory_space<vmem>>, vector<16xi32>,
      %get3A_517 = arith.constant 336 : index
      %get3A_518 = tpu.vector_load %arg9[%get3A_517] {strides = array<i32>} : memref<800xi32, #tpu.memory_space<vmem>>, vector<16xi32>,
      %get3A_519 = vector.shape_cast %get3A_518 : vector<16xi32> to vector<16xi32>
      %sub3A_520 = vector.broadcast %mul3A_0 : i32 to vector<16xi32>
      %sub3A_521 = arith.subi %get3A_519, %sub3A_520 : vector<16xi32>
      %ge3A_522 = arith.constant 0 : i32
      %ge3A_523 = vector.broadcast %ge3A_522 : i32 to vector<16xi32>
      %ge3A_524 = arith.cmpi sge, %sub3A_521, %ge3A_523 : vector<16xi32>
      %lt3A_525 = arith.constant 50000 : i32
      %lt3A_526 = vector.broadcast %lt3A_525 : i32 to vector<16xi32>
      %lt3A_527 = arith.cmpi slt, %sub3A_521, %lt3A_526 : vector<16xi32>
      %and3A_528 = arith.andi %ge3A_524, %lt3A_527 : vector<16xi1>
      %jit3A_529 = arith.constant 50000 : i32
      %broadcast_in_dim3A_530 = vector.broadcast %jit3A_529 : i32 to vector<16xi32>
      %select_n3A_531 = arith.select %and3A_528, %sub3A_521, %broadcast_in_dim3A_530 : vector<16xi1>, vector<16xi32>
      %swap3A_532 = arith.constant 16 : index
      %swap3A_533 = tpu.vector_load %arg19[%swap3A_532] {strides = array<i32>} : memref<80xi32, #tpu.memory_space<vmem>>, vector<16xi32>,
      %swap3A_534 = vector.shape_cast %swap3A_533 : vector<16xi32> to vector<16xi32>
      %swap3A_535 = vector.shape_cast %select_n3A_531 : vector<16xi32> to vector<16xi32>
      tpu.vector_store %arg19[%swap3A_532], %swap3A_535 {strides = array<i32>} : memref<80xi32, #tpu.memory_space<vmem>>, vector<16xi32>,
      %get3A_536 = arith.constant 352 : index
      %get3A_537 = tpu.vector_load %arg9[%get3A_536] {strides = array<i32>} : memref<800xi32, #tpu.memory_space<vmem>>, vector<16xi32>,
      %get3A_538 = vector.shape_cast %get3A_537 : vector<16xi32> to vector<16xi32>
      %sub3A_539 = vector.broadcast %mul3A_0 : i32 to vector<16xi32>
      %sub3A_540 = arith.subi %get3A_538, %sub3A_539 : vector<16xi32>
      %ge3A_541 = arith.constant 0 : i32
      %ge3A_542 = vector.broadcast %ge3A_541 : i32 to vector<16xi32>
      %ge3A_543 = arith.cmpi sge, %sub3A_540, %ge3A_542 : vector<16xi32>
      %lt3A_544 = arith.constant 50000 : i32
      %lt3A_545 = vector.broadcast %lt3A_544 : i32 to vector<16xi32>
      %lt3A_546 = arith.cmpi slt, %sub3A_540, %lt3A_545 : vector<16xi32>
      %and3A_547 = arith.andi %ge3A_543, %lt3A_546 : vector<16xi1>
      %jit3A_548 = arith.constant 50000 : i32
      %broadcast_in_dim3A_549 = vector.broadcast %jit3A_548 : i32 to vector<16xi32>
      %select_n3A_550 = arith.select %and3A_547, %sub3A_540, %broadcast_in_dim3A_549 : vector<16xi1>, vector<16xi32>
      %swap3A_551 = arith.constant 32 : index
      %swap3A_552 = tpu.vector_load %arg19[%swap3A_551] {strides = array<i32>} : memref<80xi32, #tpu.memory_space<vmem>>, vector<16xi32>,
      %swap3A_553 = vector.shape_cast %swap3A_552 : vector<16xi32> to vector<16xi32>
      %swap3A_554 = vector.shape_cast %select_n3A_550 : vector<16xi32> to vector<16xi32>
      tpu.vector_store %arg19[%swap3A_551], %swap3A_554 {strides = array<i32>} : memref<80xi32, #tpu.memory_space<vmem>>, vector<16xi32>,
      %get3A_555 = arith.constant 368 : index
      %get3A_556 = tpu.vector_load %arg9[%get3A_555] {strides = array<i32>} : memref<800xi32, #tpu.memory_space<vmem>>, vector<16xi32>,
      %get3A_557 = vector.shape_cast %get3A_556 : vector<16xi32> to vector<16xi32>
      %sub3A_558 = vector.broadcast %mul3A_0 : i32 to vector<16xi32>
      %sub3A_559 = arith.subi %get3A_557, %sub3A_558 : vector<16xi32>
      %ge3A_560 = arith.constant 0 : i32
      %ge3A_561 = vector.broadcast %ge3A_560 : i32 to vector<16xi32>
      %ge3A_562 = arith.cmpi sge, %sub3A_559, %ge3A_561 : vector<16xi32>
      %lt3A_563 = arith.constant 50000 : i32
      %lt3A_564 = vector.broadcast %lt3A_563 : i32 to vector<16xi32>
      %lt3A_565 = arith.cmpi slt, %sub3A_559, %lt3A_564 : vector<16xi32>
      %and3A_566 = arith.andi %ge3A_562, %lt3A_565 : vector<16xi1>
      %jit3A_567 = arith.constant 50000 : i32
      %broadcast_in_dim3A_568 = vector.broadcast %jit3A_567 : i32 to vector<16xi32>
      %select_n3A_569 = arith.select %and3A_566, %sub3A_559, %broadcast_in_dim3A_568 : vector<16xi1>, vector<16xi32>
      %swap3A_570 = arith.constant 48 : index
      %swap3A_571 = tpu.vector_load %arg19[%swap3A_570] {strides = array<i32>} : memref<80xi32, #tpu.memory_space<vmem>>, vector<16xi32>,
      %swap3A_572 = vector.shape_cast %swap3A_571 : vector<16xi32> to vector<16xi32>
      %swap3A_573 = vector.shape_cast %select_n3A_569 : vector<16xi32> to vector<16xi32>
      tpu.vector_store %arg19[%swap3A_570], %swap3A_573 {strides = array<i32>} : memref<80xi32, #tpu.memory_space<vmem>>, vector<16xi32>,
      %get3A_574 = arith.constant 384 : index
      %get3A_575 = tpu.vector_load %arg9[%get3A_574] {strides = array<i32>} : memref<800xi32, #tpu.memory_space<vmem>>, vector<16xi32>,
      %get3A_576 = vector.shape_cast %get3A_575 : vector<16xi32> to vector<16xi32>
      %sub3A_577 = vector.broadcast %mul3A_0 : i32 to vector<16xi32>
      %sub3A_578 = arith.subi %get3A_576, %sub3A_577 : vector<16xi32>
      %ge3A_579 = arith.constant 0 : i32
      %ge3A_580 = vector.broadcast %ge3A_579 : i32 to vector<16xi32>
      %ge3A_581 = arith.cmpi sge, %sub3A_578, %ge3A_580 : vector<16xi32>
      %lt3A_582 = arith.constant 50000 : i32
      %lt3A_583 = vector.broadcast %lt3A_582 : i32 to vector<16xi32>
      %lt3A_584 = arith.cmpi slt, %sub3A_578, %lt3A_583 : vector<16xi32>
      %and3A_585 = arith.andi %ge3A_581, %lt3A_584 : vector<16xi1>
      %jit3A_586 = arith.constant 50000 : i32
      %broadcast_in_dim3A_587 = vector.broadcast %jit3A_586 : i32 to vector<16xi32>
      %select_n3A_588 = arith.select %and3A_585, %sub3A_578, %broadcast_in_dim3A_587 : vector<16xi1>, vector<16xi32>
      %swap3A_589 = arith.constant 64 : index
      %swap3A_590 = tpu.vector_load %arg19[%swap3A_589] {strides = array<i32>} : memref<80xi32, #tpu.memory_space<vmem>>, vector<16xi32>,
      %swap3A_591 = vector.shape_cast %swap3A_590 : vector<16xi32> to vector<16xi32>
      %swap3A_592 = vector.shape_cast %select_n3A_588 : vector<16xi32> to vector<16xi32>
      tpu.vector_store %arg19[%swap3A_589], %swap3A_592 {strides = array<i32>} : memref<80xi32, #tpu.memory_space<vmem>>, vector<16xi32>,
      "tpu.region"() ({
        %run_scoped3A = tpu.sem_alloc : memref<!tpu.dma_semaphore, #tpu.memory_space<semaphore_mem>>
        %dma_start3A_1098 = arith.constant 0 : i32
        %dma_start3A_1099 = arith.constant 0 : i32
        %dma_start3A_1100 = tpu.memref_slice %arg6[%dma_start3A_1098, %dma_start3A_1099] : memref<50048x32xf32, #tpu.memory_space<vmem_shared>> -> memref<50048x32xf32, #tpu.memory_space<vmem_shared>>
        tpu.enqueue_indirect_dma source(%arg14 : memref<80x32xf32, #tpu.memory_space<vmem>>) target(%dma_start3A_1100 : memref<50048x32xf32, #tpu.memory_space<vmem_shared>>) offsets(%arg19 : memref<80xi32, #tpu.memory_space<vmem>>) semaphore(%run_scoped3A : memref<!tpu.dma_semaphore, #tpu.memory_space<semaphore_mem>>) {add = true}
        %dma_wait3A_1101 = arith.constant 0 : i32
        %dma_wait3A_1102 = arith.constant 0 : i32
        %dma_wait3A_1103 = tpu.memref_slice %arg6[%dma_wait3A_1101, %dma_wait3A_1102] : memref<50048x32xf32, #tpu.memory_space<vmem_shared>> -> memref<50048x32xf32, #tpu.memory_space<vmem_shared>>
        tpu.wait_indirect_dma semaphore(%run_scoped3A : memref<!tpu.dma_semaphore, #tpu.memory_space<semaphore_mem>>) src(%arg14 : memref<80x32xf32, #tpu.memory_space<vmem>>) dst(%dma_wait3A_1103 : memref<50048x32xf32, #tpu.memory_space<vmem_shared>>)
        tpu.yield
      }) : () -> ()
      %dma_start3A_593 = arith.constant 720 : i32
      %dma_start3A_594 = tpu.memref_slice %arg8[%dma_start3A_593] : memref<800xi32, #tpu.memory_space<vmem>> -> memref<80xi32, #tpu.memory_space<vmem>>
      %dma_start3A_595 = arith.constant 0 : i32
      %dma_start3A_596 = arith.constant 0 : i32
      %dma_start3A_597 = tpu.memref_slice %arg2[%dma_start3A_595, %dma_start3A_596] : memref<100000x32xf32, #tpu.memory_space<hbm>> -> memref<100000x32xf32, #tpu.memory_space<hbm>>
      tpu.enqueue_indirect_dma source(%dma_start3A_597 : memref<100000x32xf32, #tpu.memory_space<hbm>>) target(%arg14 : memref<80x32xf32, #tpu.memory_space<vmem>>) offsets(%dma_start3A_594 : memref<80xi32, #tpu.memory_space<vmem>>) semaphore(%arg20 : memref<!tpu.dma_semaphore, #tpu.memory_space<semaphore_mem>>)
      %dma_wait3A_598 = arith.constant 400 : i32
      %dma_wait3A_599 = tpu.memref_slice %arg8[%dma_wait3A_598] : memref<800xi32, #tpu.memory_space<vmem>> -> memref<80xi32, #tpu.memory_space<vmem>>
      %dma_wait3A_600 = arith.constant 0 : i32
      %dma_wait3A_601 = arith.constant 0 : i32
      %dma_wait3A_602 = tpu.memref_slice %arg2[%dma_wait3A_600, %dma_wait3A_601] : memref<100000x32xf32, #tpu.memory_space<hbm>> -> memref<100000x32xf32, #tpu.memory_space<hbm>>
      tpu.wait_indirect_dma semaphore(%arg20 : memref<!tpu.dma_semaphore, #tpu.memory_space<semaphore_mem>>) src(%dma_wait3A_602 : memref<100000x32xf32, #tpu.memory_space<hbm>>) dst(%arg10 : memref<80x32xf32, #tpu.memory_space<vmem>>)
      %get3A_603 = arith.constant 400 : index
      %get3A_604 = tpu.vector_load %arg9[%get3A_603] {strides = array<i32>} : memref<800xi32, #tpu.memory_space<vmem>>, vector<16xi32>,
      %get3A_605 = vector.shape_cast %get3A_604 : vector<16xi32> to vector<16xi32>
      %sub3A_606 = vector.broadcast %mul3A_0 : i32 to vector<16xi32>
      %sub3A_607 = arith.subi %get3A_605, %sub3A_606 : vector<16xi32>
      %ge3A_608 = arith.constant 0 : i32
      %ge3A_609 = vector.broadcast %ge3A_608 : i32 to vector<16xi32>
      %ge3A_610 = arith.cmpi sge, %sub3A_607, %ge3A_609 : vector<16xi32>
      %lt3A_611 = arith.constant 50000 : i32
      %lt3A_612 = vector.broadcast %lt3A_611 : i32 to vector<16xi32>
      %lt3A_613 = arith.cmpi slt, %sub3A_607, %lt3A_612 : vector<16xi32>
      %and3A_614 = arith.andi %ge3A_610, %lt3A_613 : vector<16xi1>
      %jit3A_615 = arith.constant 50000 : i32
      %broadcast_in_dim3A_616 = vector.broadcast %jit3A_615 : i32 to vector<16xi32>
      %select_n3A_617 = arith.select %and3A_614, %sub3A_607, %broadcast_in_dim3A_616 : vector<16xi1>, vector<16xi32>
      %swap3A_618 = arith.constant 0 : index
      %swap3A_619 = tpu.vector_load %arg15[%swap3A_618] {strides = array<i32>} : memref<80xi32, #tpu.memory_space<vmem>>, vector<16xi32>,
      %swap3A_620 = vector.shape_cast %swap3A_619 : vector<16xi32> to vector<16xi32>
      %swap3A_621 = vector.shape_cast %select_n3A_617 : vector<16xi32> to vector<16xi32>
      tpu.vector_store %arg15[%swap3A_618], %swap3A_621 {strides = array<i32>} : memref<80xi32, #tpu.memory_space<vmem>>, vector<16xi32>,
      %get3A_622 = arith.constant 416 : index
      %get3A_623 = tpu.vector_load %arg9[%get3A_622] {strides = array<i32>} : memref<800xi32, #tpu.memory_space<vmem>>, vector<16xi32>,
      %get3A_624 = vector.shape_cast %get3A_623 : vector<16xi32> to vector<16xi32>
      %sub3A_625 = vector.broadcast %mul3A_0 : i32 to vector<16xi32>
      %sub3A_626 = arith.subi %get3A_624, %sub3A_625 : vector<16xi32>
      %ge3A_627 = arith.constant 0 : i32
      %ge3A_628 = vector.broadcast %ge3A_627 : i32 to vector<16xi32>
      %ge3A_629 = arith.cmpi sge, %sub3A_626, %ge3A_628 : vector<16xi32>
      %lt3A_630 = arith.constant 50000 : i32
      %lt3A_631 = vector.broadcast %lt3A_630 : i32 to vector<16xi32>
      %lt3A_632 = arith.cmpi slt, %sub3A_626, %lt3A_631 : vector<16xi32>
      %and3A_633 = arith.andi %ge3A_629, %lt3A_632 : vector<16xi1>
      %jit3A_634 = arith.constant 50000 : i32
      %broadcast_in_dim3A_635 = vector.broadcast %jit3A_634 : i32 to vector<16xi32>
      %select_n3A_636 = arith.select %and3A_633, %sub3A_626, %broadcast_in_dim3A_635 : vector<16xi1>, vector<16xi32>
      %swap3A_637 = arith.constant 16 : index
      %swap3A_638 = tpu.vector_load %arg15[%swap3A_637] {strides = array<i32>} : memref<80xi32, #tpu.memory_space<vmem>>, vector<16xi32>,
      %swap3A_639 = vector.shape_cast %swap3A_638 : vector<16xi32> to vector<16xi32>
      %swap3A_640 = vector.shape_cast %select_n3A_636 : vector<16xi32> to vector<16xi32>
      tpu.vector_store %arg15[%swap3A_637], %swap3A_640 {strides = array<i32>} : memref<80xi32, #tpu.memory_space<vmem>>, vector<16xi32>,
      %get3A_641 = arith.constant 432 : index
      %get3A_642 = tpu.vector_load %arg9[%get3A_641] {strides = array<i32>} : memref<800xi32, #tpu.memory_space<vmem>>, vector<16xi32>,
      %get3A_643 = vector.shape_cast %get3A_642 : vector<16xi32> to vector<16xi32>
      %sub3A_644 = vector.broadcast %mul3A_0 : i32 to vector<16xi32>
      %sub3A_645 = arith.subi %get3A_643, %sub3A_644 : vector<16xi32>
      %ge3A_646 = arith.constant 0 : i32
      %ge3A_647 = vector.broadcast %ge3A_646 : i32 to vector<16xi32>
      %ge3A_648 = arith.cmpi sge, %sub3A_645, %ge3A_647 : vector<16xi32>
      %lt3A_649 = arith.constant 50000 : i32
      %lt3A_650 = vector.broadcast %lt3A_649 : i32 to vector<16xi32>
      %lt3A_651 = arith.cmpi slt, %sub3A_645, %lt3A_650 : vector<16xi32>
      %and3A_652 = arith.andi %ge3A_648, %lt3A_651 : vector<16xi1>
      %jit3A_653 = arith.constant 50000 : i32
      %broadcast_in_dim3A_654 = vector.broadcast %jit3A_653 : i32 to vector<16xi32>
      %select_n3A_655 = arith.select %and3A_652, %sub3A_645, %broadcast_in_dim3A_654 : vector<16xi1>, vector<16xi32>
      %swap3A_656 = arith.constant 32 : index
      %swap3A_657 = tpu.vector_load %arg15[%swap3A_656] {strides = array<i32>} : memref<80xi32, #tpu.memory_space<vmem>>, vector<16xi32>,
      %swap3A_658 = vector.shape_cast %swap3A_657 : vector<16xi32> to vector<16xi32>
      %swap3A_659 = vector.shape_cast %select_n3A_655 : vector<16xi32> to vector<16xi32>
      tpu.vector_store %arg15[%swap3A_656], %swap3A_659 {strides = array<i32>} : memref<80xi32, #tpu.memory_space<vmem>>, vector<16xi32>,
      %get3A_660 = arith.constant 448 : index
      %get3A_661 = tpu.vector_load %arg9[%get3A_660] {strides = array<i32>} : memref<800xi32, #tpu.memory_space<vmem>>, vector<16xi32>,
      %get3A_662 = vector.shape_cast %get3A_661 : vector<16xi32> to vector<16xi32>
      %sub3A_663 = vector.broadcast %mul3A_0 : i32 to vector<16xi32>
      %sub3A_664 = arith.subi %get3A_662, %sub3A_663 : vector<16xi32>
      %ge3A_665 = arith.constant 0 : i32
      %ge3A_666 = vector.broadcast %ge3A_665 : i32 to vector<16xi32>
      %ge3A_667 = arith.cmpi sge, %sub3A_664, %ge3A_666 : vector<16xi32>
      %lt3A_668 = arith.constant 50000 : i32
      %lt3A_669 = vector.broadcast %lt3A_668 : i32 to vector<16xi32>
      %lt3A_670 = arith.cmpi slt, %sub3A_664, %lt3A_669 : vector<16xi32>
      %and3A_671 = arith.andi %ge3A_667, %lt3A_670 : vector<16xi1>
      %jit3A_672 = arith.constant 50000 : i32
      %broadcast_in_dim3A_673 = vector.broadcast %jit3A_672 : i32 to vector<16xi32>
      %select_n3A_674 = arith.select %and3A_671, %sub3A_664, %broadcast_in_dim3A_673 : vector<16xi1>, vector<16xi32>
      %swap3A_675 = arith.constant 48 : index
      %swap3A_676 = tpu.vector_load %arg15[%swap3A_675] {strides = array<i32>} : memref<80xi32, #tpu.memory_space<vmem>>, vector<16xi32>,
      %swap3A_677 = vector.shape_cast %swap3A_676 : vector<16xi32> to vector<16xi32>
      %swap3A_678 = vector.shape_cast %select_n3A_674 : vector<16xi32> to vector<16xi32>
      tpu.vector_store %arg15[%swap3A_675], %swap3A_678 {strides = array<i32>} : memref<80xi32, #tpu.memory_space<vmem>>, vector<16xi32>,
      %get3A_679 = arith.constant 464 : index
      %get3A_680 = tpu.vector_load %arg9[%get3A_679] {strides = array<i32>} : memref<800xi32, #tpu.memory_space<vmem>>, vector<16xi32>,
      %get3A_681 = vector.shape_cast %get3A_680 : vector<16xi32> to vector<16xi32>
      %sub3A_682 = vector.broadcast %mul3A_0 : i32 to vector<16xi32>
      %sub3A_683 = arith.subi %get3A_681, %sub3A_682 : vector<16xi32>
      %ge3A_684 = arith.constant 0 : i32
      %ge3A_685 = vector.broadcast %ge3A_684 : i32 to vector<16xi32>
      %ge3A_686 = arith.cmpi sge, %sub3A_683, %ge3A_685 : vector<16xi32>
      %lt3A_687 = arith.constant 50000 : i32
      %lt3A_688 = vector.broadcast %lt3A_687 : i32 to vector<16xi32>
      %lt3A_689 = arith.cmpi slt, %sub3A_683, %lt3A_688 : vector<16xi32>
      %and3A_690 = arith.andi %ge3A_686, %lt3A_689 : vector<16xi1>
      %jit3A_691 = arith.constant 50000 : i32
      %broadcast_in_dim3A_692 = vector.broadcast %jit3A_691 : i32 to vector<16xi32>
      %select_n3A_693 = arith.select %and3A_690, %sub3A_683, %broadcast_in_dim3A_692 : vector<16xi1>, vector<16xi32>
      %swap3A_694 = arith.constant 64 : index
      %swap3A_695 = tpu.vector_load %arg15[%swap3A_694] {strides = array<i32>} : memref<80xi32, #tpu.memory_space<vmem>>, vector<16xi32>,
      %swap3A_696 = vector.shape_cast %swap3A_695 : vector<16xi32> to vector<16xi32>
      %swap3A_697 = vector.shape_cast %select_n3A_693 : vector<16xi32> to vector<16xi32>
      tpu.vector_store %arg15[%swap3A_694], %swap3A_697 {strides = array<i32>} : memref<80xi32, #tpu.memory_space<vmem>>, vector<16xi32>,
      "tpu.region"() ({
        %run_scoped3A = tpu.sem_alloc : memref<!tpu.dma_semaphore, #tpu.memory_space<semaphore_mem>>
        %dma_start3A_1098 = arith.constant 0 : i32
        %dma_start3A_1099 = arith.constant 0 : i32
        %dma_start3A_1100 = tpu.memref_slice %arg6[%dma_start3A_1098, %dma_start3A_1099] : memref<50048x32xf32, #tpu.memory_space<vmem_shared>> -> memref<50048x32xf32, #tpu.memory_space<vmem_shared>>
        tpu.enqueue_indirect_dma source(%arg10 : memref<80x32xf32, #tpu.memory_space<vmem>>) target(%dma_start3A_1100 : memref<50048x32xf32, #tpu.memory_space<vmem_shared>>) offsets(%arg15 : memref<80xi32, #tpu.memory_space<vmem>>) semaphore(%run_scoped3A : memref<!tpu.dma_semaphore, #tpu.memory_space<semaphore_mem>>) {add = true}
        %dma_wait3A_1101 = arith.constant 0 : i32
        %dma_wait3A_1102 = arith.constant 0 : i32
        %dma_wait3A_1103 = tpu.memref_slice %arg6[%dma_wait3A_1101, %dma_wait3A_1102] : memref<50048x32xf32, #tpu.memory_space<vmem_shared>> -> memref<50048x32xf32, #tpu.memory_space<vmem_shared>>
        tpu.wait_indirect_dma semaphore(%run_scoped3A : memref<!tpu.dma_semaphore, #tpu.memory_space<semaphore_mem>>) src(%arg10 : memref<80x32xf32, #tpu.memory_space<vmem>>) dst(%dma_wait3A_1103 : memref<50048x32xf32, #tpu.memory_space<vmem_shared>>)
        tpu.yield
      }) : () -> ()
      %dma_wait3A_698 = arith.constant 480 : i32
      %dma_wait3A_699 = tpu.memref_slice %arg8[%dma_wait3A_698] : memref<800xi32, #tpu.memory_space<vmem>> -> memref<80xi32, #tpu.memory_space<vmem>>
      %dma_wait3A_700 = arith.constant 0 : i32
      %dma_wait3A_701 = arith.constant 0 : i32
      %dma_wait3A_702 = tpu.memref_slice %arg2[%dma_wait3A_700, %dma_wait3A_701] : memref<100000x32xf32, #tpu.memory_space<hbm>> -> memref<100000x32xf32, #tpu.memory_space<hbm>>
      tpu.wait_indirect_dma semaphore(%arg20 : memref<!tpu.dma_semaphore, #tpu.memory_space<semaphore_mem>>) src(%dma_wait3A_702 : memref<100000x32xf32, #tpu.memory_space<hbm>>) dst(%arg11 : memref<80x32xf32, #tpu.memory_space<vmem>>)
      %get3A_703 = arith.constant 480 : index
      %get3A_704 = tpu.vector_load %arg9[%get3A_703] {strides = array<i32>} : memref<800xi32, #tpu.memory_space<vmem>>, vector<16xi32>,
      %get3A_705 = vector.shape_cast %get3A_704 : vector<16xi32> to vector<16xi32>
      %sub3A_706 = vector.broadcast %mul3A_0 : i32 to vector<16xi32>
      %sub3A_707 = arith.subi %get3A_705, %sub3A_706 : vector<16xi32>
      %ge3A_708 = arith.constant 0 : i32
      %ge3A_709 = vector.broadcast %ge3A_708 : i32 to vector<16xi32>
      %ge3A_710 = arith.cmpi sge, %sub3A_707, %ge3A_709 : vector<16xi32>
      %lt3A_711 = arith.constant 50000 : i32
      %lt3A_712 = vector.broadcast %lt3A_711 : i32 to vector<16xi32>
      %lt3A_713 = arith.cmpi slt, %sub3A_707, %lt3A_712 : vector<16xi32>
      %and3A_714 = arith.andi %ge3A_710, %lt3A_713 : vector<16xi1>
      %jit3A_715 = arith.constant 50000 : i32
      %broadcast_in_dim3A_716 = vector.broadcast %jit3A_715 : i32 to vector<16xi32>
      %select_n3A_717 = arith.select %and3A_714, %sub3A_707, %broadcast_in_dim3A_716 : vector<16xi1>, vector<16xi32>
      %swap3A_718 = arith.constant 0 : index
      %swap3A_719 = tpu.vector_load %arg16[%swap3A_718] {strides = array<i32>} : memref<80xi32, #tpu.memory_space<vmem>>, vector<16xi32>,
      %swap3A_720 = vector.shape_cast %swap3A_719 : vector<16xi32> to vector<16xi32>
      %swap3A_721 = vector.shape_cast %select_n3A_717 : vector<16xi32> to vector<16xi32>
      tpu.vector_store %arg16[%swap3A_718], %swap3A_721 {strides = array<i32>} : memref<80xi32, #tpu.memory_space<vmem>>, vector<16xi32>,
      %get3A_722 = arith.constant 496 : index
      %get3A_723 = tpu.vector_load %arg9[%get3A_722] {strides = array<i32>} : memref<800xi32, #tpu.memory_space<vmem>>, vector<16xi32>,
      %get3A_724 = vector.shape_cast %get3A_723 : vector<16xi32> to vector<16xi32>
      %sub3A_725 = vector.broadcast %mul3A_0 : i32 to vector<16xi32>
      %sub3A_726 = arith.subi %get3A_724, %sub3A_725 : vector<16xi32>
      %ge3A_727 = arith.constant 0 : i32
      %ge3A_728 = vector.broadcast %ge3A_727 : i32 to vector<16xi32>
      %ge3A_729 = arith.cmpi sge, %sub3A_726, %ge3A_728 : vector<16xi32>
      %lt3A_730 = arith.constant 50000 : i32
      %lt3A_731 = vector.broadcast %lt3A_730 : i32 to vector<16xi32>
      %lt3A_732 = arith.cmpi slt, %sub3A_726, %lt3A_731 : vector<16xi32>
      %and3A_733 = arith.andi %ge3A_729, %lt3A_732 : vector<16xi1>
      %jit3A_734 = arith.constant 50000 : i32
      %broadcast_in_dim3A_735 = vector.broadcast %jit3A_734 : i32 to vector<16xi32>
      %select_n3A_736 = arith.select %and3A_733, %sub3A_726, %broadcast_in_dim3A_735 : vector<16xi1>, vector<16xi32>
      %swap3A_737 = arith.constant 16 : index
      %swap3A_738 = tpu.vector_load %arg16[%swap3A_737] {strides = array<i32>} : memref<80xi32, #tpu.memory_space<vmem>>, vector<16xi32>,
      %swap3A_739 = vector.shape_cast %swap3A_738 : vector<16xi32> to vector<16xi32>
      %swap3A_740 = vector.shape_cast %select_n3A_736 : vector<16xi32> to vector<16xi32>
      tpu.vector_store %arg16[%swap3A_737], %swap3A_740 {strides = array<i32>} : memref<80xi32, #tpu.memory_space<vmem>>, vector<16xi32>,
      %get3A_741 = arith.constant 512 : index
      %get3A_742 = tpu.vector_load %arg9[%get3A_741] {strides = array<i32>} : memref<800xi32, #tpu.memory_space<vmem>>, vector<16xi32>,
      %get3A_743 = vector.shape_cast %get3A_742 : vector<16xi32> to vector<16xi32>
      %sub3A_744 = vector.broadcast %mul3A_0 : i32 to vector<16xi32>
      %sub3A_745 = arith.subi %get3A_743, %sub3A_744 : vector<16xi32>
      %ge3A_746 = arith.constant 0 : i32
      %ge3A_747 = vector.broadcast %ge3A_746 : i32 to vector<16xi32>
      %ge3A_748 = arith.cmpi sge, %sub3A_745, %ge3A_747 : vector<16xi32>
      %lt3A_749 = arith.constant 50000 : i32
      %lt3A_750 = vector.broadcast %lt3A_749 : i32 to vector<16xi32>
      %lt3A_751 = arith.cmpi slt, %sub3A_745, %lt3A_750 : vector<16xi32>
      %and3A_752 = arith.andi %ge3A_748, %lt3A_751 : vector<16xi1>
      %jit3A_753 = arith.constant 50000 : i32
      %broadcast_in_dim3A_754 = vector.broadcast %jit3A_753 : i32 to vector<16xi32>
      %select_n3A_755 = arith.select %and3A_752, %sub3A_745, %broadcast_in_dim3A_754 : vector<16xi1>, vector<16xi32>
      %swap3A_756 = arith.constant 32 : index
      %swap3A_757 = tpu.vector_load %arg16[%swap3A_756] {strides = array<i32>} : memref<80xi32, #tpu.memory_space<vmem>>, vector<16xi32>,
      %swap3A_758 = vector.shape_cast %swap3A_757 : vector<16xi32> to vector<16xi32>
      %swap3A_759 = vector.shape_cast %select_n3A_755 : vector<16xi32> to vector<16xi32>
      tpu.vector_store %arg16[%swap3A_756], %swap3A_759 {strides = array<i32>} : memref<80xi32, #tpu.memory_space<vmem>>, vector<16xi32>,
      %get3A_760 = arith.constant 528 : index
      %get3A_761 = tpu.vector_load %arg9[%get3A_760] {strides = array<i32>} : memref<800xi32, #tpu.memory_space<vmem>>, vector<16xi32>,
      %get3A_762 = vector.shape_cast %get3A_761 : vector<16xi32> to vector<16xi32>
      %sub3A_763 = vector.broadcast %mul3A_0 : i32 to vector<16xi32>
      %sub3A_764 = arith.subi %get3A_762, %sub3A_763 : vector<16xi32>
      %ge3A_765 = arith.constant 0 : i32
      %ge3A_766 = vector.broadcast %ge3A_765 : i32 to vector<16xi32>
      %ge3A_767 = arith.cmpi sge, %sub3A_764, %ge3A_766 : vector<16xi32>
      %lt3A_768 = arith.constant 50000 : i32
      %lt3A_769 = vector.broadcast %lt3A_768 : i32 to vector<16xi32>
      %lt3A_770 = arith.cmpi slt, %sub3A_764, %lt3A_769 : vector<16xi32>
      %and3A_771 = arith.andi %ge3A_767, %lt3A_770 : vector<16xi1>
      %jit3A_772 = arith.constant 50000 : i32
      %broadcast_in_dim3A_773 = vector.broadcast %jit3A_772 : i32 to vector<16xi32>
      %select_n3A_774 = arith.select %and3A_771, %sub3A_764, %broadcast_in_dim3A_773 : vector<16xi1>, vector<16xi32>
      %swap3A_775 = arith.constant 48 : index
      %swap3A_776 = tpu.vector_load %arg16[%swap3A_775] {strides = array<i32>} : memref<80xi32, #tpu.memory_space<vmem>>, vector<16xi32>,
      %swap3A_777 = vector.shape_cast %swap3A_776 : vector<16xi32> to vector<16xi32>
      %swap3A_778 = vector.shape_cast %select_n3A_774 : vector<16xi32> to vector<16xi32>
      tpu.vector_store %arg16[%swap3A_775], %swap3A_778 {strides = array<i32>} : memref<80xi32, #tpu.memory_space<vmem>>, vector<16xi32>,
      %get3A_779 = arith.constant 544 : index
      %get3A_780 = tpu.vector_load %arg9[%get3A_779] {strides = array<i32>} : memref<800xi32, #tpu.memory_space<vmem>>, vector<16xi32>,
      %get3A_781 = vector.shape_cast %get3A_780 : vector<16xi32> to vector<16xi32>
      %sub3A_782 = vector.broadcast %mul3A_0 : i32 to vector<16xi32>
      %sub3A_783 = arith.subi %get3A_781, %sub3A_782 : vector<16xi32>
      %ge3A_784 = arith.constant 0 : i32
      %ge3A_785 = vector.broadcast %ge3A_784 : i32 to vector<16xi32>
      %ge3A_786 = arith.cmpi sge, %sub3A_783, %ge3A_785 : vector<16xi32>
      %lt3A_787 = arith.constant 50000 : i32
      %lt3A_788 = vector.broadcast %lt3A_787 : i32 to vector<16xi32>
      %lt3A_789 = arith.cmpi slt, %sub3A_783, %lt3A_788 : vector<16xi32>
      %and3A_790 = arith.andi %ge3A_786, %lt3A_789 : vector<16xi1>
      %jit3A_791 = arith.constant 50000 : i32
      %broadcast_in_dim3A_792 = vector.broadcast %jit3A_791 : i32 to vector<16xi32>
      %select_n3A_793 = arith.select %and3A_790, %sub3A_783, %broadcast_in_dim3A_792 : vector<16xi1>, vector<16xi32>
      %swap3A_794 = arith.constant 64 : index
      %swap3A_795 = tpu.vector_load %arg16[%swap3A_794] {strides = array<i32>} : memref<80xi32, #tpu.memory_space<vmem>>, vector<16xi32>,
      %swap3A_796 = vector.shape_cast %swap3A_795 : vector<16xi32> to vector<16xi32>
      %swap3A_797 = vector.shape_cast %select_n3A_793 : vector<16xi32> to vector<16xi32>
      tpu.vector_store %arg16[%swap3A_794], %swap3A_797 {strides = array<i32>} : memref<80xi32, #tpu.memory_space<vmem>>, vector<16xi32>,
      "tpu.region"() ({
        %run_scoped3A = tpu.sem_alloc : memref<!tpu.dma_semaphore, #tpu.memory_space<semaphore_mem>>
        %dma_start3A_1098 = arith.constant 0 : i32
        %dma_start3A_1099 = arith.constant 0 : i32
        %dma_start3A_1100 = tpu.memref_slice %arg6[%dma_start3A_1098, %dma_start3A_1099] : memref<50048x32xf32, #tpu.memory_space<vmem_shared>> -> memref<50048x32xf32, #tpu.memory_space<vmem_shared>>
        tpu.enqueue_indirect_dma source(%arg11 : memref<80x32xf32, #tpu.memory_space<vmem>>) target(%dma_start3A_1100 : memref<50048x32xf32, #tpu.memory_space<vmem_shared>>) offsets(%arg16 : memref<80xi32, #tpu.memory_space<vmem>>) semaphore(%run_scoped3A : memref<!tpu.dma_semaphore, #tpu.memory_space<semaphore_mem>>) {add = true}
        %dma_wait3A_1101 = arith.constant 0 : i32
        %dma_wait3A_1102 = arith.constant 0 : i32
        %dma_wait3A_1103 = tpu.memref_slice %arg6[%dma_wait3A_1101, %dma_wait3A_1102] : memref<50048x32xf32, #tpu.memory_space<vmem_shared>> -> memref<50048x32xf32, #tpu.memory_space<vmem_shared>>
        tpu.wait_indirect_dma semaphore(%run_scoped3A : memref<!tpu.dma_semaphore, #tpu.memory_space<semaphore_mem>>) src(%arg11 : memref<80x32xf32, #tpu.memory_space<vmem>>) dst(%dma_wait3A_1103 : memref<50048x32xf32, #tpu.memory_space<vmem_shared>>)
        tpu.yield
      }) : () -> ()
      %dma_wait3A_798 = arith.constant 560 : i32
      %dma_wait3A_799 = tpu.memref_slice %arg8[%dma_wait3A_798] : memref<800xi32, #tpu.memory_space<vmem>> -> memref<80xi32, #tpu.memory_space<vmem>>
      %dma_wait3A_800 = arith.constant 0 : i32
      %dma_wait3A_801 = arith.constant 0 : i32
      %dma_wait3A_802 = tpu.memref_slice %arg2[%dma_wait3A_800, %dma_wait3A_801] : memref<100000x32xf32, #tpu.memory_space<hbm>> -> memref<100000x32xf32, #tpu.memory_space<hbm>>
      tpu.wait_indirect_dma semaphore(%arg20 : memref<!tpu.dma_semaphore, #tpu.memory_space<semaphore_mem>>) src(%dma_wait3A_802 : memref<100000x32xf32, #tpu.memory_space<hbm>>) dst(%arg12 : memref<80x32xf32, #tpu.memory_space<vmem>>)
      %get3A_803 = arith.constant 560 : index
      %get3A_804 = tpu.vector_load %arg9[%get3A_803] {strides = array<i32>} : memref<800xi32, #tpu.memory_space<vmem>>, vector<16xi32>,
      %get3A_805 = vector.shape_cast %get3A_804 : vector<16xi32> to vector<16xi32>
      %sub3A_806 = vector.broadcast %mul3A_0 : i32 to vector<16xi32>
      %sub3A_807 = arith.subi %get3A_805, %sub3A_806 : vector<16xi32>
      %ge3A_808 = arith.constant 0 : i32
      %ge3A_809 = vector.broadcast %ge3A_808 : i32 to vector<16xi32>
      %ge3A_810 = arith.cmpi sge, %sub3A_807, %ge3A_809 : vector<16xi32>
      %lt3A_811 = arith.constant 50000 : i32
      %lt3A_812 = vector.broadcast %lt3A_811 : i32 to vector<16xi32>
      %lt3A_813 = arith.cmpi slt, %sub3A_807, %lt3A_812 : vector<16xi32>
      %and3A_814 = arith.andi %ge3A_810, %lt3A_813 : vector<16xi1>
      %jit3A_815 = arith.constant 50000 : i32
      %broadcast_in_dim3A_816 = vector.broadcast %jit3A_815 : i32 to vector<16xi32>
      %select_n3A_817 = arith.select %and3A_814, %sub3A_807, %broadcast_in_dim3A_816 : vector<16xi1>, vector<16xi32>
      %swap3A_818 = arith.constant 0 : index
      %swap3A_819 = tpu.vector_load %arg17[%swap3A_818] {strides = array<i32>} : memref<80xi32, #tpu.memory_space<vmem>>, vector<16xi32>,
      %swap3A_820 = vector.shape_cast %swap3A_819 : vector<16xi32> to vector<16xi32>
      %swap3A_821 = vector.shape_cast %select_n3A_817 : vector<16xi32> to vector<16xi32>
      tpu.vector_store %arg17[%swap3A_818], %swap3A_821 {strides = array<i32>} : memref<80xi32, #tpu.memory_space<vmem>>, vector<16xi32>,
      %get3A_822 = arith.constant 576 : index
      %get3A_823 = tpu.vector_load %arg9[%get3A_822] {strides = array<i32>} : memref<800xi32, #tpu.memory_space<vmem>>, vector<16xi32>,
      %get3A_824 = vector.shape_cast %get3A_823 : vector<16xi32> to vector<16xi32>
      %sub3A_825 = vector.broadcast %mul3A_0 : i32 to vector<16xi32>
      %sub3A_826 = arith.subi %get3A_824, %sub3A_825 : vector<16xi32>
      %ge3A_827 = arith.constant 0 : i32
      %ge3A_828 = vector.broadcast %ge3A_827 : i32 to vector<16xi32>
      %ge3A_829 = arith.cmpi sge, %sub3A_826, %ge3A_828 : vector<16xi32>
      %lt3A_830 = arith.constant 50000 : i32
      %lt3A_831 = vector.broadcast %lt3A_830 : i32 to vector<16xi32>
      %lt3A_832 = arith.cmpi slt, %sub3A_826, %lt3A_831 : vector<16xi32>
      %and3A_833 = arith.andi %ge3A_829, %lt3A_832 : vector<16xi1>
      %jit3A_834 = arith.constant 50000 : i32
      %broadcast_in_dim3A_835 = vector.broadcast %jit3A_834 : i32 to vector<16xi32>
      %select_n3A_836 = arith.select %and3A_833, %sub3A_826, %broadcast_in_dim3A_835 : vector<16xi1>, vector<16xi32>
      %swap3A_837 = arith.constant 16 : index
      %swap3A_838 = tpu.vector_load %arg17[%swap3A_837] {strides = array<i32>} : memref<80xi32, #tpu.memory_space<vmem>>, vector<16xi32>,
      %swap3A_839 = vector.shape_cast %swap3A_838 : vector<16xi32> to vector<16xi32>
      %swap3A_840 = vector.shape_cast %select_n3A_836 : vector<16xi32> to vector<16xi32>
      tpu.vector_store %arg17[%swap3A_837], %swap3A_840 {strides = array<i32>} : memref<80xi32, #tpu.memory_space<vmem>>, vector<16xi32>,
      %get3A_841 = arith.constant 592 : index
      %get3A_842 = tpu.vector_load %arg9[%get3A_841] {strides = array<i32>} : memref<800xi32, #tpu.memory_space<vmem>>, vector<16xi32>,
      %get3A_843 = vector.shape_cast %get3A_842 : vector<16xi32> to vector<16xi32>
      %sub3A_844 = vector.broadcast %mul3A_0 : i32 to vector<16xi32>
      %sub3A_845 = arith.subi %get3A_843, %sub3A_844 : vector<16xi32>
      %ge3A_846 = arith.constant 0 : i32
      %ge3A_847 = vector.broadcast %ge3A_846 : i32 to vector<16xi32>
      %ge3A_848 = arith.cmpi sge, %sub3A_845, %ge3A_847 : vector<16xi32>
      %lt3A_849 = arith.constant 50000 : i32
      %lt3A_850 = vector.broadcast %lt3A_849 : i32 to vector<16xi32>
      %lt3A_851 = arith.cmpi slt, %sub3A_845, %lt3A_850 : vector<16xi32>
      %and3A_852 = arith.andi %ge3A_848, %lt3A_851 : vector<16xi1>
      %jit3A_853 = arith.constant 50000 : i32
      %broadcast_in_dim3A_854 = vector.broadcast %jit3A_853 : i32 to vector<16xi32>
      %select_n3A_855 = arith.select %and3A_852, %sub3A_845, %broadcast_in_dim3A_854 : vector<16xi1>, vector<16xi32>
      %swap3A_856 = arith.constant 32 : index
      %swap3A_857 = tpu.vector_load %arg17[%swap3A_856] {strides = array<i32>} : memref<80xi32, #tpu.memory_space<vmem>>, vector<16xi32>,
      %swap3A_858 = vector.shape_cast %swap3A_857 : vector<16xi32> to vector<16xi32>
      %swap3A_859 = vector.shape_cast %select_n3A_855 : vector<16xi32> to vector<16xi32>
      tpu.vector_store %arg17[%swap3A_856], %swap3A_859 {strides = array<i32>} : memref<80xi32, #tpu.memory_space<vmem>>, vector<16xi32>,
      %get3A_860 = arith.constant 608 : index
      %get3A_861 = tpu.vector_load %arg9[%get3A_860] {strides = array<i32>} : memref<800xi32, #tpu.memory_space<vmem>>, vector<16xi32>,
      %get3A_862 = vector.shape_cast %get3A_861 : vector<16xi32> to vector<16xi32>
      %sub3A_863 = vector.broadcast %mul3A_0 : i32 to vector<16xi32>
      %sub3A_864 = arith.subi %get3A_862, %sub3A_863 : vector<16xi32>
      %ge3A_865 = arith.constant 0 : i32
      %ge3A_866 = vector.broadcast %ge3A_865 : i32 to vector<16xi32>
      %ge3A_867 = arith.cmpi sge, %sub3A_864, %ge3A_866 : vector<16xi32>
      %lt3A_868 = arith.constant 50000 : i32
      %lt3A_869 = vector.broadcast %lt3A_868 : i32 to vector<16xi32>
      %lt3A_870 = arith.cmpi slt, %sub3A_864, %lt3A_869 : vector<16xi32>
      %and3A_871 = arith.andi %ge3A_867, %lt3A_870 : vector<16xi1>
      %jit3A_872 = arith.constant 50000 : i32
      %broadcast_in_dim3A_873 = vector.broadcast %jit3A_872 : i32 to vector<16xi32>
      %select_n3A_874 = arith.select %and3A_871, %sub3A_864, %broadcast_in_dim3A_873 : vector<16xi1>, vector<16xi32>
      %swap3A_875 = arith.constant 48 : index
      %swap3A_876 = tpu.vector_load %arg17[%swap3A_875] {strides = array<i32>} : memref<80xi32, #tpu.memory_space<vmem>>, vector<16xi32>,
      %swap3A_877 = vector.shape_cast %swap3A_876 : vector<16xi32> to vector<16xi32>
      %swap3A_878 = vector.shape_cast %select_n3A_874 : vector<16xi32> to vector<16xi32>
      tpu.vector_store %arg17[%swap3A_875], %swap3A_878 {strides = array<i32>} : memref<80xi32, #tpu.memory_space<vmem>>, vector<16xi32>,
      %get3A_879 = arith.constant 624 : index
      %get3A_880 = tpu.vector_load %arg9[%get3A_879] {strides = array<i32>} : memref<800xi32, #tpu.memory_space<vmem>>, vector<16xi32>,
      %get3A_881 = vector.shape_cast %get3A_880 : vector<16xi32> to vector<16xi32>
      %sub3A_882 = vector.broadcast %mul3A_0 : i32 to vector<16xi32>
      %sub3A_883 = arith.subi %get3A_881, %sub3A_882 : vector<16xi32>
      %ge3A_884 = arith.constant 0 : i32
      %ge3A_885 = vector.broadcast %ge3A_884 : i32 to vector<16xi32>
      %ge3A_886 = arith.cmpi sge, %sub3A_883, %ge3A_885 : vector<16xi32>
      %lt3A_887 = arith.constant 50000 : i32
      %lt3A_888 = vector.broadcast %lt3A_887 : i32 to vector<16xi32>
      %lt3A_889 = arith.cmpi slt, %sub3A_883, %lt3A_888 : vector<16xi32>
      %and3A_890 = arith.andi %ge3A_886, %lt3A_889 : vector<16xi1>
      %jit3A_891 = arith.constant 50000 : i32
      %broadcast_in_dim3A_892 = vector.broadcast %jit3A_891 : i32 to vector<16xi32>
      %select_n3A_893 = arith.select %and3A_890, %sub3A_883, %broadcast_in_dim3A_892 : vector<16xi1>, vector<16xi32>
      %swap3A_894 = arith.constant 64 : index
      %swap3A_895 = tpu.vector_load %arg17[%swap3A_894] {strides = array<i32>} : memref<80xi32, #tpu.memory_space<vmem>>, vector<16xi32>,
      %swap3A_896 = vector.shape_cast %swap3A_895 : vector<16xi32> to vector<16xi32>
      %swap3A_897 = vector.shape_cast %select_n3A_893 : vector<16xi32> to vector<16xi32>
      tpu.vector_store %arg17[%swap3A_894], %swap3A_897 {strides = array<i32>} : memref<80xi32, #tpu.memory_space<vmem>>, vector<16xi32>,
      "tpu.region"() ({
        %run_scoped3A = tpu.sem_alloc : memref<!tpu.dma_semaphore, #tpu.memory_space<semaphore_mem>>
        %dma_start3A_1098 = arith.constant 0 : i32
        %dma_start3A_1099 = arith.constant 0 : i32
        %dma_start3A_1100 = tpu.memref_slice %arg6[%dma_start3A_1098, %dma_start3A_1099] : memref<50048x32xf32, #tpu.memory_space<vmem_shared>> -> memref<50048x32xf32, #tpu.memory_space<vmem_shared>>
        tpu.enqueue_indirect_dma source(%arg12 : memref<80x32xf32, #tpu.memory_space<vmem>>) target(%dma_start3A_1100 : memref<50048x32xf32, #tpu.memory_space<vmem_shared>>) offsets(%arg17 : memref<80xi32, #tpu.memory_space<vmem>>) semaphore(%run_scoped3A : memref<!tpu.dma_semaphore, #tpu.memory_space<semaphore_mem>>) {add = true}
        %dma_wait3A_1101 = arith.constant 0 : i32
        %dma_wait3A_1102 = arith.constant 0 : i32
        %dma_wait3A_1103 = tpu.memref_slice %arg6[%dma_wait3A_1101, %dma_wait3A_1102] : memref<50048x32xf32, #tpu.memory_space<vmem_shared>> -> memref<50048x32xf32, #tpu.memory_space<vmem_shared>>
        tpu.wait_indirect_dma semaphore(%run_scoped3A : memref<!tpu.dma_semaphore, #tpu.memory_space<semaphore_mem>>) src(%arg12 : memref<80x32xf32, #tpu.memory_space<vmem>>) dst(%dma_wait3A_1103 : memref<50048x32xf32, #tpu.memory_space<vmem_shared>>)
        tpu.yield
      }) : () -> ()
      %dma_wait3A_898 = arith.constant 640 : i32
      %dma_wait3A_899 = tpu.memref_slice %arg8[%dma_wait3A_898] : memref<800xi32, #tpu.memory_space<vmem>> -> memref<80xi32, #tpu.memory_space<vmem>>
      %dma_wait3A_900 = arith.constant 0 : i32
      %dma_wait3A_901 = arith.constant 0 : i32
      %dma_wait3A_902 = tpu.memref_slice %arg2[%dma_wait3A_900, %dma_wait3A_901] : memref<100000x32xf32, #tpu.memory_space<hbm>> -> memref<100000x32xf32, #tpu.memory_space<hbm>>
      tpu.wait_indirect_dma semaphore(%arg20 : memref<!tpu.dma_semaphore, #tpu.memory_space<semaphore_mem>>) src(%dma_wait3A_902 : memref<100000x32xf32, #tpu.memory_space<hbm>>) dst(%arg13 : memref<80x32xf32, #tpu.memory_space<vmem>>)
      %get3A_903 = arith.constant 640 : index
      %get3A_904 = tpu.vector_load %arg9[%get3A_903] {strides = array<i32>} : memref<800xi32, #tpu.memory_space<vmem>>, vector<16xi32>,
      %get3A_905 = vector.shape_cast %get3A_904 : vector<16xi32> to vector<16xi32>
      %sub3A_906 = vector.broadcast %mul3A_0 : i32 to vector<16xi32>
      %sub3A_907 = arith.subi %get3A_905, %sub3A_906 : vector<16xi32>
      %ge3A_908 = arith.constant 0 : i32
      %ge3A_909 = vector.broadcast %ge3A_908 : i32 to vector<16xi32>
      %ge3A_910 = arith.cmpi sge, %sub3A_907, %ge3A_909 : vector<16xi32>
      %lt3A_911 = arith.constant 50000 : i32
      %lt3A_912 = vector.broadcast %lt3A_911 : i32 to vector<16xi32>
      %lt3A_913 = arith.cmpi slt, %sub3A_907, %lt3A_912 : vector<16xi32>
      %and3A_914 = arith.andi %ge3A_910, %lt3A_913 : vector<16xi1>
      %jit3A_915 = arith.constant 50000 : i32
      %broadcast_in_dim3A_916 = vector.broadcast %jit3A_915 : i32 to vector<16xi32>
      %select_n3A_917 = arith.select %and3A_914, %sub3A_907, %broadcast_in_dim3A_916 : vector<16xi1>, vector<16xi32>
      %swap3A_918 = arith.constant 0 : index
      %swap3A_919 = tpu.vector_load %arg18[%swap3A_918] {strides = array<i32>} : memref<80xi32, #tpu.memory_space<vmem>>, vector<16xi32>,
      %swap3A_920 = vector.shape_cast %swap3A_919 : vector<16xi32> to vector<16xi32>
      %swap3A_921 = vector.shape_cast %select_n3A_917 : vector<16xi32> to vector<16xi32>
      tpu.vector_store %arg18[%swap3A_918], %swap3A_921 {strides = array<i32>} : memref<80xi32, #tpu.memory_space<vmem>>, vector<16xi32>,
      %get3A_922 = arith.constant 656 : index
      %get3A_923 = tpu.vector_load %arg9[%get3A_922] {strides = array<i32>} : memref<800xi32, #tpu.memory_space<vmem>>, vector<16xi32>,
      %get3A_924 = vector.shape_cast %get3A_923 : vector<16xi32> to vector<16xi32>
      %sub3A_925 = vector.broadcast %mul3A_0 : i32 to vector<16xi32>
      %sub3A_926 = arith.subi %get3A_924, %sub3A_925 : vector<16xi32>
      %ge3A_927 = arith.constant 0 : i32
      %ge3A_928 = vector.broadcast %ge3A_927 : i32 to vector<16xi32>
      %ge3A_929 = arith.cmpi sge, %sub3A_926, %ge3A_928 : vector<16xi32>
      %lt3A_930 = arith.constant 50000 : i32
      %lt3A_931 = vector.broadcast %lt3A_930 : i32 to vector<16xi32>
      %lt3A_932 = arith.cmpi slt, %sub3A_926, %lt3A_931 : vector<16xi32>
      %and3A_933 = arith.andi %ge3A_929, %lt3A_932 : vector<16xi1>
      %jit3A_934 = arith.constant 50000 : i32
      %broadcast_in_dim3A_935 = vector.broadcast %jit3A_934 : i32 to vector<16xi32>
      %select_n3A_936 = arith.select %and3A_933, %sub3A_926, %broadcast_in_dim3A_935 : vector<16xi1>, vector<16xi32>
      %swap3A_937 = arith.constant 16 : index
      %swap3A_938 = tpu.vector_load %arg18[%swap3A_937] {strides = array<i32>} : memref<80xi32, #tpu.memory_space<vmem>>, vector<16xi32>,
      %swap3A_939 = vector.shape_cast %swap3A_938 : vector<16xi32> to vector<16xi32>
      %swap3A_940 = vector.shape_cast %select_n3A_936 : vector<16xi32> to vector<16xi32>
      tpu.vector_store %arg18[%swap3A_937], %swap3A_940 {strides = array<i32>} : memref<80xi32, #tpu.memory_space<vmem>>, vector<16xi32>,
      %get3A_941 = arith.constant 672 : index
      %get3A_942 = tpu.vector_load %arg9[%get3A_941] {strides = array<i32>} : memref<800xi32, #tpu.memory_space<vmem>>, vector<16xi32>,
      %get3A_943 = vector.shape_cast %get3A_942 : vector<16xi32> to vector<16xi32>
      %sub3A_944 = vector.broadcast %mul3A_0 : i32 to vector<16xi32>
      %sub3A_945 = arith.subi %get3A_943, %sub3A_944 : vector<16xi32>
      %ge3A_946 = arith.constant 0 : i32
      %ge3A_947 = vector.broadcast %ge3A_946 : i32 to vector<16xi32>
      %ge3A_948 = arith.cmpi sge, %sub3A_945, %ge3A_947 : vector<16xi32>
      %lt3A_949 = arith.constant 50000 : i32
      %lt3A_950 = vector.broadcast %lt3A_949 : i32 to vector<16xi32>
      %lt3A_951 = arith.cmpi slt, %sub3A_945, %lt3A_950 : vector<16xi32>
      %and3A_952 = arith.andi %ge3A_948, %lt3A_951 : vector<16xi1>
      %jit3A_953 = arith.constant 50000 : i32
      %broadcast_in_dim3A_954 = vector.broadcast %jit3A_953 : i32 to vector<16xi32>
      %select_n3A_955 = arith.select %and3A_952, %sub3A_945, %broadcast_in_dim3A_954 : vector<16xi1>, vector<16xi32>
      %swap3A_956 = arith.constant 32 : index
      %swap3A_957 = tpu.vector_load %arg18[%swap3A_956] {strides = array<i32>} : memref<80xi32, #tpu.memory_space<vmem>>, vector<16xi32>,
      %swap3A_958 = vector.shape_cast %swap3A_957 : vector<16xi32> to vector<16xi32>
      %swap3A_959 = vector.shape_cast %select_n3A_955 : vector<16xi32> to vector<16xi32>
      tpu.vector_store %arg18[%swap3A_956], %swap3A_959 {strides = array<i32>} : memref<80xi32, #tpu.memory_space<vmem>>, vector<16xi32>,
      %get3A_960 = arith.constant 688 : index
      %get3A_961 = tpu.vector_load %arg9[%get3A_960] {strides = array<i32>} : memref<800xi32, #tpu.memory_space<vmem>>, vector<16xi32>,
      %get3A_962 = vector.shape_cast %get3A_961 : vector<16xi32> to vector<16xi32>
      %sub3A_963 = vector.broadcast %mul3A_0 : i32 to vector<16xi32>
      %sub3A_964 = arith.subi %get3A_962, %sub3A_963 : vector<16xi32>
      %ge3A_965 = arith.constant 0 : i32
      %ge3A_966 = vector.broadcast %ge3A_965 : i32 to vector<16xi32>
      %ge3A_967 = arith.cmpi sge, %sub3A_964, %ge3A_966 : vector<16xi32>
      %lt3A_968 = arith.constant 50000 : i32
      %lt3A_969 = vector.broadcast %lt3A_968 : i32 to vector<16xi32>
      %lt3A_970 = arith.cmpi slt, %sub3A_964, %lt3A_969 : vector<16xi32>
      %and3A_971 = arith.andi %ge3A_967, %lt3A_970 : vector<16xi1>
      %jit3A_972 = arith.constant 50000 : i32
      %broadcast_in_dim3A_973 = vector.broadcast %jit3A_972 : i32 to vector<16xi32>
      %select_n3A_974 = arith.select %and3A_971, %sub3A_964, %broadcast_in_dim3A_973 : vector<16xi1>, vector<16xi32>
      %swap3A_975 = arith.constant 48 : index
      %swap3A_976 = tpu.vector_load %arg18[%swap3A_975] {strides = array<i32>} : memref<80xi32, #tpu.memory_space<vmem>>, vector<16xi32>,
      %swap3A_977 = vector.shape_cast %swap3A_976 : vector<16xi32> to vector<16xi32>
      %swap3A_978 = vector.shape_cast %select_n3A_974 : vector<16xi32> to vector<16xi32>
      tpu.vector_store %arg18[%swap3A_975], %swap3A_978 {strides = array<i32>} : memref<80xi32, #tpu.memory_space<vmem>>, vector<16xi32>,
      %get3A_979 = arith.constant 704 : index
      %get3A_980 = tpu.vector_load %arg9[%get3A_979] {strides = array<i32>} : memref<800xi32, #tpu.memory_space<vmem>>, vector<16xi32>,
      %get3A_981 = vector.shape_cast %get3A_980 : vector<16xi32> to vector<16xi32>
      %sub3A_982 = vector.broadcast %mul3A_0 : i32 to vector<16xi32>
      %sub3A_983 = arith.subi %get3A_981, %sub3A_982 : vector<16xi32>
      %ge3A_984 = arith.constant 0 : i32
      %ge3A_985 = vector.broadcast %ge3A_984 : i32 to vector<16xi32>
      %ge3A_986 = arith.cmpi sge, %sub3A_983, %ge3A_985 : vector<16xi32>
      %lt3A_987 = arith.constant 50000 : i32
      %lt3A_988 = vector.broadcast %lt3A_987 : i32 to vector<16xi32>
      %lt3A_989 = arith.cmpi slt, %sub3A_983, %lt3A_988 : vector<16xi32>
      %and3A_990 = arith.andi %ge3A_986, %lt3A_989 : vector<16xi1>
      %jit3A_991 = arith.constant 50000 : i32
      %broadcast_in_dim3A_992 = vector.broadcast %jit3A_991 : i32 to vector<16xi32>
      %select_n3A_993 = arith.select %and3A_990, %sub3A_983, %broadcast_in_dim3A_992 : vector<16xi1>, vector<16xi32>
      %swap3A_994 = arith.constant 64 : index
      %swap3A_995 = tpu.vector_load %arg18[%swap3A_994] {strides = array<i32>} : memref<80xi32, #tpu.memory_space<vmem>>, vector<16xi32>,
      %swap3A_996 = vector.shape_cast %swap3A_995 : vector<16xi32> to vector<16xi32>
      %swap3A_997 = vector.shape_cast %select_n3A_993 : vector<16xi32> to vector<16xi32>
      tpu.vector_store %arg18[%swap3A_994], %swap3A_997 {strides = array<i32>} : memref<80xi32, #tpu.memory_space<vmem>>, vector<16xi32>,
      "tpu.region"() ({
        %run_scoped3A = tpu.sem_alloc : memref<!tpu.dma_semaphore, #tpu.memory_space<semaphore_mem>>
        %dma_start3A_1098 = arith.constant 0 : i32
        %dma_start3A_1099 = arith.constant 0 : i32
        %dma_start3A_1100 = tpu.memref_slice %arg6[%dma_start3A_1098, %dma_start3A_1099] : memref<50048x32xf32, #tpu.memory_space<vmem_shared>> -> memref<50048x32xf32, #tpu.memory_space<vmem_shared>>
        tpu.enqueue_indirect_dma source(%arg13 : memref<80x32xf32, #tpu.memory_space<vmem>>) target(%dma_start3A_1100 : memref<50048x32xf32, #tpu.memory_space<vmem_shared>>) offsets(%arg18 : memref<80xi32, #tpu.memory_space<vmem>>) semaphore(%run_scoped3A : memref<!tpu.dma_semaphore, #tpu.memory_space<semaphore_mem>>) {add = true}
        %dma_wait3A_1101 = arith.constant 0 : i32
        %dma_wait3A_1102 = arith.constant 0 : i32
        %dma_wait3A_1103 = tpu.memref_slice %arg6[%dma_wait3A_1101, %dma_wait3A_1102] : memref<50048x32xf32, #tpu.memory_space<vmem_shared>> -> memref<50048x32xf32, #tpu.memory_space<vmem_shared>>
        tpu.wait_indirect_dma semaphore(%run_scoped3A : memref<!tpu.dma_semaphore, #tpu.memory_space<semaphore_mem>>) src(%arg13 : memref<80x32xf32, #tpu.memory_space<vmem>>) dst(%dma_wait3A_1103 : memref<50048x32xf32, #tpu.memory_space<vmem_shared>>)
        tpu.yield
      }) : () -> ()
      %dma_wait3A_998 = arith.constant 720 : i32
      %dma_wait3A_999 = tpu.memref_slice %arg8[%dma_wait3A_998] : memref<800xi32, #tpu.memory_space<vmem>> -> memref<80xi32, #tpu.memory_space<vmem>>
      %dma_wait3A_1000 = arith.constant 0 : i32
      %dma_wait3A_1001 = arith.constant 0 : i32
      %dma_wait3A_1002 = tpu.memref_slice %arg2[%dma_wait3A_1000, %dma_wait3A_1001] : memref<100000x32xf32, #tpu.memory_space<hbm>> -> memref<100000x32xf32, #tpu.memory_space<hbm>>
      tpu.wait_indirect_dma semaphore(%arg20 : memref<!tpu.dma_semaphore, #tpu.memory_space<semaphore_mem>>) src(%dma_wait3A_1002 : memref<100000x32xf32, #tpu.memory_space<hbm>>) dst(%arg14 : memref<80x32xf32, #tpu.memory_space<vmem>>)
      %get3A_1003 = arith.constant 720 : index
      %get3A_1004 = tpu.vector_load %arg9[%get3A_1003] {strides = array<i32>} : memref<800xi32, #tpu.memory_space<vmem>>, vector<16xi32>,
      %get3A_1005 = vector.shape_cast %get3A_1004 : vector<16xi32> to vector<16xi32>
      %sub3A_1006 = vector.broadcast %mul3A_0 : i32 to vector<16xi32>
      %sub3A_1007 = arith.subi %get3A_1005, %sub3A_1006 : vector<16xi32>
      %ge3A_1008 = arith.constant 0 : i32
      %ge3A_1009 = vector.broadcast %ge3A_1008 : i32 to vector<16xi32>
      %ge3A_1010 = arith.cmpi sge, %sub3A_1007, %ge3A_1009 : vector<16xi32>
      %lt3A_1011 = arith.constant 50000 : i32
      %lt3A_1012 = vector.broadcast %lt3A_1011 : i32 to vector<16xi32>
      %lt3A_1013 = arith.cmpi slt, %sub3A_1007, %lt3A_1012 : vector<16xi32>
      %and3A_1014 = arith.andi %ge3A_1010, %lt3A_1013 : vector<16xi1>
      %jit3A_1015 = arith.constant 50000 : i32
      %broadcast_in_dim3A_1016 = vector.broadcast %jit3A_1015 : i32 to vector<16xi32>
      %select_n3A_1017 = arith.select %and3A_1014, %sub3A_1007, %broadcast_in_dim3A_1016 : vector<16xi1>, vector<16xi32>
      %swap3A_1018 = arith.constant 0 : index
      %swap3A_1019 = tpu.vector_load %arg19[%swap3A_1018] {strides = array<i32>} : memref<80xi32, #tpu.memory_space<vmem>>, vector<16xi32>,
      %swap3A_1020 = vector.shape_cast %swap3A_1019 : vector<16xi32> to vector<16xi32>
      %swap3A_1021 = vector.shape_cast %select_n3A_1017 : vector<16xi32> to vector<16xi32>
      tpu.vector_store %arg19[%swap3A_1018], %swap3A_1021 {strides = array<i32>} : memref<80xi32, #tpu.memory_space<vmem>>, vector<16xi32>,
      %get3A_1022 = arith.constant 736 : index
      %get3A_1023 = tpu.vector_load %arg9[%get3A_1022] {strides = array<i32>} : memref<800xi32, #tpu.memory_space<vmem>>, vector<16xi32>,
      %get3A_1024 = vector.shape_cast %get3A_1023 : vector<16xi32> to vector<16xi32>
      %sub3A_1025 = vector.broadcast %mul3A_0 : i32 to vector<16xi32>
      %sub3A_1026 = arith.subi %get3A_1024, %sub3A_1025 : vector<16xi32>
      %ge3A_1027 = arith.constant 0 : i32
      %ge3A_1028 = vector.broadcast %ge3A_1027 : i32 to vector<16xi32>
      %ge3A_1029 = arith.cmpi sge, %sub3A_1026, %ge3A_1028 : vector<16xi32>
      %lt3A_1030 = arith.constant 50000 : i32
      %lt3A_1031 = vector.broadcast %lt3A_1030 : i32 to vector<16xi32>
      %lt3A_1032 = arith.cmpi slt, %sub3A_1026, %lt3A_1031 : vector<16xi32>
      %and3A_1033 = arith.andi %ge3A_1029, %lt3A_1032 : vector<16xi1>
      %jit3A_1034 = arith.constant 50000 : i32
      %broadcast_in_dim3A_1035 = vector.broadcast %jit3A_1034 : i32 to vector<16xi32>
      %select_n3A_1036 = arith.select %and3A_1033, %sub3A_1026, %broadcast_in_dim3A_1035 : vector<16xi1>, vector<16xi32>
      %swap3A_1037 = arith.constant 16 : index
      %swap3A_1038 = tpu.vector_load %arg19[%swap3A_1037] {strides = array<i32>} : memref<80xi32, #tpu.memory_space<vmem>>, vector<16xi32>,
      %swap3A_1039 = vector.shape_cast %swap3A_1038 : vector<16xi32> to vector<16xi32>
      %swap3A_1040 = vector.shape_cast %select_n3A_1036 : vector<16xi32> to vector<16xi32>
      tpu.vector_store %arg19[%swap3A_1037], %swap3A_1040 {strides = array<i32>} : memref<80xi32, #tpu.memory_space<vmem>>, vector<16xi32>,
      %get3A_1041 = arith.constant 752 : index
      %get3A_1042 = tpu.vector_load %arg9[%get3A_1041] {strides = array<i32>} : memref<800xi32, #tpu.memory_space<vmem>>, vector<16xi32>,
      %get3A_1043 = vector.shape_cast %get3A_1042 : vector<16xi32> to vector<16xi32>
      %sub3A_1044 = vector.broadcast %mul3A_0 : i32 to vector<16xi32>
      %sub3A_1045 = arith.subi %get3A_1043, %sub3A_1044 : vector<16xi32>
      %ge3A_1046 = arith.constant 0 : i32
      %ge3A_1047 = vector.broadcast %ge3A_1046 : i32 to vector<16xi32>
      %ge3A_1048 = arith.cmpi sge, %sub3A_1045, %ge3A_1047 : vector<16xi32>
      %lt3A_1049 = arith.constant 50000 : i32
      %lt3A_1050 = vector.broadcast %lt3A_1049 : i32 to vector<16xi32>
      %lt3A_1051 = arith.cmpi slt, %sub3A_1045, %lt3A_1050 : vector<16xi32>
      %and3A_1052 = arith.andi %ge3A_1048, %lt3A_1051 : vector<16xi1>
      %jit3A_1053 = arith.constant 50000 : i32
      %broadcast_in_dim3A_1054 = vector.broadcast %jit3A_1053 : i32 to vector<16xi32>
      %select_n3A_1055 = arith.select %and3A_1052, %sub3A_1045, %broadcast_in_dim3A_1054 : vector<16xi1>, vector<16xi32>
      %swap3A_1056 = arith.constant 32 : index
      %swap3A_1057 = tpu.vector_load %arg19[%swap3A_1056] {strides = array<i32>} : memref<80xi32, #tpu.memory_space<vmem>>, vector<16xi32>,
      %swap3A_1058 = vector.shape_cast %swap3A_1057 : vector<16xi32> to vector<16xi32>
      %swap3A_1059 = vector.shape_cast %select_n3A_1055 : vector<16xi32> to vector<16xi32>
      tpu.vector_store %arg19[%swap3A_1056], %swap3A_1059 {strides = array<i32>} : memref<80xi32, #tpu.memory_space<vmem>>, vector<16xi32>,
      %get3A_1060 = arith.constant 768 : index
      %get3A_1061 = tpu.vector_load %arg9[%get3A_1060] {strides = array<i32>} : memref<800xi32, #tpu.memory_space<vmem>>, vector<16xi32>,
      %get3A_1062 = vector.shape_cast %get3A_1061 : vector<16xi32> to vector<16xi32>
      %sub3A_1063 = vector.broadcast %mul3A_0 : i32 to vector<16xi32>
      %sub3A_1064 = arith.subi %get3A_1062, %sub3A_1063 : vector<16xi32>
      %ge3A_1065 = arith.constant 0 : i32
      %ge3A_1066 = vector.broadcast %ge3A_1065 : i32 to vector<16xi32>
      %ge3A_1067 = arith.cmpi sge, %sub3A_1064, %ge3A_1066 : vector<16xi32>
      %lt3A_1068 = arith.constant 50000 : i32
      %lt3A_1069 = vector.broadcast %lt3A_1068 : i32 to vector<16xi32>
      %lt3A_1070 = arith.cmpi slt, %sub3A_1064, %lt3A_1069 : vector<16xi32>
      %and3A_1071 = arith.andi %ge3A_1067, %lt3A_1070 : vector<16xi1>
      %jit3A_1072 = arith.constant 50000 : i32
      %broadcast_in_dim3A_1073 = vector.broadcast %jit3A_1072 : i32 to vector<16xi32>
      %select_n3A_1074 = arith.select %and3A_1071, %sub3A_1064, %broadcast_in_dim3A_1073 : vector<16xi1>, vector<16xi32>
      %swap3A_1075 = arith.constant 48 : index
      %swap3A_1076 = tpu.vector_load %arg19[%swap3A_1075] {strides = array<i32>} : memref<80xi32, #tpu.memory_space<vmem>>, vector<16xi32>,
      %swap3A_1077 = vector.shape_cast %swap3A_1076 : vector<16xi32> to vector<16xi32>
      %swap3A_1078 = vector.shape_cast %select_n3A_1074 : vector<16xi32> to vector<16xi32>
      tpu.vector_store %arg19[%swap3A_1075], %swap3A_1078 {strides = array<i32>} : memref<80xi32, #tpu.memory_space<vmem>>, vector<16xi32>,
      %get3A_1079 = arith.constant 784 : index
      %get3A_1080 = tpu.vector_load %arg9[%get3A_1079] {strides = array<i32>} : memref<800xi32, #tpu.memory_space<vmem>>, vector<16xi32>,
      %get3A_1081 = vector.shape_cast %get3A_1080 : vector<16xi32> to vector<16xi32>
      %sub3A_1082 = vector.broadcast %mul3A_0 : i32 to vector<16xi32>
      %sub3A_1083 = arith.subi %get3A_1081, %sub3A_1082 : vector<16xi32>
      %ge3A_1084 = arith.constant 0 : i32
      %ge3A_1085 = vector.broadcast %ge3A_1084 : i32 to vector<16xi32>
      %ge3A_1086 = arith.cmpi sge, %sub3A_1083, %ge3A_1085 : vector<16xi32>
      %lt3A_1087 = arith.constant 50000 : i32
      %lt3A_1088 = vector.broadcast %lt3A_1087 : i32 to vector<16xi32>
      %lt3A_1089 = arith.cmpi slt, %sub3A_1083, %lt3A_1088 : vector<16xi32>
      %and3A_1090 = arith.andi %ge3A_1086, %lt3A_1089 : vector<16xi1>
      %jit3A_1091 = arith.constant 50000 : i32
      %broadcast_in_dim3A_1092 = vector.broadcast %jit3A_1091 : i32 to vector<16xi32>
      %select_n3A_1093 = arith.select %and3A_1090, %sub3A_1083, %broadcast_in_dim3A_1092 : vector<16xi1>, vector<16xi32>
      %swap3A_1094 = arith.constant 64 : index
      %swap3A_1095 = tpu.vector_load %arg19[%swap3A_1094] {strides = array<i32>} : memref<80xi32, #tpu.memory_space<vmem>>, vector<16xi32>,
      %swap3A_1096 = vector.shape_cast %swap3A_1095 : vector<16xi32> to vector<16xi32>
      %swap3A_1097 = vector.shape_cast %select_n3A_1093 : vector<16xi32> to vector<16xi32>
      tpu.vector_store %arg19[%swap3A_1094], %swap3A_1097 {strides = array<i32>} : memref<80xi32, #tpu.memory_space<vmem>>, vector<16xi32>,
      "tpu.region"() ({
        %run_scoped3A = tpu.sem_alloc : memref<!tpu.dma_semaphore, #tpu.memory_space<semaphore_mem>>
        %dma_start3A_1098 = arith.constant 0 : i32
        %dma_start3A_1099 = arith.constant 0 : i32
        %dma_start3A_1100 = tpu.memref_slice %arg6[%dma_start3A_1098, %dma_start3A_1099] : memref<50048x32xf32, #tpu.memory_space<vmem_shared>> -> memref<50048x32xf32, #tpu.memory_space<vmem_shared>>
        tpu.enqueue_indirect_dma source(%arg14 : memref<80x32xf32, #tpu.memory_space<vmem>>) target(%dma_start3A_1100 : memref<50048x32xf32, #tpu.memory_space<vmem_shared>>) offsets(%arg19 : memref<80xi32, #tpu.memory_space<vmem>>) semaphore(%run_scoped3A : memref<!tpu.dma_semaphore, #tpu.memory_space<semaphore_mem>>) {add = true}
        %dma_wait3A_1101 = arith.constant 0 : i32
        %dma_wait3A_1102 = arith.constant 0 : i32
        %dma_wait3A_1103 = tpu.memref_slice %arg6[%dma_wait3A_1101, %dma_wait3A_1102] : memref<50048x32xf32, #tpu.memory_space<vmem_shared>> -> memref<50048x32xf32, #tpu.memory_space<vmem_shared>>
        tpu.wait_indirect_dma semaphore(%run_scoped3A : memref<!tpu.dma_semaphore, #tpu.memory_space<semaphore_mem>>) src(%arg14 : memref<80x32xf32, #tpu.memory_space<vmem>>) dst(%dma_wait3A_1103 : memref<50048x32xf32, #tpu.memory_space<vmem_shared>>)
        tpu.yield
      }) : () -> ()
    }
    %scan3A_45 = arith.constant 125 : i32
    %barrier3A_46 = arith.constant 0 : index
    tpu.barrier barrier_id(%barrier3A_46)
    %lt3A = arith.constant 15 : i32
    %lt3A_47 = arith.cmpi slt, %arg1, %lt3A : i32
    %convert_element_type3A = arith.extui %lt3A_47 : i1 to i32
    %cond3A = arith.constant 0 : i32
    %cond3A_48 = arith.cmpi ne, %convert_element_type3A, %cond3A : i32
    scf.if %cond3A_48 {
      %mul3A_53 = arith.constant 3128 : i32
      %mul3A_54 = arith.muli %arg1, %mul3A_53 : i32
      %multiple_of3A = tpu.assume_multiple %mul3A_54, 8 : i32
      %add3A_55 = arith.addi %mul3A_0, %multiple_of3A : i32
      %multiple_of3A_56 = tpu.assume_multiple %add3A_55, 8 : i32
      "tpu.region"() ({
        %run_scoped3A = tpu.sem_alloc : memref<!tpu.dma_semaphore, #tpu.memory_space<semaphore_mem>>
        %dma_start3A = arith.constant 0 : i32
        %dma_start3A_57 = tpu.memref_slice %arg5[%multiple_of3A_56, %dma_start3A] : memref<100000x32xf32, #tpu.memory_space<hbm>> -> memref<3128x32xf32, #tpu.memory_space<hbm>>
        %dma_start3A_58 = arith.constant 0 : i32
        %dma_start3A_59 = tpu.memref_slice %arg6[%multiple_of3A, %dma_start3A_58] : memref<50048x32xf32, #tpu.memory_space<vmem_shared>> -> memref<3128x32xf32, #tpu.memory_space<vmem_shared>>
        tpu.enqueue_dma source(%dma_start3A_59 : memref<3128x32xf32, #tpu.memory_space<vmem_shared>>) target(%dma_start3A_57 : memref<3128x32xf32, #tpu.memory_space<hbm>>) target_semaphore(%run_scoped3A : memref<!tpu.dma_semaphore, #tpu.memory_space<semaphore_mem>>)
        %dma_wait3A = arith.constant 0 : i32
        %dma_wait3A_60 = tpu.memref_slice %arg5[%multiple_of3A_56, %dma_wait3A] : memref<100000x32xf32, #tpu.memory_space<hbm>> -> memref<3128x32xf32, #tpu.memory_space<hbm>>
        %dma_wait3A_61 = arith.constant 0 : i32
        %dma_wait3A_62 = tpu.memref_slice %arg6[%multiple_of3A, %dma_wait3A_61] : memref<50048x32xf32, #tpu.memory_space<vmem_shared>> -> memref<3128x32xf32, #tpu.memory_space<vmem_shared>>
        tpu.wait_dma2 semaphore(%run_scoped3A : memref<!tpu.dma_semaphore, #tpu.memory_space<semaphore_mem>>) src(%dma_wait3A_62 : memref<3128x32xf32, #tpu.memory_space<vmem_shared>>) dst(%dma_wait3A_60 : memref<3128x32xf32, #tpu.memory_space<hbm>>)
        tpu.yield
      }) : () -> ()
    } else {
    }
    %eq3A = arith.constant 15 : i32
    %eq3A_49 = arith.cmpi eq, %arg1, %eq3A : i32
    %convert_element_type3A_50 = arith.extui %eq3A_49 : i1 to i32
    %cond3A_51 = arith.constant 0 : i32
    %cond3A_52 = arith.cmpi ne, %convert_element_type3A_50, %cond3A_51 : i32
    scf.if %cond3A_52 {
      %add3A_53 = arith.constant 46920 : i32
      %add3A_54 = arith.addi %mul3A_0, %add3A_53 : i32
      %multiple_of3A = tpu.assume_multiple %add3A_54, 8 : i32
      "tpu.region"() ({
        %run_scoped3A = tpu.sem_alloc : memref<!tpu.dma_semaphore, #tpu.memory_space<semaphore_mem>>
        %dma_start3A = arith.constant 0 : i32
        %dma_start3A_55 = tpu.memref_slice %arg5[%multiple_of3A, %dma_start3A] : memref<100000x32xf32, #tpu.memory_space<hbm>> -> memref<3080x32xf32, #tpu.memory_space<hbm>>
        %dma_start3A_56 = arith.constant 46920 : i32
        %dma_start3A_57 = arith.constant 0 : i32
        %dma_start3A_58 = tpu.memref_slice %arg6[%dma_start3A_56, %dma_start3A_57] : memref<50048x32xf32, #tpu.memory_space<vmem_shared>> -> memref<3080x32xf32, #tpu.memory_space<vmem_shared>>
        tpu.enqueue_dma source(%dma_start3A_58 : memref<3080x32xf32, #tpu.memory_space<vmem_shared>>) target(%dma_start3A_55 : memref<3080x32xf32, #tpu.memory_space<hbm>>) target_semaphore(%run_scoped3A : memref<!tpu.dma_semaphore, #tpu.memory_space<semaphore_mem>>)
        %dma_wait3A = arith.constant 0 : i32
        %dma_wait3A_59 = tpu.memref_slice %arg5[%multiple_of3A, %dma_wait3A] : memref<100000x32xf32, #tpu.memory_space<hbm>> -> memref<3080x32xf32, #tpu.memory_space<hbm>>
        %dma_wait3A_60 = arith.constant 46920 : i32
        %dma_wait3A_61 = arith.constant 0 : i32
        %dma_wait3A_62 = tpu.memref_slice %arg6[%dma_wait3A_60, %dma_wait3A_61] : memref<50048x32xf32, #tpu.memory_space<vmem_shared>> -> memref<3080x32xf32, #tpu.memory_space<vmem_shared>>
        tpu.wait_dma2 semaphore(%run_scoped3A : memref<!tpu.dma_semaphore, #tpu.memory_space<semaphore_mem>>) src(%dma_wait3A_62 : memref<3080x32xf32, #tpu.memory_space<vmem_shared>>) dst(%dma_wait3A_59 : memref<3080x32xf32, #tpu.memory_space<hbm>>)
        tpu.yield
      }) : () -> ()
    } else {
    }
    return
  }
}

#map = affine_map<(d0, d1) -> (0)>
#map1 = affine_map<(d0, d1) -> (0, 0)>
module attributes {stable_mosaic.version = 14 : i64} {
  func.func @_deg_body(%arg0: i32, %arg1: i32, %arg2: memref<1600000xi32, #tpu.memory_space<hbm>>, %arg3: memref<100000x32xf32, #tpu.memory_space<hbm>>, %arg4: memref<50048x32xf32, #tpu.memory_space<vmem_shared>>, %arg5: memref<391x32xf32, #tpu.memory_space<vmem>>, %arg6: memref<80x32xf32, #tpu.memory_space<vmem>>, %arg7: memref<800xi32, #tpu.memory_space<vmem>>, %arg8: memref<80xi32, #tpu.memory_space<vmem>>, %arg9: memref<80xi32, #tpu.memory_space<vmem>>, %arg10: memref<80xi32, #tpu.memory_space<vmem>>, %arg11: memref<80xi32, #tpu.memory_space<vmem>>, %arg12: memref<80xi32, #tpu.memory_space<vmem>>, %arg13: memref<80xi32, #tpu.memory_space<vmem>>, %arg14: memref<80xi32, #tpu.memory_space<vmem>>, %arg15: memref<80xi32, #tpu.memory_space<vmem>>, %arg16: memref<80xi32, #tpu.memory_space<vmem>>, %arg17: memref<80xi32, #tpu.memory_space<vmem>>, %arg18: memref<!tpu.dma_semaphore, #tpu.memory_space<semaphore_mem>>) attributes {dimension_semantics = [#tpu.dimension_semantics<core_parallel>, #tpu.dimension_semantics<subcore_parallel>], iteration_bounds = array<i64: 2, 16>, scalar_prefetch = 0 : i64, scratch_operands = 15 : i64, tpu.core_type = #tpu.core_type<sc_vector_subcore>, window_params = [{transform_indices = #map}, {transform_indices = #map1}]} {
    %mul3A = arith.constant 50000 : i32
    %mul3A_0 = arith.muli %arg0, %mul3A : i32
    %broadcast_in_dim3A = arith.constant 0.000000e+00 : f32
    %broadcast_in_dim3A_1 = vector.broadcast %broadcast_in_dim3A : f32 to vector<16xf32>
    %scan3A = arith.constant 0 : i32
    %scan3A_2 = arith.constant 0 : i32
    %scan3A_3 = arith.constant 782 : i32
    %scan3A_4 = arith.addi %scan3A_2, %scan3A_3 : i32
    %scan3A_5 = arith.constant 1 : i32
    scf.for %scan3A_61 = %scan3A_2 to %scan3A_4 step %scan3A_5  : i32 {
      %jit3A = arith.constant 2 : i32
      %div3A = arith.divsi %scan3A_61, %jit3A : i32
      %sign3A = arith.constant 0 : i32
      %sign3A_62 = arith.cmpi sgt, %scan3A_61, %sign3A : i32
      %sign3A_63 = arith.extui %sign3A_62 : i1 to i32
      %sign3A_64 = arith.constant 0 : i32
      %sign3A_65 = arith.cmpi slt, %scan3A_61, %sign3A_64 : i32
      %sign3A_66 = arith.extui %sign3A_65 : i1 to i32
      %sign3A_67 = arith.subi %sign3A_63, %sign3A_66 : i32
      %sign3A_68 = arith.constant 0 : i32
      %sign3A_69 = arith.cmpi sgt, %jit3A, %sign3A_68 : i32
      %sign3A_70 = arith.extui %sign3A_69 : i1 to i32
      %sign3A_71 = arith.constant 0 : i32
      %sign3A_72 = arith.cmpi slt, %jit3A, %sign3A_71 : i32
      %sign3A_73 = arith.extui %sign3A_72 : i1 to i32
      %sign3A_74 = arith.subi %sign3A_70, %sign3A_73 : i32
      %ne3A = arith.cmpi ne, %sign3A_67, %sign3A_74 : i32
      %rem3A = arith.remsi %scan3A_61, %jit3A : i32
      %ne3A_75 = arith.constant 0 : i32
      %ne3A_76 = arith.cmpi ne, %rem3A, %ne3A_75 : i32
      %and3A = arith.andi %ne3A, %ne3A_76 : i1
      %sub3A = arith.constant 1 : i32
      %sub3A_77 = arith.subi %div3A, %sub3A : i32
      %select_n3A = arith.select %and3A, %sub3A_77, %div3A : i32
      %jit3A_78 = arith.constant 2 : i32
      %eq3A_79 = arith.constant 0 : i32
      %eq3A_80 = arith.cmpi eq, %jit3A_78, %eq3A_79 : i32
      %jit3A_81 = arith.constant 1 : i32
      %select_n3A_82 = arith.select %eq3A_80, %jit3A_81, %jit3A_78 : i32
      %rem3A_83 = arith.remsi %scan3A_61, %select_n3A_82 : i32
      %ne3A_84 = arith.constant 0 : i32
      %ne3A_85 = arith.cmpi ne, %rem3A_83, %ne3A_84 : i32
      %lt3A_86 = arith.constant 0 : i32
      %lt3A_87 = arith.cmpi slt, %rem3A_83, %lt3A_86 : i32
      %lt3A_88 = arith.constant 0 : i32
      %lt3A_89 = arith.cmpi slt, %select_n3A_82, %lt3A_88 : i32
      %ne3A_90 = arith.xori %lt3A_87, %lt3A_89 : i1
      %and3A_91 = arith.andi %ne3A_90, %ne3A_85 : i1
      %add3A_92 = arith.addi %rem3A_83, %select_n3A_82 : i32
      %select_n3A_93 = arith.select %and3A_91, %add3A_92, %rem3A_83 : i32
      %mul3A_94 = arith.constant 16 : i32
      %mul3A_95 = arith.muli %select_n3A_93, %mul3A_94 : i32
      %swap3A = arith.index_cast %select_n3A : i32 to index
      %swap3A_96 = arith.index_cast %mul3A_95 : i32 to index
      %swap3A_97 = tpu.vector_load %arg5[%swap3A, %swap3A_96] {strides = array<i32>} : memref<391x32xf32, #tpu.memory_space<vmem>>, vector<1x16xf32>,
      %swap3A_98 = vector.shape_cast %swap3A_97 : vector<1x16xf32> to vector<16xf32>
      %swap3A_99 = vector.shape_cast %broadcast_in_dim3A_1 : vector<16xf32> to vector<1x16xf32>
      tpu.vector_store %arg5[%swap3A, %swap3A_96], %swap3A_99 {strides = array<i32>} : memref<391x32xf32, #tpu.memory_space<vmem>>, vector<1x16xf32>,
    }
    %scan3A_6 = arith.constant 782 : i32
    %mul3A_7 = arith.constant 3128 : i32
    %mul3A_8 = arith.muli %arg1, %mul3A_7 : i32
    %add3A = arith.constant 0 : i32
    %add3A_9 = arith.addi %mul3A_8, %add3A : i32
    "tpu.region"() ({
      %run_scoped3A = tpu.sem_alloc : memref<!tpu.dma_semaphore, #tpu.memory_space<semaphore_mem>>
      %dma_start3A = arith.constant 0 : i32
      %dma_start3A_61 = tpu.memref_slice %arg4[%add3A_9, %dma_start3A] : memref<50048x32xf32, #tpu.memory_space<vmem_shared>> -> memref<391x32xf32, #tpu.memory_space<vmem_shared>>
      %dma_start3A_62 = arith.constant 0 : i32
      %dma_start3A_63 = tpu.memref_slice %arg4[%add3A_9, %dma_start3A_62] : memref<50048x32xf32, #tpu.memory_space<vmem_shared>> -> memref<391x32xf32, #tpu.memory_space<vmem_shared>>
      tpu.enqueue_dma source(%arg5 : memref<391x32xf32, #tpu.memory_space<vmem>>) target(%dma_start3A_63 : memref<391x32xf32, #tpu.memory_space<vmem_shared>>) target_semaphore(%run_scoped3A : memref<!tpu.dma_semaphore, #tpu.memory_space<semaphore_mem>>)
      %dma_wait3A = arith.constant 0 : i32
      %dma_wait3A_64 = tpu.memref_slice %arg4[%add3A_9, %dma_wait3A] : memref<50048x32xf32, #tpu.memory_space<vmem_shared>> -> memref<391x32xf32, #tpu.memory_space<vmem_shared>>
      %dma_wait3A_65 = arith.constant 0 : i32
      %dma_wait3A_66 = tpu.memref_slice %arg4[%add3A_9, %dma_wait3A_65] : memref<50048x32xf32, #tpu.memory_space<vmem_shared>> -> memref<391x32xf32, #tpu.memory_space<vmem_shared>>
      tpu.wait_dma2 semaphore(%run_scoped3A : memref<!tpu.dma_semaphore, #tpu.memory_space<semaphore_mem>>) src(%arg5 : memref<391x32xf32, #tpu.memory_space<vmem>>) dst(%dma_wait3A_66 : memref<391x32xf32, #tpu.memory_space<vmem_shared>>)
      tpu.yield
    }) : () -> ()
    %mul3A_10 = arith.constant 3128 : i32
    %mul3A_11 = arith.muli %arg1, %mul3A_10 : i32
    %add3A_12 = arith.constant 391 : i32
    %add3A_13 = arith.addi %mul3A_11, %add3A_12 : i32
    "tpu.region"() ({
      %run_scoped3A = tpu.sem_alloc : memref<!tpu.dma_semaphore, #tpu.memory_space<semaphore_mem>>
      %dma_start3A = arith.constant 0 : i32
      %dma_start3A_61 = tpu.memref_slice %arg4[%add3A_13, %dma_start3A] : memref<50048x32xf32, #tpu.memory_space<vmem_shared>> -> memref<391x32xf32, #tpu.memory_space<vmem_shared>>
      %dma_start3A_62 = arith.constant 0 : i32
      %dma_start3A_63 = tpu.memref_slice %arg4[%add3A_13, %dma_start3A_62] : memref<50048x32xf32, #tpu.memory_space<vmem_shared>> -> memref<391x32xf32, #tpu.memory_space<vmem_shared>>
      tpu.enqueue_dma source(%arg5 : memref<391x32xf32, #tpu.memory_space<vmem>>) target(%dma_start3A_63 : memref<391x32xf32, #tpu.memory_space<vmem_shared>>) target_semaphore(%run_scoped3A : memref<!tpu.dma_semaphore, #tpu.memory_space<semaphore_mem>>)
      %dma_wait3A = arith.constant 0 : i32
      %dma_wait3A_64 = tpu.memref_slice %arg4[%add3A_13, %dma_wait3A] : memref<50048x32xf32, #tpu.memory_space<vmem_shared>> -> memref<391x32xf32, #tpu.memory_space<vmem_shared>>
      %dma_wait3A_65 = arith.constant 0 : i32
      %dma_wait3A_66 = tpu.memref_slice %arg4[%add3A_13, %dma_wait3A_65] : memref<50048x32xf32, #tpu.memory_space<vmem_shared>> -> memref<391x32xf32, #tpu.memory_space<vmem_shared>>
      tpu.wait_dma2 semaphore(%run_scoped3A : memref<!tpu.dma_semaphore, #tpu.memory_space<semaphore_mem>>) src(%arg5 : memref<391x32xf32, #tpu.memory_space<vmem>>) dst(%dma_wait3A_66 : memref<391x32xf32, #tpu.memory_space<vmem_shared>>)
      tpu.yield
    }) : () -> ()
    %mul3A_14 = arith.constant 3128 : i32
    %mul3A_15 = arith.muli %arg1, %mul3A_14 : i32
    %add3A_16 = arith.constant 782 : i32
    %add3A_17 = arith.addi %mul3A_15, %add3A_16 : i32
    "tpu.region"() ({
      %run_scoped3A = tpu.sem_alloc : memref<!tpu.dma_semaphore, #tpu.memory_space<semaphore_mem>>
      %dma_start3A = arith.constant 0 : i32
      %dma_start3A_61 = tpu.memref_slice %arg4[%add3A_17, %dma_start3A] : memref<50048x32xf32, #tpu.memory_space<vmem_shared>> -> memref<391x32xf32, #tpu.memory_space<vmem_shared>>
      %dma_start3A_62 = arith.constant 0 : i32
      %dma_start3A_63 = tpu.memref_slice %arg4[%add3A_17, %dma_start3A_62] : memref<50048x32xf32, #tpu.memory_space<vmem_shared>> -> memref<391x32xf32, #tpu.memory_space<vmem_shared>>
      tpu.enqueue_dma source(%arg5 : memref<391x32xf32, #tpu.memory_space<vmem>>) target(%dma_start3A_63 : memref<391x32xf32, #tpu.memory_space<vmem_shared>>) target_semaphore(%run_scoped3A : memref<!tpu.dma_semaphore, #tpu.memory_space<semaphore_mem>>)
      %dma_wait3A = arith.constant 0 : i32
      %dma_wait3A_64 = tpu.memref_slice %arg4[%add3A_17, %dma_wait3A] : memref<50048x32xf32, #tpu.memory_space<vmem_shared>> -> memref<391x32xf32, #tpu.memory_space<vmem_shared>>
      %dma_wait3A_65 = arith.constant 0 : i32
      %dma_wait3A_66 = tpu.memref_slice %arg4[%add3A_17, %dma_wait3A_65] : memref<50048x32xf32, #tpu.memory_space<vmem_shared>> -> memref<391x32xf32, #tpu.memory_space<vmem_shared>>
      tpu.wait_dma2 semaphore(%run_scoped3A : memref<!tpu.dma_semaphore, #tpu.memory_space<semaphore_mem>>) src(%arg5 : memref<391x32xf32, #tpu.memory_space<vmem>>) dst(%dma_wait3A_66 : memref<391x32xf32, #tpu.memory_space<vmem_shared>>)
      tpu.yield
    }) : () -> ()
    %mul3A_18 = arith.constant 3128 : i32
    %mul3A_19 = arith.muli %arg1, %mul3A_18 : i32
    %add3A_20 = arith.constant 1173 : i32
    %add3A_21 = arith.addi %mul3A_19, %add3A_20 : i32
    "tpu.region"() ({
      %run_scoped3A = tpu.sem_alloc : memref<!tpu.dma_semaphore, #tpu.memory_space<semaphore_mem>>
      %dma_start3A = arith.constant 0 : i32
      %dma_start3A_61 = tpu.memref_slice %arg4[%add3A_21, %dma_start3A] : memref<50048x32xf32, #tpu.memory_space<vmem_shared>> -> memref<391x32xf32, #tpu.memory_space<vmem_shared>>
      %dma_start3A_62 = arith.constant 0 : i32
      %dma_start3A_63 = tpu.memref_slice %arg4[%add3A_21, %dma_start3A_62] : memref<50048x32xf32, #tpu.memory_space<vmem_shared>> -> memref<391x32xf32, #tpu.memory_space<vmem_shared>>
      tpu.enqueue_dma source(%arg5 : memref<391x32xf32, #tpu.memory_space<vmem>>) target(%dma_start3A_63 : memref<391x32xf32, #tpu.memory_space<vmem_shared>>) target_semaphore(%run_scoped3A : memref<!tpu.dma_semaphore, #tpu.memory_space<semaphore_mem>>)
      %dma_wait3A = arith.constant 0 : i32
      %dma_wait3A_64 = tpu.memref_slice %arg4[%add3A_21, %dma_wait3A] : memref<50048x32xf32, #tpu.memory_space<vmem_shared>> -> memref<391x32xf32, #tpu.memory_space<vmem_shared>>
      %dma_wait3A_65 = arith.constant 0 : i32
      %dma_wait3A_66 = tpu.memref_slice %arg4[%add3A_21, %dma_wait3A_65] : memref<50048x32xf32, #tpu.memory_space<vmem_shared>> -> memref<391x32xf32, #tpu.memory_space<vmem_shared>>
      tpu.wait_dma2 semaphore(%run_scoped3A : memref<!tpu.dma_semaphore, #tpu.memory_space<semaphore_mem>>) src(%arg5 : memref<391x32xf32, #tpu.memory_space<vmem>>) dst(%dma_wait3A_66 : memref<391x32xf32, #tpu.memory_space<vmem_shared>>)
      tpu.yield
    }) : () -> ()
    %mul3A_22 = arith.constant 3128 : i32
    %mul3A_23 = arith.muli %arg1, %mul3A_22 : i32
    %add3A_24 = arith.constant 1564 : i32
    %add3A_25 = arith.addi %mul3A_23, %add3A_24 : i32
    "tpu.region"() ({
      %run_scoped3A = tpu.sem_alloc : memref<!tpu.dma_semaphore, #tpu.memory_space<semaphore_mem>>
      %dma_start3A = arith.constant 0 : i32
      %dma_start3A_61 = tpu.memref_slice %arg4[%add3A_25, %dma_start3A] : memref<50048x32xf32, #tpu.memory_space<vmem_shared>> -> memref<391x32xf32, #tpu.memory_space<vmem_shared>>
      %dma_start3A_62 = arith.constant 0 : i32
      %dma_start3A_63 = tpu.memref_slice %arg4[%add3A_25, %dma_start3A_62] : memref<50048x32xf32, #tpu.memory_space<vmem_shared>> -> memref<391x32xf32, #tpu.memory_space<vmem_shared>>
      tpu.enqueue_dma source(%arg5 : memref<391x32xf32, #tpu.memory_space<vmem>>) target(%dma_start3A_63 : memref<391x32xf32, #tpu.memory_space<vmem_shared>>) target_semaphore(%run_scoped3A : memref<!tpu.dma_semaphore, #tpu.memory_space<semaphore_mem>>)
      %dma_wait3A = arith.constant 0 : i32
      %dma_wait3A_64 = tpu.memref_slice %arg4[%add3A_25, %dma_wait3A] : memref<50048x32xf32, #tpu.memory_space<vmem_shared>> -> memref<391x32xf32, #tpu.memory_space<vmem_shared>>
      %dma_wait3A_65 = arith.constant 0 : i32
      %dma_wait3A_66 = tpu.memref_slice %arg4[%add3A_25, %dma_wait3A_65] : memref<50048x32xf32, #tpu.memory_space<vmem_shared>> -> memref<391x32xf32, #tpu.memory_space<vmem_shared>>
      tpu.wait_dma2 semaphore(%run_scoped3A : memref<!tpu.dma_semaphore, #tpu.memory_space<semaphore_mem>>) src(%arg5 : memref<391x32xf32, #tpu.memory_space<vmem>>) dst(%dma_wait3A_66 : memref<391x32xf32, #tpu.memory_space<vmem_shared>>)
      tpu.yield
    }) : () -> ()
    %mul3A_26 = arith.constant 3128 : i32
    %mul3A_27 = arith.muli %arg1, %mul3A_26 : i32
    %add3A_28 = arith.constant 1955 : i32
    %add3A_29 = arith.addi %mul3A_27, %add3A_28 : i32
    "tpu.region"() ({
      %run_scoped3A = tpu.sem_alloc : memref<!tpu.dma_semaphore, #tpu.memory_space<semaphore_mem>>
      %dma_start3A = arith.constant 0 : i32
      %dma_start3A_61 = tpu.memref_slice %arg4[%add3A_29, %dma_start3A] : memref<50048x32xf32, #tpu.memory_space<vmem_shared>> -> memref<391x32xf32, #tpu.memory_space<vmem_shared>>
      %dma_start3A_62 = arith.constant 0 : i32
      %dma_start3A_63 = tpu.memref_slice %arg4[%add3A_29, %dma_start3A_62] : memref<50048x32xf32, #tpu.memory_space<vmem_shared>> -> memref<391x32xf32, #tpu.memory_space<vmem_shared>>
      tpu.enqueue_dma source(%arg5 : memref<391x32xf32, #tpu.memory_space<vmem>>) target(%dma_start3A_63 : memref<391x32xf32, #tpu.memory_space<vmem_shared>>) target_semaphore(%run_scoped3A : memref<!tpu.dma_semaphore, #tpu.memory_space<semaphore_mem>>)
      %dma_wait3A = arith.constant 0 : i32
      %dma_wait3A_64 = tpu.memref_slice %arg4[%add3A_29, %dma_wait3A] : memref<50048x32xf32, #tpu.memory_space<vmem_shared>> -> memref<391x32xf32, #tpu.memory_space<vmem_shared>>
      %dma_wait3A_65 = arith.constant 0 : i32
      %dma_wait3A_66 = tpu.memref_slice %arg4[%add3A_29, %dma_wait3A_65] : memref<50048x32xf32, #tpu.memory_space<vmem_shared>> -> memref<391x32xf32, #tpu.memory_space<vmem_shared>>
      tpu.wait_dma2 semaphore(%run_scoped3A : memref<!tpu.dma_semaphore, #tpu.memory_space<semaphore_mem>>) src(%arg5 : memref<391x32xf32, #tpu.memory_space<vmem>>) dst(%dma_wait3A_66 : memref<391x32xf32, #tpu.memory_space<vmem_shared>>)
      tpu.yield
    }) : () -> ()
    %mul3A_30 = arith.constant 3128 : i32
    %mul3A_31 = arith.muli %arg1, %mul3A_30 : i32
    %add3A_32 = arith.constant 2346 : i32
    %add3A_33 = arith.addi %mul3A_31, %add3A_32 : i32
    "tpu.region"() ({
      %run_scoped3A = tpu.sem_alloc : memref<!tpu.dma_semaphore, #tpu.memory_space<semaphore_mem>>
      %dma_start3A = arith.constant 0 : i32
      %dma_start3A_61 = tpu.memref_slice %arg4[%add3A_33, %dma_start3A] : memref<50048x32xf32, #tpu.memory_space<vmem_shared>> -> memref<391x32xf32, #tpu.memory_space<vmem_shared>>
      %dma_start3A_62 = arith.constant 0 : i32
      %dma_start3A_63 = tpu.memref_slice %arg4[%add3A_33, %dma_start3A_62] : memref<50048x32xf32, #tpu.memory_space<vmem_shared>> -> memref<391x32xf32, #tpu.memory_space<vmem_shared>>
      tpu.enqueue_dma source(%arg5 : memref<391x32xf32, #tpu.memory_space<vmem>>) target(%dma_start3A_63 : memref<391x32xf32, #tpu.memory_space<vmem_shared>>) target_semaphore(%run_scoped3A : memref<!tpu.dma_semaphore, #tpu.memory_space<semaphore_mem>>)
      %dma_wait3A = arith.constant 0 : i32
      %dma_wait3A_64 = tpu.memref_slice %arg4[%add3A_33, %dma_wait3A] : memref<50048x32xf32, #tpu.memory_space<vmem_shared>> -> memref<391x32xf32, #tpu.memory_space<vmem_shared>>
      %dma_wait3A_65 = arith.constant 0 : i32
      %dma_wait3A_66 = tpu.memref_slice %arg4[%add3A_33, %dma_wait3A_65] : memref<50048x32xf32, #tpu.memory_space<vmem_shared>> -> memref<391x32xf32, #tpu.memory_space<vmem_shared>>
      tpu.wait_dma2 semaphore(%run_scoped3A : memref<!tpu.dma_semaphore, #tpu.memory_space<semaphore_mem>>) src(%arg5 : memref<391x32xf32, #tpu.memory_space<vmem>>) dst(%dma_wait3A_66 : memref<391x32xf32, #tpu.memory_space<vmem_shared>>)
      tpu.yield
    }) : () -> ()
    %mul3A_34 = arith.constant 3128 : i32
    %mul3A_35 = arith.muli %arg1, %mul3A_34 : i32
    %add3A_36 = arith.constant 2737 : i32
    %add3A_37 = arith.addi %mul3A_35, %add3A_36 : i32
    "tpu.region"() ({
      %run_scoped3A = tpu.sem_alloc : memref<!tpu.dma_semaphore, #tpu.memory_space<semaphore_mem>>
      %dma_start3A = arith.constant 0 : i32
      %dma_start3A_61 = tpu.memref_slice %arg4[%add3A_37, %dma_start3A] : memref<50048x32xf32, #tpu.memory_space<vmem_shared>> -> memref<391x32xf32, #tpu.memory_space<vmem_shared>>
      %dma_start3A_62 = arith.constant 0 : i32
      %dma_start3A_63 = tpu.memref_slice %arg4[%add3A_37, %dma_start3A_62] : memref<50048x32xf32, #tpu.memory_space<vmem_shared>> -> memref<391x32xf32, #tpu.memory_space<vmem_shared>>
      tpu.enqueue_dma source(%arg5 : memref<391x32xf32, #tpu.memory_space<vmem>>) target(%dma_start3A_63 : memref<391x32xf32, #tpu.memory_space<vmem_shared>>) target_semaphore(%run_scoped3A : memref<!tpu.dma_semaphore, #tpu.memory_space<semaphore_mem>>)
      %dma_wait3A = arith.constant 0 : i32
      %dma_wait3A_64 = tpu.memref_slice %arg4[%add3A_37, %dma_wait3A] : memref<50048x32xf32, #tpu.memory_space<vmem_shared>> -> memref<391x32xf32, #tpu.memory_space<vmem_shared>>
      %dma_wait3A_65 = arith.constant 0 : i32
      %dma_wait3A_66 = tpu.memref_slice %arg4[%add3A_37, %dma_wait3A_65] : memref<50048x32xf32, #tpu.memory_space<vmem_shared>> -> memref<391x32xf32, #tpu.memory_space<vmem_shared>>
      tpu.wait_dma2 semaphore(%run_scoped3A : memref<!tpu.dma_semaphore, #tpu.memory_space<semaphore_mem>>) src(%arg5 : memref<391x32xf32, #tpu.memory_space<vmem>>) dst(%dma_wait3A_66 : memref<391x32xf32, #tpu.memory_space<vmem_shared>>)
      tpu.yield
    }) : () -> ()
    %broadcast_in_dim3A_38 = arith.constant 1.000000e+00 : f32
    %broadcast_in_dim3A_39 = vector.broadcast %broadcast_in_dim3A_38 : f32 to vector<16xf32>
    %scan3A_40 = arith.constant 0 : i32
    %scan3A_41 = arith.constant 0 : i32
    %scan3A_42 = arith.constant 160 : i32
    %scan3A_43 = arith.addi %scan3A_41, %scan3A_42 : i32
    %scan3A_44 = arith.constant 1 : i32
    scf.for %scan3A_61 = %scan3A_41 to %scan3A_43 step %scan3A_44  : i32 {
      %jit3A = arith.constant 2 : i32
      %div3A = arith.divsi %scan3A_61, %jit3A : i32
      %sign3A = arith.constant 0 : i32
      %sign3A_62 = arith.cmpi sgt, %scan3A_61, %sign3A : i32
      %sign3A_63 = arith.extui %sign3A_62 : i1 to i32
      %sign3A_64 = arith.constant 0 : i32
      %sign3A_65 = arith.cmpi slt, %scan3A_61, %sign3A_64 : i32
      %sign3A_66 = arith.extui %sign3A_65 : i1 to i32
      %sign3A_67 = arith.subi %sign3A_63, %sign3A_66 : i32
      %sign3A_68 = arith.constant 0 : i32
      %sign3A_69 = arith.cmpi sgt, %jit3A, %sign3A_68 : i32
      %sign3A_70 = arith.extui %sign3A_69 : i1 to i32
      %sign3A_71 = arith.constant 0 : i32
      %sign3A_72 = arith.cmpi slt, %jit3A, %sign3A_71 : i32
      %sign3A_73 = arith.extui %sign3A_72 : i1 to i32
      %sign3A_74 = arith.subi %sign3A_70, %sign3A_73 : i32
      %ne3A = arith.cmpi ne, %sign3A_67, %sign3A_74 : i32
      %rem3A = arith.remsi %scan3A_61, %jit3A : i32
      %ne3A_75 = arith.constant 0 : i32
      %ne3A_76 = arith.cmpi ne, %rem3A, %ne3A_75 : i32
      %and3A = arith.andi %ne3A, %ne3A_76 : i1
      %sub3A = arith.constant 1 : i32
      %sub3A_77 = arith.subi %div3A, %sub3A : i32
      %select_n3A = arith.select %and3A, %sub3A_77, %div3A : i32
      %jit3A_78 = arith.constant 2 : i32
      %eq3A_79 = arith.constant 0 : i32
      %eq3A_80 = arith.cmpi eq, %jit3A_78, %eq3A_79 : i32
      %jit3A_81 = arith.constant 1 : i32
      %select_n3A_82 = arith.select %eq3A_80, %jit3A_81, %jit3A_78 : i32
      %rem3A_83 = arith.remsi %scan3A_61, %select_n3A_82 : i32
      %ne3A_84 = arith.constant 0 : i32
      %ne3A_85 = arith.cmpi ne, %rem3A_83, %ne3A_84 : i32
      %lt3A_86 = arith.constant 0 : i32
      %lt3A_87 = arith.cmpi slt, %rem3A_83, %lt3A_86 : i32
      %lt3A_88 = arith.constant 0 : i32
      %lt3A_89 = arith.cmpi slt, %select_n3A_82, %lt3A_88 : i32
      %ne3A_90 = arith.xori %lt3A_87, %lt3A_89 : i1
      %and3A_91 = arith.andi %ne3A_90, %ne3A_85 : i1
      %add3A_92 = arith.addi %rem3A_83, %select_n3A_82 : i32
      %select_n3A_93 = arith.select %and3A_91, %add3A_92, %rem3A_83 : i32
      %mul3A_94 = arith.constant 16 : i32
      %mul3A_95 = arith.muli %select_n3A_93, %mul3A_94 : i32
      %swap3A = arith.index_cast %select_n3A : i32 to index
      %swap3A_96 = arith.index_cast %mul3A_95 : i32 to index
      %swap3A_97 = tpu.vector_load %arg6[%swap3A, %swap3A_96] {strides = array<i32>} : memref<80x32xf32, #tpu.memory_space<vmem>>, vector<1x16xf32>,
      %swap3A_98 = vector.shape_cast %swap3A_97 : vector<1x16xf32> to vector<16xf32>
      %swap3A_99 = vector.shape_cast %broadcast_in_dim3A_39 : vector<16xf32> to vector<1x16xf32>
      tpu.vector_store %arg6[%swap3A, %swap3A_96], %swap3A_99 {strides = array<i32>} : memref<80x32xf32, #tpu.memory_space<vmem>>, vector<1x16xf32>,
    }
    %scan3A_45 = arith.constant 160 : i32
    %barrier3A = arith.constant 0 : index
    tpu.barrier barrier_id(%barrier3A)
    %mul3A_46 = arith.constant 100000 : i32
    %mul3A_47 = arith.muli %arg1, %mul3A_46 : i32
    %scan3A_48 = arith.constant 0 : i32
    %scan3A_49 = arith.constant 0 : i32
    %scan3A_50 = arith.constant 125 : i32
    %scan3A_51 = arith.addi %scan3A_49, %scan3A_50 : i32
    %scan3A_52 = arith.constant 1 : i32
    scf.for %scan3A_61 = %scan3A_49 to %scan3A_51 step %scan3A_52  : i32 {
      %mul3A_62 = arith.constant 800 : i32
      %mul3A_63 = arith.muli %scan3A_61, %mul3A_62 : i32
      %add3A_64 = arith.addi %mul3A_47, %mul3A_63 : i32
      %multiple_of3A = tpu.assume_multiple %add3A_64, 8 : i32
      "tpu.region"() ({
        %run_scoped3A = tpu.sem_alloc : memref<!tpu.dma_semaphore, #tpu.memory_space<semaphore_mem>>
        %dma_start3A_1066 = tpu.memref_slice %arg2[%multiple_of3A] : memref<1600000xi32, #tpu.memory_space<hbm>> -> memref<800xi32, #tpu.memory_space<hbm>>
        %dma_start3A_1067 = tpu.memref_slice %arg2[%multiple_of3A] : memref<1600000xi32, #tpu.memory_space<hbm>> -> memref<800xi32, #tpu.memory_space<hbm>>
        tpu.enqueue_dma source(%dma_start3A_1067 : memref<800xi32, #tpu.memory_space<hbm>>) target(%arg7 : memref<800xi32, #tpu.memory_space<vmem>>) target_semaphore(%run_scoped3A : memref<!tpu.dma_semaphore, #tpu.memory_space<semaphore_mem>>)
        %dma_wait3A_1068 = tpu.memref_slice %arg2[%multiple_of3A] : memref<1600000xi32, #tpu.memory_space<hbm>> -> memref<800xi32, #tpu.memory_space<hbm>>
        %dma_wait3A_1069 = tpu.memref_slice %arg2[%multiple_of3A] : memref<1600000xi32, #tpu.memory_space<hbm>> -> memref<800xi32, #tpu.memory_space<hbm>>
        tpu.wait_dma2 semaphore(%run_scoped3A : memref<!tpu.dma_semaphore, #tpu.memory_space<semaphore_mem>>) src(%dma_wait3A_1069 : memref<800xi32, #tpu.memory_space<hbm>>) dst(%arg7 : memref<800xi32, #tpu.memory_space<vmem>>)
        tpu.yield
      }) : () -> ()
      %get3A = arith.constant 0 : index
      %get3A_65 = tpu.vector_load %arg7[%get3A] {strides = array<i32>} : memref<800xi32, #tpu.memory_space<vmem>>, vector<16xi32>,
      %get3A_66 = vector.shape_cast %get3A_65 : vector<16xi32> to vector<16xi32>
      %sub3A = vector.broadcast %mul3A_0 : i32 to vector<16xi32>
      %sub3A_67 = arith.subi %get3A_66, %sub3A : vector<16xi32>
      %ge3A = arith.constant 0 : i32
      %ge3A_68 = vector.broadcast %ge3A : i32 to vector<16xi32>
      %ge3A_69 = arith.cmpi sge, %sub3A_67, %ge3A_68 : vector<16xi32>
      %lt3A_70 = arith.constant 50000 : i32
      %lt3A_71 = vector.broadcast %lt3A_70 : i32 to vector<16xi32>
      %lt3A_72 = arith.cmpi slt, %sub3A_67, %lt3A_71 : vector<16xi32>
      %and3A = arith.andi %ge3A_69, %lt3A_72 : vector<16xi1>
      %jit3A = arith.constant 50000 : i32
      %broadcast_in_dim3A_73 = vector.broadcast %jit3A : i32 to vector<16xi32>
      %select_n3A = arith.select %and3A, %sub3A_67, %broadcast_in_dim3A_73 : vector<16xi1>, vector<16xi32>
      %swap3A = arith.constant 0 : index
      %swap3A_74 = tpu.vector_load %arg8[%swap3A] {strides = array<i32>} : memref<80xi32, #tpu.memory_space<vmem>>, vector<16xi32>,
      %swap3A_75 = vector.shape_cast %swap3A_74 : vector<16xi32> to vector<16xi32>
      %swap3A_76 = vector.shape_cast %select_n3A : vector<16xi32> to vector<16xi32>
      tpu.vector_store %arg8[%swap3A], %swap3A_76 {strides = array<i32>} : memref<80xi32, #tpu.memory_space<vmem>>, vector<16xi32>,
      %get3A_77 = arith.constant 16 : index
      %get3A_78 = tpu.vector_load %arg7[%get3A_77] {strides = array<i32>} : memref<800xi32, #tpu.memory_space<vmem>>, vector<16xi32>,
      %get3A_79 = vector.shape_cast %get3A_78 : vector<16xi32> to vector<16xi32>
      %sub3A_80 = vector.broadcast %mul3A_0 : i32 to vector<16xi32>
      %sub3A_81 = arith.subi %get3A_79, %sub3A_80 : vector<16xi32>
      %ge3A_82 = arith.constant 0 : i32
      %ge3A_83 = vector.broadcast %ge3A_82 : i32 to vector<16xi32>
      %ge3A_84 = arith.cmpi sge, %sub3A_81, %ge3A_83 : vector<16xi32>
      %lt3A_85 = arith.constant 50000 : i32
      %lt3A_86 = vector.broadcast %lt3A_85 : i32 to vector<16xi32>
      %lt3A_87 = arith.cmpi slt, %sub3A_81, %lt3A_86 : vector<16xi32>
      %and3A_88 = arith.andi %ge3A_84, %lt3A_87 : vector<16xi1>
      %jit3A_89 = arith.constant 50000 : i32
      %broadcast_in_dim3A_90 = vector.broadcast %jit3A_89 : i32 to vector<16xi32>
      %select_n3A_91 = arith.select %and3A_88, %sub3A_81, %broadcast_in_dim3A_90 : vector<16xi1>, vector<16xi32>
      %swap3A_92 = arith.constant 16 : index
      %swap3A_93 = tpu.vector_load %arg8[%swap3A_92] {strides = array<i32>} : memref<80xi32, #tpu.memory_space<vmem>>, vector<16xi32>,
      %swap3A_94 = vector.shape_cast %swap3A_93 : vector<16xi32> to vector<16xi32>
      %swap3A_95 = vector.shape_cast %select_n3A_91 : vector<16xi32> to vector<16xi32>
      tpu.vector_store %arg8[%swap3A_92], %swap3A_95 {strides = array<i32>} : memref<80xi32, #tpu.memory_space<vmem>>, vector<16xi32>,
      %get3A_96 = arith.constant 32 : index
      %get3A_97 = tpu.vector_load %arg7[%get3A_96] {strides = array<i32>} : memref<800xi32, #tpu.memory_space<vmem>>, vector<16xi32>,
      %get3A_98 = vector.shape_cast %get3A_97 : vector<16xi32> to vector<16xi32>
      %sub3A_99 = vector.broadcast %mul3A_0 : i32 to vector<16xi32>
      %sub3A_100 = arith.subi %get3A_98, %sub3A_99 : vector<16xi32>
      %ge3A_101 = arith.constant 0 : i32
      %ge3A_102 = vector.broadcast %ge3A_101 : i32 to vector<16xi32>
      %ge3A_103 = arith.cmpi sge, %sub3A_100, %ge3A_102 : vector<16xi32>
      %lt3A_104 = arith.constant 50000 : i32
      %lt3A_105 = vector.broadcast %lt3A_104 : i32 to vector<16xi32>
      %lt3A_106 = arith.cmpi slt, %sub3A_100, %lt3A_105 : vector<16xi32>
      %and3A_107 = arith.andi %ge3A_103, %lt3A_106 : vector<16xi1>
      %jit3A_108 = arith.constant 50000 : i32
      %broadcast_in_dim3A_109 = vector.broadcast %jit3A_108 : i32 to vector<16xi32>
      %select_n3A_110 = arith.select %and3A_107, %sub3A_100, %broadcast_in_dim3A_109 : vector<16xi1>, vector<16xi32>
      %swap3A_111 = arith.constant 32 : index
      %swap3A_112 = tpu.vector_load %arg8[%swap3A_111] {strides = array<i32>} : memref<80xi32, #tpu.memory_space<vmem>>, vector<16xi32>,
      %swap3A_113 = vector.shape_cast %swap3A_112 : vector<16xi32> to vector<16xi32>
      %swap3A_114 = vector.shape_cast %select_n3A_110 : vector<16xi32> to vector<16xi32>
      tpu.vector_store %arg8[%swap3A_111], %swap3A_114 {strides = array<i32>} : memref<80xi32, #tpu.memory_space<vmem>>, vector<16xi32>,
      %get3A_115 = arith.constant 48 : index
      %get3A_116 = tpu.vector_load %arg7[%get3A_115] {strides = array<i32>} : memref<800xi32, #tpu.memory_space<vmem>>, vector<16xi32>,
      %get3A_117 = vector.shape_cast %get3A_116 : vector<16xi32> to vector<16xi32>
      %sub3A_118 = vector.broadcast %mul3A_0 : i32 to vector<16xi32>
      %sub3A_119 = arith.subi %get3A_117, %sub3A_118 : vector<16xi32>
      %ge3A_120 = arith.constant 0 : i32
      %ge3A_121 = vector.broadcast %ge3A_120 : i32 to vector<16xi32>
      %ge3A_122 = arith.cmpi sge, %sub3A_119, %ge3A_121 : vector<16xi32>
      %lt3A_123 = arith.constant 50000 : i32
      %lt3A_124 = vector.broadcast %lt3A_123 : i32 to vector<16xi32>
      %lt3A_125 = arith.cmpi slt, %sub3A_119, %lt3A_124 : vector<16xi32>
      %and3A_126 = arith.andi %ge3A_122, %lt3A_125 : vector<16xi1>
      %jit3A_127 = arith.constant 50000 : i32
      %broadcast_in_dim3A_128 = vector.broadcast %jit3A_127 : i32 to vector<16xi32>
      %select_n3A_129 = arith.select %and3A_126, %sub3A_119, %broadcast_in_dim3A_128 : vector<16xi1>, vector<16xi32>
      %swap3A_130 = arith.constant 48 : index
      %swap3A_131 = tpu.vector_load %arg8[%swap3A_130] {strides = array<i32>} : memref<80xi32, #tpu.memory_space<vmem>>, vector<16xi32>,
      %swap3A_132 = vector.shape_cast %swap3A_131 : vector<16xi32> to vector<16xi32>
      %swap3A_133 = vector.shape_cast %select_n3A_129 : vector<16xi32> to vector<16xi32>
      tpu.vector_store %arg8[%swap3A_130], %swap3A_133 {strides = array<i32>} : memref<80xi32, #tpu.memory_space<vmem>>, vector<16xi32>,
      %get3A_134 = arith.constant 64 : index
      %get3A_135 = tpu.vector_load %arg7[%get3A_134] {strides = array<i32>} : memref<800xi32, #tpu.memory_space<vmem>>, vector<16xi32>,
      %get3A_136 = vector.shape_cast %get3A_135 : vector<16xi32> to vector<16xi32>
      %sub3A_137 = vector.broadcast %mul3A_0 : i32 to vector<16xi32>
      %sub3A_138 = arith.subi %get3A_136, %sub3A_137 : vector<16xi32>
      %ge3A_139 = arith.constant 0 : i32
      %ge3A_140 = vector.broadcast %ge3A_139 : i32 to vector<16xi32>
      %ge3A_141 = arith.cmpi sge, %sub3A_138, %ge3A_140 : vector<16xi32>
      %lt3A_142 = arith.constant 50000 : i32
      %lt3A_143 = vector.broadcast %lt3A_142 : i32 to vector<16xi32>
      %lt3A_144 = arith.cmpi slt, %sub3A_138, %lt3A_143 : vector<16xi32>
      %and3A_145 = arith.andi %ge3A_141, %lt3A_144 : vector<16xi1>
      %jit3A_146 = arith.constant 50000 : i32
      %broadcast_in_dim3A_147 = vector.broadcast %jit3A_146 : i32 to vector<16xi32>
      %select_n3A_148 = arith.select %and3A_145, %sub3A_138, %broadcast_in_dim3A_147 : vector<16xi1>, vector<16xi32>
      %swap3A_149 = arith.constant 64 : index
      %swap3A_150 = tpu.vector_load %arg8[%swap3A_149] {strides = array<i32>} : memref<80xi32, #tpu.memory_space<vmem>>, vector<16xi32>,
      %swap3A_151 = vector.shape_cast %swap3A_150 : vector<16xi32> to vector<16xi32>
      %swap3A_152 = vector.shape_cast %select_n3A_148 : vector<16xi32> to vector<16xi32>
      tpu.vector_store %arg8[%swap3A_149], %swap3A_152 {strides = array<i32>} : memref<80xi32, #tpu.memory_space<vmem>>, vector<16xi32>,
      %get3A_153 = arith.constant 80 : index
      %get3A_154 = tpu.vector_load %arg7[%get3A_153] {strides = array<i32>} : memref<800xi32, #tpu.memory_space<vmem>>, vector<16xi32>,
      %get3A_155 = vector.shape_cast %get3A_154 : vector<16xi32> to vector<16xi32>
      %sub3A_156 = vector.broadcast %mul3A_0 : i32 to vector<16xi32>
      %sub3A_157 = arith.subi %get3A_155, %sub3A_156 : vector<16xi32>
      %ge3A_158 = arith.constant 0 : i32
      %ge3A_159 = vector.broadcast %ge3A_158 : i32 to vector<16xi32>
      %ge3A_160 = arith.cmpi sge, %sub3A_157, %ge3A_159 : vector<16xi32>
      %lt3A_161 = arith.constant 50000 : i32
      %lt3A_162 = vector.broadcast %lt3A_161 : i32 to vector<16xi32>
      %lt3A_163 = arith.cmpi slt, %sub3A_157, %lt3A_162 : vector<16xi32>
      %and3A_164 = arith.andi %ge3A_160, %lt3A_163 : vector<16xi1>
      %jit3A_165 = arith.constant 50000 : i32
      %broadcast_in_dim3A_166 = vector.broadcast %jit3A_165 : i32 to vector<16xi32>
      %select_n3A_167 = arith.select %and3A_164, %sub3A_157, %broadcast_in_dim3A_166 : vector<16xi1>, vector<16xi32>
      %swap3A_168 = arith.constant 0 : index
      %swap3A_169 = tpu.vector_load %arg9[%swap3A_168] {strides = array<i32>} : memref<80xi32, #tpu.memory_space<vmem>>, vector<16xi32>,
      %swap3A_170 = vector.shape_cast %swap3A_169 : vector<16xi32> to vector<16xi32>
      %swap3A_171 = vector.shape_cast %select_n3A_167 : vector<16xi32> to vector<16xi32>
      tpu.vector_store %arg9[%swap3A_168], %swap3A_171 {strides = array<i32>} : memref<80xi32, #tpu.memory_space<vmem>>, vector<16xi32>,
      %get3A_172 = arith.constant 96 : index
      %get3A_173 = tpu.vector_load %arg7[%get3A_172] {strides = array<i32>} : memref<800xi32, #tpu.memory_space<vmem>>, vector<16xi32>,
      %get3A_174 = vector.shape_cast %get3A_173 : vector<16xi32> to vector<16xi32>
      %sub3A_175 = vector.broadcast %mul3A_0 : i32 to vector<16xi32>
      %sub3A_176 = arith.subi %get3A_174, %sub3A_175 : vector<16xi32>
      %ge3A_177 = arith.constant 0 : i32
      %ge3A_178 = vector.broadcast %ge3A_177 : i32 to vector<16xi32>
      %ge3A_179 = arith.cmpi sge, %sub3A_176, %ge3A_178 : vector<16xi32>
      %lt3A_180 = arith.constant 50000 : i32
      %lt3A_181 = vector.broadcast %lt3A_180 : i32 to vector<16xi32>
      %lt3A_182 = arith.cmpi slt, %sub3A_176, %lt3A_181 : vector<16xi32>
      %and3A_183 = arith.andi %ge3A_179, %lt3A_182 : vector<16xi1>
      %jit3A_184 = arith.constant 50000 : i32
      %broadcast_in_dim3A_185 = vector.broadcast %jit3A_184 : i32 to vector<16xi32>
      %select_n3A_186 = arith.select %and3A_183, %sub3A_176, %broadcast_in_dim3A_185 : vector<16xi1>, vector<16xi32>
      %swap3A_187 = arith.constant 16 : index
      %swap3A_188 = tpu.vector_load %arg9[%swap3A_187] {strides = array<i32>} : memref<80xi32, #tpu.memory_space<vmem>>, vector<16xi32>,
      %swap3A_189 = vector.shape_cast %swap3A_188 : vector<16xi32> to vector<16xi32>
      %swap3A_190 = vector.shape_cast %select_n3A_186 : vector<16xi32> to vector<16xi32>
      tpu.vector_store %arg9[%swap3A_187], %swap3A_190 {strides = array<i32>} : memref<80xi32, #tpu.memory_space<vmem>>, vector<16xi32>,
      %get3A_191 = arith.constant 112 : index
      %get3A_192 = tpu.vector_load %arg7[%get3A_191] {strides = array<i32>} : memref<800xi32, #tpu.memory_space<vmem>>, vector<16xi32>,
      %get3A_193 = vector.shape_cast %get3A_192 : vector<16xi32> to vector<16xi32>
      %sub3A_194 = vector.broadcast %mul3A_0 : i32 to vector<16xi32>
      %sub3A_195 = arith.subi %get3A_193, %sub3A_194 : vector<16xi32>
      %ge3A_196 = arith.constant 0 : i32
      %ge3A_197 = vector.broadcast %ge3A_196 : i32 to vector<16xi32>
      %ge3A_198 = arith.cmpi sge, %sub3A_195, %ge3A_197 : vector<16xi32>
      %lt3A_199 = arith.constant 50000 : i32
      %lt3A_200 = vector.broadcast %lt3A_199 : i32 to vector<16xi32>
      %lt3A_201 = arith.cmpi slt, %sub3A_195, %lt3A_200 : vector<16xi32>
      %and3A_202 = arith.andi %ge3A_198, %lt3A_201 : vector<16xi1>
      %jit3A_203 = arith.constant 50000 : i32
      %broadcast_in_dim3A_204 = vector.broadcast %jit3A_203 : i32 to vector<16xi32>
      %select_n3A_205 = arith.select %and3A_202, %sub3A_195, %broadcast_in_dim3A_204 : vector<16xi1>, vector<16xi32>
      %swap3A_206 = arith.constant 32 : index
      %swap3A_207 = tpu.vector_load %arg9[%swap3A_206] {strides = array<i32>} : memref<80xi32, #tpu.memory_space<vmem>>, vector<16xi32>,
      %swap3A_208 = vector.shape_cast %swap3A_207 : vector<16xi32> to vector<16xi32>
      %swap3A_209 = vector.shape_cast %select_n3A_205 : vector<16xi32> to vector<16xi32>
      tpu.vector_store %arg9[%swap3A_206], %swap3A_209 {strides = array<i32>} : memref<80xi32, #tpu.memory_space<vmem>>, vector<16xi32>,
      %get3A_210 = arith.constant 128 : index
      %get3A_211 = tpu.vector_load %arg7[%get3A_210] {strides = array<i32>} : memref<800xi32, #tpu.memory_space<vmem>>, vector<16xi32>,
      %get3A_212 = vector.shape_cast %get3A_211 : vector<16xi32> to vector<16xi32>
      %sub3A_213 = vector.broadcast %mul3A_0 : i32 to vector<16xi32>
      %sub3A_214 = arith.subi %get3A_212, %sub3A_213 : vector<16xi32>
      %ge3A_215 = arith.constant 0 : i32
      %ge3A_216 = vector.broadcast %ge3A_215 : i32 to vector<16xi32>
      %ge3A_217 = arith.cmpi sge, %sub3A_214, %ge3A_216 : vector<16xi32>
      %lt3A_218 = arith.constant 50000 : i32
      %lt3A_219 = vector.broadcast %lt3A_218 : i32 to vector<16xi32>
      %lt3A_220 = arith.cmpi slt, %sub3A_214, %lt3A_219 : vector<16xi32>
      %and3A_221 = arith.andi %ge3A_217, %lt3A_220 : vector<16xi1>
      %jit3A_222 = arith.constant 50000 : i32
      %broadcast_in_dim3A_223 = vector.broadcast %jit3A_222 : i32 to vector<16xi32>
      %select_n3A_224 = arith.select %and3A_221, %sub3A_214, %broadcast_in_dim3A_223 : vector<16xi1>, vector<16xi32>
      %swap3A_225 = arith.constant 48 : index
      %swap3A_226 = tpu.vector_load %arg9[%swap3A_225] {strides = array<i32>} : memref<80xi32, #tpu.memory_space<vmem>>, vector<16xi32>,
      %swap3A_227 = vector.shape_cast %swap3A_226 : vector<16xi32> to vector<16xi32>
      %swap3A_228 = vector.shape_cast %select_n3A_224 : vector<16xi32> to vector<16xi32>
      tpu.vector_store %arg9[%swap3A_225], %swap3A_228 {strides = array<i32>} : memref<80xi32, #tpu.memory_space<vmem>>, vector<16xi32>,
      %get3A_229 = arith.constant 144 : index
      %get3A_230 = tpu.vector_load %arg7[%get3A_229] {strides = array<i32>} : memref<800xi32, #tpu.memory_space<vmem>>, vector<16xi32>,
      %get3A_231 = vector.shape_cast %get3A_230 : vector<16xi32> to vector<16xi32>
      %sub3A_232 = vector.broadcast %mul3A_0 : i32 to vector<16xi32>
      %sub3A_233 = arith.subi %get3A_231, %sub3A_232 : vector<16xi32>
      %ge3A_234 = arith.constant 0 : i32
      %ge3A_235 = vector.broadcast %ge3A_234 : i32 to vector<16xi32>
      %ge3A_236 = arith.cmpi sge, %sub3A_233, %ge3A_235 : vector<16xi32>
      %lt3A_237 = arith.constant 50000 : i32
      %lt3A_238 = vector.broadcast %lt3A_237 : i32 to vector<16xi32>
      %lt3A_239 = arith.cmpi slt, %sub3A_233, %lt3A_238 : vector<16xi32>
      %and3A_240 = arith.andi %ge3A_236, %lt3A_239 : vector<16xi1>
      %jit3A_241 = arith.constant 50000 : i32
      %broadcast_in_dim3A_242 = vector.broadcast %jit3A_241 : i32 to vector<16xi32>
      %select_n3A_243 = arith.select %and3A_240, %sub3A_233, %broadcast_in_dim3A_242 : vector<16xi1>, vector<16xi32>
      %swap3A_244 = arith.constant 64 : index
      %swap3A_245 = tpu.vector_load %arg9[%swap3A_244] {strides = array<i32>} : memref<80xi32, #tpu.memory_space<vmem>>, vector<16xi32>,
      %swap3A_246 = vector.shape_cast %swap3A_245 : vector<16xi32> to vector<16xi32>
      %swap3A_247 = vector.shape_cast %select_n3A_243 : vector<16xi32> to vector<16xi32>
      tpu.vector_store %arg9[%swap3A_244], %swap3A_247 {strides = array<i32>} : memref<80xi32, #tpu.memory_space<vmem>>, vector<16xi32>,
      %get3A_248 = arith.constant 160 : index
      %get3A_249 = tpu.vector_load %arg7[%get3A_248] {strides = array<i32>} : memref<800xi32, #tpu.memory_space<vmem>>, vector<16xi32>,
      %get3A_250 = vector.shape_cast %get3A_249 : vector<16xi32> to vector<16xi32>
      %sub3A_251 = vector.broadcast %mul3A_0 : i32 to vector<16xi32>
      %sub3A_252 = arith.subi %get3A_250, %sub3A_251 : vector<16xi32>
      %ge3A_253 = arith.constant 0 : i32
      %ge3A_254 = vector.broadcast %ge3A_253 : i32 to vector<16xi32>
      %ge3A_255 = arith.cmpi sge, %sub3A_252, %ge3A_254 : vector<16xi32>
      %lt3A_256 = arith.constant 50000 : i32
      %lt3A_257 = vector.broadcast %lt3A_256 : i32 to vector<16xi32>
      %lt3A_258 = arith.cmpi slt, %sub3A_252, %lt3A_257 : vector<16xi32>
      %and3A_259 = arith.andi %ge3A_255, %lt3A_258 : vector<16xi1>
      %jit3A_260 = arith.constant 50000 : i32
      %broadcast_in_dim3A_261 = vector.broadcast %jit3A_260 : i32 to vector<16xi32>
      %select_n3A_262 = arith.select %and3A_259, %sub3A_252, %broadcast_in_dim3A_261 : vector<16xi1>, vector<16xi32>
      %swap3A_263 = arith.constant 0 : index
      %swap3A_264 = tpu.vector_load %arg10[%swap3A_263] {strides = array<i32>} : memref<80xi32, #tpu.memory_space<vmem>>, vector<16xi32>,
      %swap3A_265 = vector.shape_cast %swap3A_264 : vector<16xi32> to vector<16xi32>
      %swap3A_266 = vector.shape_cast %select_n3A_262 : vector<16xi32> to vector<16xi32>
      tpu.vector_store %arg10[%swap3A_263], %swap3A_266 {strides = array<i32>} : memref<80xi32, #tpu.memory_space<vmem>>, vector<16xi32>,
      %get3A_267 = arith.constant 176 : index
      %get3A_268 = tpu.vector_load %arg7[%get3A_267] {strides = array<i32>} : memref<800xi32, #tpu.memory_space<vmem>>, vector<16xi32>,
      %get3A_269 = vector.shape_cast %get3A_268 : vector<16xi32> to vector<16xi32>
      %sub3A_270 = vector.broadcast %mul3A_0 : i32 to vector<16xi32>
      %sub3A_271 = arith.subi %get3A_269, %sub3A_270 : vector<16xi32>
      %ge3A_272 = arith.constant 0 : i32
      %ge3A_273 = vector.broadcast %ge3A_272 : i32 to vector<16xi32>
      %ge3A_274 = arith.cmpi sge, %sub3A_271, %ge3A_273 : vector<16xi32>
      %lt3A_275 = arith.constant 50000 : i32
      %lt3A_276 = vector.broadcast %lt3A_275 : i32 to vector<16xi32>
      %lt3A_277 = arith.cmpi slt, %sub3A_271, %lt3A_276 : vector<16xi32>
      %and3A_278 = arith.andi %ge3A_274, %lt3A_277 : vector<16xi1>
      %jit3A_279 = arith.constant 50000 : i32
      %broadcast_in_dim3A_280 = vector.broadcast %jit3A_279 : i32 to vector<16xi32>
      %select_n3A_281 = arith.select %and3A_278, %sub3A_271, %broadcast_in_dim3A_280 : vector<16xi1>, vector<16xi32>
      %swap3A_282 = arith.constant 16 : index
      %swap3A_283 = tpu.vector_load %arg10[%swap3A_282] {strides = array<i32>} : memref<80xi32, #tpu.memory_space<vmem>>, vector<16xi32>,
      %swap3A_284 = vector.shape_cast %swap3A_283 : vector<16xi32> to vector<16xi32>
      %swap3A_285 = vector.shape_cast %select_n3A_281 : vector<16xi32> to vector<16xi32>
      tpu.vector_store %arg10[%swap3A_282], %swap3A_285 {strides = array<i32>} : memref<80xi32, #tpu.memory_space<vmem>>, vector<16xi32>,
      %get3A_286 = arith.constant 192 : index
      %get3A_287 = tpu.vector_load %arg7[%get3A_286] {strides = array<i32>} : memref<800xi32, #tpu.memory_space<vmem>>, vector<16xi32>,
      %get3A_288 = vector.shape_cast %get3A_287 : vector<16xi32> to vector<16xi32>
      %sub3A_289 = vector.broadcast %mul3A_0 : i32 to vector<16xi32>
      %sub3A_290 = arith.subi %get3A_288, %sub3A_289 : vector<16xi32>
      %ge3A_291 = arith.constant 0 : i32
      %ge3A_292 = vector.broadcast %ge3A_291 : i32 to vector<16xi32>
      %ge3A_293 = arith.cmpi sge, %sub3A_290, %ge3A_292 : vector<16xi32>
      %lt3A_294 = arith.constant 50000 : i32
      %lt3A_295 = vector.broadcast %lt3A_294 : i32 to vector<16xi32>
      %lt3A_296 = arith.cmpi slt, %sub3A_290, %lt3A_295 : vector<16xi32>
      %and3A_297 = arith.andi %ge3A_293, %lt3A_296 : vector<16xi1>
      %jit3A_298 = arith.constant 50000 : i32
      %broadcast_in_dim3A_299 = vector.broadcast %jit3A_298 : i32 to vector<16xi32>
      %select_n3A_300 = arith.select %and3A_297, %sub3A_290, %broadcast_in_dim3A_299 : vector<16xi1>, vector<16xi32>
      %swap3A_301 = arith.constant 32 : index
      %swap3A_302 = tpu.vector_load %arg10[%swap3A_301] {strides = array<i32>} : memref<80xi32, #tpu.memory_space<vmem>>, vector<16xi32>,
      %swap3A_303 = vector.shape_cast %swap3A_302 : vector<16xi32> to vector<16xi32>
      %swap3A_304 = vector.shape_cast %select_n3A_300 : vector<16xi32> to vector<16xi32>
      tpu.vector_store %arg10[%swap3A_301], %swap3A_304 {strides = array<i32>} : memref<80xi32, #tpu.memory_space<vmem>>, vector<16xi32>,
      %get3A_305 = arith.constant 208 : index
      %get3A_306 = tpu.vector_load %arg7[%get3A_305] {strides = array<i32>} : memref<800xi32, #tpu.memory_space<vmem>>, vector<16xi32>,
      %get3A_307 = vector.shape_cast %get3A_306 : vector<16xi32> to vector<16xi32>
      %sub3A_308 = vector.broadcast %mul3A_0 : i32 to vector<16xi32>
      %sub3A_309 = arith.subi %get3A_307, %sub3A_308 : vector<16xi32>
      %ge3A_310 = arith.constant 0 : i32
      %ge3A_311 = vector.broadcast %ge3A_310 : i32 to vector<16xi32>
      %ge3A_312 = arith.cmpi sge, %sub3A_309, %ge3A_311 : vector<16xi32>
      %lt3A_313 = arith.constant 50000 : i32
      %lt3A_314 = vector.broadcast %lt3A_313 : i32 to vector<16xi32>
      %lt3A_315 = arith.cmpi slt, %sub3A_309, %lt3A_314 : vector<16xi32>
      %and3A_316 = arith.andi %ge3A_312, %lt3A_315 : vector<16xi1>
      %jit3A_317 = arith.constant 50000 : i32
      %broadcast_in_dim3A_318 = vector.broadcast %jit3A_317 : i32 to vector<16xi32>
      %select_n3A_319 = arith.select %and3A_316, %sub3A_309, %broadcast_in_dim3A_318 : vector<16xi1>, vector<16xi32>
      %swap3A_320 = arith.constant 48 : index
      %swap3A_321 = tpu.vector_load %arg10[%swap3A_320] {strides = array<i32>} : memref<80xi32, #tpu.memory_space<vmem>>, vector<16xi32>,
      %swap3A_322 = vector.shape_cast %swap3A_321 : vector<16xi32> to vector<16xi32>
      %swap3A_323 = vector.shape_cast %select_n3A_319 : vector<16xi32> to vector<16xi32>
      tpu.vector_store %arg10[%swap3A_320], %swap3A_323 {strides = array<i32>} : memref<80xi32, #tpu.memory_space<vmem>>, vector<16xi32>,
      %get3A_324 = arith.constant 224 : index
      %get3A_325 = tpu.vector_load %arg7[%get3A_324] {strides = array<i32>} : memref<800xi32, #tpu.memory_space<vmem>>, vector<16xi32>,
      %get3A_326 = vector.shape_cast %get3A_325 : vector<16xi32> to vector<16xi32>
      %sub3A_327 = vector.broadcast %mul3A_0 : i32 to vector<16xi32>
      %sub3A_328 = arith.subi %get3A_326, %sub3A_327 : vector<16xi32>
      %ge3A_329 = arith.constant 0 : i32
      %ge3A_330 = vector.broadcast %ge3A_329 : i32 to vector<16xi32>
      %ge3A_331 = arith.cmpi sge, %sub3A_328, %ge3A_330 : vector<16xi32>
      %lt3A_332 = arith.constant 50000 : i32
      %lt3A_333 = vector.broadcast %lt3A_332 : i32 to vector<16xi32>
      %lt3A_334 = arith.cmpi slt, %sub3A_328, %lt3A_333 : vector<16xi32>
      %and3A_335 = arith.andi %ge3A_331, %lt3A_334 : vector<16xi1>
      %jit3A_336 = arith.constant 50000 : i32
      %broadcast_in_dim3A_337 = vector.broadcast %jit3A_336 : i32 to vector<16xi32>
      %select_n3A_338 = arith.select %and3A_335, %sub3A_328, %broadcast_in_dim3A_337 : vector<16xi1>, vector<16xi32>
      %swap3A_339 = arith.constant 64 : index
      %swap3A_340 = tpu.vector_load %arg10[%swap3A_339] {strides = array<i32>} : memref<80xi32, #tpu.memory_space<vmem>>, vector<16xi32>,
      %swap3A_341 = vector.shape_cast %swap3A_340 : vector<16xi32> to vector<16xi32>
      %swap3A_342 = vector.shape_cast %select_n3A_338 : vector<16xi32> to vector<16xi32>
      tpu.vector_store %arg10[%swap3A_339], %swap3A_342 {strides = array<i32>} : memref<80xi32, #tpu.memory_space<vmem>>, vector<16xi32>,
      %get3A_343 = arith.constant 240 : index
      %get3A_344 = tpu.vector_load %arg7[%get3A_343] {strides = array<i32>} : memref<800xi32, #tpu.memory_space<vmem>>, vector<16xi32>,
      %get3A_345 = vector.shape_cast %get3A_344 : vector<16xi32> to vector<16xi32>
      %sub3A_346 = vector.broadcast %mul3A_0 : i32 to vector<16xi32>
      %sub3A_347 = arith.subi %get3A_345, %sub3A_346 : vector<16xi32>
      %ge3A_348 = arith.constant 0 : i32
      %ge3A_349 = vector.broadcast %ge3A_348 : i32 to vector<16xi32>
      %ge3A_350 = arith.cmpi sge, %sub3A_347, %ge3A_349 : vector<16xi32>
      %lt3A_351 = arith.constant 50000 : i32
      %lt3A_352 = vector.broadcast %lt3A_351 : i32 to vector<16xi32>
      %lt3A_353 = arith.cmpi slt, %sub3A_347, %lt3A_352 : vector<16xi32>
      %and3A_354 = arith.andi %ge3A_350, %lt3A_353 : vector<16xi1>
      %jit3A_355 = arith.constant 50000 : i32
      %broadcast_in_dim3A_356 = vector.broadcast %jit3A_355 : i32 to vector<16xi32>
      %select_n3A_357 = arith.select %and3A_354, %sub3A_347, %broadcast_in_dim3A_356 : vector<16xi1>, vector<16xi32>
      %swap3A_358 = arith.constant 0 : index
      %swap3A_359 = tpu.vector_load %arg11[%swap3A_358] {strides = array<i32>} : memref<80xi32, #tpu.memory_space<vmem>>, vector<16xi32>,
      %swap3A_360 = vector.shape_cast %swap3A_359 : vector<16xi32> to vector<16xi32>
      %swap3A_361 = vector.shape_cast %select_n3A_357 : vector<16xi32> to vector<16xi32>
      tpu.vector_store %arg11[%swap3A_358], %swap3A_361 {strides = array<i32>} : memref<80xi32, #tpu.memory_space<vmem>>, vector<16xi32>,
      %get3A_362 = arith.constant 256 : index
      %get3A_363 = tpu.vector_load %arg7[%get3A_362] {strides = array<i32>} : memref<800xi32, #tpu.memory_space<vmem>>, vector<16xi32>,
      %get3A_364 = vector.shape_cast %get3A_363 : vector<16xi32> to vector<16xi32>
      %sub3A_365 = vector.broadcast %mul3A_0 : i32 to vector<16xi32>
      %sub3A_366 = arith.subi %get3A_364, %sub3A_365 : vector<16xi32>
      %ge3A_367 = arith.constant 0 : i32
      %ge3A_368 = vector.broadcast %ge3A_367 : i32 to vector<16xi32>
      %ge3A_369 = arith.cmpi sge, %sub3A_366, %ge3A_368 : vector<16xi32>
      %lt3A_370 = arith.constant 50000 : i32
      %lt3A_371 = vector.broadcast %lt3A_370 : i32 to vector<16xi32>
      %lt3A_372 = arith.cmpi slt, %sub3A_366, %lt3A_371 : vector<16xi32>
      %and3A_373 = arith.andi %ge3A_369, %lt3A_372 : vector<16xi1>
      %jit3A_374 = arith.constant 50000 : i32
      %broadcast_in_dim3A_375 = vector.broadcast %jit3A_374 : i32 to vector<16xi32>
      %select_n3A_376 = arith.select %and3A_373, %sub3A_366, %broadcast_in_dim3A_375 : vector<16xi1>, vector<16xi32>
      %swap3A_377 = arith.constant 16 : index
      %swap3A_378 = tpu.vector_load %arg11[%swap3A_377] {strides = array<i32>} : memref<80xi32, #tpu.memory_space<vmem>>, vector<16xi32>,
      %swap3A_379 = vector.shape_cast %swap3A_378 : vector<16xi32> to vector<16xi32>
      %swap3A_380 = vector.shape_cast %select_n3A_376 : vector<16xi32> to vector<16xi32>
      tpu.vector_store %arg11[%swap3A_377], %swap3A_380 {strides = array<i32>} : memref<80xi32, #tpu.memory_space<vmem>>, vector<16xi32>,
      %get3A_381 = arith.constant 272 : index
      %get3A_382 = tpu.vector_load %arg7[%get3A_381] {strides = array<i32>} : memref<800xi32, #tpu.memory_space<vmem>>, vector<16xi32>,
      %get3A_383 = vector.shape_cast %get3A_382 : vector<16xi32> to vector<16xi32>
      %sub3A_384 = vector.broadcast %mul3A_0 : i32 to vector<16xi32>
      %sub3A_385 = arith.subi %get3A_383, %sub3A_384 : vector<16xi32>
      %ge3A_386 = arith.constant 0 : i32
      %ge3A_387 = vector.broadcast %ge3A_386 : i32 to vector<16xi32>
      %ge3A_388 = arith.cmpi sge, %sub3A_385, %ge3A_387 : vector<16xi32>
      %lt3A_389 = arith.constant 50000 : i32
      %lt3A_390 = vector.broadcast %lt3A_389 : i32 to vector<16xi32>
      %lt3A_391 = arith.cmpi slt, %sub3A_385, %lt3A_390 : vector<16xi32>
      %and3A_392 = arith.andi %ge3A_388, %lt3A_391 : vector<16xi1>
      %jit3A_393 = arith.constant 50000 : i32
      %broadcast_in_dim3A_394 = vector.broadcast %jit3A_393 : i32 to vector<16xi32>
      %select_n3A_395 = arith.select %and3A_392, %sub3A_385, %broadcast_in_dim3A_394 : vector<16xi1>, vector<16xi32>
      %swap3A_396 = arith.constant 32 : index
      %swap3A_397 = tpu.vector_load %arg11[%swap3A_396] {strides = array<i32>} : memref<80xi32, #tpu.memory_space<vmem>>, vector<16xi32>,
      %swap3A_398 = vector.shape_cast %swap3A_397 : vector<16xi32> to vector<16xi32>
      %swap3A_399 = vector.shape_cast %select_n3A_395 : vector<16xi32> to vector<16xi32>
      tpu.vector_store %arg11[%swap3A_396], %swap3A_399 {strides = array<i32>} : memref<80xi32, #tpu.memory_space<vmem>>, vector<16xi32>,
      %get3A_400 = arith.constant 288 : index
      %get3A_401 = tpu.vector_load %arg7[%get3A_400] {strides = array<i32>} : memref<800xi32, #tpu.memory_space<vmem>>, vector<16xi32>,
      %get3A_402 = vector.shape_cast %get3A_401 : vector<16xi32> to vector<16xi32>
      %sub3A_403 = vector.broadcast %mul3A_0 : i32 to vector<16xi32>
      %sub3A_404 = arith.subi %get3A_402, %sub3A_403 : vector<16xi32>
      %ge3A_405 = arith.constant 0 : i32
      %ge3A_406 = vector.broadcast %ge3A_405 : i32 to vector<16xi32>
      %ge3A_407 = arith.cmpi sge, %sub3A_404, %ge3A_406 : vector<16xi32>
      %lt3A_408 = arith.constant 50000 : i32
      %lt3A_409 = vector.broadcast %lt3A_408 : i32 to vector<16xi32>
      %lt3A_410 = arith.cmpi slt, %sub3A_404, %lt3A_409 : vector<16xi32>
      %and3A_411 = arith.andi %ge3A_407, %lt3A_410 : vector<16xi1>
      %jit3A_412 = arith.constant 50000 : i32
      %broadcast_in_dim3A_413 = vector.broadcast %jit3A_412 : i32 to vector<16xi32>
      %select_n3A_414 = arith.select %and3A_411, %sub3A_404, %broadcast_in_dim3A_413 : vector<16xi1>, vector<16xi32>
      %swap3A_415 = arith.constant 48 : index
      %swap3A_416 = tpu.vector_load %arg11[%swap3A_415] {strides = array<i32>} : memref<80xi32, #tpu.memory_space<vmem>>, vector<16xi32>,
      %swap3A_417 = vector.shape_cast %swap3A_416 : vector<16xi32> to vector<16xi32>
      %swap3A_418 = vector.shape_cast %select_n3A_414 : vector<16xi32> to vector<16xi32>
      tpu.vector_store %arg11[%swap3A_415], %swap3A_418 {strides = array<i32>} : memref<80xi32, #tpu.memory_space<vmem>>, vector<16xi32>,
      %get3A_419 = arith.constant 304 : index
      %get3A_420 = tpu.vector_load %arg7[%get3A_419] {strides = array<i32>} : memref<800xi32, #tpu.memory_space<vmem>>, vector<16xi32>,
      %get3A_421 = vector.shape_cast %get3A_420 : vector<16xi32> to vector<16xi32>
      %sub3A_422 = vector.broadcast %mul3A_0 : i32 to vector<16xi32>
      %sub3A_423 = arith.subi %get3A_421, %sub3A_422 : vector<16xi32>
      %ge3A_424 = arith.constant 0 : i32
      %ge3A_425 = vector.broadcast %ge3A_424 : i32 to vector<16xi32>
      %ge3A_426 = arith.cmpi sge, %sub3A_423, %ge3A_425 : vector<16xi32>
      %lt3A_427 = arith.constant 50000 : i32
      %lt3A_428 = vector.broadcast %lt3A_427 : i32 to vector<16xi32>
      %lt3A_429 = arith.cmpi slt, %sub3A_423, %lt3A_428 : vector<16xi32>
      %and3A_430 = arith.andi %ge3A_426, %lt3A_429 : vector<16xi1>
      %jit3A_431 = arith.constant 50000 : i32
      %broadcast_in_dim3A_432 = vector.broadcast %jit3A_431 : i32 to vector<16xi32>
      %select_n3A_433 = arith.select %and3A_430, %sub3A_423, %broadcast_in_dim3A_432 : vector<16xi1>, vector<16xi32>
      %swap3A_434 = arith.constant 64 : index
      %swap3A_435 = tpu.vector_load %arg11[%swap3A_434] {strides = array<i32>} : memref<80xi32, #tpu.memory_space<vmem>>, vector<16xi32>,
      %swap3A_436 = vector.shape_cast %swap3A_435 : vector<16xi32> to vector<16xi32>
      %swap3A_437 = vector.shape_cast %select_n3A_433 : vector<16xi32> to vector<16xi32>
      tpu.vector_store %arg11[%swap3A_434], %swap3A_437 {strides = array<i32>} : memref<80xi32, #tpu.memory_space<vmem>>, vector<16xi32>,
      %get3A_438 = arith.constant 320 : index
      %get3A_439 = tpu.vector_load %arg7[%get3A_438] {strides = array<i32>} : memref<800xi32, #tpu.memory_space<vmem>>, vector<16xi32>,
      %get3A_440 = vector.shape_cast %get3A_439 : vector<16xi32> to vector<16xi32>
      %sub3A_441 = vector.broadcast %mul3A_0 : i32 to vector<16xi32>
      %sub3A_442 = arith.subi %get3A_440, %sub3A_441 : vector<16xi32>
      %ge3A_443 = arith.constant 0 : i32
      %ge3A_444 = vector.broadcast %ge3A_443 : i32 to vector<16xi32>
      %ge3A_445 = arith.cmpi sge, %sub3A_442, %ge3A_444 : vector<16xi32>
      %lt3A_446 = arith.constant 50000 : i32
      %lt3A_447 = vector.broadcast %lt3A_446 : i32 to vector<16xi32>
      %lt3A_448 = arith.cmpi slt, %sub3A_442, %lt3A_447 : vector<16xi32>
      %and3A_449 = arith.andi %ge3A_445, %lt3A_448 : vector<16xi1>
      %jit3A_450 = arith.constant 50000 : i32
      %broadcast_in_dim3A_451 = vector.broadcast %jit3A_450 : i32 to vector<16xi32>
      %select_n3A_452 = arith.select %and3A_449, %sub3A_442, %broadcast_in_dim3A_451 : vector<16xi1>, vector<16xi32>
      %swap3A_453 = arith.constant 0 : index
      %swap3A_454 = tpu.vector_load %arg12[%swap3A_453] {strides = array<i32>} : memref<80xi32, #tpu.memory_space<vmem>>, vector<16xi32>,
      %swap3A_455 = vector.shape_cast %swap3A_454 : vector<16xi32> to vector<16xi32>
      %swap3A_456 = vector.shape_cast %select_n3A_452 : vector<16xi32> to vector<16xi32>
      tpu.vector_store %arg12[%swap3A_453], %swap3A_456 {strides = array<i32>} : memref<80xi32, #tpu.memory_space<vmem>>, vector<16xi32>,
      %get3A_457 = arith.constant 336 : index
      %get3A_458 = tpu.vector_load %arg7[%get3A_457] {strides = array<i32>} : memref<800xi32, #tpu.memory_space<vmem>>, vector<16xi32>,
      %get3A_459 = vector.shape_cast %get3A_458 : vector<16xi32> to vector<16xi32>
      %sub3A_460 = vector.broadcast %mul3A_0 : i32 to vector<16xi32>
      %sub3A_461 = arith.subi %get3A_459, %sub3A_460 : vector<16xi32>
      %ge3A_462 = arith.constant 0 : i32
      %ge3A_463 = vector.broadcast %ge3A_462 : i32 to vector<16xi32>
      %ge3A_464 = arith.cmpi sge, %sub3A_461, %ge3A_463 : vector<16xi32>
      %lt3A_465 = arith.constant 50000 : i32
      %lt3A_466 = vector.broadcast %lt3A_465 : i32 to vector<16xi32>
      %lt3A_467 = arith.cmpi slt, %sub3A_461, %lt3A_466 : vector<16xi32>
      %and3A_468 = arith.andi %ge3A_464, %lt3A_467 : vector<16xi1>
      %jit3A_469 = arith.constant 50000 : i32
      %broadcast_in_dim3A_470 = vector.broadcast %jit3A_469 : i32 to vector<16xi32>
      %select_n3A_471 = arith.select %and3A_468, %sub3A_461, %broadcast_in_dim3A_470 : vector<16xi1>, vector<16xi32>
      %swap3A_472 = arith.constant 16 : index
      %swap3A_473 = tpu.vector_load %arg12[%swap3A_472] {strides = array<i32>} : memref<80xi32, #tpu.memory_space<vmem>>, vector<16xi32>,
      %swap3A_474 = vector.shape_cast %swap3A_473 : vector<16xi32> to vector<16xi32>
      %swap3A_475 = vector.shape_cast %select_n3A_471 : vector<16xi32> to vector<16xi32>
      tpu.vector_store %arg12[%swap3A_472], %swap3A_475 {strides = array<i32>} : memref<80xi32, #tpu.memory_space<vmem>>, vector<16xi32>,
      %get3A_476 = arith.constant 352 : index
      %get3A_477 = tpu.vector_load %arg7[%get3A_476] {strides = array<i32>} : memref<800xi32, #tpu.memory_space<vmem>>, vector<16xi32>,
      %get3A_478 = vector.shape_cast %get3A_477 : vector<16xi32> to vector<16xi32>
      %sub3A_479 = vector.broadcast %mul3A_0 : i32 to vector<16xi32>
      %sub3A_480 = arith.subi %get3A_478, %sub3A_479 : vector<16xi32>
      %ge3A_481 = arith.constant 0 : i32
      %ge3A_482 = vector.broadcast %ge3A_481 : i32 to vector<16xi32>
      %ge3A_483 = arith.cmpi sge, %sub3A_480, %ge3A_482 : vector<16xi32>
      %lt3A_484 = arith.constant 50000 : i32
      %lt3A_485 = vector.broadcast %lt3A_484 : i32 to vector<16xi32>
      %lt3A_486 = arith.cmpi slt, %sub3A_480, %lt3A_485 : vector<16xi32>
      %and3A_487 = arith.andi %ge3A_483, %lt3A_486 : vector<16xi1>
      %jit3A_488 = arith.constant 50000 : i32
      %broadcast_in_dim3A_489 = vector.broadcast %jit3A_488 : i32 to vector<16xi32>
      %select_n3A_490 = arith.select %and3A_487, %sub3A_480, %broadcast_in_dim3A_489 : vector<16xi1>, vector<16xi32>
      %swap3A_491 = arith.constant 32 : index
      %swap3A_492 = tpu.vector_load %arg12[%swap3A_491] {strides = array<i32>} : memref<80xi32, #tpu.memory_space<vmem>>, vector<16xi32>,
      %swap3A_493 = vector.shape_cast %swap3A_492 : vector<16xi32> to vector<16xi32>
      %swap3A_494 = vector.shape_cast %select_n3A_490 : vector<16xi32> to vector<16xi32>
      tpu.vector_store %arg12[%swap3A_491], %swap3A_494 {strides = array<i32>} : memref<80xi32, #tpu.memory_space<vmem>>, vector<16xi32>,
      %get3A_495 = arith.constant 368 : index
      %get3A_496 = tpu.vector_load %arg7[%get3A_495] {strides = array<i32>} : memref<800xi32, #tpu.memory_space<vmem>>, vector<16xi32>,
      %get3A_497 = vector.shape_cast %get3A_496 : vector<16xi32> to vector<16xi32>
      %sub3A_498 = vector.broadcast %mul3A_0 : i32 to vector<16xi32>
      %sub3A_499 = arith.subi %get3A_497, %sub3A_498 : vector<16xi32>
      %ge3A_500 = arith.constant 0 : i32
      %ge3A_501 = vector.broadcast %ge3A_500 : i32 to vector<16xi32>
      %ge3A_502 = arith.cmpi sge, %sub3A_499, %ge3A_501 : vector<16xi32>
      %lt3A_503 = arith.constant 50000 : i32
      %lt3A_504 = vector.broadcast %lt3A_503 : i32 to vector<16xi32>
      %lt3A_505 = arith.cmpi slt, %sub3A_499, %lt3A_504 : vector<16xi32>
      %and3A_506 = arith.andi %ge3A_502, %lt3A_505 : vector<16xi1>
      %jit3A_507 = arith.constant 50000 : i32
      %broadcast_in_dim3A_508 = vector.broadcast %jit3A_507 : i32 to vector<16xi32>
      %select_n3A_509 = arith.select %and3A_506, %sub3A_499, %broadcast_in_dim3A_508 : vector<16xi1>, vector<16xi32>
      %swap3A_510 = arith.constant 48 : index
      %swap3A_511 = tpu.vector_load %arg12[%swap3A_510] {strides = array<i32>} : memref<80xi32, #tpu.memory_space<vmem>>, vector<16xi32>,
      %swap3A_512 = vector.shape_cast %swap3A_511 : vector<16xi32> to vector<16xi32>
      %swap3A_513 = vector.shape_cast %select_n3A_509 : vector<16xi32> to vector<16xi32>
      tpu.vector_store %arg12[%swap3A_510], %swap3A_513 {strides = array<i32>} : memref<80xi32, #tpu.memory_space<vmem>>, vector<16xi32>,
      %get3A_514 = arith.constant 384 : index
      %get3A_515 = tpu.vector_load %arg7[%get3A_514] {strides = array<i32>} : memref<800xi32, #tpu.memory_space<vmem>>, vector<16xi32>,
      %get3A_516 = vector.shape_cast %get3A_515 : vector<16xi32> to vector<16xi32>
      %sub3A_517 = vector.broadcast %mul3A_0 : i32 to vector<16xi32>
      %sub3A_518 = arith.subi %get3A_516, %sub3A_517 : vector<16xi32>
      %ge3A_519 = arith.constant 0 : i32
      %ge3A_520 = vector.broadcast %ge3A_519 : i32 to vector<16xi32>
      %ge3A_521 = arith.cmpi sge, %sub3A_518, %ge3A_520 : vector<16xi32>
      %lt3A_522 = arith.constant 50000 : i32
      %lt3A_523 = vector.broadcast %lt3A_522 : i32 to vector<16xi32>
      %lt3A_524 = arith.cmpi slt, %sub3A_518, %lt3A_523 : vector<16xi32>
      %and3A_525 = arith.andi %ge3A_521, %lt3A_524 : vector<16xi1>
      %jit3A_526 = arith.constant 50000 : i32
      %broadcast_in_dim3A_527 = vector.broadcast %jit3A_526 : i32 to vector<16xi32>
      %select_n3A_528 = arith.select %and3A_525, %sub3A_518, %broadcast_in_dim3A_527 : vector<16xi1>, vector<16xi32>
      %swap3A_529 = arith.constant 64 : index
      %swap3A_530 = tpu.vector_load %arg12[%swap3A_529] {strides = array<i32>} : memref<80xi32, #tpu.memory_space<vmem>>, vector<16xi32>,
      %swap3A_531 = vector.shape_cast %swap3A_530 : vector<16xi32> to vector<16xi32>
      %swap3A_532 = vector.shape_cast %select_n3A_528 : vector<16xi32> to vector<16xi32>
      tpu.vector_store %arg12[%swap3A_529], %swap3A_532 {strides = array<i32>} : memref<80xi32, #tpu.memory_space<vmem>>, vector<16xi32>,
      %get3A_533 = arith.constant 400 : index
      %get3A_534 = tpu.vector_load %arg7[%get3A_533] {strides = array<i32>} : memref<800xi32, #tpu.memory_space<vmem>>, vector<16xi32>,
      %get3A_535 = vector.shape_cast %get3A_534 : vector<16xi32> to vector<16xi32>
      %sub3A_536 = vector.broadcast %mul3A_0 : i32 to vector<16xi32>
      %sub3A_537 = arith.subi %get3A_535, %sub3A_536 : vector<16xi32>
      %ge3A_538 = arith.constant 0 : i32
      %ge3A_539 = vector.broadcast %ge3A_538 : i32 to vector<16xi32>
      %ge3A_540 = arith.cmpi sge, %sub3A_537, %ge3A_539 : vector<16xi32>
      %lt3A_541 = arith.constant 50000 : i32
      %lt3A_542 = vector.broadcast %lt3A_541 : i32 to vector<16xi32>
      %lt3A_543 = arith.cmpi slt, %sub3A_537, %lt3A_542 : vector<16xi32>
      %and3A_544 = arith.andi %ge3A_540, %lt3A_543 : vector<16xi1>
      %jit3A_545 = arith.constant 50000 : i32
      %broadcast_in_dim3A_546 = vector.broadcast %jit3A_545 : i32 to vector<16xi32>
      %select_n3A_547 = arith.select %and3A_544, %sub3A_537, %broadcast_in_dim3A_546 : vector<16xi1>, vector<16xi32>
      %swap3A_548 = arith.constant 0 : index
      %swap3A_549 = tpu.vector_load %arg13[%swap3A_548] {strides = array<i32>} : memref<80xi32, #tpu.memory_space<vmem>>, vector<16xi32>,
      %swap3A_550 = vector.shape_cast %swap3A_549 : vector<16xi32> to vector<16xi32>
      %swap3A_551 = vector.shape_cast %select_n3A_547 : vector<16xi32> to vector<16xi32>
      tpu.vector_store %arg13[%swap3A_548], %swap3A_551 {strides = array<i32>} : memref<80xi32, #tpu.memory_space<vmem>>, vector<16xi32>,
      %get3A_552 = arith.constant 416 : index
      %get3A_553 = tpu.vector_load %arg7[%get3A_552] {strides = array<i32>} : memref<800xi32, #tpu.memory_space<vmem>>, vector<16xi32>,
      %get3A_554 = vector.shape_cast %get3A_553 : vector<16xi32> to vector<16xi32>
      %sub3A_555 = vector.broadcast %mul3A_0 : i32 to vector<16xi32>
      %sub3A_556 = arith.subi %get3A_554, %sub3A_555 : vector<16xi32>
      %ge3A_557 = arith.constant 0 : i32
      %ge3A_558 = vector.broadcast %ge3A_557 : i32 to vector<16xi32>
      %ge3A_559 = arith.cmpi sge, %sub3A_556, %ge3A_558 : vector<16xi32>
      %lt3A_560 = arith.constant 50000 : i32
      %lt3A_561 = vector.broadcast %lt3A_560 : i32 to vector<16xi32>
      %lt3A_562 = arith.cmpi slt, %sub3A_556, %lt3A_561 : vector<16xi32>
      %and3A_563 = arith.andi %ge3A_559, %lt3A_562 : vector<16xi1>
      %jit3A_564 = arith.constant 50000 : i32
      %broadcast_in_dim3A_565 = vector.broadcast %jit3A_564 : i32 to vector<16xi32>
      %select_n3A_566 = arith.select %and3A_563, %sub3A_556, %broadcast_in_dim3A_565 : vector<16xi1>, vector<16xi32>
      %swap3A_567 = arith.constant 16 : index
      %swap3A_568 = tpu.vector_load %arg13[%swap3A_567] {strides = array<i32>} : memref<80xi32, #tpu.memory_space<vmem>>, vector<16xi32>,
      %swap3A_569 = vector.shape_cast %swap3A_568 : vector<16xi32> to vector<16xi32>
      %swap3A_570 = vector.shape_cast %select_n3A_566 : vector<16xi32> to vector<16xi32>
      tpu.vector_store %arg13[%swap3A_567], %swap3A_570 {strides = array<i32>} : memref<80xi32, #tpu.memory_space<vmem>>, vector<16xi32>,
      %get3A_571 = arith.constant 432 : index
      %get3A_572 = tpu.vector_load %arg7[%get3A_571] {strides = array<i32>} : memref<800xi32, #tpu.memory_space<vmem>>, vector<16xi32>,
      %get3A_573 = vector.shape_cast %get3A_572 : vector<16xi32> to vector<16xi32>
      %sub3A_574 = vector.broadcast %mul3A_0 : i32 to vector<16xi32>
      %sub3A_575 = arith.subi %get3A_573, %sub3A_574 : vector<16xi32>
      %ge3A_576 = arith.constant 0 : i32
      %ge3A_577 = vector.broadcast %ge3A_576 : i32 to vector<16xi32>
      %ge3A_578 = arith.cmpi sge, %sub3A_575, %ge3A_577 : vector<16xi32>
      %lt3A_579 = arith.constant 50000 : i32
      %lt3A_580 = vector.broadcast %lt3A_579 : i32 to vector<16xi32>
      %lt3A_581 = arith.cmpi slt, %sub3A_575, %lt3A_580 : vector<16xi32>
      %and3A_582 = arith.andi %ge3A_578, %lt3A_581 : vector<16xi1>
      %jit3A_583 = arith.constant 50000 : i32
      %broadcast_in_dim3A_584 = vector.broadcast %jit3A_583 : i32 to vector<16xi32>
      %select_n3A_585 = arith.select %and3A_582, %sub3A_575, %broadcast_in_dim3A_584 : vector<16xi1>, vector<16xi32>
      %swap3A_586 = arith.constant 32 : index
      %swap3A_587 = tpu.vector_load %arg13[%swap3A_586] {strides = array<i32>} : memref<80xi32, #tpu.memory_space<vmem>>, vector<16xi32>,
      %swap3A_588 = vector.shape_cast %swap3A_587 : vector<16xi32> to vector<16xi32>
      %swap3A_589 = vector.shape_cast %select_n3A_585 : vector<16xi32> to vector<16xi32>
      tpu.vector_store %arg13[%swap3A_586], %swap3A_589 {strides = array<i32>} : memref<80xi32, #tpu.memory_space<vmem>>, vector<16xi32>,
      %get3A_590 = arith.constant 448 : index
      %get3A_591 = tpu.vector_load %arg7[%get3A_590] {strides = array<i32>} : memref<800xi32, #tpu.memory_space<vmem>>, vector<16xi32>,
      %get3A_592 = vector.shape_cast %get3A_591 : vector<16xi32> to vector<16xi32>
      %sub3A_593 = vector.broadcast %mul3A_0 : i32 to vector<16xi32>
      %sub3A_594 = arith.subi %get3A_592, %sub3A_593 : vector<16xi32>
      %ge3A_595 = arith.constant 0 : i32
      %ge3A_596 = vector.broadcast %ge3A_595 : i32 to vector<16xi32>
      %ge3A_597 = arith.cmpi sge, %sub3A_594, %ge3A_596 : vector<16xi32>
      %lt3A_598 = arith.constant 50000 : i32
      %lt3A_599 = vector.broadcast %lt3A_598 : i32 to vector<16xi32>
      %lt3A_600 = arith.cmpi slt, %sub3A_594, %lt3A_599 : vector<16xi32>
      %and3A_601 = arith.andi %ge3A_597, %lt3A_600 : vector<16xi1>
      %jit3A_602 = arith.constant 50000 : i32
      %broadcast_in_dim3A_603 = vector.broadcast %jit3A_602 : i32 to vector<16xi32>
      %select_n3A_604 = arith.select %and3A_601, %sub3A_594, %broadcast_in_dim3A_603 : vector<16xi1>, vector<16xi32>
      %swap3A_605 = arith.constant 48 : index
      %swap3A_606 = tpu.vector_load %arg13[%swap3A_605] {strides = array<i32>} : memref<80xi32, #tpu.memory_space<vmem>>, vector<16xi32>,
      %swap3A_607 = vector.shape_cast %swap3A_606 : vector<16xi32> to vector<16xi32>
      %swap3A_608 = vector.shape_cast %select_n3A_604 : vector<16xi32> to vector<16xi32>
      tpu.vector_store %arg13[%swap3A_605], %swap3A_608 {strides = array<i32>} : memref<80xi32, #tpu.memory_space<vmem>>, vector<16xi32>,
      %get3A_609 = arith.constant 464 : index
      %get3A_610 = tpu.vector_load %arg7[%get3A_609] {strides = array<i32>} : memref<800xi32, #tpu.memory_space<vmem>>, vector<16xi32>,
      %get3A_611 = vector.shape_cast %get3A_610 : vector<16xi32> to vector<16xi32>
      %sub3A_612 = vector.broadcast %mul3A_0 : i32 to vector<16xi32>
      %sub3A_613 = arith.subi %get3A_611, %sub3A_612 : vector<16xi32>
      %ge3A_614 = arith.constant 0 : i32
      %ge3A_615 = vector.broadcast %ge3A_614 : i32 to vector<16xi32>
      %ge3A_616 = arith.cmpi sge, %sub3A_613, %ge3A_615 : vector<16xi32>
      %lt3A_617 = arith.constant 50000 : i32
      %lt3A_618 = vector.broadcast %lt3A_617 : i32 to vector<16xi32>
      %lt3A_619 = arith.cmpi slt, %sub3A_613, %lt3A_618 : vector<16xi32>
      %and3A_620 = arith.andi %ge3A_616, %lt3A_619 : vector<16xi1>
      %jit3A_621 = arith.constant 50000 : i32
      %broadcast_in_dim3A_622 = vector.broadcast %jit3A_621 : i32 to vector<16xi32>
      %select_n3A_623 = arith.select %and3A_620, %sub3A_613, %broadcast_in_dim3A_622 : vector<16xi1>, vector<16xi32>
      %swap3A_624 = arith.constant 64 : index
      %swap3A_625 = tpu.vector_load %arg13[%swap3A_624] {strides = array<i32>} : memref<80xi32, #tpu.memory_space<vmem>>, vector<16xi32>,
      %swap3A_626 = vector.shape_cast %swap3A_625 : vector<16xi32> to vector<16xi32>
      %swap3A_627 = vector.shape_cast %select_n3A_623 : vector<16xi32> to vector<16xi32>
      tpu.vector_store %arg13[%swap3A_624], %swap3A_627 {strides = array<i32>} : memref<80xi32, #tpu.memory_space<vmem>>, vector<16xi32>,
      %get3A_628 = arith.constant 480 : index
      %get3A_629 = tpu.vector_load %arg7[%get3A_628] {strides = array<i32>} : memref<800xi32, #tpu.memory_space<vmem>>, vector<16xi32>,
      %get3A_630 = vector.shape_cast %get3A_629 : vector<16xi32> to vector<16xi32>
      %sub3A_631 = vector.broadcast %mul3A_0 : i32 to vector<16xi32>
      %sub3A_632 = arith.subi %get3A_630, %sub3A_631 : vector<16xi32>
      %ge3A_633 = arith.constant 0 : i32
      %ge3A_634 = vector.broadcast %ge3A_633 : i32 to vector<16xi32>
      %ge3A_635 = arith.cmpi sge, %sub3A_632, %ge3A_634 : vector<16xi32>
      %lt3A_636 = arith.constant 50000 : i32
      %lt3A_637 = vector.broadcast %lt3A_636 : i32 to vector<16xi32>
      %lt3A_638 = arith.cmpi slt, %sub3A_632, %lt3A_637 : vector<16xi32>
      %and3A_639 = arith.andi %ge3A_635, %lt3A_638 : vector<16xi1>
      %jit3A_640 = arith.constant 50000 : i32
      %broadcast_in_dim3A_641 = vector.broadcast %jit3A_640 : i32 to vector<16xi32>
      %select_n3A_642 = arith.select %and3A_639, %sub3A_632, %broadcast_in_dim3A_641 : vector<16xi1>, vector<16xi32>
      %swap3A_643 = arith.constant 0 : index
      %swap3A_644 = tpu.vector_load %arg14[%swap3A_643] {strides = array<i32>} : memref<80xi32, #tpu.memory_space<vmem>>, vector<16xi32>,
      %swap3A_645 = vector.shape_cast %swap3A_644 : vector<16xi32> to vector<16xi32>
      %swap3A_646 = vector.shape_cast %select_n3A_642 : vector<16xi32> to vector<16xi32>
      tpu.vector_store %arg14[%swap3A_643], %swap3A_646 {strides = array<i32>} : memref<80xi32, #tpu.memory_space<vmem>>, vector<16xi32>,
      %get3A_647 = arith.constant 496 : index
      %get3A_648 = tpu.vector_load %arg7[%get3A_647] {strides = array<i32>} : memref<800xi32, #tpu.memory_space<vmem>>, vector<16xi32>,
      %get3A_649 = vector.shape_cast %get3A_648 : vector<16xi32> to vector<16xi32>
      %sub3A_650 = vector.broadcast %mul3A_0 : i32 to vector<16xi32>
      %sub3A_651 = arith.subi %get3A_649, %sub3A_650 : vector<16xi32>
      %ge3A_652 = arith.constant 0 : i32
      %ge3A_653 = vector.broadcast %ge3A_652 : i32 to vector<16xi32>
      %ge3A_654 = arith.cmpi sge, %sub3A_651, %ge3A_653 : vector<16xi32>
      %lt3A_655 = arith.constant 50000 : i32
      %lt3A_656 = vector.broadcast %lt3A_655 : i32 to vector<16xi32>
      %lt3A_657 = arith.cmpi slt, %sub3A_651, %lt3A_656 : vector<16xi32>
      %and3A_658 = arith.andi %ge3A_654, %lt3A_657 : vector<16xi1>
      %jit3A_659 = arith.constant 50000 : i32
      %broadcast_in_dim3A_660 = vector.broadcast %jit3A_659 : i32 to vector<16xi32>
      %select_n3A_661 = arith.select %and3A_658, %sub3A_651, %broadcast_in_dim3A_660 : vector<16xi1>, vector<16xi32>
      %swap3A_662 = arith.constant 16 : index
      %swap3A_663 = tpu.vector_load %arg14[%swap3A_662] {strides = array<i32>} : memref<80xi32, #tpu.memory_space<vmem>>, vector<16xi32>,
      %swap3A_664 = vector.shape_cast %swap3A_663 : vector<16xi32> to vector<16xi32>
      %swap3A_665 = vector.shape_cast %select_n3A_661 : vector<16xi32> to vector<16xi32>
      tpu.vector_store %arg14[%swap3A_662], %swap3A_665 {strides = array<i32>} : memref<80xi32, #tpu.memory_space<vmem>>, vector<16xi32>,
      %get3A_666 = arith.constant 512 : index
      %get3A_667 = tpu.vector_load %arg7[%get3A_666] {strides = array<i32>} : memref<800xi32, #tpu.memory_space<vmem>>, vector<16xi32>,
      %get3A_668 = vector.shape_cast %get3A_667 : vector<16xi32> to vector<16xi32>
      %sub3A_669 = vector.broadcast %mul3A_0 : i32 to vector<16xi32>
      %sub3A_670 = arith.subi %get3A_668, %sub3A_669 : vector<16xi32>
      %ge3A_671 = arith.constant 0 : i32
      %ge3A_672 = vector.broadcast %ge3A_671 : i32 to vector<16xi32>
      %ge3A_673 = arith.cmpi sge, %sub3A_670, %ge3A_672 : vector<16xi32>
      %lt3A_674 = arith.constant 50000 : i32
      %lt3A_675 = vector.broadcast %lt3A_674 : i32 to vector<16xi32>
      %lt3A_676 = arith.cmpi slt, %sub3A_670, %lt3A_675 : vector<16xi32>
      %and3A_677 = arith.andi %ge3A_673, %lt3A_676 : vector<16xi1>
      %jit3A_678 = arith.constant 50000 : i32
      %broadcast_in_dim3A_679 = vector.broadcast %jit3A_678 : i32 to vector<16xi32>
      %select_n3A_680 = arith.select %and3A_677, %sub3A_670, %broadcast_in_dim3A_679 : vector<16xi1>, vector<16xi32>
      %swap3A_681 = arith.constant 32 : index
      %swap3A_682 = tpu.vector_load %arg14[%swap3A_681] {strides = array<i32>} : memref<80xi32, #tpu.memory_space<vmem>>, vector<16xi32>,
      %swap3A_683 = vector.shape_cast %swap3A_682 : vector<16xi32> to vector<16xi32>
      %swap3A_684 = vector.shape_cast %select_n3A_680 : vector<16xi32> to vector<16xi32>
      tpu.vector_store %arg14[%swap3A_681], %swap3A_684 {strides = array<i32>} : memref<80xi32, #tpu.memory_space<vmem>>, vector<16xi32>,
      %get3A_685 = arith.constant 528 : index
      %get3A_686 = tpu.vector_load %arg7[%get3A_685] {strides = array<i32>} : memref<800xi32, #tpu.memory_space<vmem>>, vector<16xi32>,
      %get3A_687 = vector.shape_cast %get3A_686 : vector<16xi32> to vector<16xi32>
      %sub3A_688 = vector.broadcast %mul3A_0 : i32 to vector<16xi32>
      %sub3A_689 = arith.subi %get3A_687, %sub3A_688 : vector<16xi32>
      %ge3A_690 = arith.constant 0 : i32
      %ge3A_691 = vector.broadcast %ge3A_690 : i32 to vector<16xi32>
      %ge3A_692 = arith.cmpi sge, %sub3A_689, %ge3A_691 : vector<16xi32>
      %lt3A_693 = arith.constant 50000 : i32
      %lt3A_694 = vector.broadcast %lt3A_693 : i32 to vector<16xi32>
      %lt3A_695 = arith.cmpi slt, %sub3A_689, %lt3A_694 : vector<16xi32>
      %and3A_696 = arith.andi %ge3A_692, %lt3A_695 : vector<16xi1>
      %jit3A_697 = arith.constant 50000 : i32
      %broadcast_in_dim3A_698 = vector.broadcast %jit3A_697 : i32 to vector<16xi32>
      %select_n3A_699 = arith.select %and3A_696, %sub3A_689, %broadcast_in_dim3A_698 : vector<16xi1>, vector<16xi32>
      %swap3A_700 = arith.constant 48 : index
      %swap3A_701 = tpu.vector_load %arg14[%swap3A_700] {strides = array<i32>} : memref<80xi32, #tpu.memory_space<vmem>>, vector<16xi32>,
      %swap3A_702 = vector.shape_cast %swap3A_701 : vector<16xi32> to vector<16xi32>
      %swap3A_703 = vector.shape_cast %select_n3A_699 : vector<16xi32> to vector<16xi32>
      tpu.vector_store %arg14[%swap3A_700], %swap3A_703 {strides = array<i32>} : memref<80xi32, #tpu.memory_space<vmem>>, vector<16xi32>,
      %get3A_704 = arith.constant 544 : index
      %get3A_705 = tpu.vector_load %arg7[%get3A_704] {strides = array<i32>} : memref<800xi32, #tpu.memory_space<vmem>>, vector<16xi32>,
      %get3A_706 = vector.shape_cast %get3A_705 : vector<16xi32> to vector<16xi32>
      %sub3A_707 = vector.broadcast %mul3A_0 : i32 to vector<16xi32>
      %sub3A_708 = arith.subi %get3A_706, %sub3A_707 : vector<16xi32>
      %ge3A_709 = arith.constant 0 : i32
      %ge3A_710 = vector.broadcast %ge3A_709 : i32 to vector<16xi32>
      %ge3A_711 = arith.cmpi sge, %sub3A_708, %ge3A_710 : vector<16xi32>
      %lt3A_712 = arith.constant 50000 : i32
      %lt3A_713 = vector.broadcast %lt3A_712 : i32 to vector<16xi32>
      %lt3A_714 = arith.cmpi slt, %sub3A_708, %lt3A_713 : vector<16xi32>
      %and3A_715 = arith.andi %ge3A_711, %lt3A_714 : vector<16xi1>
      %jit3A_716 = arith.constant 50000 : i32
      %broadcast_in_dim3A_717 = vector.broadcast %jit3A_716 : i32 to vector<16xi32>
      %select_n3A_718 = arith.select %and3A_715, %sub3A_708, %broadcast_in_dim3A_717 : vector<16xi1>, vector<16xi32>
      %swap3A_719 = arith.constant 64 : index
      %swap3A_720 = tpu.vector_load %arg14[%swap3A_719] {strides = array<i32>} : memref<80xi32, #tpu.memory_space<vmem>>, vector<16xi32>,
      %swap3A_721 = vector.shape_cast %swap3A_720 : vector<16xi32> to vector<16xi32>
      %swap3A_722 = vector.shape_cast %select_n3A_718 : vector<16xi32> to vector<16xi32>
      tpu.vector_store %arg14[%swap3A_719], %swap3A_722 {strides = array<i32>} : memref<80xi32, #tpu.memory_space<vmem>>, vector<16xi32>,
      %get3A_723 = arith.constant 560 : index
      %get3A_724 = tpu.vector_load %arg7[%get3A_723] {strides = array<i32>} : memref<800xi32, #tpu.memory_space<vmem>>, vector<16xi32>,
      %get3A_725 = vector.shape_cast %get3A_724 : vector<16xi32> to vector<16xi32>
      %sub3A_726 = vector.broadcast %mul3A_0 : i32 to vector<16xi32>
      %sub3A_727 = arith.subi %get3A_725, %sub3A_726 : vector<16xi32>
      %ge3A_728 = arith.constant 0 : i32
      %ge3A_729 = vector.broadcast %ge3A_728 : i32 to vector<16xi32>
      %ge3A_730 = arith.cmpi sge, %sub3A_727, %ge3A_729 : vector<16xi32>
      %lt3A_731 = arith.constant 50000 : i32
      %lt3A_732 = vector.broadcast %lt3A_731 : i32 to vector<16xi32>
      %lt3A_733 = arith.cmpi slt, %sub3A_727, %lt3A_732 : vector<16xi32>
      %and3A_734 = arith.andi %ge3A_730, %lt3A_733 : vector<16xi1>
      %jit3A_735 = arith.constant 50000 : i32
      %broadcast_in_dim3A_736 = vector.broadcast %jit3A_735 : i32 to vector<16xi32>
      %select_n3A_737 = arith.select %and3A_734, %sub3A_727, %broadcast_in_dim3A_736 : vector<16xi1>, vector<16xi32>
      %swap3A_738 = arith.constant 0 : index
      %swap3A_739 = tpu.vector_load %arg15[%swap3A_738] {strides = array<i32>} : memref<80xi32, #tpu.memory_space<vmem>>, vector<16xi32>,
      %swap3A_740 = vector.shape_cast %swap3A_739 : vector<16xi32> to vector<16xi32>
      %swap3A_741 = vector.shape_cast %select_n3A_737 : vector<16xi32> to vector<16xi32>
      tpu.vector_store %arg15[%swap3A_738], %swap3A_741 {strides = array<i32>} : memref<80xi32, #tpu.memory_space<vmem>>, vector<16xi32>,
      %get3A_742 = arith.constant 576 : index
      %get3A_743 = tpu.vector_load %arg7[%get3A_742] {strides = array<i32>} : memref<800xi32, #tpu.memory_space<vmem>>, vector<16xi32>,
      %get3A_744 = vector.shape_cast %get3A_743 : vector<16xi32> to vector<16xi32>
      %sub3A_745 = vector.broadcast %mul3A_0 : i32 to vector<16xi32>
      %sub3A_746 = arith.subi %get3A_744, %sub3A_745 : vector<16xi32>
      %ge3A_747 = arith.constant 0 : i32
      %ge3A_748 = vector.broadcast %ge3A_747 : i32 to vector<16xi32>
      %ge3A_749 = arith.cmpi sge, %sub3A_746, %ge3A_748 : vector<16xi32>
      %lt3A_750 = arith.constant 50000 : i32
      %lt3A_751 = vector.broadcast %lt3A_750 : i32 to vector<16xi32>
      %lt3A_752 = arith.cmpi slt, %sub3A_746, %lt3A_751 : vector<16xi32>
      %and3A_753 = arith.andi %ge3A_749, %lt3A_752 : vector<16xi1>
      %jit3A_754 = arith.constant 50000 : i32
      %broadcast_in_dim3A_755 = vector.broadcast %jit3A_754 : i32 to vector<16xi32>
      %select_n3A_756 = arith.select %and3A_753, %sub3A_746, %broadcast_in_dim3A_755 : vector<16xi1>, vector<16xi32>
      %swap3A_757 = arith.constant 16 : index
      %swap3A_758 = tpu.vector_load %arg15[%swap3A_757] {strides = array<i32>} : memref<80xi32, #tpu.memory_space<vmem>>, vector<16xi32>,
      %swap3A_759 = vector.shape_cast %swap3A_758 : vector<16xi32> to vector<16xi32>
      %swap3A_760 = vector.shape_cast %select_n3A_756 : vector<16xi32> to vector<16xi32>
      tpu.vector_store %arg15[%swap3A_757], %swap3A_760 {strides = array<i32>} : memref<80xi32, #tpu.memory_space<vmem>>, vector<16xi32>,
      %get3A_761 = arith.constant 592 : index
      %get3A_762 = tpu.vector_load %arg7[%get3A_761] {strides = array<i32>} : memref<800xi32, #tpu.memory_space<vmem>>, vector<16xi32>,
      %get3A_763 = vector.shape_cast %get3A_762 : vector<16xi32> to vector<16xi32>
      %sub3A_764 = vector.broadcast %mul3A_0 : i32 to vector<16xi32>
      %sub3A_765 = arith.subi %get3A_763, %sub3A_764 : vector<16xi32>
      %ge3A_766 = arith.constant 0 : i32
      %ge3A_767 = vector.broadcast %ge3A_766 : i32 to vector<16xi32>
      %ge3A_768 = arith.cmpi sge, %sub3A_765, %ge3A_767 : vector<16xi32>
      %lt3A_769 = arith.constant 50000 : i32
      %lt3A_770 = vector.broadcast %lt3A_769 : i32 to vector<16xi32>
      %lt3A_771 = arith.cmpi slt, %sub3A_765, %lt3A_770 : vector<16xi32>
      %and3A_772 = arith.andi %ge3A_768, %lt3A_771 : vector<16xi1>
      %jit3A_773 = arith.constant 50000 : i32
      %broadcast_in_dim3A_774 = vector.broadcast %jit3A_773 : i32 to vector<16xi32>
      %select_n3A_775 = arith.select %and3A_772, %sub3A_765, %broadcast_in_dim3A_774 : vector<16xi1>, vector<16xi32>
      %swap3A_776 = arith.constant 32 : index
      %swap3A_777 = tpu.vector_load %arg15[%swap3A_776] {strides = array<i32>} : memref<80xi32, #tpu.memory_space<vmem>>, vector<16xi32>,
      %swap3A_778 = vector.shape_cast %swap3A_777 : vector<16xi32> to vector<16xi32>
      %swap3A_779 = vector.shape_cast %select_n3A_775 : vector<16xi32> to vector<16xi32>
      tpu.vector_store %arg15[%swap3A_776], %swap3A_779 {strides = array<i32>} : memref<80xi32, #tpu.memory_space<vmem>>, vector<16xi32>,
      %get3A_780 = arith.constant 608 : index
      %get3A_781 = tpu.vector_load %arg7[%get3A_780] {strides = array<i32>} : memref<800xi32, #tpu.memory_space<vmem>>, vector<16xi32>,
      %get3A_782 = vector.shape_cast %get3A_781 : vector<16xi32> to vector<16xi32>
      %sub3A_783 = vector.broadcast %mul3A_0 : i32 to vector<16xi32>
      %sub3A_784 = arith.subi %get3A_782, %sub3A_783 : vector<16xi32>
      %ge3A_785 = arith.constant 0 : i32
      %ge3A_786 = vector.broadcast %ge3A_785 : i32 to vector<16xi32>
      %ge3A_787 = arith.cmpi sge, %sub3A_784, %ge3A_786 : vector<16xi32>
      %lt3A_788 = arith.constant 50000 : i32
      %lt3A_789 = vector.broadcast %lt3A_788 : i32 to vector<16xi32>
      %lt3A_790 = arith.cmpi slt, %sub3A_784, %lt3A_789 : vector<16xi32>
      %and3A_791 = arith.andi %ge3A_787, %lt3A_790 : vector<16xi1>
      %jit3A_792 = arith.constant 50000 : i32
      %broadcast_in_dim3A_793 = vector.broadcast %jit3A_792 : i32 to vector<16xi32>
      %select_n3A_794 = arith.select %and3A_791, %sub3A_784, %broadcast_in_dim3A_793 : vector<16xi1>, vector<16xi32>
      %swap3A_795 = arith.constant 48 : index
      %swap3A_796 = tpu.vector_load %arg15[%swap3A_795] {strides = array<i32>} : memref<80xi32, #tpu.memory_space<vmem>>, vector<16xi32>,
      %swap3A_797 = vector.shape_cast %swap3A_796 : vector<16xi32> to vector<16xi32>
      %swap3A_798 = vector.shape_cast %select_n3A_794 : vector<16xi32> to vector<16xi32>
      tpu.vector_store %arg15[%swap3A_795], %swap3A_798 {strides = array<i32>} : memref<80xi32, #tpu.memory_space<vmem>>, vector<16xi32>,
      %get3A_799 = arith.constant 624 : index
      %get3A_800 = tpu.vector_load %arg7[%get3A_799] {strides = array<i32>} : memref<800xi32, #tpu.memory_space<vmem>>, vector<16xi32>,
      %get3A_801 = vector.shape_cast %get3A_800 : vector<16xi32> to vector<16xi32>
      %sub3A_802 = vector.broadcast %mul3A_0 : i32 to vector<16xi32>
      %sub3A_803 = arith.subi %get3A_801, %sub3A_802 : vector<16xi32>
      %ge3A_804 = arith.constant 0 : i32
      %ge3A_805 = vector.broadcast %ge3A_804 : i32 to vector<16xi32>
      %ge3A_806 = arith.cmpi sge, %sub3A_803, %ge3A_805 : vector<16xi32>
      %lt3A_807 = arith.constant 50000 : i32
      %lt3A_808 = vector.broadcast %lt3A_807 : i32 to vector<16xi32>
      %lt3A_809 = arith.cmpi slt, %sub3A_803, %lt3A_808 : vector<16xi32>
      %and3A_810 = arith.andi %ge3A_806, %lt3A_809 : vector<16xi1>
      %jit3A_811 = arith.constant 50000 : i32
      %broadcast_in_dim3A_812 = vector.broadcast %jit3A_811 : i32 to vector<16xi32>
      %select_n3A_813 = arith.select %and3A_810, %sub3A_803, %broadcast_in_dim3A_812 : vector<16xi1>, vector<16xi32>
      %swap3A_814 = arith.constant 64 : index
      %swap3A_815 = tpu.vector_load %arg15[%swap3A_814] {strides = array<i32>} : memref<80xi32, #tpu.memory_space<vmem>>, vector<16xi32>,
      %swap3A_816 = vector.shape_cast %swap3A_815 : vector<16xi32> to vector<16xi32>
      %swap3A_817 = vector.shape_cast %select_n3A_813 : vector<16xi32> to vector<16xi32>
      tpu.vector_store %arg15[%swap3A_814], %swap3A_817 {strides = array<i32>} : memref<80xi32, #tpu.memory_space<vmem>>, vector<16xi32>,
      %get3A_818 = arith.constant 640 : index
      %get3A_819 = tpu.vector_load %arg7[%get3A_818] {strides = array<i32>} : memref<800xi32, #tpu.memory_space<vmem>>, vector<16xi32>,
      %get3A_820 = vector.shape_cast %get3A_819 : vector<16xi32> to vector<16xi32>
      %sub3A_821 = vector.broadcast %mul3A_0 : i32 to vector<16xi32>
      %sub3A_822 = arith.subi %get3A_820, %sub3A_821 : vector<16xi32>
      %ge3A_823 = arith.constant 0 : i32
      %ge3A_824 = vector.broadcast %ge3A_823 : i32 to vector<16xi32>
      %ge3A_825 = arith.cmpi sge, %sub3A_822, %ge3A_824 : vector<16xi32>
      %lt3A_826 = arith.constant 50000 : i32
      %lt3A_827 = vector.broadcast %lt3A_826 : i32 to vector<16xi32>
      %lt3A_828 = arith.cmpi slt, %sub3A_822, %lt3A_827 : vector<16xi32>
      %and3A_829 = arith.andi %ge3A_825, %lt3A_828 : vector<16xi1>
      %jit3A_830 = arith.constant 50000 : i32
      %broadcast_in_dim3A_831 = vector.broadcast %jit3A_830 : i32 to vector<16xi32>
      %select_n3A_832 = arith.select %and3A_829, %sub3A_822, %broadcast_in_dim3A_831 : vector<16xi1>, vector<16xi32>
      %swap3A_833 = arith.constant 0 : index
      %swap3A_834 = tpu.vector_load %arg16[%swap3A_833] {strides = array<i32>} : memref<80xi32, #tpu.memory_space<vmem>>, vector<16xi32>,
      %swap3A_835 = vector.shape_cast %swap3A_834 : vector<16xi32> to vector<16xi32>
      %swap3A_836 = vector.shape_cast %select_n3A_832 : vector<16xi32> to vector<16xi32>
      tpu.vector_store %arg16[%swap3A_833], %swap3A_836 {strides = array<i32>} : memref<80xi32, #tpu.memory_space<vmem>>, vector<16xi32>,
      %get3A_837 = arith.constant 656 : index
      %get3A_838 = tpu.vector_load %arg7[%get3A_837] {strides = array<i32>} : memref<800xi32, #tpu.memory_space<vmem>>, vector<16xi32>,
      %get3A_839 = vector.shape_cast %get3A_838 : vector<16xi32> to vector<16xi32>
      %sub3A_840 = vector.broadcast %mul3A_0 : i32 to vector<16xi32>
      %sub3A_841 = arith.subi %get3A_839, %sub3A_840 : vector<16xi32>
      %ge3A_842 = arith.constant 0 : i32
      %ge3A_843 = vector.broadcast %ge3A_842 : i32 to vector<16xi32>
      %ge3A_844 = arith.cmpi sge, %sub3A_841, %ge3A_843 : vector<16xi32>
      %lt3A_845 = arith.constant 50000 : i32
      %lt3A_846 = vector.broadcast %lt3A_845 : i32 to vector<16xi32>
      %lt3A_847 = arith.cmpi slt, %sub3A_841, %lt3A_846 : vector<16xi32>
      %and3A_848 = arith.andi %ge3A_844, %lt3A_847 : vector<16xi1>
      %jit3A_849 = arith.constant 50000 : i32
      %broadcast_in_dim3A_850 = vector.broadcast %jit3A_849 : i32 to vector<16xi32>
      %select_n3A_851 = arith.select %and3A_848, %sub3A_841, %broadcast_in_dim3A_850 : vector<16xi1>, vector<16xi32>
      %swap3A_852 = arith.constant 16 : index
      %swap3A_853 = tpu.vector_load %arg16[%swap3A_852] {strides = array<i32>} : memref<80xi32, #tpu.memory_space<vmem>>, vector<16xi32>,
      %swap3A_854 = vector.shape_cast %swap3A_853 : vector<16xi32> to vector<16xi32>
      %swap3A_855 = vector.shape_cast %select_n3A_851 : vector<16xi32> to vector<16xi32>
      tpu.vector_store %arg16[%swap3A_852], %swap3A_855 {strides = array<i32>} : memref<80xi32, #tpu.memory_space<vmem>>, vector<16xi32>,
      %get3A_856 = arith.constant 672 : index
      %get3A_857 = tpu.vector_load %arg7[%get3A_856] {strides = array<i32>} : memref<800xi32, #tpu.memory_space<vmem>>, vector<16xi32>,
      %get3A_858 = vector.shape_cast %get3A_857 : vector<16xi32> to vector<16xi32>
      %sub3A_859 = vector.broadcast %mul3A_0 : i32 to vector<16xi32>
      %sub3A_860 = arith.subi %get3A_858, %sub3A_859 : vector<16xi32>
      %ge3A_861 = arith.constant 0 : i32
      %ge3A_862 = vector.broadcast %ge3A_861 : i32 to vector<16xi32>
      %ge3A_863 = arith.cmpi sge, %sub3A_860, %ge3A_862 : vector<16xi32>
      %lt3A_864 = arith.constant 50000 : i32
      %lt3A_865 = vector.broadcast %lt3A_864 : i32 to vector<16xi32>
      %lt3A_866 = arith.cmpi slt, %sub3A_860, %lt3A_865 : vector<16xi32>
      %and3A_867 = arith.andi %ge3A_863, %lt3A_866 : vector<16xi1>
      %jit3A_868 = arith.constant 50000 : i32
      %broadcast_in_dim3A_869 = vector.broadcast %jit3A_868 : i32 to vector<16xi32>
      %select_n3A_870 = arith.select %and3A_867, %sub3A_860, %broadcast_in_dim3A_869 : vector<16xi1>, vector<16xi32>
      %swap3A_871 = arith.constant 32 : index
      %swap3A_872 = tpu.vector_load %arg16[%swap3A_871] {strides = array<i32>} : memref<80xi32, #tpu.memory_space<vmem>>, vector<16xi32>,
      %swap3A_873 = vector.shape_cast %swap3A_872 : vector<16xi32> to vector<16xi32>
      %swap3A_874 = vector.shape_cast %select_n3A_870 : vector<16xi32> to vector<16xi32>
      tpu.vector_store %arg16[%swap3A_871], %swap3A_874 {strides = array<i32>} : memref<80xi32, #tpu.memory_space<vmem>>, vector<16xi32>,
      %get3A_875 = arith.constant 688 : index
      %get3A_876 = tpu.vector_load %arg7[%get3A_875] {strides = array<i32>} : memref<800xi32, #tpu.memory_space<vmem>>, vector<16xi32>,
      %get3A_877 = vector.shape_cast %get3A_876 : vector<16xi32> to vector<16xi32>
      %sub3A_878 = vector.broadcast %mul3A_0 : i32 to vector<16xi32>
      %sub3A_879 = arith.subi %get3A_877, %sub3A_878 : vector<16xi32>
      %ge3A_880 = arith.constant 0 : i32
      %ge3A_881 = vector.broadcast %ge3A_880 : i32 to vector<16xi32>
      %ge3A_882 = arith.cmpi sge, %sub3A_879, %ge3A_881 : vector<16xi32>
      %lt3A_883 = arith.constant 50000 : i32
      %lt3A_884 = vector.broadcast %lt3A_883 : i32 to vector<16xi32>
      %lt3A_885 = arith.cmpi slt, %sub3A_879, %lt3A_884 : vector<16xi32>
      %and3A_886 = arith.andi %ge3A_882, %lt3A_885 : vector<16xi1>
      %jit3A_887 = arith.constant 50000 : i32
      %broadcast_in_dim3A_888 = vector.broadcast %jit3A_887 : i32 to vector<16xi32>
      %select_n3A_889 = arith.select %and3A_886, %sub3A_879, %broadcast_in_dim3A_888 : vector<16xi1>, vector<16xi32>
      %swap3A_890 = arith.constant 48 : index
      %swap3A_891 = tpu.vector_load %arg16[%swap3A_890] {strides = array<i32>} : memref<80xi32, #tpu.memory_space<vmem>>, vector<16xi32>,
      %swap3A_892 = vector.shape_cast %swap3A_891 : vector<16xi32> to vector<16xi32>
      %swap3A_893 = vector.shape_cast %select_n3A_889 : vector<16xi32> to vector<16xi32>
      tpu.vector_store %arg16[%swap3A_890], %swap3A_893 {strides = array<i32>} : memref<80xi32, #tpu.memory_space<vmem>>, vector<16xi32>,
      %get3A_894 = arith.constant 704 : index
      %get3A_895 = tpu.vector_load %arg7[%get3A_894] {strides = array<i32>} : memref<800xi32, #tpu.memory_space<vmem>>, vector<16xi32>,
      %get3A_896 = vector.shape_cast %get3A_895 : vector<16xi32> to vector<16xi32>
      %sub3A_897 = vector.broadcast %mul3A_0 : i32 to vector<16xi32>
      %sub3A_898 = arith.subi %get3A_896, %sub3A_897 : vector<16xi32>
      %ge3A_899 = arith.constant 0 : i32
      %ge3A_900 = vector.broadcast %ge3A_899 : i32 to vector<16xi32>
      %ge3A_901 = arith.cmpi sge, %sub3A_898, %ge3A_900 : vector<16xi32>
      %lt3A_902 = arith.constant 50000 : i32
      %lt3A_903 = vector.broadcast %lt3A_902 : i32 to vector<16xi32>
      %lt3A_904 = arith.cmpi slt, %sub3A_898, %lt3A_903 : vector<16xi32>
      %and3A_905 = arith.andi %ge3A_901, %lt3A_904 : vector<16xi1>
      %jit3A_906 = arith.constant 50000 : i32
      %broadcast_in_dim3A_907 = vector.broadcast %jit3A_906 : i32 to vector<16xi32>
      %select_n3A_908 = arith.select %and3A_905, %sub3A_898, %broadcast_in_dim3A_907 : vector<16xi1>, vector<16xi32>
      %swap3A_909 = arith.constant 64 : index
      %swap3A_910 = tpu.vector_load %arg16[%swap3A_909] {strides = array<i32>} : memref<80xi32, #tpu.memory_space<vmem>>, vector<16xi32>,
      %swap3A_911 = vector.shape_cast %swap3A_910 : vector<16xi32> to vector<16xi32>
      %swap3A_912 = vector.shape_cast %select_n3A_908 : vector<16xi32> to vector<16xi32>
      tpu.vector_store %arg16[%swap3A_909], %swap3A_912 {strides = array<i32>} : memref<80xi32, #tpu.memory_space<vmem>>, vector<16xi32>,
      %get3A_913 = arith.constant 720 : index
      %get3A_914 = tpu.vector_load %arg7[%get3A_913] {strides = array<i32>} : memref<800xi32, #tpu.memory_space<vmem>>, vector<16xi32>,
      %get3A_915 = vector.shape_cast %get3A_914 : vector<16xi32> to vector<16xi32>
      %sub3A_916 = vector.broadcast %mul3A_0 : i32 to vector<16xi32>
      %sub3A_917 = arith.subi %get3A_915, %sub3A_916 : vector<16xi32>
      %ge3A_918 = arith.constant 0 : i32
      %ge3A_919 = vector.broadcast %ge3A_918 : i32 to vector<16xi32>
      %ge3A_920 = arith.cmpi sge, %sub3A_917, %ge3A_919 : vector<16xi32>
      %lt3A_921 = arith.constant 50000 : i32
      %lt3A_922 = vector.broadcast %lt3A_921 : i32 to vector<16xi32>
      %lt3A_923 = arith.cmpi slt, %sub3A_917, %lt3A_922 : vector<16xi32>
      %and3A_924 = arith.andi %ge3A_920, %lt3A_923 : vector<16xi1>
      %jit3A_925 = arith.constant 50000 : i32
      %broadcast_in_dim3A_926 = vector.broadcast %jit3A_925 : i32 to vector<16xi32>
      %select_n3A_927 = arith.select %and3A_924, %sub3A_917, %broadcast_in_dim3A_926 : vector<16xi1>, vector<16xi32>
      %swap3A_928 = arith.constant 0 : index
      %swap3A_929 = tpu.vector_load %arg17[%swap3A_928] {strides = array<i32>} : memref<80xi32, #tpu.memory_space<vmem>>, vector<16xi32>,
      %swap3A_930 = vector.shape_cast %swap3A_929 : vector<16xi32> to vector<16xi32>
      %swap3A_931 = vector.shape_cast %select_n3A_927 : vector<16xi32> to vector<16xi32>
      tpu.vector_store %arg17[%swap3A_928], %swap3A_931 {strides = array<i32>} : memref<80xi32, #tpu.memory_space<vmem>>, vector<16xi32>,
      %get3A_932 = arith.constant 736 : index
      %get3A_933 = tpu.vector_load %arg7[%get3A_932] {strides = array<i32>} : memref<800xi32, #tpu.memory_space<vmem>>, vector<16xi32>,
      %get3A_934 = vector.shape_cast %get3A_933 : vector<16xi32> to vector<16xi32>
      %sub3A_935 = vector.broadcast %mul3A_0 : i32 to vector<16xi32>
      %sub3A_936 = arith.subi %get3A_934, %sub3A_935 : vector<16xi32>
      %ge3A_937 = arith.constant 0 : i32
      %ge3A_938 = vector.broadcast %ge3A_937 : i32 to vector<16xi32>
      %ge3A_939 = arith.cmpi sge, %sub3A_936, %ge3A_938 : vector<16xi32>
      %lt3A_940 = arith.constant 50000 : i32
      %lt3A_941 = vector.broadcast %lt3A_940 : i32 to vector<16xi32>
      %lt3A_942 = arith.cmpi slt, %sub3A_936, %lt3A_941 : vector<16xi32>
      %and3A_943 = arith.andi %ge3A_939, %lt3A_942 : vector<16xi1>
      %jit3A_944 = arith.constant 50000 : i32
      %broadcast_in_dim3A_945 = vector.broadcast %jit3A_944 : i32 to vector<16xi32>
      %select_n3A_946 = arith.select %and3A_943, %sub3A_936, %broadcast_in_dim3A_945 : vector<16xi1>, vector<16xi32>
      %swap3A_947 = arith.constant 16 : index
      %swap3A_948 = tpu.vector_load %arg17[%swap3A_947] {strides = array<i32>} : memref<80xi32, #tpu.memory_space<vmem>>, vector<16xi32>,
      %swap3A_949 = vector.shape_cast %swap3A_948 : vector<16xi32> to vector<16xi32>
      %swap3A_950 = vector.shape_cast %select_n3A_946 : vector<16xi32> to vector<16xi32>
      tpu.vector_store %arg17[%swap3A_947], %swap3A_950 {strides = array<i32>} : memref<80xi32, #tpu.memory_space<vmem>>, vector<16xi32>,
      %get3A_951 = arith.constant 752 : index
      %get3A_952 = tpu.vector_load %arg7[%get3A_951] {strides = array<i32>} : memref<800xi32, #tpu.memory_space<vmem>>, vector<16xi32>,
      %get3A_953 = vector.shape_cast %get3A_952 : vector<16xi32> to vector<16xi32>
      %sub3A_954 = vector.broadcast %mul3A_0 : i32 to vector<16xi32>
      %sub3A_955 = arith.subi %get3A_953, %sub3A_954 : vector<16xi32>
      %ge3A_956 = arith.constant 0 : i32
      %ge3A_957 = vector.broadcast %ge3A_956 : i32 to vector<16xi32>
      %ge3A_958 = arith.cmpi sge, %sub3A_955, %ge3A_957 : vector<16xi32>
      %lt3A_959 = arith.constant 50000 : i32
      %lt3A_960 = vector.broadcast %lt3A_959 : i32 to vector<16xi32>
      %lt3A_961 = arith.cmpi slt, %sub3A_955, %lt3A_960 : vector<16xi32>
      %and3A_962 = arith.andi %ge3A_958, %lt3A_961 : vector<16xi1>
      %jit3A_963 = arith.constant 50000 : i32
      %broadcast_in_dim3A_964 = vector.broadcast %jit3A_963 : i32 to vector<16xi32>
      %select_n3A_965 = arith.select %and3A_962, %sub3A_955, %broadcast_in_dim3A_964 : vector<16xi1>, vector<16xi32>
      %swap3A_966 = arith.constant 32 : index
      %swap3A_967 = tpu.vector_load %arg17[%swap3A_966] {strides = array<i32>} : memref<80xi32, #tpu.memory_space<vmem>>, vector<16xi32>,
      %swap3A_968 = vector.shape_cast %swap3A_967 : vector<16xi32> to vector<16xi32>
      %swap3A_969 = vector.shape_cast %select_n3A_965 : vector<16xi32> to vector<16xi32>
      tpu.vector_store %arg17[%swap3A_966], %swap3A_969 {strides = array<i32>} : memref<80xi32, #tpu.memory_space<vmem>>, vector<16xi32>,
      %get3A_970 = arith.constant 768 : index
      %get3A_971 = tpu.vector_load %arg7[%get3A_970] {strides = array<i32>} : memref<800xi32, #tpu.memory_space<vmem>>, vector<16xi32>,
      %get3A_972 = vector.shape_cast %get3A_971 : vector<16xi32> to vector<16xi32>
      %sub3A_973 = vector.broadcast %mul3A_0 : i32 to vector<16xi32>
      %sub3A_974 = arith.subi %get3A_972, %sub3A_973 : vector<16xi32>
      %ge3A_975 = arith.constant 0 : i32
      %ge3A_976 = vector.broadcast %ge3A_975 : i32 to vector<16xi32>
      %ge3A_977 = arith.cmpi sge, %sub3A_974, %ge3A_976 : vector<16xi32>
      %lt3A_978 = arith.constant 50000 : i32
      %lt3A_979 = vector.broadcast %lt3A_978 : i32 to vector<16xi32>
      %lt3A_980 = arith.cmpi slt, %sub3A_974, %lt3A_979 : vector<16xi32>
      %and3A_981 = arith.andi %ge3A_977, %lt3A_980 : vector<16xi1>
      %jit3A_982 = arith.constant 50000 : i32
      %broadcast_in_dim3A_983 = vector.broadcast %jit3A_982 : i32 to vector<16xi32>
      %select_n3A_984 = arith.select %and3A_981, %sub3A_974, %broadcast_in_dim3A_983 : vector<16xi1>, vector<16xi32>
      %swap3A_985 = arith.constant 48 : index
      %swap3A_986 = tpu.vector_load %arg17[%swap3A_985] {strides = array<i32>} : memref<80xi32, #tpu.memory_space<vmem>>, vector<16xi32>,
      %swap3A_987 = vector.shape_cast %swap3A_986 : vector<16xi32> to vector<16xi32>
      %swap3A_988 = vector.shape_cast %select_n3A_984 : vector<16xi32> to vector<16xi32>
      tpu.vector_store %arg17[%swap3A_985], %swap3A_988 {strides = array<i32>} : memref<80xi32, #tpu.memory_space<vmem>>, vector<16xi32>,
      %get3A_989 = arith.constant 784 : index
      %get3A_990 = tpu.vector_load %arg7[%get3A_989] {strides = array<i32>} : memref<800xi32, #tpu.memory_space<vmem>>, vector<16xi32>,
      %get3A_991 = vector.shape_cast %get3A_990 : vector<16xi32> to vector<16xi32>
      %sub3A_992 = vector.broadcast %mul3A_0 : i32 to vector<16xi32>
      %sub3A_993 = arith.subi %get3A_991, %sub3A_992 : vector<16xi32>
      %ge3A_994 = arith.constant 0 : i32
      %ge3A_995 = vector.broadcast %ge3A_994 : i32 to vector<16xi32>
      %ge3A_996 = arith.cmpi sge, %sub3A_993, %ge3A_995 : vector<16xi32>
      %lt3A_997 = arith.constant 50000 : i32
      %lt3A_998 = vector.broadcast %lt3A_997 : i32 to vector<16xi32>
      %lt3A_999 = arith.cmpi slt, %sub3A_993, %lt3A_998 : vector<16xi32>
      %and3A_1000 = arith.andi %ge3A_996, %lt3A_999 : vector<16xi1>
      %jit3A_1001 = arith.constant 50000 : i32
      %broadcast_in_dim3A_1002 = vector.broadcast %jit3A_1001 : i32 to vector<16xi32>
      %select_n3A_1003 = arith.select %and3A_1000, %sub3A_993, %broadcast_in_dim3A_1002 : vector<16xi1>, vector<16xi32>
      %swap3A_1004 = arith.constant 64 : index
      %swap3A_1005 = tpu.vector_load %arg17[%swap3A_1004] {strides = array<i32>} : memref<80xi32, #tpu.memory_space<vmem>>, vector<16xi32>,
      %swap3A_1006 = vector.shape_cast %swap3A_1005 : vector<16xi32> to vector<16xi32>
      %swap3A_1007 = vector.shape_cast %select_n3A_1003 : vector<16xi32> to vector<16xi32>
      tpu.vector_store %arg17[%swap3A_1004], %swap3A_1007 {strides = array<i32>} : memref<80xi32, #tpu.memory_space<vmem>>, vector<16xi32>,
      %dma_start3A = arith.constant 0 : i32
      %dma_start3A_1008 = arith.constant 0 : i32
      %dma_start3A_1009 = tpu.memref_slice %arg4[%dma_start3A, %dma_start3A_1008] : memref<50048x32xf32, #tpu.memory_space<vmem_shared>> -> memref<50048x32xf32, #tpu.memory_space<vmem_shared>>
      tpu.enqueue_indirect_dma source(%arg6 : memref<80x32xf32, #tpu.memory_space<vmem>>) target(%dma_start3A_1009 : memref<50048x32xf32, #tpu.memory_space<vmem_shared>>) offsets(%arg8 : memref<80xi32, #tpu.memory_space<vmem>>) semaphore(%arg18 : memref<!tpu.dma_semaphore, #tpu.memory_space<semaphore_mem>>) {add = true}
      %dma_start3A_1010 = arith.constant 0 : i32
      %dma_start3A_1011 = arith.constant 0 : i32
      %dma_start3A_1012 = tpu.memref_slice %arg4[%dma_start3A_1010, %dma_start3A_1011] : memref<50048x32xf32, #tpu.memory_space<vmem_shared>> -> memref<50048x32xf32, #tpu.memory_space<vmem_shared>>
      tpu.enqueue_indirect_dma source(%arg6 : memref<80x32xf32, #tpu.memory_space<vmem>>) target(%dma_start3A_1012 : memref<50048x32xf32, #tpu.memory_space<vmem_shared>>) offsets(%arg9 : memref<80xi32, #tpu.memory_space<vmem>>) semaphore(%arg18 : memref<!tpu.dma_semaphore, #tpu.memory_space<semaphore_mem>>) {add = true}
      %dma_start3A_1013 = arith.constant 0 : i32
      %dma_start3A_1014 = arith.constant 0 : i32
      %dma_start3A_1015 = tpu.memref_slice %arg4[%dma_start3A_1013, %dma_start3A_1014] : memref<50048x32xf32, #tpu.memory_space<vmem_shared>> -> memref<50048x32xf32, #tpu.memory_space<vmem_shared>>
      tpu.enqueue_indirect_dma source(%arg6 : memref<80x32xf32, #tpu.memory_space<vmem>>) target(%dma_start3A_1015 : memref<50048x32xf32, #tpu.memory_space<vmem_shared>>) offsets(%arg10 : memref<80xi32, #tpu.memory_space<vmem>>) semaphore(%arg18 : memref<!tpu.dma_semaphore, #tpu.memory_space<semaphore_mem>>) {add = true}
      %dma_start3A_1016 = arith.constant 0 : i32
      %dma_start3A_1017 = arith.constant 0 : i32
      %dma_start3A_1018 = tpu.memref_slice %arg4[%dma_start3A_1016, %dma_start3A_1017] : memref<50048x32xf32, #tpu.memory_space<vmem_shared>> -> memref<50048x32xf32, #tpu.memory_space<vmem_shared>>
      tpu.enqueue_indirect_dma source(%arg6 : memref<80x32xf32, #tpu.memory_space<vmem>>) target(%dma_start3A_1018 : memref<50048x32xf32, #tpu.memory_space<vmem_shared>>) offsets(%arg11 : memref<80xi32, #tpu.memory_space<vmem>>) semaphore(%arg18 : memref<!tpu.dma_semaphore, #tpu.memory_space<semaphore_mem>>) {add = true}
      %dma_start3A_1019 = arith.constant 0 : i32
      %dma_start3A_1020 = arith.constant 0 : i32
      %dma_start3A_1021 = tpu.memref_slice %arg4[%dma_start3A_1019, %dma_start3A_1020] : memref<50048x32xf32, #tpu.memory_space<vmem_shared>> -> memref<50048x32xf32, #tpu.memory_space<vmem_shared>>
      tpu.enqueue_indirect_dma source(%arg6 : memref<80x32xf32, #tpu.memory_space<vmem>>) target(%dma_start3A_1021 : memref<50048x32xf32, #tpu.memory_space<vmem_shared>>) offsets(%arg12 : memref<80xi32, #tpu.memory_space<vmem>>) semaphore(%arg18 : memref<!tpu.dma_semaphore, #tpu.memory_space<semaphore_mem>>) {add = true}
      %dma_start3A_1022 = arith.constant 0 : i32
      %dma_start3A_1023 = arith.constant 0 : i32
      %dma_start3A_1024 = tpu.memref_slice %arg4[%dma_start3A_1022, %dma_start3A_1023] : memref<50048x32xf32, #tpu.memory_space<vmem_shared>> -> memref<50048x32xf32, #tpu.memory_space<vmem_shared>>
      tpu.enqueue_indirect_dma source(%arg6 : memref<80x32xf32, #tpu.memory_space<vmem>>) target(%dma_start3A_1024 : memref<50048x32xf32, #tpu.memory_space<vmem_shared>>) offsets(%arg13 : memref<80xi32, #tpu.memory_space<vmem>>) semaphore(%arg18 : memref<!tpu.dma_semaphore, #tpu.memory_space<semaphore_mem>>) {add = true}
      %dma_start3A_1025 = arith.constant 0 : i32
      %dma_start3A_1026 = arith.constant 0 : i32
      %dma_start3A_1027 = tpu.memref_slice %arg4[%dma_start3A_1025, %dma_start3A_1026] : memref<50048x32xf32, #tpu.memory_space<vmem_shared>> -> memref<50048x32xf32, #tpu.memory_space<vmem_shared>>
      tpu.enqueue_indirect_dma source(%arg6 : memref<80x32xf32, #tpu.memory_space<vmem>>) target(%dma_start3A_1027 : memref<50048x32xf32, #tpu.memory_space<vmem_shared>>) offsets(%arg14 : memref<80xi32, #tpu.memory_space<vmem>>) semaphore(%arg18 : memref<!tpu.dma_semaphore, #tpu.memory_space<semaphore_mem>>) {add = true}
      %dma_start3A_1028 = arith.constant 0 : i32
      %dma_start3A_1029 = arith.constant 0 : i32
      %dma_start3A_1030 = tpu.memref_slice %arg4[%dma_start3A_1028, %dma_start3A_1029] : memref<50048x32xf32, #tpu.memory_space<vmem_shared>> -> memref<50048x32xf32, #tpu.memory_space<vmem_shared>>
      tpu.enqueue_indirect_dma source(%arg6 : memref<80x32xf32, #tpu.memory_space<vmem>>) target(%dma_start3A_1030 : memref<50048x32xf32, #tpu.memory_space<vmem_shared>>) offsets(%arg15 : memref<80xi32, #tpu.memory_space<vmem>>) semaphore(%arg18 : memref<!tpu.dma_semaphore, #tpu.memory_space<semaphore_mem>>) {add = true}
      %dma_start3A_1031 = arith.constant 0 : i32
      %dma_start3A_1032 = arith.constant 0 : i32
      %dma_start3A_1033 = tpu.memref_slice %arg4[%dma_start3A_1031, %dma_start3A_1032] : memref<50048x32xf32, #tpu.memory_space<vmem_shared>> -> memref<50048x32xf32, #tpu.memory_space<vmem_shared>>
      tpu.enqueue_indirect_dma source(%arg6 : memref<80x32xf32, #tpu.memory_space<vmem>>) target(%dma_start3A_1033 : memref<50048x32xf32, #tpu.memory_space<vmem_shared>>) offsets(%arg16 : memref<80xi32, #tpu.memory_space<vmem>>) semaphore(%arg18 : memref<!tpu.dma_semaphore, #tpu.memory_space<semaphore_mem>>) {add = true}
      %dma_start3A_1034 = arith.constant 0 : i32
      %dma_start3A_1035 = arith.constant 0 : i32
      %dma_start3A_1036 = tpu.memref_slice %arg4[%dma_start3A_1034, %dma_start3A_1035] : memref<50048x32xf32, #tpu.memory_space<vmem_shared>> -> memref<50048x32xf32, #tpu.memory_space<vmem_shared>>
      tpu.enqueue_indirect_dma source(%arg6 : memref<80x32xf32, #tpu.memory_space<vmem>>) target(%dma_start3A_1036 : memref<50048x32xf32, #tpu.memory_space<vmem_shared>>) offsets(%arg17 : memref<80xi32, #tpu.memory_space<vmem>>) semaphore(%arg18 : memref<!tpu.dma_semaphore, #tpu.memory_space<semaphore_mem>>) {add = true}
      %dma_wait3A = arith.constant 0 : i32
      %dma_wait3A_1037 = arith.constant 0 : i32
      %dma_wait3A_1038 = tpu.memref_slice %arg4[%dma_wait3A, %dma_wait3A_1037] : memref<50048x32xf32, #tpu.memory_space<vmem_shared>> -> memref<50048x32xf32, #tpu.memory_space<vmem_shared>>
      tpu.wait_indirect_dma semaphore(%arg18 : memref<!tpu.dma_semaphore, #tpu.memory_space<semaphore_mem>>) src(%arg6 : memref<80x32xf32, #tpu.memory_space<vmem>>) dst(%dma_wait3A_1038 : memref<50048x32xf32, #tpu.memory_space<vmem_shared>>)
      %dma_wait3A_1039 = arith.constant 0 : i32
      %dma_wait3A_1040 = arith.constant 0 : i32
      %dma_wait3A_1041 = tpu.memref_slice %arg4[%dma_wait3A_1039, %dma_wait3A_1040] : memref<50048x32xf32, #tpu.memory_space<vmem_shared>> -> memref<50048x32xf32, #tpu.memory_space<vmem_shared>>
      tpu.wait_indirect_dma semaphore(%arg18 : memref<!tpu.dma_semaphore, #tpu.memory_space<semaphore_mem>>) src(%arg6 : memref<80x32xf32, #tpu.memory_space<vmem>>) dst(%dma_wait3A_1041 : memref<50048x32xf32, #tpu.memory_space<vmem_shared>>)
      %dma_wait3A_1042 = arith.constant 0 : i32
      %dma_wait3A_1043 = arith.constant 0 : i32
      %dma_wait3A_1044 = tpu.memref_slice %arg4[%dma_wait3A_1042, %dma_wait3A_1043] : memref<50048x32xf32, #tpu.memory_space<vmem_shared>> -> memref<50048x32xf32, #tpu.memory_space<vmem_shared>>
      tpu.wait_indirect_dma semaphore(%arg18 : memref<!tpu.dma_semaphore, #tpu.memory_space<semaphore_mem>>) src(%arg6 : memref<80x32xf32, #tpu.memory_space<vmem>>) dst(%dma_wait3A_1044 : memref<50048x32xf32, #tpu.memory_space<vmem_shared>>)
      %dma_wait3A_1045 = arith.constant 0 : i32
      %dma_wait3A_1046 = arith.constant 0 : i32
      %dma_wait3A_1047 = tpu.memref_slice %arg4[%dma_wait3A_1045, %dma_wait3A_1046] : memref<50048x32xf32, #tpu.memory_space<vmem_shared>> -> memref<50048x32xf32, #tpu.memory_space<vmem_shared>>
      tpu.wait_indirect_dma semaphore(%arg18 : memref<!tpu.dma_semaphore, #tpu.memory_space<semaphore_mem>>) src(%arg6 : memref<80x32xf32, #tpu.memory_space<vmem>>) dst(%dma_wait3A_1047 : memref<50048x32xf32, #tpu.memory_space<vmem_shared>>)
      %dma_wait3A_1048 = arith.constant 0 : i32
      %dma_wait3A_1049 = arith.constant 0 : i32
      %dma_wait3A_1050 = tpu.memref_slice %arg4[%dma_wait3A_1048, %dma_wait3A_1049] : memref<50048x32xf32, #tpu.memory_space<vmem_shared>> -> memref<50048x32xf32, #tpu.memory_space<vmem_shared>>
      tpu.wait_indirect_dma semaphore(%arg18 : memref<!tpu.dma_semaphore, #tpu.memory_space<semaphore_mem>>) src(%arg6 : memref<80x32xf32, #tpu.memory_space<vmem>>) dst(%dma_wait3A_1050 : memref<50048x32xf32, #tpu.memory_space<vmem_shared>>)
      %dma_wait3A_1051 = arith.constant 0 : i32
      %dma_wait3A_1052 = arith.constant 0 : i32
      %dma_wait3A_1053 = tpu.memref_slice %arg4[%dma_wait3A_1051, %dma_wait3A_1052] : memref<50048x32xf32, #tpu.memory_space<vmem_shared>> -> memref<50048x32xf32, #tpu.memory_space<vmem_shared>>
      tpu.wait_indirect_dma semaphore(%arg18 : memref<!tpu.dma_semaphore, #tpu.memory_space<semaphore_mem>>) src(%arg6 : memref<80x32xf32, #tpu.memory_space<vmem>>) dst(%dma_wait3A_1053 : memref<50048x32xf32, #tpu.memory_space<vmem_shared>>)
      %dma_wait3A_1054 = arith.constant 0 : i32
      %dma_wait3A_1055 = arith.constant 0 : i32
      %dma_wait3A_1056 = tpu.memref_slice %arg4[%dma_wait3A_1054, %dma_wait3A_1055] : memref<50048x32xf32, #tpu.memory_space<vmem_shared>> -> memref<50048x32xf32, #tpu.memory_space<vmem_shared>>
      tpu.wait_indirect_dma semaphore(%arg18 : memref<!tpu.dma_semaphore, #tpu.memory_space<semaphore_mem>>) src(%arg6 : memref<80x32xf32, #tpu.memory_space<vmem>>) dst(%dma_wait3A_1056 : memref<50048x32xf32, #tpu.memory_space<vmem_shared>>)
      %dma_wait3A_1057 = arith.constant 0 : i32
      %dma_wait3A_1058 = arith.constant 0 : i32
      %dma_wait3A_1059 = tpu.memref_slice %arg4[%dma_wait3A_1057, %dma_wait3A_1058] : memref<50048x32xf32, #tpu.memory_space<vmem_shared>> -> memref<50048x32xf32, #tpu.memory_space<vmem_shared>>
      tpu.wait_indirect_dma semaphore(%arg18 : memref<!tpu.dma_semaphore, #tpu.memory_space<semaphore_mem>>) src(%arg6 : memref<80x32xf32, #tpu.memory_space<vmem>>) dst(%dma_wait3A_1059 : memref<50048x32xf32, #tpu.memory_space<vmem_shared>>)
      %dma_wait3A_1060 = arith.constant 0 : i32
      %dma_wait3A_1061 = arith.constant 0 : i32
      %dma_wait3A_1062 = tpu.memref_slice %arg4[%dma_wait3A_1060, %dma_wait3A_1061] : memref<50048x32xf32, #tpu.memory_space<vmem_shared>> -> memref<50048x32xf32, #tpu.memory_space<vmem_shared>>
      tpu.wait_indirect_dma semaphore(%arg18 : memref<!tpu.dma_semaphore, #tpu.memory_space<semaphore_mem>>) src(%arg6 : memref<80x32xf32, #tpu.memory_space<vmem>>) dst(%dma_wait3A_1062 : memref<50048x32xf32, #tpu.memory_space<vmem_shared>>)
      %dma_wait3A_1063 = arith.constant 0 : i32
      %dma_wait3A_1064 = arith.constant 0 : i32
      %dma_wait3A_1065 = tpu.memref_slice %arg4[%dma_wait3A_1063, %dma_wait3A_1064] : memref<50048x32xf32, #tpu.memory_space<vmem_shared>> -> memref<50048x32xf32, #tpu.memory_space<vmem_shared>>
      tpu.wait_indirect_dma semaphore(%arg18 : memref<!tpu.dma_semaphore, #tpu.memory_space<semaphore_mem>>) src(%arg6 : memref<80x32xf32, #tpu.memory_space<vmem>>) dst(%dma_wait3A_1065 : memref<50048x32xf32, #tpu.memory_space<vmem_shared>>)
    }
    %scan3A_53 = arith.constant 125 : i32
    %barrier3A_54 = arith.constant 0 : index
    tpu.barrier barrier_id(%barrier3A_54)
    %lt3A = arith.constant 15 : i32
    %lt3A_55 = arith.cmpi slt, %arg1, %lt3A : i32
    %convert_element_type3A = arith.extui %lt3A_55 : i1 to i32
    %cond3A = arith.constant 0 : i32
    %cond3A_56 = arith.cmpi ne, %convert_element_type3A, %cond3A : i32
    scf.if %cond3A_56 {
      %mul3A_61 = arith.constant 3128 : i32
      %mul3A_62 = arith.muli %arg1, %mul3A_61 : i32
      %multiple_of3A = tpu.assume_multiple %mul3A_62, 8 : i32
      %add3A_63 = arith.addi %mul3A_0, %multiple_of3A : i32
      %multiple_of3A_64 = tpu.assume_multiple %add3A_63, 8 : i32
      "tpu.region"() ({
        %run_scoped3A = tpu.sem_alloc : memref<!tpu.dma_semaphore, #tpu.memory_space<semaphore_mem>>
        %dma_start3A = arith.constant 0 : i32
        %dma_start3A_65 = tpu.memref_slice %arg3[%multiple_of3A_64, %dma_start3A] : memref<100000x32xf32, #tpu.memory_space<hbm>> -> memref<3128x32xf32, #tpu.memory_space<hbm>>
        %dma_start3A_66 = arith.constant 0 : i32
        %dma_start3A_67 = tpu.memref_slice %arg4[%multiple_of3A, %dma_start3A_66] : memref<50048x32xf32, #tpu.memory_space<vmem_shared>> -> memref<3128x32xf32, #tpu.memory_space<vmem_shared>>
        tpu.enqueue_dma source(%dma_start3A_67 : memref<3128x32xf32, #tpu.memory_space<vmem_shared>>) target(%dma_start3A_65 : memref<3128x32xf32, #tpu.memory_space<hbm>>) target_semaphore(%run_scoped3A : memref<!tpu.dma_semaphore, #tpu.memory_space<semaphore_mem>>)
        %dma_wait3A = arith.constant 0 : i32
        %dma_wait3A_68 = tpu.memref_slice %arg3[%multiple_of3A_64, %dma_wait3A] : memref<100000x32xf32, #tpu.memory_space<hbm>> -> memref<3128x32xf32, #tpu.memory_space<hbm>>
        %dma_wait3A_69 = arith.constant 0 : i32
        %dma_wait3A_70 = tpu.memref_slice %arg4[%multiple_of3A, %dma_wait3A_69] : memref<50048x32xf32, #tpu.memory_space<vmem_shared>> -> memref<3128x32xf32, #tpu.memory_space<vmem_shared>>
        tpu.wait_dma2 semaphore(%run_scoped3A : memref<!tpu.dma_semaphore, #tpu.memory_space<semaphore_mem>>) src(%dma_wait3A_70 : memref<3128x32xf32, #tpu.memory_space<vmem_shared>>) dst(%dma_wait3A_68 : memref<3128x32xf32, #tpu.memory_space<hbm>>)
        tpu.yield
      }) : () -> ()
    } else {
    }
    %eq3A = arith.constant 15 : i32
    %eq3A_57 = arith.cmpi eq, %arg1, %eq3A : i32
    %convert_element_type3A_58 = arith.extui %eq3A_57 : i1 to i32
    %cond3A_59 = arith.constant 0 : i32
    %cond3A_60 = arith.cmpi ne, %convert_element_type3A_58, %cond3A_59 : i32
    scf.if %cond3A_60 {
      %add3A_61 = arith.constant 46920 : i32
      %add3A_62 = arith.addi %mul3A_0, %add3A_61 : i32
      %multiple_of3A = tpu.assume_multiple %add3A_62, 8 : i32
      "tpu.region"() ({
        %run_scoped3A = tpu.sem_alloc : memref<!tpu.dma_semaphore, #tpu.memory_space<semaphore_mem>>
        %dma_start3A = arith.constant 0 : i32
        %dma_start3A_63 = tpu.memref_slice %arg3[%multiple_of3A, %dma_start3A] : memref<100000x32xf32, #tpu.memory_space<hbm>> -> memref<3080x32xf32, #tpu.memory_space<hbm>>
        %dma_start3A_64 = arith.constant 46920 : i32
        %dma_start3A_65 = arith.constant 0 : i32
        %dma_start3A_66 = tpu.memref_slice %arg4[%dma_start3A_64, %dma_start3A_65] : memref<50048x32xf32, #tpu.memory_space<vmem_shared>> -> memref<3080x32xf32, #tpu.memory_space<vmem_shared>>
        tpu.enqueue_dma source(%dma_start3A_66 : memref<3080x32xf32, #tpu.memory_space<vmem_shared>>) target(%dma_start3A_63 : memref<3080x32xf32, #tpu.memory_space<hbm>>) target_semaphore(%run_scoped3A : memref<!tpu.dma_semaphore, #tpu.memory_space<semaphore_mem>>)
        %dma_wait3A = arith.constant 0 : i32
        %dma_wait3A_67 = tpu.memref_slice %arg3[%multiple_of3A, %dma_wait3A] : memref<100000x32xf32, #tpu.memory_space<hbm>> -> memref<3080x32xf32, #tpu.memory_space<hbm>>
        %dma_wait3A_68 = arith.constant 46920 : i32
        %dma_wait3A_69 = arith.constant 0 : i32
        %dma_wait3A_70 = tpu.memref_slice %arg4[%dma_wait3A_68, %dma_wait3A_69] : memref<50048x32xf32, #tpu.memory_space<vmem_shared>> -> memref<3080x32xf32, #tpu.memory_space<vmem_shared>>
        tpu.wait_dma2 semaphore(%run_scoped3A : memref<!tpu.dma_semaphore, #tpu.memory_space<semaphore_mem>>) src(%dma_wait3A_70 : memref<3080x32xf32, #tpu.memory_space<vmem_shared>>) dst(%dma_wait3A_67 : memref<3080x32xf32, #tpu.memory_space<hbm>>)
        tpu.yield
      }) : () -> ()
    } else {
    }
    return
  }
}

#map = affine_map<(d0, d1) -> (0, 0)>
#map1 = affine_map<(d0, d1) -> (0)>
module attributes {stable_mosaic.version = 14 : i64} {
  func.func @_prop_body(%arg0: i32, %arg1: i32, %arg2: memref<100000x32xf32, #tpu.memory_space<hbm>>, %arg3: memref<1600000xi32, #tpu.memory_space<hbm>>, %arg4: memref<1600000xi32, #tpu.memory_space<hbm>>, %arg5: memref<100000x32xf32, #tpu.memory_space<hbm>>, %arg6: memref<50048x32xf32, #tpu.memory_space<vmem_shared>>, %arg7: memref<391x32xf32, #tpu.memory_space<vmem>>, %arg8: memref<800xi32, #tpu.memory_space<vmem>>, %arg9: memref<800xi32, #tpu.memory_space<vmem>>, %arg10: memref<80x32xf32, #tpu.memory_space<vmem>>, %arg11: memref<80x32xf32, #tpu.memory_space<vmem>>, %arg12: memref<80x32xf32, #tpu.memory_space<vmem>>, %arg13: memref<80x32xf32, #tpu.memory_space<vmem>>, %arg14: memref<80x32xf32, #tpu.memory_space<vmem>>, %arg15: memref<80xi32, #tpu.memory_space<vmem>>, %arg16: memref<80xi32, #tpu.memory_space<vmem>>, %arg17: memref<80xi32, #tpu.memory_space<vmem>>, %arg18: memref<80xi32, #tpu.memory_space<vmem>>, %arg19: memref<80xi32, #tpu.memory_space<vmem>>, %arg20: memref<!tpu.dma_semaphore, #tpu.memory_space<semaphore_mem>>) attributes {dimension_semantics = [#tpu.dimension_semantics<core_parallel>, #tpu.dimension_semantics<subcore_parallel>], iteration_bounds = array<i64: 2, 16>, scalar_prefetch = 0 : i64, scratch_operands = 15 : i64, tpu.core_type = #tpu.core_type<sc_vector_subcore>, window_params = [{transform_indices = #map}, {transform_indices = #map1}, {transform_indices = #map1}, {transform_indices = #map}]} {
    %mul3A = arith.constant 50000 : i32
    %mul3A_0 = arith.muli %arg0, %mul3A : i32
    %broadcast_in_dim3A = arith.constant 0.000000e+00 : f32
    %broadcast_in_dim3A_1 = vector.broadcast %broadcast_in_dim3A : f32 to vector<16xf32>
    %scan3A = arith.constant 0 : i32
    %scan3A_2 = arith.constant 0 : i32
    %scan3A_3 = arith.constant 782 : i32
    %scan3A_4 = arith.addi %scan3A_2, %scan3A_3 : i32
    %scan3A_5 = arith.constant 1 : i32
    scf.for %scan3A_53 = %scan3A_2 to %scan3A_4 step %scan3A_5  : i32 {
      %jit3A = arith.constant 2 : i32
      %div3A = arith.divsi %scan3A_53, %jit3A : i32
      %sign3A = arith.constant 0 : i32
      %sign3A_54 = arith.cmpi sgt, %scan3A_53, %sign3A : i32
      %sign3A_55 = arith.extui %sign3A_54 : i1 to i32
      %sign3A_56 = arith.constant 0 : i32
      %sign3A_57 = arith.cmpi slt, %scan3A_53, %sign3A_56 : i32
      %sign3A_58 = arith.extui %sign3A_57 : i1 to i32
      %sign3A_59 = arith.subi %sign3A_55, %sign3A_58 : i32
      %sign3A_60 = arith.constant 0 : i32
      %sign3A_61 = arith.cmpi sgt, %jit3A, %sign3A_60 : i32
      %sign3A_62 = arith.extui %sign3A_61 : i1 to i32
      %sign3A_63 = arith.constant 0 : i32
      %sign3A_64 = arith.cmpi slt, %jit3A, %sign3A_63 : i32
      %sign3A_65 = arith.extui %sign3A_64 : i1 to i32
      %sign3A_66 = arith.subi %sign3A_62, %sign3A_65 : i32
      %ne3A = arith.cmpi ne, %sign3A_59, %sign3A_66 : i32
      %rem3A = arith.remsi %scan3A_53, %jit3A : i32
      %ne3A_67 = arith.constant 0 : i32
      %ne3A_68 = arith.cmpi ne, %rem3A, %ne3A_67 : i32
      %and3A = arith.andi %ne3A, %ne3A_68 : i1
      %sub3A = arith.constant 1 : i32
      %sub3A_69 = arith.subi %div3A, %sub3A : i32
      %select_n3A = arith.select %and3A, %sub3A_69, %div3A : i32
      %jit3A_70 = arith.constant 2 : i32
      %eq3A_71 = arith.constant 0 : i32
      %eq3A_72 = arith.cmpi eq, %jit3A_70, %eq3A_71 : i32
      %jit3A_73 = arith.constant 1 : i32
      %select_n3A_74 = arith.select %eq3A_72, %jit3A_73, %jit3A_70 : i32
      %rem3A_75 = arith.remsi %scan3A_53, %select_n3A_74 : i32
      %ne3A_76 = arith.constant 0 : i32
      %ne3A_77 = arith.cmpi ne, %rem3A_75, %ne3A_76 : i32
      %lt3A_78 = arith.constant 0 : i32
      %lt3A_79 = arith.cmpi slt, %rem3A_75, %lt3A_78 : i32
      %lt3A_80 = arith.constant 0 : i32
      %lt3A_81 = arith.cmpi slt, %select_n3A_74, %lt3A_80 : i32
      %ne3A_82 = arith.xori %lt3A_79, %lt3A_81 : i1
      %and3A_83 = arith.andi %ne3A_82, %ne3A_77 : i1
      %add3A_84 = arith.addi %rem3A_75, %select_n3A_74 : i32
      %select_n3A_85 = arith.select %and3A_83, %add3A_84, %rem3A_75 : i32
      %mul3A_86 = arith.constant 16 : i32
      %mul3A_87 = arith.muli %select_n3A_85, %mul3A_86 : i32
      %swap3A = arith.index_cast %select_n3A : i32 to index
      %swap3A_88 = arith.index_cast %mul3A_87 : i32 to index
      %swap3A_89 = tpu.vector_load %arg7[%swap3A, %swap3A_88] {strides = array<i32>} : memref<391x32xf32, #tpu.memory_space<vmem>>, vector<1x16xf32>,
      %swap3A_90 = vector.shape_cast %swap3A_89 : vector<1x16xf32> to vector<16xf32>
      %swap3A_91 = vector.shape_cast %broadcast_in_dim3A_1 : vector<16xf32> to vector<1x16xf32>
      tpu.vector_store %arg7[%swap3A, %swap3A_88], %swap3A_91 {strides = array<i32>} : memref<391x32xf32, #tpu.memory_space<vmem>>, vector<1x16xf32>,
    }
    %scan3A_6 = arith.constant 782 : i32
    %mul3A_7 = arith.constant 3128 : i32
    %mul3A_8 = arith.muli %arg1, %mul3A_7 : i32
    %add3A = arith.constant 0 : i32
    %add3A_9 = arith.addi %mul3A_8, %add3A : i32
    "tpu.region"() ({
      %run_scoped3A = tpu.sem_alloc : memref<!tpu.dma_semaphore, #tpu.memory_space<semaphore_mem>>
      %dma_start3A = arith.constant 0 : i32
      %dma_start3A_53 = tpu.memref_slice %arg6[%add3A_9, %dma_start3A] : memref<50048x32xf32, #tpu.memory_space<vmem_shared>> -> memref<391x32xf32, #tpu.memory_space<vmem_shared>>
      %dma_start3A_54 = arith.constant 0 : i32
      %dma_start3A_55 = tpu.memref_slice %arg6[%add3A_9, %dma_start3A_54] : memref<50048x32xf32, #tpu.memory_space<vmem_shared>> -> memref<391x32xf32, #tpu.memory_space<vmem_shared>>
      tpu.enqueue_dma source(%arg7 : memref<391x32xf32, #tpu.memory_space<vmem>>) target(%dma_start3A_55 : memref<391x32xf32, #tpu.memory_space<vmem_shared>>) target_semaphore(%run_scoped3A : memref<!tpu.dma_semaphore, #tpu.memory_space<semaphore_mem>>)
      %dma_wait3A = arith.constant 0 : i32
      %dma_wait3A_56 = tpu.memref_slice %arg6[%add3A_9, %dma_wait3A] : memref<50048x32xf32, #tpu.memory_space<vmem_shared>> -> memref<391x32xf32, #tpu.memory_space<vmem_shared>>
      %dma_wait3A_57 = arith.constant 0 : i32
      %dma_wait3A_58 = tpu.memref_slice %arg6[%add3A_9, %dma_wait3A_57] : memref<50048x32xf32, #tpu.memory_space<vmem_shared>> -> memref<391x32xf32, #tpu.memory_space<vmem_shared>>
      tpu.wait_dma2 semaphore(%run_scoped3A : memref<!tpu.dma_semaphore, #tpu.memory_space<semaphore_mem>>) src(%arg7 : memref<391x32xf32, #tpu.memory_space<vmem>>) dst(%dma_wait3A_58 : memref<391x32xf32, #tpu.memory_space<vmem_shared>>)
      tpu.yield
    }) : () -> ()
    %mul3A_10 = arith.constant 3128 : i32
    %mul3A_11 = arith.muli %arg1, %mul3A_10 : i32
    %add3A_12 = arith.constant 391 : i32
    %add3A_13 = arith.addi %mul3A_11, %add3A_12 : i32
    "tpu.region"() ({
      %run_scoped3A = tpu.sem_alloc : memref<!tpu.dma_semaphore, #tpu.memory_space<semaphore_mem>>
      %dma_start3A = arith.constant 0 : i32
      %dma_start3A_53 = tpu.memref_slice %arg6[%add3A_13, %dma_start3A] : memref<50048x32xf32, #tpu.memory_space<vmem_shared>> -> memref<391x32xf32, #tpu.memory_space<vmem_shared>>
      %dma_start3A_54 = arith.constant 0 : i32
      %dma_start3A_55 = tpu.memref_slice %arg6[%add3A_13, %dma_start3A_54] : memref<50048x32xf32, #tpu.memory_space<vmem_shared>> -> memref<391x32xf32, #tpu.memory_space<vmem_shared>>
      tpu.enqueue_dma source(%arg7 : memref<391x32xf32, #tpu.memory_space<vmem>>) target(%dma_start3A_55 : memref<391x32xf32, #tpu.memory_space<vmem_shared>>) target_semaphore(%run_scoped3A : memref<!tpu.dma_semaphore, #tpu.memory_space<semaphore_mem>>)
      %dma_wait3A = arith.constant 0 : i32
      %dma_wait3A_56 = tpu.memref_slice %arg6[%add3A_13, %dma_wait3A] : memref<50048x32xf32, #tpu.memory_space<vmem_shared>> -> memref<391x32xf32, #tpu.memory_space<vmem_shared>>
      %dma_wait3A_57 = arith.constant 0 : i32
      %dma_wait3A_58 = tpu.memref_slice %arg6[%add3A_13, %dma_wait3A_57] : memref<50048x32xf32, #tpu.memory_space<vmem_shared>> -> memref<391x32xf32, #tpu.memory_space<vmem_shared>>
      tpu.wait_dma2 semaphore(%run_scoped3A : memref<!tpu.dma_semaphore, #tpu.memory_space<semaphore_mem>>) src(%arg7 : memref<391x32xf32, #tpu.memory_space<vmem>>) dst(%dma_wait3A_58 : memref<391x32xf32, #tpu.memory_space<vmem_shared>>)
      tpu.yield
    }) : () -> ()
    %mul3A_14 = arith.constant 3128 : i32
    %mul3A_15 = arith.muli %arg1, %mul3A_14 : i32
    %add3A_16 = arith.constant 782 : i32
    %add3A_17 = arith.addi %mul3A_15, %add3A_16 : i32
    "tpu.region"() ({
      %run_scoped3A = tpu.sem_alloc : memref<!tpu.dma_semaphore, #tpu.memory_space<semaphore_mem>>
      %dma_start3A = arith.constant 0 : i32
      %dma_start3A_53 = tpu.memref_slice %arg6[%add3A_17, %dma_start3A] : memref<50048x32xf32, #tpu.memory_space<vmem_shared>> -> memref<391x32xf32, #tpu.memory_space<vmem_shared>>
      %dma_start3A_54 = arith.constant 0 : i32
      %dma_start3A_55 = tpu.memref_slice %arg6[%add3A_17, %dma_start3A_54] : memref<50048x32xf32, #tpu.memory_space<vmem_shared>> -> memref<391x32xf32, #tpu.memory_space<vmem_shared>>
      tpu.enqueue_dma source(%arg7 : memref<391x32xf32, #tpu.memory_space<vmem>>) target(%dma_start3A_55 : memref<391x32xf32, #tpu.memory_space<vmem_shared>>) target_semaphore(%run_scoped3A : memref<!tpu.dma_semaphore, #tpu.memory_space<semaphore_mem>>)
      %dma_wait3A = arith.constant 0 : i32
      %dma_wait3A_56 = tpu.memref_slice %arg6[%add3A_17, %dma_wait3A] : memref<50048x32xf32, #tpu.memory_space<vmem_shared>> -> memref<391x32xf32, #tpu.memory_space<vmem_shared>>
      %dma_wait3A_57 = arith.constant 0 : i32
      %dma_wait3A_58 = tpu.memref_slice %arg6[%add3A_17, %dma_wait3A_57] : memref<50048x32xf32, #tpu.memory_space<vmem_shared>> -> memref<391x32xf32, #tpu.memory_space<vmem_shared>>
      tpu.wait_dma2 semaphore(%run_scoped3A : memref<!tpu.dma_semaphore, #tpu.memory_space<semaphore_mem>>) src(%arg7 : memref<391x32xf32, #tpu.memory_space<vmem>>) dst(%dma_wait3A_58 : memref<391x32xf32, #tpu.memory_space<vmem_shared>>)
      tpu.yield
    }) : () -> ()
    %mul3A_18 = arith.constant 3128 : i32
    %mul3A_19 = arith.muli %arg1, %mul3A_18 : i32
    %add3A_20 = arith.constant 1173 : i32
    %add3A_21 = arith.addi %mul3A_19, %add3A_20 : i32
    "tpu.region"() ({
      %run_scoped3A = tpu.sem_alloc : memref<!tpu.dma_semaphore, #tpu.memory_space<semaphore_mem>>
      %dma_start3A = arith.constant 0 : i32
      %dma_start3A_53 = tpu.memref_slice %arg6[%add3A_21, %dma_start3A] : memref<50048x32xf32, #tpu.memory_space<vmem_shared>> -> memref<391x32xf32, #tpu.memory_space<vmem_shared>>
      %dma_start3A_54 = arith.constant 0 : i32
      %dma_start3A_55 = tpu.memref_slice %arg6[%add3A_21, %dma_start3A_54] : memref<50048x32xf32, #tpu.memory_space<vmem_shared>> -> memref<391x32xf32, #tpu.memory_space<vmem_shared>>
      tpu.enqueue_dma source(%arg7 : memref<391x32xf32, #tpu.memory_space<vmem>>) target(%dma_start3A_55 : memref<391x32xf32, #tpu.memory_space<vmem_shared>>) target_semaphore(%run_scoped3A : memref<!tpu.dma_semaphore, #tpu.memory_space<semaphore_mem>>)
      %dma_wait3A = arith.constant 0 : i32
      %dma_wait3A_56 = tpu.memref_slice %arg6[%add3A_21, %dma_wait3A] : memref<50048x32xf32, #tpu.memory_space<vmem_shared>> -> memref<391x32xf32, #tpu.memory_space<vmem_shared>>
      %dma_wait3A_57 = arith.constant 0 : i32
      %dma_wait3A_58 = tpu.memref_slice %arg6[%add3A_21, %dma_wait3A_57] : memref<50048x32xf32, #tpu.memory_space<vmem_shared>> -> memref<391x32xf32, #tpu.memory_space<vmem_shared>>
      tpu.wait_dma2 semaphore(%run_scoped3A : memref<!tpu.dma_semaphore, #tpu.memory_space<semaphore_mem>>) src(%arg7 : memref<391x32xf32, #tpu.memory_space<vmem>>) dst(%dma_wait3A_58 : memref<391x32xf32, #tpu.memory_space<vmem_shared>>)
      tpu.yield
    }) : () -> ()
    %mul3A_22 = arith.constant 3128 : i32
    %mul3A_23 = arith.muli %arg1, %mul3A_22 : i32
    %add3A_24 = arith.constant 1564 : i32
    %add3A_25 = arith.addi %mul3A_23, %add3A_24 : i32
    "tpu.region"() ({
      %run_scoped3A = tpu.sem_alloc : memref<!tpu.dma_semaphore, #tpu.memory_space<semaphore_mem>>
      %dma_start3A = arith.constant 0 : i32
      %dma_start3A_53 = tpu.memref_slice %arg6[%add3A_25, %dma_start3A] : memref<50048x32xf32, #tpu.memory_space<vmem_shared>> -> memref<391x32xf32, #tpu.memory_space<vmem_shared>>
      %dma_start3A_54 = arith.constant 0 : i32
      %dma_start3A_55 = tpu.memref_slice %arg6[%add3A_25, %dma_start3A_54] : memref<50048x32xf32, #tpu.memory_space<vmem_shared>> -> memref<391x32xf32, #tpu.memory_space<vmem_shared>>
      tpu.enqueue_dma source(%arg7 : memref<391x32xf32, #tpu.memory_space<vmem>>) target(%dma_start3A_55 : memref<391x32xf32, #tpu.memory_space<vmem_shared>>) target_semaphore(%run_scoped3A : memref<!tpu.dma_semaphore, #tpu.memory_space<semaphore_mem>>)
      %dma_wait3A = arith.constant 0 : i32
      %dma_wait3A_56 = tpu.memref_slice %arg6[%add3A_25, %dma_wait3A] : memref<50048x32xf32, #tpu.memory_space<vmem_shared>> -> memref<391x32xf32, #tpu.memory_space<vmem_shared>>
      %dma_wait3A_57 = arith.constant 0 : i32
      %dma_wait3A_58 = tpu.memref_slice %arg6[%add3A_25, %dma_wait3A_57] : memref<50048x32xf32, #tpu.memory_space<vmem_shared>> -> memref<391x32xf32, #tpu.memory_space<vmem_shared>>
      tpu.wait_dma2 semaphore(%run_scoped3A : memref<!tpu.dma_semaphore, #tpu.memory_space<semaphore_mem>>) src(%arg7 : memref<391x32xf32, #tpu.memory_space<vmem>>) dst(%dma_wait3A_58 : memref<391x32xf32, #tpu.memory_space<vmem_shared>>)
      tpu.yield
    }) : () -> ()
    %mul3A_26 = arith.constant 3128 : i32
    %mul3A_27 = arith.muli %arg1, %mul3A_26 : i32
    %add3A_28 = arith.constant 1955 : i32
    %add3A_29 = arith.addi %mul3A_27, %add3A_28 : i32
    "tpu.region"() ({
      %run_scoped3A = tpu.sem_alloc : memref<!tpu.dma_semaphore, #tpu.memory_space<semaphore_mem>>
      %dma_start3A = arith.constant 0 : i32
      %dma_start3A_53 = tpu.memref_slice %arg6[%add3A_29, %dma_start3A] : memref<50048x32xf32, #tpu.memory_space<vmem_shared>> -> memref<391x32xf32, #tpu.memory_space<vmem_shared>>
      %dma_start3A_54 = arith.constant 0 : i32
      %dma_start3A_55 = tpu.memref_slice %arg6[%add3A_29, %dma_start3A_54] : memref<50048x32xf32, #tpu.memory_space<vmem_shared>> -> memref<391x32xf32, #tpu.memory_space<vmem_shared>>
      tpu.enqueue_dma source(%arg7 : memref<391x32xf32, #tpu.memory_space<vmem>>) target(%dma_start3A_55 : memref<391x32xf32, #tpu.memory_space<vmem_shared>>) target_semaphore(%run_scoped3A : memref<!tpu.dma_semaphore, #tpu.memory_space<semaphore_mem>>)
      %dma_wait3A = arith.constant 0 : i32
      %dma_wait3A_56 = tpu.memref_slice %arg6[%add3A_29, %dma_wait3A] : memref<50048x32xf32, #tpu.memory_space<vmem_shared>> -> memref<391x32xf32, #tpu.memory_space<vmem_shared>>
      %dma_wait3A_57 = arith.constant 0 : i32
      %dma_wait3A_58 = tpu.memref_slice %arg6[%add3A_29, %dma_wait3A_57] : memref<50048x32xf32, #tpu.memory_space<vmem_shared>> -> memref<391x32xf32, #tpu.memory_space<vmem_shared>>
      tpu.wait_dma2 semaphore(%run_scoped3A : memref<!tpu.dma_semaphore, #tpu.memory_space<semaphore_mem>>) src(%arg7 : memref<391x32xf32, #tpu.memory_space<vmem>>) dst(%dma_wait3A_58 : memref<391x32xf32, #tpu.memory_space<vmem_shared>>)
      tpu.yield
    }) : () -> ()
    %mul3A_30 = arith.constant 3128 : i32
    %mul3A_31 = arith.muli %arg1, %mul3A_30 : i32
    %add3A_32 = arith.constant 2346 : i32
    %add3A_33 = arith.addi %mul3A_31, %add3A_32 : i32
    "tpu.region"() ({
      %run_scoped3A = tpu.sem_alloc : memref<!tpu.dma_semaphore, #tpu.memory_space<semaphore_mem>>
      %dma_start3A = arith.constant 0 : i32
      %dma_start3A_53 = tpu.memref_slice %arg6[%add3A_33, %dma_start3A] : memref<50048x32xf32, #tpu.memory_space<vmem_shared>> -> memref<391x32xf32, #tpu.memory_space<vmem_shared>>
      %dma_start3A_54 = arith.constant 0 : i32
      %dma_start3A_55 = tpu.memref_slice %arg6[%add3A_33, %dma_start3A_54] : memref<50048x32xf32, #tpu.memory_space<vmem_shared>> -> memref<391x32xf32, #tpu.memory_space<vmem_shared>>
      tpu.enqueue_dma source(%arg7 : memref<391x32xf32, #tpu.memory_space<vmem>>) target(%dma_start3A_55 : memref<391x32xf32, #tpu.memory_space<vmem_shared>>) target_semaphore(%run_scoped3A : memref<!tpu.dma_semaphore, #tpu.memory_space<semaphore_mem>>)
      %dma_wait3A = arith.constant 0 : i32
      %dma_wait3A_56 = tpu.memref_slice %arg6[%add3A_33, %dma_wait3A] : memref<50048x32xf32, #tpu.memory_space<vmem_shared>> -> memref<391x32xf32, #tpu.memory_space<vmem_shared>>
      %dma_wait3A_57 = arith.constant 0 : i32
      %dma_wait3A_58 = tpu.memref_slice %arg6[%add3A_33, %dma_wait3A_57] : memref<50048x32xf32, #tpu.memory_space<vmem_shared>> -> memref<391x32xf32, #tpu.memory_space<vmem_shared>>
      tpu.wait_dma2 semaphore(%run_scoped3A : memref<!tpu.dma_semaphore, #tpu.memory_space<semaphore_mem>>) src(%arg7 : memref<391x32xf32, #tpu.memory_space<vmem>>) dst(%dma_wait3A_58 : memref<391x32xf32, #tpu.memory_space<vmem_shared>>)
      tpu.yield
    }) : () -> ()
    %mul3A_34 = arith.constant 3128 : i32
    %mul3A_35 = arith.muli %arg1, %mul3A_34 : i32
    %add3A_36 = arith.constant 2737 : i32
    %add3A_37 = arith.addi %mul3A_35, %add3A_36 : i32
    "tpu.region"() ({
      %run_scoped3A = tpu.sem_alloc : memref<!tpu.dma_semaphore, #tpu.memory_space<semaphore_mem>>
      %dma_start3A = arith.constant 0 : i32
      %dma_start3A_53 = tpu.memref_slice %arg6[%add3A_37, %dma_start3A] : memref<50048x32xf32, #tpu.memory_space<vmem_shared>> -> memref<391x32xf32, #tpu.memory_space<vmem_shared>>
      %dma_start3A_54 = arith.constant 0 : i32
      %dma_start3A_55 = tpu.memref_slice %arg6[%add3A_37, %dma_start3A_54] : memref<50048x32xf32, #tpu.memory_space<vmem_shared>> -> memref<391x32xf32, #tpu.memory_space<vmem_shared>>
      tpu.enqueue_dma source(%arg7 : memref<391x32xf32, #tpu.memory_space<vmem>>) target(%dma_start3A_55 : memref<391x32xf32, #tpu.memory_space<vmem_shared>>) target_semaphore(%run_scoped3A : memref<!tpu.dma_semaphore, #tpu.memory_space<semaphore_mem>>)
      %dma_wait3A = arith.constant 0 : i32
      %dma_wait3A_56 = tpu.memref_slice %arg6[%add3A_37, %dma_wait3A] : memref<50048x32xf32, #tpu.memory_space<vmem_shared>> -> memref<391x32xf32, #tpu.memory_space<vmem_shared>>
      %dma_wait3A_57 = arith.constant 0 : i32
      %dma_wait3A_58 = tpu.memref_slice %arg6[%add3A_37, %dma_wait3A_57] : memref<50048x32xf32, #tpu.memory_space<vmem_shared>> -> memref<391x32xf32, #tpu.memory_space<vmem_shared>>
      tpu.wait_dma2 semaphore(%run_scoped3A : memref<!tpu.dma_semaphore, #tpu.memory_space<semaphore_mem>>) src(%arg7 : memref<391x32xf32, #tpu.memory_space<vmem>>) dst(%dma_wait3A_58 : memref<391x32xf32, #tpu.memory_space<vmem_shared>>)
      tpu.yield
    }) : () -> ()
    %barrier3A = arith.constant 0 : index
    tpu.barrier barrier_id(%barrier3A)
    %mul3A_38 = arith.constant 100000 : i32
    %mul3A_39 = arith.muli %arg1, %mul3A_38 : i32
    %scan3A_40 = arith.constant 0 : i32
    %scan3A_41 = arith.constant 0 : i32
    %scan3A_42 = arith.constant 125 : i32
    %scan3A_43 = arith.addi %scan3A_41, %scan3A_42 : i32
    %scan3A_44 = arith.constant 1 : i32
    scf.for %scan3A_53 = %scan3A_41 to %scan3A_43 step %scan3A_44  : i32 {
      %mul3A_54 = arith.constant 800 : i32
      %mul3A_55 = arith.muli %scan3A_53, %mul3A_54 : i32
      %add3A_56 = arith.addi %mul3A_39, %mul3A_55 : i32
      %multiple_of3A = tpu.assume_multiple %add3A_56, 8 : i32
      "tpu.region"() ({
        %run_scoped3A = tpu.sem_alloc : memref<!tpu.dma_semaphore, #tpu.memory_space<semaphore_mem>>
        %dma_start3A_1098 = tpu.memref_slice %arg3[%multiple_of3A] : memref<1600000xi32, #tpu.memory_space<hbm>> -> memref<800xi32, #tpu.memory_space<hbm>>
        %dma_start3A_1099 = tpu.memref_slice %arg3[%multiple_of3A] : memref<1600000xi32, #tpu.memory_space<hbm>> -> memref<800xi32, #tpu.memory_space<hbm>>
        tpu.enqueue_dma source(%dma_start3A_1099 : memref<800xi32, #tpu.memory_space<hbm>>) target(%arg8 : memref<800xi32, #tpu.memory_space<vmem>>) target_semaphore(%run_scoped3A : memref<!tpu.dma_semaphore, #tpu.memory_space<semaphore_mem>>)
        %dma_wait3A_1100 = tpu.memref_slice %arg3[%multiple_of3A] : memref<1600000xi32, #tpu.memory_space<hbm>> -> memref<800xi32, #tpu.memory_space<hbm>>
        %dma_wait3A_1101 = tpu.memref_slice %arg3[%multiple_of3A] : memref<1600000xi32, #tpu.memory_space<hbm>> -> memref<800xi32, #tpu.memory_space<hbm>>
        tpu.wait_dma2 semaphore(%run_scoped3A : memref<!tpu.dma_semaphore, #tpu.memory_space<semaphore_mem>>) src(%dma_wait3A_1101 : memref<800xi32, #tpu.memory_space<hbm>>) dst(%arg8 : memref<800xi32, #tpu.memory_space<vmem>>)
        tpu.yield
      }) : () -> ()
      "tpu.region"() ({
        %run_scoped3A = tpu.sem_alloc : memref<!tpu.dma_semaphore, #tpu.memory_space<semaphore_mem>>
        %dma_start3A_1098 = tpu.memref_slice %arg4[%multiple_of3A] : memref<1600000xi32, #tpu.memory_space<hbm>> -> memref<800xi32, #tpu.memory_space<hbm>>
        %dma_start3A_1099 = tpu.memref_slice %arg4[%multiple_of3A] : memref<1600000xi32, #tpu.memory_space<hbm>> -> memref<800xi32, #tpu.memory_space<hbm>>
        tpu.enqueue_dma source(%dma_start3A_1099 : memref<800xi32, #tpu.memory_space<hbm>>) target(%arg9 : memref<800xi32, #tpu.memory_space<vmem>>) target_semaphore(%run_scoped3A : memref<!tpu.dma_semaphore, #tpu.memory_space<semaphore_mem>>)
        %dma_wait3A_1100 = tpu.memref_slice %arg4[%multiple_of3A] : memref<1600000xi32, #tpu.memory_space<hbm>> -> memref<800xi32, #tpu.memory_space<hbm>>
        %dma_wait3A_1101 = tpu.memref_slice %arg4[%multiple_of3A] : memref<1600000xi32, #tpu.memory_space<hbm>> -> memref<800xi32, #tpu.memory_space<hbm>>
        tpu.wait_dma2 semaphore(%run_scoped3A : memref<!tpu.dma_semaphore, #tpu.memory_space<semaphore_mem>>) src(%dma_wait3A_1101 : memref<800xi32, #tpu.memory_space<hbm>>) dst(%arg9 : memref<800xi32, #tpu.memory_space<vmem>>)
        tpu.yield
      }) : () -> ()
      %dma_start3A = arith.constant 0 : i32
      %dma_start3A_57 = tpu.memref_slice %arg8[%dma_start3A] : memref<800xi32, #tpu.memory_space<vmem>> -> memref<80xi32, #tpu.memory_space<vmem>>
      %dma_start3A_58 = arith.constant 0 : i32
      %dma_start3A_59 = arith.constant 0 : i32
      %dma_start3A_60 = tpu.memref_slice %arg2[%dma_start3A_58, %dma_start3A_59] : memref<100000x32xf32, #tpu.memory_space<hbm>> -> memref<100000x32xf32, #tpu.memory_space<hbm>>
      tpu.enqueue_indirect_dma source(%dma_start3A_60 : memref<100000x32xf32, #tpu.memory_space<hbm>>) target(%arg10 : memref<80x32xf32, #tpu.memory_space<vmem>>) offsets(%dma_start3A_57 : memref<80xi32, #tpu.memory_space<vmem>>) semaphore(%arg20 : memref<!tpu.dma_semaphore, #tpu.memory_space<semaphore_mem>>)
      %dma_start3A_61 = arith.constant 80 : i32
      %dma_start3A_62 = tpu.memref_slice %arg8[%dma_start3A_61] : memref<800xi32, #tpu.memory_space<vmem>> -> memref<80xi32, #tpu.memory_space<vmem>>
      %dma_start3A_63 = arith.constant 0 : i32
      %dma_start3A_64 = arith.constant 0 : i32
      %dma_start3A_65 = tpu.memref_slice %arg2[%dma_start3A_63, %dma_start3A_64] : memref<100000x32xf32, #tpu.memory_space<hbm>> -> memref<100000x32xf32, #tpu.memory_space<hbm>>
      tpu.enqueue_indirect_dma source(%dma_start3A_65 : memref<100000x32xf32, #tpu.memory_space<hbm>>) target(%arg11 : memref<80x32xf32, #tpu.memory_space<vmem>>) offsets(%dma_start3A_62 : memref<80xi32, #tpu.memory_space<vmem>>) semaphore(%arg20 : memref<!tpu.dma_semaphore, #tpu.memory_space<semaphore_mem>>)
      %dma_start3A_66 = arith.constant 160 : i32
      %dma_start3A_67 = tpu.memref_slice %arg8[%dma_start3A_66] : memref<800xi32, #tpu.memory_space<vmem>> -> memref<80xi32, #tpu.memory_space<vmem>>
      %dma_start3A_68 = arith.constant 0 : i32
      %dma_start3A_69 = arith.constant 0 : i32
      %dma_start3A_70 = tpu.memref_slice %arg2[%dma_start3A_68, %dma_start3A_69] : memref<100000x32xf32, #tpu.memory_space<hbm>> -> memref<100000x32xf32, #tpu.memory_space<hbm>>
      tpu.enqueue_indirect_dma source(%dma_start3A_70 : memref<100000x32xf32, #tpu.memory_space<hbm>>) target(%arg12 : memref<80x32xf32, #tpu.memory_space<vmem>>) offsets(%dma_start3A_67 : memref<80xi32, #tpu.memory_space<vmem>>) semaphore(%arg20 : memref<!tpu.dma_semaphore, #tpu.memory_space<semaphore_mem>>)
      %dma_start3A_71 = arith.constant 240 : i32
      %dma_start3A_72 = tpu.memref_slice %arg8[%dma_start3A_71] : memref<800xi32, #tpu.memory_space<vmem>> -> memref<80xi32, #tpu.memory_space<vmem>>
      %dma_start3A_73 = arith.constant 0 : i32
      %dma_start3A_74 = arith.constant 0 : i32
      %dma_start3A_75 = tpu.memref_slice %arg2[%dma_start3A_73, %dma_start3A_74] : memref<100000x32xf32, #tpu.memory_space<hbm>> -> memref<100000x32xf32, #tpu.memory_space<hbm>>
      tpu.enqueue_indirect_dma source(%dma_start3A_75 : memref<100000x32xf32, #tpu.memory_space<hbm>>) target(%arg13 : memref<80x32xf32, #tpu.memory_space<vmem>>) offsets(%dma_start3A_72 : memref<80xi32, #tpu.memory_space<vmem>>) semaphore(%arg20 : memref<!tpu.dma_semaphore, #tpu.memory_space<semaphore_mem>>)
      %dma_start3A_76 = arith.constant 320 : i32
      %dma_start3A_77 = tpu.memref_slice %arg8[%dma_start3A_76] : memref<800xi32, #tpu.memory_space<vmem>> -> memref<80xi32, #tpu.memory_space<vmem>>
      %dma_start3A_78 = arith.constant 0 : i32
      %dma_start3A_79 = arith.constant 0 : i32
      %dma_start3A_80 = tpu.memref_slice %arg2[%dma_start3A_78, %dma_start3A_79] : memref<100000x32xf32, #tpu.memory_space<hbm>> -> memref<100000x32xf32, #tpu.memory_space<hbm>>
      tpu.enqueue_indirect_dma source(%dma_start3A_80 : memref<100000x32xf32, #tpu.memory_space<hbm>>) target(%arg14 : memref<80x32xf32, #tpu.memory_space<vmem>>) offsets(%dma_start3A_77 : memref<80xi32, #tpu.memory_space<vmem>>) semaphore(%arg20 : memref<!tpu.dma_semaphore, #tpu.memory_space<semaphore_mem>>)
      %dma_wait3A = arith.constant 0 : i32
      %dma_wait3A_81 = tpu.memref_slice %arg8[%dma_wait3A] : memref<800xi32, #tpu.memory_space<vmem>> -> memref<80xi32, #tpu.memory_space<vmem>>
      %dma_wait3A_82 = arith.constant 0 : i32
      %dma_wait3A_83 = arith.constant 0 : i32
      %dma_wait3A_84 = tpu.memref_slice %arg2[%dma_wait3A_82, %dma_wait3A_83] : memref<100000x32xf32, #tpu.memory_space<hbm>> -> memref<100000x32xf32, #tpu.memory_space<hbm>>
      tpu.wait_indirect_dma semaphore(%arg20 : memref<!tpu.dma_semaphore, #tpu.memory_space<semaphore_mem>>) src(%dma_wait3A_84 : memref<100000x32xf32, #tpu.memory_space<hbm>>) dst(%arg10 : memref<80x32xf32, #tpu.memory_space<vmem>>)
      %get3A = arith.constant 0 : index
      %get3A_85 = tpu.vector_load %arg9[%get3A] {strides = array<i32>} : memref<800xi32, #tpu.memory_space<vmem>>, vector<16xi32>,
      %get3A_86 = vector.shape_cast %get3A_85 : vector<16xi32> to vector<16xi32>
      %sub3A = vector.broadcast %mul3A_0 : i32 to vector<16xi32>
      %sub3A_87 = arith.subi %get3A_86, %sub3A : vector<16xi32>
      %ge3A = arith.constant 0 : i32
      %ge3A_88 = vector.broadcast %ge3A : i32 to vector<16xi32>
      %ge3A_89 = arith.cmpi sge, %sub3A_87, %ge3A_88 : vector<16xi32>
      %lt3A_90 = arith.constant 50000 : i32
      %lt3A_91 = vector.broadcast %lt3A_90 : i32 to vector<16xi32>
      %lt3A_92 = arith.cmpi slt, %sub3A_87, %lt3A_91 : vector<16xi32>
      %and3A = arith.andi %ge3A_89, %lt3A_92 : vector<16xi1>
      %jit3A = arith.constant 50000 : i32
      %broadcast_in_dim3A_93 = vector.broadcast %jit3A : i32 to vector<16xi32>
      %select_n3A = arith.select %and3A, %sub3A_87, %broadcast_in_dim3A_93 : vector<16xi1>, vector<16xi32>
      %swap3A = arith.constant 0 : index
      %swap3A_94 = tpu.vector_load %arg15[%swap3A] {strides = array<i32>} : memref<80xi32, #tpu.memory_space<vmem>>, vector<16xi32>,
      %swap3A_95 = vector.shape_cast %swap3A_94 : vector<16xi32> to vector<16xi32>
      %swap3A_96 = vector.shape_cast %select_n3A : vector<16xi32> to vector<16xi32>
      tpu.vector_store %arg15[%swap3A], %swap3A_96 {strides = array<i32>} : memref<80xi32, #tpu.memory_space<vmem>>, vector<16xi32>,
      %get3A_97 = arith.constant 16 : index
      %get3A_98 = tpu.vector_load %arg9[%get3A_97] {strides = array<i32>} : memref<800xi32, #tpu.memory_space<vmem>>, vector<16xi32>,
      %get3A_99 = vector.shape_cast %get3A_98 : vector<16xi32> to vector<16xi32>
      %sub3A_100 = vector.broadcast %mul3A_0 : i32 to vector<16xi32>
      %sub3A_101 = arith.subi %get3A_99, %sub3A_100 : vector<16xi32>
      %ge3A_102 = arith.constant 0 : i32
      %ge3A_103 = vector.broadcast %ge3A_102 : i32 to vector<16xi32>
      %ge3A_104 = arith.cmpi sge, %sub3A_101, %ge3A_103 : vector<16xi32>
      %lt3A_105 = arith.constant 50000 : i32
      %lt3A_106 = vector.broadcast %lt3A_105 : i32 to vector<16xi32>
      %lt3A_107 = arith.cmpi slt, %sub3A_101, %lt3A_106 : vector<16xi32>
      %and3A_108 = arith.andi %ge3A_104, %lt3A_107 : vector<16xi1>
      %jit3A_109 = arith.constant 50000 : i32
      %broadcast_in_dim3A_110 = vector.broadcast %jit3A_109 : i32 to vector<16xi32>
      %select_n3A_111 = arith.select %and3A_108, %sub3A_101, %broadcast_in_dim3A_110 : vector<16xi1>, vector<16xi32>
      %swap3A_112 = arith.constant 16 : index
      %swap3A_113 = tpu.vector_load %arg15[%swap3A_112] {strides = array<i32>} : memref<80xi32, #tpu.memory_space<vmem>>, vector<16xi32>,
      %swap3A_114 = vector.shape_cast %swap3A_113 : vector<16xi32> to vector<16xi32>
      %swap3A_115 = vector.shape_cast %select_n3A_111 : vector<16xi32> to vector<16xi32>
      tpu.vector_store %arg15[%swap3A_112], %swap3A_115 {strides = array<i32>} : memref<80xi32, #tpu.memory_space<vmem>>, vector<16xi32>,
      %get3A_116 = arith.constant 32 : index
      %get3A_117 = tpu.vector_load %arg9[%get3A_116] {strides = array<i32>} : memref<800xi32, #tpu.memory_space<vmem>>, vector<16xi32>,
      %get3A_118 = vector.shape_cast %get3A_117 : vector<16xi32> to vector<16xi32>
      %sub3A_119 = vector.broadcast %mul3A_0 : i32 to vector<16xi32>
      %sub3A_120 = arith.subi %get3A_118, %sub3A_119 : vector<16xi32>
      %ge3A_121 = arith.constant 0 : i32
      %ge3A_122 = vector.broadcast %ge3A_121 : i32 to vector<16xi32>
      %ge3A_123 = arith.cmpi sge, %sub3A_120, %ge3A_122 : vector<16xi32>
      %lt3A_124 = arith.constant 50000 : i32
      %lt3A_125 = vector.broadcast %lt3A_124 : i32 to vector<16xi32>
      %lt3A_126 = arith.cmpi slt, %sub3A_120, %lt3A_125 : vector<16xi32>
      %and3A_127 = arith.andi %ge3A_123, %lt3A_126 : vector<16xi1>
      %jit3A_128 = arith.constant 50000 : i32
      %broadcast_in_dim3A_129 = vector.broadcast %jit3A_128 : i32 to vector<16xi32>
      %select_n3A_130 = arith.select %and3A_127, %sub3A_120, %broadcast_in_dim3A_129 : vector<16xi1>, vector<16xi32>
      %swap3A_131 = arith.constant 32 : index
      %swap3A_132 = tpu.vector_load %arg15[%swap3A_131] {strides = array<i32>} : memref<80xi32, #tpu.memory_space<vmem>>, vector<16xi32>,
      %swap3A_133 = vector.shape_cast %swap3A_132 : vector<16xi32> to vector<16xi32>
      %swap3A_134 = vector.shape_cast %select_n3A_130 : vector<16xi32> to vector<16xi32>
      tpu.vector_store %arg15[%swap3A_131], %swap3A_134 {strides = array<i32>} : memref<80xi32, #tpu.memory_space<vmem>>, vector<16xi32>,
      %get3A_135 = arith.constant 48 : index
      %get3A_136 = tpu.vector_load %arg9[%get3A_135] {strides = array<i32>} : memref<800xi32, #tpu.memory_space<vmem>>, vector<16xi32>,
      %get3A_137 = vector.shape_cast %get3A_136 : vector<16xi32> to vector<16xi32>
      %sub3A_138 = vector.broadcast %mul3A_0 : i32 to vector<16xi32>
      %sub3A_139 = arith.subi %get3A_137, %sub3A_138 : vector<16xi32>
      %ge3A_140 = arith.constant 0 : i32
      %ge3A_141 = vector.broadcast %ge3A_140 : i32 to vector<16xi32>
      %ge3A_142 = arith.cmpi sge, %sub3A_139, %ge3A_141 : vector<16xi32>
      %lt3A_143 = arith.constant 50000 : i32
      %lt3A_144 = vector.broadcast %lt3A_143 : i32 to vector<16xi32>
      %lt3A_145 = arith.cmpi slt, %sub3A_139, %lt3A_144 : vector<16xi32>
      %and3A_146 = arith.andi %ge3A_142, %lt3A_145 : vector<16xi1>
      %jit3A_147 = arith.constant 50000 : i32
      %broadcast_in_dim3A_148 = vector.broadcast %jit3A_147 : i32 to vector<16xi32>
      %select_n3A_149 = arith.select %and3A_146, %sub3A_139, %broadcast_in_dim3A_148 : vector<16xi1>, vector<16xi32>
      %swap3A_150 = arith.constant 48 : index
      %swap3A_151 = tpu.vector_load %arg15[%swap3A_150] {strides = array<i32>} : memref<80xi32, #tpu.memory_space<vmem>>, vector<16xi32>,
      %swap3A_152 = vector.shape_cast %swap3A_151 : vector<16xi32> to vector<16xi32>
      %swap3A_153 = vector.shape_cast %select_n3A_149 : vector<16xi32> to vector<16xi32>
      tpu.vector_store %arg15[%swap3A_150], %swap3A_153 {strides = array<i32>} : memref<80xi32, #tpu.memory_space<vmem>>, vector<16xi32>,
      %get3A_154 = arith.constant 64 : index
      %get3A_155 = tpu.vector_load %arg9[%get3A_154] {strides = array<i32>} : memref<800xi32, #tpu.memory_space<vmem>>, vector<16xi32>,
      %get3A_156 = vector.shape_cast %get3A_155 : vector<16xi32> to vector<16xi32>
      %sub3A_157 = vector.broadcast %mul3A_0 : i32 to vector<16xi32>
      %sub3A_158 = arith.subi %get3A_156, %sub3A_157 : vector<16xi32>
      %ge3A_159 = arith.constant 0 : i32
      %ge3A_160 = vector.broadcast %ge3A_159 : i32 to vector<16xi32>
      %ge3A_161 = arith.cmpi sge, %sub3A_158, %ge3A_160 : vector<16xi32>
      %lt3A_162 = arith.constant 50000 : i32
      %lt3A_163 = vector.broadcast %lt3A_162 : i32 to vector<16xi32>
      %lt3A_164 = arith.cmpi slt, %sub3A_158, %lt3A_163 : vector<16xi32>
      %and3A_165 = arith.andi %ge3A_161, %lt3A_164 : vector<16xi1>
      %jit3A_166 = arith.constant 50000 : i32
      %broadcast_in_dim3A_167 = vector.broadcast %jit3A_166 : i32 to vector<16xi32>
      %select_n3A_168 = arith.select %and3A_165, %sub3A_158, %broadcast_in_dim3A_167 : vector<16xi1>, vector<16xi32>
      %swap3A_169 = arith.constant 64 : index
      %swap3A_170 = tpu.vector_load %arg15[%swap3A_169] {strides = array<i32>} : memref<80xi32, #tpu.memory_space<vmem>>, vector<16xi32>,
      %swap3A_171 = vector.shape_cast %swap3A_170 : vector<16xi32> to vector<16xi32>
      %swap3A_172 = vector.shape_cast %select_n3A_168 : vector<16xi32> to vector<16xi32>
      tpu.vector_store %arg15[%swap3A_169], %swap3A_172 {strides = array<i32>} : memref<80xi32, #tpu.memory_space<vmem>>, vector<16xi32>,
      "tpu.region"() ({
        %run_scoped3A = tpu.sem_alloc : memref<!tpu.dma_semaphore, #tpu.memory_space<semaphore_mem>>
        %dma_start3A_1098 = arith.constant 0 : i32
        %dma_start3A_1099 = arith.constant 0 : i32
        %dma_start3A_1100 = tpu.memref_slice %arg6[%dma_start3A_1098, %dma_start3A_1099] : memref<50048x32xf32, #tpu.memory_space<vmem_shared>> -> memref<50048x32xf32, #tpu.memory_space<vmem_shared>>
        tpu.enqueue_indirect_dma source(%arg10 : memref<80x32xf32, #tpu.memory_space<vmem>>) target(%dma_start3A_1100 : memref<50048x32xf32, #tpu.memory_space<vmem_shared>>) offsets(%arg15 : memref<80xi32, #tpu.memory_space<vmem>>) semaphore(%run_scoped3A : memref<!tpu.dma_semaphore, #tpu.memory_space<semaphore_mem>>) {add = true}
        %dma_wait3A_1101 = arith.constant 0 : i32
        %dma_wait3A_1102 = arith.constant 0 : i32
        %dma_wait3A_1103 = tpu.memref_slice %arg6[%dma_wait3A_1101, %dma_wait3A_1102] : memref<50048x32xf32, #tpu.memory_space<vmem_shared>> -> memref<50048x32xf32, #tpu.memory_space<vmem_shared>>
        tpu.wait_indirect_dma semaphore(%run_scoped3A : memref<!tpu.dma_semaphore, #tpu.memory_space<semaphore_mem>>) src(%arg10 : memref<80x32xf32, #tpu.memory_space<vmem>>) dst(%dma_wait3A_1103 : memref<50048x32xf32, #tpu.memory_space<vmem_shared>>)
        tpu.yield
      }) : () -> ()
      %dma_start3A_173 = arith.constant 400 : i32
      %dma_start3A_174 = tpu.memref_slice %arg8[%dma_start3A_173] : memref<800xi32, #tpu.memory_space<vmem>> -> memref<80xi32, #tpu.memory_space<vmem>>
      %dma_start3A_175 = arith.constant 0 : i32
      %dma_start3A_176 = arith.constant 0 : i32
      %dma_start3A_177 = tpu.memref_slice %arg2[%dma_start3A_175, %dma_start3A_176] : memref<100000x32xf32, #tpu.memory_space<hbm>> -> memref<100000x32xf32, #tpu.memory_space<hbm>>
      tpu.enqueue_indirect_dma source(%dma_start3A_177 : memref<100000x32xf32, #tpu.memory_space<hbm>>) target(%arg10 : memref<80x32xf32, #tpu.memory_space<vmem>>) offsets(%dma_start3A_174 : memref<80xi32, #tpu.memory_space<vmem>>) semaphore(%arg20 : memref<!tpu.dma_semaphore, #tpu.memory_space<semaphore_mem>>)
      %dma_wait3A_178 = arith.constant 80 : i32
      %dma_wait3A_179 = tpu.memref_slice %arg8[%dma_wait3A_178] : memref<800xi32, #tpu.memory_space<vmem>> -> memref<80xi32, #tpu.memory_space<vmem>>
      %dma_wait3A_180 = arith.constant 0 : i32
      %dma_wait3A_181 = arith.constant 0 : i32
      %dma_wait3A_182 = tpu.memref_slice %arg2[%dma_wait3A_180, %dma_wait3A_181] : memref<100000x32xf32, #tpu.memory_space<hbm>> -> memref<100000x32xf32, #tpu.memory_space<hbm>>
      tpu.wait_indirect_dma semaphore(%arg20 : memref<!tpu.dma_semaphore, #tpu.memory_space<semaphore_mem>>) src(%dma_wait3A_182 : memref<100000x32xf32, #tpu.memory_space<hbm>>) dst(%arg11 : memref<80x32xf32, #tpu.memory_space<vmem>>)
      %get3A_183 = arith.constant 80 : index
      %get3A_184 = tpu.vector_load %arg9[%get3A_183] {strides = array<i32>} : memref<800xi32, #tpu.memory_space<vmem>>, vector<16xi32>,
      %get3A_185 = vector.shape_cast %get3A_184 : vector<16xi32> to vector<16xi32>
      %sub3A_186 = vector.broadcast %mul3A_0 : i32 to vector<16xi32>
      %sub3A_187 = arith.subi %get3A_185, %sub3A_186 : vector<16xi32>
      %ge3A_188 = arith.constant 0 : i32
      %ge3A_189 = vector.broadcast %ge3A_188 : i32 to vector<16xi32>
      %ge3A_190 = arith.cmpi sge, %sub3A_187, %ge3A_189 : vector<16xi32>
      %lt3A_191 = arith.constant 50000 : i32
      %lt3A_192 = vector.broadcast %lt3A_191 : i32 to vector<16xi32>
      %lt3A_193 = arith.cmpi slt, %sub3A_187, %lt3A_192 : vector<16xi32>
      %and3A_194 = arith.andi %ge3A_190, %lt3A_193 : vector<16xi1>
      %jit3A_195 = arith.constant 50000 : i32
      %broadcast_in_dim3A_196 = vector.broadcast %jit3A_195 : i32 to vector<16xi32>
      %select_n3A_197 = arith.select %and3A_194, %sub3A_187, %broadcast_in_dim3A_196 : vector<16xi1>, vector<16xi32>
      %swap3A_198 = arith.constant 0 : index
      %swap3A_199 = tpu.vector_load %arg16[%swap3A_198] {strides = array<i32>} : memref<80xi32, #tpu.memory_space<vmem>>, vector<16xi32>,
      %swap3A_200 = vector.shape_cast %swap3A_199 : vector<16xi32> to vector<16xi32>
      %swap3A_201 = vector.shape_cast %select_n3A_197 : vector<16xi32> to vector<16xi32>
      tpu.vector_store %arg16[%swap3A_198], %swap3A_201 {strides = array<i32>} : memref<80xi32, #tpu.memory_space<vmem>>, vector<16xi32>,
      %get3A_202 = arith.constant 96 : index
      %get3A_203 = tpu.vector_load %arg9[%get3A_202] {strides = array<i32>} : memref<800xi32, #tpu.memory_space<vmem>>, vector<16xi32>,
      %get3A_204 = vector.shape_cast %get3A_203 : vector<16xi32> to vector<16xi32>
      %sub3A_205 = vector.broadcast %mul3A_0 : i32 to vector<16xi32>
      %sub3A_206 = arith.subi %get3A_204, %sub3A_205 : vector<16xi32>
      %ge3A_207 = arith.constant 0 : i32
      %ge3A_208 = vector.broadcast %ge3A_207 : i32 to vector<16xi32>
      %ge3A_209 = arith.cmpi sge, %sub3A_206, %ge3A_208 : vector<16xi32>
      %lt3A_210 = arith.constant 50000 : i32
      %lt3A_211 = vector.broadcast %lt3A_210 : i32 to vector<16xi32>
      %lt3A_212 = arith.cmpi slt, %sub3A_206, %lt3A_211 : vector<16xi32>
      %and3A_213 = arith.andi %ge3A_209, %lt3A_212 : vector<16xi1>
      %jit3A_214 = arith.constant 50000 : i32
      %broadcast_in_dim3A_215 = vector.broadcast %jit3A_214 : i32 to vector<16xi32>
      %select_n3A_216 = arith.select %and3A_213, %sub3A_206, %broadcast_in_dim3A_215 : vector<16xi1>, vector<16xi32>
      %swap3A_217 = arith.constant 16 : index
      %swap3A_218 = tpu.vector_load %arg16[%swap3A_217] {strides = array<i32>} : memref<80xi32, #tpu.memory_space<vmem>>, vector<16xi32>,
      %swap3A_219 = vector.shape_cast %swap3A_218 : vector<16xi32> to vector<16xi32>
      %swap3A_220 = vector.shape_cast %select_n3A_216 : vector<16xi32> to vector<16xi32>
      tpu.vector_store %arg16[%swap3A_217], %swap3A_220 {strides = array<i32>} : memref<80xi32, #tpu.memory_space<vmem>>, vector<16xi32>,
      %get3A_221 = arith.constant 112 : index
      %get3A_222 = tpu.vector_load %arg9[%get3A_221] {strides = array<i32>} : memref<800xi32, #tpu.memory_space<vmem>>, vector<16xi32>,
      %get3A_223 = vector.shape_cast %get3A_222 : vector<16xi32> to vector<16xi32>
      %sub3A_224 = vector.broadcast %mul3A_0 : i32 to vector<16xi32>
      %sub3A_225 = arith.subi %get3A_223, %sub3A_224 : vector<16xi32>
      %ge3A_226 = arith.constant 0 : i32
      %ge3A_227 = vector.broadcast %ge3A_226 : i32 to vector<16xi32>
      %ge3A_228 = arith.cmpi sge, %sub3A_225, %ge3A_227 : vector<16xi32>
      %lt3A_229 = arith.constant 50000 : i32
      %lt3A_230 = vector.broadcast %lt3A_229 : i32 to vector<16xi32>
      %lt3A_231 = arith.cmpi slt, %sub3A_225, %lt3A_230 : vector<16xi32>
      %and3A_232 = arith.andi %ge3A_228, %lt3A_231 : vector<16xi1>
      %jit3A_233 = arith.constant 50000 : i32
      %broadcast_in_dim3A_234 = vector.broadcast %jit3A_233 : i32 to vector<16xi32>
      %select_n3A_235 = arith.select %and3A_232, %sub3A_225, %broadcast_in_dim3A_234 : vector<16xi1>, vector<16xi32>
      %swap3A_236 = arith.constant 32 : index
      %swap3A_237 = tpu.vector_load %arg16[%swap3A_236] {strides = array<i32>} : memref<80xi32, #tpu.memory_space<vmem>>, vector<16xi32>,
      %swap3A_238 = vector.shape_cast %swap3A_237 : vector<16xi32> to vector<16xi32>
      %swap3A_239 = vector.shape_cast %select_n3A_235 : vector<16xi32> to vector<16xi32>
      tpu.vector_store %arg16[%swap3A_236], %swap3A_239 {strides = array<i32>} : memref<80xi32, #tpu.memory_space<vmem>>, vector<16xi32>,
      %get3A_240 = arith.constant 128 : index
      %get3A_241 = tpu.vector_load %arg9[%get3A_240] {strides = array<i32>} : memref<800xi32, #tpu.memory_space<vmem>>, vector<16xi32>,
      %get3A_242 = vector.shape_cast %get3A_241 : vector<16xi32> to vector<16xi32>
      %sub3A_243 = vector.broadcast %mul3A_0 : i32 to vector<16xi32>
      %sub3A_244 = arith.subi %get3A_242, %sub3A_243 : vector<16xi32>
      %ge3A_245 = arith.constant 0 : i32
      %ge3A_246 = vector.broadcast %ge3A_245 : i32 to vector<16xi32>
      %ge3A_247 = arith.cmpi sge, %sub3A_244, %ge3A_246 : vector<16xi32>
      %lt3A_248 = arith.constant 50000 : i32
      %lt3A_249 = vector.broadcast %lt3A_248 : i32 to vector<16xi32>
      %lt3A_250 = arith.cmpi slt, %sub3A_244, %lt3A_249 : vector<16xi32>
      %and3A_251 = arith.andi %ge3A_247, %lt3A_250 : vector<16xi1>
      %jit3A_252 = arith.constant 50000 : i32
      %broadcast_in_dim3A_253 = vector.broadcast %jit3A_252 : i32 to vector<16xi32>
      %select_n3A_254 = arith.select %and3A_251, %sub3A_244, %broadcast_in_dim3A_253 : vector<16xi1>, vector<16xi32>
      %swap3A_255 = arith.constant 48 : index
      %swap3A_256 = tpu.vector_load %arg16[%swap3A_255] {strides = array<i32>} : memref<80xi32, #tpu.memory_space<vmem>>, vector<16xi32>,
      %swap3A_257 = vector.shape_cast %swap3A_256 : vector<16xi32> to vector<16xi32>
      %swap3A_258 = vector.shape_cast %select_n3A_254 : vector<16xi32> to vector<16xi32>
      tpu.vector_store %arg16[%swap3A_255], %swap3A_258 {strides = array<i32>} : memref<80xi32, #tpu.memory_space<vmem>>, vector<16xi32>,
      %get3A_259 = arith.constant 144 : index
      %get3A_260 = tpu.vector_load %arg9[%get3A_259] {strides = array<i32>} : memref<800xi32, #tpu.memory_space<vmem>>, vector<16xi32>,
      %get3A_261 = vector.shape_cast %get3A_260 : vector<16xi32> to vector<16xi32>
      %sub3A_262 = vector.broadcast %mul3A_0 : i32 to vector<16xi32>
      %sub3A_263 = arith.subi %get3A_261, %sub3A_262 : vector<16xi32>
      %ge3A_264 = arith.constant 0 : i32
      %ge3A_265 = vector.broadcast %ge3A_264 : i32 to vector<16xi32>
      %ge3A_266 = arith.cmpi sge, %sub3A_263, %ge3A_265 : vector<16xi32>
      %lt3A_267 = arith.constant 50000 : i32
      %lt3A_268 = vector.broadcast %lt3A_267 : i32 to vector<16xi32>
      %lt3A_269 = arith.cmpi slt, %sub3A_263, %lt3A_268 : vector<16xi32>
      %and3A_270 = arith.andi %ge3A_266, %lt3A_269 : vector<16xi1>
      %jit3A_271 = arith.constant 50000 : i32
      %broadcast_in_dim3A_272 = vector.broadcast %jit3A_271 : i32 to vector<16xi32>
      %select_n3A_273 = arith.select %and3A_270, %sub3A_263, %broadcast_in_dim3A_272 : vector<16xi1>, vector<16xi32>
      %swap3A_274 = arith.constant 64 : index
      %swap3A_275 = tpu.vector_load %arg16[%swap3A_274] {strides = array<i32>} : memref<80xi32, #tpu.memory_space<vmem>>, vector<16xi32>,
      %swap3A_276 = vector.shape_cast %swap3A_275 : vector<16xi32> to vector<16xi32>
      %swap3A_277 = vector.shape_cast %select_n3A_273 : vector<16xi32> to vector<16xi32>
      tpu.vector_store %arg16[%swap3A_274], %swap3A_277 {strides = array<i32>} : memref<80xi32, #tpu.memory_space<vmem>>, vector<16xi32>,
      "tpu.region"() ({
        %run_scoped3A = tpu.sem_alloc : memref<!tpu.dma_semaphore, #tpu.memory_space<semaphore_mem>>
        %dma_start3A_1098 = arith.constant 0 : i32
        %dma_start3A_1099 = arith.constant 0 : i32
        %dma_start3A_1100 = tpu.memref_slice %arg6[%dma_start3A_1098, %dma_start3A_1099] : memref<50048x32xf32, #tpu.memory_space<vmem_shared>> -> memref<50048x32xf32, #tpu.memory_space<vmem_shared>>
        tpu.enqueue_indirect_dma source(%arg11 : memref<80x32xf32, #tpu.memory_space<vmem>>) target(%dma_start3A_1100 : memref<50048x32xf32, #tpu.memory_space<vmem_shared>>) offsets(%arg16 : memref<80xi32, #tpu.memory_space<vmem>>) semaphore(%run_scoped3A : memref<!tpu.dma_semaphore, #tpu.memory_space<semaphore_mem>>) {add = true}
        %dma_wait3A_1101 = arith.constant 0 : i32
        %dma_wait3A_1102 = arith.constant 0 : i32
        %dma_wait3A_1103 = tpu.memref_slice %arg6[%dma_wait3A_1101, %dma_wait3A_1102] : memref<50048x32xf32, #tpu.memory_space<vmem_shared>> -> memref<50048x32xf32, #tpu.memory_space<vmem_shared>>
        tpu.wait_indirect_dma semaphore(%run_scoped3A : memref<!tpu.dma_semaphore, #tpu.memory_space<semaphore_mem>>) src(%arg11 : memref<80x32xf32, #tpu.memory_space<vmem>>) dst(%dma_wait3A_1103 : memref<50048x32xf32, #tpu.memory_space<vmem_shared>>)
        tpu.yield
      }) : () -> ()
      %dma_start3A_278 = arith.constant 480 : i32
      %dma_start3A_279 = tpu.memref_slice %arg8[%dma_start3A_278] : memref<800xi32, #tpu.memory_space<vmem>> -> memref<80xi32, #tpu.memory_space<vmem>>
      %dma_start3A_280 = arith.constant 0 : i32
      %dma_start3A_281 = arith.constant 0 : i32
      %dma_start3A_282 = tpu.memref_slice %arg2[%dma_start3A_280, %dma_start3A_281] : memref<100000x32xf32, #tpu.memory_space<hbm>> -> memref<100000x32xf32, #tpu.memory_space<hbm>>
      tpu.enqueue_indirect_dma source(%dma_start3A_282 : memref<100000x32xf32, #tpu.memory_space<hbm>>) target(%arg11 : memref<80x32xf32, #tpu.memory_space<vmem>>) offsets(%dma_start3A_279 : memref<80xi32, #tpu.memory_space<vmem>>) semaphore(%arg20 : memref<!tpu.dma_semaphore, #tpu.memory_space<semaphore_mem>>)
      %dma_wait3A_283 = arith.constant 160 : i32
      %dma_wait3A_284 = tpu.memref_slice %arg8[%dma_wait3A_283] : memref<800xi32, #tpu.memory_space<vmem>> -> memref<80xi32, #tpu.memory_space<vmem>>
      %dma_wait3A_285 = arith.constant 0 : i32
      %dma_wait3A_286 = arith.constant 0 : i32
      %dma_wait3A_287 = tpu.memref_slice %arg2[%dma_wait3A_285, %dma_wait3A_286] : memref<100000x32xf32, #tpu.memory_space<hbm>> -> memref<100000x32xf32, #tpu.memory_space<hbm>>
      tpu.wait_indirect_dma semaphore(%arg20 : memref<!tpu.dma_semaphore, #tpu.memory_space<semaphore_mem>>) src(%dma_wait3A_287 : memref<100000x32xf32, #tpu.memory_space<hbm>>) dst(%arg12 : memref<80x32xf32, #tpu.memory_space<vmem>>)
      %get3A_288 = arith.constant 160 : index
      %get3A_289 = tpu.vector_load %arg9[%get3A_288] {strides = array<i32>} : memref<800xi32, #tpu.memory_space<vmem>>, vector<16xi32>,
      %get3A_290 = vector.shape_cast %get3A_289 : vector<16xi32> to vector<16xi32>
      %sub3A_291 = vector.broadcast %mul3A_0 : i32 to vector<16xi32>
      %sub3A_292 = arith.subi %get3A_290, %sub3A_291 : vector<16xi32>
      %ge3A_293 = arith.constant 0 : i32
      %ge3A_294 = vector.broadcast %ge3A_293 : i32 to vector<16xi32>
      %ge3A_295 = arith.cmpi sge, %sub3A_292, %ge3A_294 : vector<16xi32>
      %lt3A_296 = arith.constant 50000 : i32
      %lt3A_297 = vector.broadcast %lt3A_296 : i32 to vector<16xi32>
      %lt3A_298 = arith.cmpi slt, %sub3A_292, %lt3A_297 : vector<16xi32>
      %and3A_299 = arith.andi %ge3A_295, %lt3A_298 : vector<16xi1>
      %jit3A_300 = arith.constant 50000 : i32
      %broadcast_in_dim3A_301 = vector.broadcast %jit3A_300 : i32 to vector<16xi32>
      %select_n3A_302 = arith.select %and3A_299, %sub3A_292, %broadcast_in_dim3A_301 : vector<16xi1>, vector<16xi32>
      %swap3A_303 = arith.constant 0 : index
      %swap3A_304 = tpu.vector_load %arg17[%swap3A_303] {strides = array<i32>} : memref<80xi32, #tpu.memory_space<vmem>>, vector<16xi32>,
      %swap3A_305 = vector.shape_cast %swap3A_304 : vector<16xi32> to vector<16xi32>
      %swap3A_306 = vector.shape_cast %select_n3A_302 : vector<16xi32> to vector<16xi32>
      tpu.vector_store %arg17[%swap3A_303], %swap3A_306 {strides = array<i32>} : memref<80xi32, #tpu.memory_space<vmem>>, vector<16xi32>,
      %get3A_307 = arith.constant 176 : index
      %get3A_308 = tpu.vector_load %arg9[%get3A_307] {strides = array<i32>} : memref<800xi32, #tpu.memory_space<vmem>>, vector<16xi32>,
      %get3A_309 = vector.shape_cast %get3A_308 : vector<16xi32> to vector<16xi32>
      %sub3A_310 = vector.broadcast %mul3A_0 : i32 to vector<16xi32>
      %sub3A_311 = arith.subi %get3A_309, %sub3A_310 : vector<16xi32>
      %ge3A_312 = arith.constant 0 : i32
      %ge3A_313 = vector.broadcast %ge3A_312 : i32 to vector<16xi32>
      %ge3A_314 = arith.cmpi sge, %sub3A_311, %ge3A_313 : vector<16xi32>
      %lt3A_315 = arith.constant 50000 : i32
      %lt3A_316 = vector.broadcast %lt3A_315 : i32 to vector<16xi32>
      %lt3A_317 = arith.cmpi slt, %sub3A_311, %lt3A_316 : vector<16xi32>
      %and3A_318 = arith.andi %ge3A_314, %lt3A_317 : vector<16xi1>
      %jit3A_319 = arith.constant 50000 : i32
      %broadcast_in_dim3A_320 = vector.broadcast %jit3A_319 : i32 to vector<16xi32>
      %select_n3A_321 = arith.select %and3A_318, %sub3A_311, %broadcast_in_dim3A_320 : vector<16xi1>, vector<16xi32>
      %swap3A_322 = arith.constant 16 : index
      %swap3A_323 = tpu.vector_load %arg17[%swap3A_322] {strides = array<i32>} : memref<80xi32, #tpu.memory_space<vmem>>, vector<16xi32>,
      %swap3A_324 = vector.shape_cast %swap3A_323 : vector<16xi32> to vector<16xi32>
      %swap3A_325 = vector.shape_cast %select_n3A_321 : vector<16xi32> to vector<16xi32>
      tpu.vector_store %arg17[%swap3A_322], %swap3A_325 {strides = array<i32>} : memref<80xi32, #tpu.memory_space<vmem>>, vector<16xi32>,
      %get3A_326 = arith.constant 192 : index
      %get3A_327 = tpu.vector_load %arg9[%get3A_326] {strides = array<i32>} : memref<800xi32, #tpu.memory_space<vmem>>, vector<16xi32>,
      %get3A_328 = vector.shape_cast %get3A_327 : vector<16xi32> to vector<16xi32>
      %sub3A_329 = vector.broadcast %mul3A_0 : i32 to vector<16xi32>
      %sub3A_330 = arith.subi %get3A_328, %sub3A_329 : vector<16xi32>
      %ge3A_331 = arith.constant 0 : i32
      %ge3A_332 = vector.broadcast %ge3A_331 : i32 to vector<16xi32>
      %ge3A_333 = arith.cmpi sge, %sub3A_330, %ge3A_332 : vector<16xi32>
      %lt3A_334 = arith.constant 50000 : i32
      %lt3A_335 = vector.broadcast %lt3A_334 : i32 to vector<16xi32>
      %lt3A_336 = arith.cmpi slt, %sub3A_330, %lt3A_335 : vector<16xi32>
      %and3A_337 = arith.andi %ge3A_333, %lt3A_336 : vector<16xi1>
      %jit3A_338 = arith.constant 50000 : i32
      %broadcast_in_dim3A_339 = vector.broadcast %jit3A_338 : i32 to vector<16xi32>
      %select_n3A_340 = arith.select %and3A_337, %sub3A_330, %broadcast_in_dim3A_339 : vector<16xi1>, vector<16xi32>
      %swap3A_341 = arith.constant 32 : index
      %swap3A_342 = tpu.vector_load %arg17[%swap3A_341] {strides = array<i32>} : memref<80xi32, #tpu.memory_space<vmem>>, vector<16xi32>,
      %swap3A_343 = vector.shape_cast %swap3A_342 : vector<16xi32> to vector<16xi32>
      %swap3A_344 = vector.shape_cast %select_n3A_340 : vector<16xi32> to vector<16xi32>
      tpu.vector_store %arg17[%swap3A_341], %swap3A_344 {strides = array<i32>} : memref<80xi32, #tpu.memory_space<vmem>>, vector<16xi32>,
      %get3A_345 = arith.constant 208 : index
      %get3A_346 = tpu.vector_load %arg9[%get3A_345] {strides = array<i32>} : memref<800xi32, #tpu.memory_space<vmem>>, vector<16xi32>,
      %get3A_347 = vector.shape_cast %get3A_346 : vector<16xi32> to vector<16xi32>
      %sub3A_348 = vector.broadcast %mul3A_0 : i32 to vector<16xi32>
      %sub3A_349 = arith.subi %get3A_347, %sub3A_348 : vector<16xi32>
      %ge3A_350 = arith.constant 0 : i32
      %ge3A_351 = vector.broadcast %ge3A_350 : i32 to vector<16xi32>
      %ge3A_352 = arith.cmpi sge, %sub3A_349, %ge3A_351 : vector<16xi32>
      %lt3A_353 = arith.constant 50000 : i32
      %lt3A_354 = vector.broadcast %lt3A_353 : i32 to vector<16xi32>
      %lt3A_355 = arith.cmpi slt, %sub3A_349, %lt3A_354 : vector<16xi32>
      %and3A_356 = arith.andi %ge3A_352, %lt3A_355 : vector<16xi1>
      %jit3A_357 = arith.constant 50000 : i32
      %broadcast_in_dim3A_358 = vector.broadcast %jit3A_357 : i32 to vector<16xi32>
      %select_n3A_359 = arith.select %and3A_356, %sub3A_349, %broadcast_in_dim3A_358 : vector<16xi1>, vector<16xi32>
      %swap3A_360 = arith.constant 48 : index
      %swap3A_361 = tpu.vector_load %arg17[%swap3A_360] {strides = array<i32>} : memref<80xi32, #tpu.memory_space<vmem>>, vector<16xi32>,
      %swap3A_362 = vector.shape_cast %swap3A_361 : vector<16xi32> to vector<16xi32>
      %swap3A_363 = vector.shape_cast %select_n3A_359 : vector<16xi32> to vector<16xi32>
      tpu.vector_store %arg17[%swap3A_360], %swap3A_363 {strides = array<i32>} : memref<80xi32, #tpu.memory_space<vmem>>, vector<16xi32>,
      %get3A_364 = arith.constant 224 : index
      %get3A_365 = tpu.vector_load %arg9[%get3A_364] {strides = array<i32>} : memref<800xi32, #tpu.memory_space<vmem>>, vector<16xi32>,
      %get3A_366 = vector.shape_cast %get3A_365 : vector<16xi32> to vector<16xi32>
      %sub3A_367 = vector.broadcast %mul3A_0 : i32 to vector<16xi32>
      %sub3A_368 = arith.subi %get3A_366, %sub3A_367 : vector<16xi32>
      %ge3A_369 = arith.constant 0 : i32
      %ge3A_370 = vector.broadcast %ge3A_369 : i32 to vector<16xi32>
      %ge3A_371 = arith.cmpi sge, %sub3A_368, %ge3A_370 : vector<16xi32>
      %lt3A_372 = arith.constant 50000 : i32
      %lt3A_373 = vector.broadcast %lt3A_372 : i32 to vector<16xi32>
      %lt3A_374 = arith.cmpi slt, %sub3A_368, %lt3A_373 : vector<16xi32>
      %and3A_375 = arith.andi %ge3A_371, %lt3A_374 : vector<16xi1>
      %jit3A_376 = arith.constant 50000 : i32
      %broadcast_in_dim3A_377 = vector.broadcast %jit3A_376 : i32 to vector<16xi32>
      %select_n3A_378 = arith.select %and3A_375, %sub3A_368, %broadcast_in_dim3A_377 : vector<16xi1>, vector<16xi32>
      %swap3A_379 = arith.constant 64 : index
      %swap3A_380 = tpu.vector_load %arg17[%swap3A_379] {strides = array<i32>} : memref<80xi32, #tpu.memory_space<vmem>>, vector<16xi32>,
      %swap3A_381 = vector.shape_cast %swap3A_380 : vector<16xi32> to vector<16xi32>
      %swap3A_382 = vector.shape_cast %select_n3A_378 : vector<16xi32> to vector<16xi32>
      tpu.vector_store %arg17[%swap3A_379], %swap3A_382 {strides = array<i32>} : memref<80xi32, #tpu.memory_space<vmem>>, vector<16xi32>,
      "tpu.region"() ({
        %run_scoped3A = tpu.sem_alloc : memref<!tpu.dma_semaphore, #tpu.memory_space<semaphore_mem>>
        %dma_start3A_1098 = arith.constant 0 : i32
        %dma_start3A_1099 = arith.constant 0 : i32
        %dma_start3A_1100 = tpu.memref_slice %arg6[%dma_start3A_1098, %dma_start3A_1099] : memref<50048x32xf32, #tpu.memory_space<vmem_shared>> -> memref<50048x32xf32, #tpu.memory_space<vmem_shared>>
        tpu.enqueue_indirect_dma source(%arg12 : memref<80x32xf32, #tpu.memory_space<vmem>>) target(%dma_start3A_1100 : memref<50048x32xf32, #tpu.memory_space<vmem_shared>>) offsets(%arg17 : memref<80xi32, #tpu.memory_space<vmem>>) semaphore(%run_scoped3A : memref<!tpu.dma_semaphore, #tpu.memory_space<semaphore_mem>>) {add = true}
        %dma_wait3A_1101 = arith.constant 0 : i32
        %dma_wait3A_1102 = arith.constant 0 : i32
        %dma_wait3A_1103 = tpu.memref_slice %arg6[%dma_wait3A_1101, %dma_wait3A_1102] : memref<50048x32xf32, #tpu.memory_space<vmem_shared>> -> memref<50048x32xf32, #tpu.memory_space<vmem_shared>>
        tpu.wait_indirect_dma semaphore(%run_scoped3A : memref<!tpu.dma_semaphore, #tpu.memory_space<semaphore_mem>>) src(%arg12 : memref<80x32xf32, #tpu.memory_space<vmem>>) dst(%dma_wait3A_1103 : memref<50048x32xf32, #tpu.memory_space<vmem_shared>>)
        tpu.yield
      }) : () -> ()
      %dma_start3A_383 = arith.constant 560 : i32
      %dma_start3A_384 = tpu.memref_slice %arg8[%dma_start3A_383] : memref<800xi32, #tpu.memory_space<vmem>> -> memref<80xi32, #tpu.memory_space<vmem>>
      %dma_start3A_385 = arith.constant 0 : i32
      %dma_start3A_386 = arith.constant 0 : i32
      %dma_start3A_387 = tpu.memref_slice %arg2[%dma_start3A_385, %dma_start3A_386] : memref<100000x32xf32, #tpu.memory_space<hbm>> -> memref<100000x32xf32, #tpu.memory_space<hbm>>
      tpu.enqueue_indirect_dma source(%dma_start3A_387 : memref<100000x32xf32, #tpu.memory_space<hbm>>) target(%arg12 : memref<80x32xf32, #tpu.memory_space<vmem>>) offsets(%dma_start3A_384 : memref<80xi32, #tpu.memory_space<vmem>>) semaphore(%arg20 : memref<!tpu.dma_semaphore, #tpu.memory_space<semaphore_mem>>)
      %dma_wait3A_388 = arith.constant 240 : i32
      %dma_wait3A_389 = tpu.memref_slice %arg8[%dma_wait3A_388] : memref<800xi32, #tpu.memory_space<vmem>> -> memref<80xi32, #tpu.memory_space<vmem>>
      %dma_wait3A_390 = arith.constant 0 : i32
      %dma_wait3A_391 = arith.constant 0 : i32
      %dma_wait3A_392 = tpu.memref_slice %arg2[%dma_wait3A_390, %dma_wait3A_391] : memref<100000x32xf32, #tpu.memory_space<hbm>> -> memref<100000x32xf32, #tpu.memory_space<hbm>>
      tpu.wait_indirect_dma semaphore(%arg20 : memref<!tpu.dma_semaphore, #tpu.memory_space<semaphore_mem>>) src(%dma_wait3A_392 : memref<100000x32xf32, #tpu.memory_space<hbm>>) dst(%arg13 : memref<80x32xf32, #tpu.memory_space<vmem>>)
      %get3A_393 = arith.constant 240 : index
      %get3A_394 = tpu.vector_load %arg9[%get3A_393] {strides = array<i32>} : memref<800xi32, #tpu.memory_space<vmem>>, vector<16xi32>,
      %get3A_395 = vector.shape_cast %get3A_394 : vector<16xi32> to vector<16xi32>
      %sub3A_396 = vector.broadcast %mul3A_0 : i32 to vector<16xi32>
      %sub3A_397 = arith.subi %get3A_395, %sub3A_396 : vector<16xi32>
      %ge3A_398 = arith.constant 0 : i32
      %ge3A_399 = vector.broadcast %ge3A_398 : i32 to vector<16xi32>
      %ge3A_400 = arith.cmpi sge, %sub3A_397, %ge3A_399 : vector<16xi32>
      %lt3A_401 = arith.constant 50000 : i32
      %lt3A_402 = vector.broadcast %lt3A_401 : i32 to vector<16xi32>
      %lt3A_403 = arith.cmpi slt, %sub3A_397, %lt3A_402 : vector<16xi32>
      %and3A_404 = arith.andi %ge3A_400, %lt3A_403 : vector<16xi1>
      %jit3A_405 = arith.constant 50000 : i32
      %broadcast_in_dim3A_406 = vector.broadcast %jit3A_405 : i32 to vector<16xi32>
      %select_n3A_407 = arith.select %and3A_404, %sub3A_397, %broadcast_in_dim3A_406 : vector<16xi1>, vector<16xi32>
      %swap3A_408 = arith.constant 0 : index
      %swap3A_409 = tpu.vector_load %arg18[%swap3A_408] {strides = array<i32>} : memref<80xi32, #tpu.memory_space<vmem>>, vector<16xi32>,
      %swap3A_410 = vector.shape_cast %swap3A_409 : vector<16xi32> to vector<16xi32>
      %swap3A_411 = vector.shape_cast %select_n3A_407 : vector<16xi32> to vector<16xi32>
      tpu.vector_store %arg18[%swap3A_408], %swap3A_411 {strides = array<i32>} : memref<80xi32, #tpu.memory_space<vmem>>, vector<16xi32>,
      %get3A_412 = arith.constant 256 : index
      %get3A_413 = tpu.vector_load %arg9[%get3A_412] {strides = array<i32>} : memref<800xi32, #tpu.memory_space<vmem>>, vector<16xi32>,
      %get3A_414 = vector.shape_cast %get3A_413 : vector<16xi32> to vector<16xi32>
      %sub3A_415 = vector.broadcast %mul3A_0 : i32 to vector<16xi32>
      %sub3A_416 = arith.subi %get3A_414, %sub3A_415 : vector<16xi32>
      %ge3A_417 = arith.constant 0 : i32
      %ge3A_418 = vector.broadcast %ge3A_417 : i32 to vector<16xi32>
      %ge3A_419 = arith.cmpi sge, %sub3A_416, %ge3A_418 : vector<16xi32>
      %lt3A_420 = arith.constant 50000 : i32
      %lt3A_421 = vector.broadcast %lt3A_420 : i32 to vector<16xi32>
      %lt3A_422 = arith.cmpi slt, %sub3A_416, %lt3A_421 : vector<16xi32>
      %and3A_423 = arith.andi %ge3A_419, %lt3A_422 : vector<16xi1>
      %jit3A_424 = arith.constant 50000 : i32
      %broadcast_in_dim3A_425 = vector.broadcast %jit3A_424 : i32 to vector<16xi32>
      %select_n3A_426 = arith.select %and3A_423, %sub3A_416, %broadcast_in_dim3A_425 : vector<16xi1>, vector<16xi32>
      %swap3A_427 = arith.constant 16 : index
      %swap3A_428 = tpu.vector_load %arg18[%swap3A_427] {strides = array<i32>} : memref<80xi32, #tpu.memory_space<vmem>>, vector<16xi32>,
      %swap3A_429 = vector.shape_cast %swap3A_428 : vector<16xi32> to vector<16xi32>
      %swap3A_430 = vector.shape_cast %select_n3A_426 : vector<16xi32> to vector<16xi32>
      tpu.vector_store %arg18[%swap3A_427], %swap3A_430 {strides = array<i32>} : memref<80xi32, #tpu.memory_space<vmem>>, vector<16xi32>,
      %get3A_431 = arith.constant 272 : index
      %get3A_432 = tpu.vector_load %arg9[%get3A_431] {strides = array<i32>} : memref<800xi32, #tpu.memory_space<vmem>>, vector<16xi32>,
      %get3A_433 = vector.shape_cast %get3A_432 : vector<16xi32> to vector<16xi32>
      %sub3A_434 = vector.broadcast %mul3A_0 : i32 to vector<16xi32>
      %sub3A_435 = arith.subi %get3A_433, %sub3A_434 : vector<16xi32>
      %ge3A_436 = arith.constant 0 : i32
      %ge3A_437 = vector.broadcast %ge3A_436 : i32 to vector<16xi32>
      %ge3A_438 = arith.cmpi sge, %sub3A_435, %ge3A_437 : vector<16xi32>
      %lt3A_439 = arith.constant 50000 : i32
      %lt3A_440 = vector.broadcast %lt3A_439 : i32 to vector<16xi32>
      %lt3A_441 = arith.cmpi slt, %sub3A_435, %lt3A_440 : vector<16xi32>
      %and3A_442 = arith.andi %ge3A_438, %lt3A_441 : vector<16xi1>
      %jit3A_443 = arith.constant 50000 : i32
      %broadcast_in_dim3A_444 = vector.broadcast %jit3A_443 : i32 to vector<16xi32>
      %select_n3A_445 = arith.select %and3A_442, %sub3A_435, %broadcast_in_dim3A_444 : vector<16xi1>, vector<16xi32>
      %swap3A_446 = arith.constant 32 : index
      %swap3A_447 = tpu.vector_load %arg18[%swap3A_446] {strides = array<i32>} : memref<80xi32, #tpu.memory_space<vmem>>, vector<16xi32>,
      %swap3A_448 = vector.shape_cast %swap3A_447 : vector<16xi32> to vector<16xi32>
      %swap3A_449 = vector.shape_cast %select_n3A_445 : vector<16xi32> to vector<16xi32>
      tpu.vector_store %arg18[%swap3A_446], %swap3A_449 {strides = array<i32>} : memref<80xi32, #tpu.memory_space<vmem>>, vector<16xi32>,
      %get3A_450 = arith.constant 288 : index
      %get3A_451 = tpu.vector_load %arg9[%get3A_450] {strides = array<i32>} : memref<800xi32, #tpu.memory_space<vmem>>, vector<16xi32>,
      %get3A_452 = vector.shape_cast %get3A_451 : vector<16xi32> to vector<16xi32>
      %sub3A_453 = vector.broadcast %mul3A_0 : i32 to vector<16xi32>
      %sub3A_454 = arith.subi %get3A_452, %sub3A_453 : vector<16xi32>
      %ge3A_455 = arith.constant 0 : i32
      %ge3A_456 = vector.broadcast %ge3A_455 : i32 to vector<16xi32>
      %ge3A_457 = arith.cmpi sge, %sub3A_454, %ge3A_456 : vector<16xi32>
      %lt3A_458 = arith.constant 50000 : i32
      %lt3A_459 = vector.broadcast %lt3A_458 : i32 to vector<16xi32>
      %lt3A_460 = arith.cmpi slt, %sub3A_454, %lt3A_459 : vector<16xi32>
      %and3A_461 = arith.andi %ge3A_457, %lt3A_460 : vector<16xi1>
      %jit3A_462 = arith.constant 50000 : i32
      %broadcast_in_dim3A_463 = vector.broadcast %jit3A_462 : i32 to vector<16xi32>
      %select_n3A_464 = arith.select %and3A_461, %sub3A_454, %broadcast_in_dim3A_463 : vector<16xi1>, vector<16xi32>
      %swap3A_465 = arith.constant 48 : index
      %swap3A_466 = tpu.vector_load %arg18[%swap3A_465] {strides = array<i32>} : memref<80xi32, #tpu.memory_space<vmem>>, vector<16xi32>,
      %swap3A_467 = vector.shape_cast %swap3A_466 : vector<16xi32> to vector<16xi32>
      %swap3A_468 = vector.shape_cast %select_n3A_464 : vector<16xi32> to vector<16xi32>
      tpu.vector_store %arg18[%swap3A_465], %swap3A_468 {strides = array<i32>} : memref<80xi32, #tpu.memory_space<vmem>>, vector<16xi32>,
      %get3A_469 = arith.constant 304 : index
      %get3A_470 = tpu.vector_load %arg9[%get3A_469] {strides = array<i32>} : memref<800xi32, #tpu.memory_space<vmem>>, vector<16xi32>,
      %get3A_471 = vector.shape_cast %get3A_470 : vector<16xi32> to vector<16xi32>
      %sub3A_472 = vector.broadcast %mul3A_0 : i32 to vector<16xi32>
      %sub3A_473 = arith.subi %get3A_471, %sub3A_472 : vector<16xi32>
      %ge3A_474 = arith.constant 0 : i32
      %ge3A_475 = vector.broadcast %ge3A_474 : i32 to vector<16xi32>
      %ge3A_476 = arith.cmpi sge, %sub3A_473, %ge3A_475 : vector<16xi32>
      %lt3A_477 = arith.constant 50000 : i32
      %lt3A_478 = vector.broadcast %lt3A_477 : i32 to vector<16xi32>
      %lt3A_479 = arith.cmpi slt, %sub3A_473, %lt3A_478 : vector<16xi32>
      %and3A_480 = arith.andi %ge3A_476, %lt3A_479 : vector<16xi1>
      %jit3A_481 = arith.constant 50000 : i32
      %broadcast_in_dim3A_482 = vector.broadcast %jit3A_481 : i32 to vector<16xi32>
      %select_n3A_483 = arith.select %and3A_480, %sub3A_473, %broadcast_in_dim3A_482 : vector<16xi1>, vector<16xi32>
      %swap3A_484 = arith.constant 64 : index
      %swap3A_485 = tpu.vector_load %arg18[%swap3A_484] {strides = array<i32>} : memref<80xi32, #tpu.memory_space<vmem>>, vector<16xi32>,
      %swap3A_486 = vector.shape_cast %swap3A_485 : vector<16xi32> to vector<16xi32>
      %swap3A_487 = vector.shape_cast %select_n3A_483 : vector<16xi32> to vector<16xi32>
      tpu.vector_store %arg18[%swap3A_484], %swap3A_487 {strides = array<i32>} : memref<80xi32, #tpu.memory_space<vmem>>, vector<16xi32>,
      "tpu.region"() ({
        %run_scoped3A = tpu.sem_alloc : memref<!tpu.dma_semaphore, #tpu.memory_space<semaphore_mem>>
        %dma_start3A_1098 = arith.constant 0 : i32
        %dma_start3A_1099 = arith.constant 0 : i32
        %dma_start3A_1100 = tpu.memref_slice %arg6[%dma_start3A_1098, %dma_start3A_1099] : memref<50048x32xf32, #tpu.memory_space<vmem_shared>> -> memref<50048x32xf32, #tpu.memory_space<vmem_shared>>
        tpu.enqueue_indirect_dma source(%arg13 : memref<80x32xf32, #tpu.memory_space<vmem>>) target(%dma_start3A_1100 : memref<50048x32xf32, #tpu.memory_space<vmem_shared>>) offsets(%arg18 : memref<80xi32, #tpu.memory_space<vmem>>) semaphore(%run_scoped3A : memref<!tpu.dma_semaphore, #tpu.memory_space<semaphore_mem>>) {add = true}
        %dma_wait3A_1101 = arith.constant 0 : i32
        %dma_wait3A_1102 = arith.constant 0 : i32
        %dma_wait3A_1103 = tpu.memref_slice %arg6[%dma_wait3A_1101, %dma_wait3A_1102] : memref<50048x32xf32, #tpu.memory_space<vmem_shared>> -> memref<50048x32xf32, #tpu.memory_space<vmem_shared>>
        tpu.wait_indirect_dma semaphore(%run_scoped3A : memref<!tpu.dma_semaphore, #tpu.memory_space<semaphore_mem>>) src(%arg13 : memref<80x32xf32, #tpu.memory_space<vmem>>) dst(%dma_wait3A_1103 : memref<50048x32xf32, #tpu.memory_space<vmem_shared>>)
        tpu.yield
      }) : () -> ()
      %dma_start3A_488 = arith.constant 640 : i32
      %dma_start3A_489 = tpu.memref_slice %arg8[%dma_start3A_488] : memref<800xi32, #tpu.memory_space<vmem>> -> memref<80xi32, #tpu.memory_space<vmem>>
      %dma_start3A_490 = arith.constant 0 : i32
      %dma_start3A_491 = arith.constant 0 : i32
      %dma_start3A_492 = tpu.memref_slice %arg2[%dma_start3A_490, %dma_start3A_491] : memref<100000x32xf32, #tpu.memory_space<hbm>> -> memref<100000x32xf32, #tpu.memory_space<hbm>>
      tpu.enqueue_indirect_dma source(%dma_start3A_492 : memref<100000x32xf32, #tpu.memory_space<hbm>>) target(%arg13 : memref<80x32xf32, #tpu.memory_space<vmem>>) offsets(%dma_start3A_489 : memref<80xi32, #tpu.memory_space<vmem>>) semaphore(%arg20 : memref<!tpu.dma_semaphore, #tpu.memory_space<semaphore_mem>>)
      %dma_wait3A_493 = arith.constant 320 : i32
      %dma_wait3A_494 = tpu.memref_slice %arg8[%dma_wait3A_493] : memref<800xi32, #tpu.memory_space<vmem>> -> memref<80xi32, #tpu.memory_space<vmem>>
      %dma_wait3A_495 = arith.constant 0 : i32
      %dma_wait3A_496 = arith.constant 0 : i32
      %dma_wait3A_497 = tpu.memref_slice %arg2[%dma_wait3A_495, %dma_wait3A_496] : memref<100000x32xf32, #tpu.memory_space<hbm>> -> memref<100000x32xf32, #tpu.memory_space<hbm>>
      tpu.wait_indirect_dma semaphore(%arg20 : memref<!tpu.dma_semaphore, #tpu.memory_space<semaphore_mem>>) src(%dma_wait3A_497 : memref<100000x32xf32, #tpu.memory_space<hbm>>) dst(%arg14 : memref<80x32xf32, #tpu.memory_space<vmem>>)
      %get3A_498 = arith.constant 320 : index
      %get3A_499 = tpu.vector_load %arg9[%get3A_498] {strides = array<i32>} : memref<800xi32, #tpu.memory_space<vmem>>, vector<16xi32>,
      %get3A_500 = vector.shape_cast %get3A_499 : vector<16xi32> to vector<16xi32>
      %sub3A_501 = vector.broadcast %mul3A_0 : i32 to vector<16xi32>
      %sub3A_502 = arith.subi %get3A_500, %sub3A_501 : vector<16xi32>
      %ge3A_503 = arith.constant 0 : i32
      %ge3A_504 = vector.broadcast %ge3A_503 : i32 to vector<16xi32>
      %ge3A_505 = arith.cmpi sge, %sub3A_502, %ge3A_504 : vector<16xi32>
      %lt3A_506 = arith.constant 50000 : i32
      %lt3A_507 = vector.broadcast %lt3A_506 : i32 to vector<16xi32>
      %lt3A_508 = arith.cmpi slt, %sub3A_502, %lt3A_507 : vector<16xi32>
      %and3A_509 = arith.andi %ge3A_505, %lt3A_508 : vector<16xi1>
      %jit3A_510 = arith.constant 50000 : i32
      %broadcast_in_dim3A_511 = vector.broadcast %jit3A_510 : i32 to vector<16xi32>
      %select_n3A_512 = arith.select %and3A_509, %sub3A_502, %broadcast_in_dim3A_511 : vector<16xi1>, vector<16xi32>
      %swap3A_513 = arith.constant 0 : index
      %swap3A_514 = tpu.vector_load %arg19[%swap3A_513] {strides = array<i32>} : memref<80xi32, #tpu.memory_space<vmem>>, vector<16xi32>,
      %swap3A_515 = vector.shape_cast %swap3A_514 : vector<16xi32> to vector<16xi32>
      %swap3A_516 = vector.shape_cast %select_n3A_512 : vector<16xi32> to vector<16xi32>
      tpu.vector_store %arg19[%swap3A_513], %swap3A_516 {strides = array<i32>} : memref<80xi32, #tpu.memory_space<vmem>>, vector<16xi32>,
      %get3A_517 = arith.constant 336 : index
      %get3A_518 = tpu.vector_load %arg9[%get3A_517] {strides = array<i32>} : memref<800xi32, #tpu.memory_space<vmem>>, vector<16xi32>,
      %get3A_519 = vector.shape_cast %get3A_518 : vector<16xi32> to vector<16xi32>
      %sub3A_520 = vector.broadcast %mul3A_0 : i32 to vector<16xi32>
      %sub3A_521 = arith.subi %get3A_519, %sub3A_520 : vector<16xi32>
      %ge3A_522 = arith.constant 0 : i32
      %ge3A_523 = vector.broadcast %ge3A_522 : i32 to vector<16xi32>
      %ge3A_524 = arith.cmpi sge, %sub3A_521, %ge3A_523 : vector<16xi32>
      %lt3A_525 = arith.constant 50000 : i32
      %lt3A_526 = vector.broadcast %lt3A_525 : i32 to vector<16xi32>
      %lt3A_527 = arith.cmpi slt, %sub3A_521, %lt3A_526 : vector<16xi32>
      %and3A_528 = arith.andi %ge3A_524, %lt3A_527 : vector<16xi1>
      %jit3A_529 = arith.constant 50000 : i32
      %broadcast_in_dim3A_530 = vector.broadcast %jit3A_529 : i32 to vector<16xi32>
      %select_n3A_531 = arith.select %and3A_528, %sub3A_521, %broadcast_in_dim3A_530 : vector<16xi1>, vector<16xi32>
      %swap3A_532 = arith.constant 16 : index
      %swap3A_533 = tpu.vector_load %arg19[%swap3A_532] {strides = array<i32>} : memref<80xi32, #tpu.memory_space<vmem>>, vector<16xi32>,
      %swap3A_534 = vector.shape_cast %swap3A_533 : vector<16xi32> to vector<16xi32>
      %swap3A_535 = vector.shape_cast %select_n3A_531 : vector<16xi32> to vector<16xi32>
      tpu.vector_store %arg19[%swap3A_532], %swap3A_535 {strides = array<i32>} : memref<80xi32, #tpu.memory_space<vmem>>, vector<16xi32>,
      %get3A_536 = arith.constant 352 : index
      %get3A_537 = tpu.vector_load %arg9[%get3A_536] {strides = array<i32>} : memref<800xi32, #tpu.memory_space<vmem>>, vector<16xi32>,
      %get3A_538 = vector.shape_cast %get3A_537 : vector<16xi32> to vector<16xi32>
      %sub3A_539 = vector.broadcast %mul3A_0 : i32 to vector<16xi32>
      %sub3A_540 = arith.subi %get3A_538, %sub3A_539 : vector<16xi32>
      %ge3A_541 = arith.constant 0 : i32
      %ge3A_542 = vector.broadcast %ge3A_541 : i32 to vector<16xi32>
      %ge3A_543 = arith.cmpi sge, %sub3A_540, %ge3A_542 : vector<16xi32>
      %lt3A_544 = arith.constant 50000 : i32
      %lt3A_545 = vector.broadcast %lt3A_544 : i32 to vector<16xi32>
      %lt3A_546 = arith.cmpi slt, %sub3A_540, %lt3A_545 : vector<16xi32>
      %and3A_547 = arith.andi %ge3A_543, %lt3A_546 : vector<16xi1>
      %jit3A_548 = arith.constant 50000 : i32
      %broadcast_in_dim3A_549 = vector.broadcast %jit3A_548 : i32 to vector<16xi32>
      %select_n3A_550 = arith.select %and3A_547, %sub3A_540, %broadcast_in_dim3A_549 : vector<16xi1>, vector<16xi32>
      %swap3A_551 = arith.constant 32 : index
      %swap3A_552 = tpu.vector_load %arg19[%swap3A_551] {strides = array<i32>} : memref<80xi32, #tpu.memory_space<vmem>>, vector<16xi32>,
      %swap3A_553 = vector.shape_cast %swap3A_552 : vector<16xi32> to vector<16xi32>
      %swap3A_554 = vector.shape_cast %select_n3A_550 : vector<16xi32> to vector<16xi32>
      tpu.vector_store %arg19[%swap3A_551], %swap3A_554 {strides = array<i32>} : memref<80xi32, #tpu.memory_space<vmem>>, vector<16xi32>,
      %get3A_555 = arith.constant 368 : index
      %get3A_556 = tpu.vector_load %arg9[%get3A_555] {strides = array<i32>} : memref<800xi32, #tpu.memory_space<vmem>>, vector<16xi32>,
      %get3A_557 = vector.shape_cast %get3A_556 : vector<16xi32> to vector<16xi32>
      %sub3A_558 = vector.broadcast %mul3A_0 : i32 to vector<16xi32>
      %sub3A_559 = arith.subi %get3A_557, %sub3A_558 : vector<16xi32>
      %ge3A_560 = arith.constant 0 : i32
      %ge3A_561 = vector.broadcast %ge3A_560 : i32 to vector<16xi32>
      %ge3A_562 = arith.cmpi sge, %sub3A_559, %ge3A_561 : vector<16xi32>
      %lt3A_563 = arith.constant 50000 : i32
      %lt3A_564 = vector.broadcast %lt3A_563 : i32 to vector<16xi32>
      %lt3A_565 = arith.cmpi slt, %sub3A_559, %lt3A_564 : vector<16xi32>
      %and3A_566 = arith.andi %ge3A_562, %lt3A_565 : vector<16xi1>
      %jit3A_567 = arith.constant 50000 : i32
      %broadcast_in_dim3A_568 = vector.broadcast %jit3A_567 : i32 to vector<16xi32>
      %select_n3A_569 = arith.select %and3A_566, %sub3A_559, %broadcast_in_dim3A_568 : vector<16xi1>, vector<16xi32>
      %swap3A_570 = arith.constant 48 : index
      %swap3A_571 = tpu.vector_load %arg19[%swap3A_570] {strides = array<i32>} : memref<80xi32, #tpu.memory_space<vmem>>, vector<16xi32>,
      %swap3A_572 = vector.shape_cast %swap3A_571 : vector<16xi32> to vector<16xi32>
      %swap3A_573 = vector.shape_cast %select_n3A_569 : vector<16xi32> to vector<16xi32>
      tpu.vector_store %arg19[%swap3A_570], %swap3A_573 {strides = array<i32>} : memref<80xi32, #tpu.memory_space<vmem>>, vector<16xi32>,
      %get3A_574 = arith.constant 384 : index
      %get3A_575 = tpu.vector_load %arg9[%get3A_574] {strides = array<i32>} : memref<800xi32, #tpu.memory_space<vmem>>, vector<16xi32>,
      %get3A_576 = vector.shape_cast %get3A_575 : vector<16xi32> to vector<16xi32>
      %sub3A_577 = vector.broadcast %mul3A_0 : i32 to vector<16xi32>
      %sub3A_578 = arith.subi %get3A_576, %sub3A_577 : vector<16xi32>
      %ge3A_579 = arith.constant 0 : i32
      %ge3A_580 = vector.broadcast %ge3A_579 : i32 to vector<16xi32>
      %ge3A_581 = arith.cmpi sge, %sub3A_578, %ge3A_580 : vector<16xi32>
      %lt3A_582 = arith.constant 50000 : i32
      %lt3A_583 = vector.broadcast %lt3A_582 : i32 to vector<16xi32>
      %lt3A_584 = arith.cmpi slt, %sub3A_578, %lt3A_583 : vector<16xi32>
      %and3A_585 = arith.andi %ge3A_581, %lt3A_584 : vector<16xi1>
      %jit3A_586 = arith.constant 50000 : i32
      %broadcast_in_dim3A_587 = vector.broadcast %jit3A_586 : i32 to vector<16xi32>
      %select_n3A_588 = arith.select %and3A_585, %sub3A_578, %broadcast_in_dim3A_587 : vector<16xi1>, vector<16xi32>
      %swap3A_589 = arith.constant 64 : index
      %swap3A_590 = tpu.vector_load %arg19[%swap3A_589] {strides = array<i32>} : memref<80xi32, #tpu.memory_space<vmem>>, vector<16xi32>,
      %swap3A_591 = vector.shape_cast %swap3A_590 : vector<16xi32> to vector<16xi32>
      %swap3A_592 = vector.shape_cast %select_n3A_588 : vector<16xi32> to vector<16xi32>
      tpu.vector_store %arg19[%swap3A_589], %swap3A_592 {strides = array<i32>} : memref<80xi32, #tpu.memory_space<vmem>>, vector<16xi32>,
      "tpu.region"() ({
        %run_scoped3A = tpu.sem_alloc : memref<!tpu.dma_semaphore, #tpu.memory_space<semaphore_mem>>
        %dma_start3A_1098 = arith.constant 0 : i32
        %dma_start3A_1099 = arith.constant 0 : i32
        %dma_start3A_1100 = tpu.memref_slice %arg6[%dma_start3A_1098, %dma_start3A_1099] : memref<50048x32xf32, #tpu.memory_space<vmem_shared>> -> memref<50048x32xf32, #tpu.memory_space<vmem_shared>>
        tpu.enqueue_indirect_dma source(%arg14 : memref<80x32xf32, #tpu.memory_space<vmem>>) target(%dma_start3A_1100 : memref<50048x32xf32, #tpu.memory_space<vmem_shared>>) offsets(%arg19 : memref<80xi32, #tpu.memory_space<vmem>>) semaphore(%run_scoped3A : memref<!tpu.dma_semaphore, #tpu.memory_space<semaphore_mem>>) {add = true}
        %dma_wait3A_1101 = arith.constant 0 : i32
        %dma_wait3A_1102 = arith.constant 0 : i32
        %dma_wait3A_1103 = tpu.memref_slice %arg6[%dma_wait3A_1101, %dma_wait3A_1102] : memref<50048x32xf32, #tpu.memory_space<vmem_shared>> -> memref<50048x32xf32, #tpu.memory_space<vmem_shared>>
        tpu.wait_indirect_dma semaphore(%run_scoped3A : memref<!tpu.dma_semaphore, #tpu.memory_space<semaphore_mem>>) src(%arg14 : memref<80x32xf32, #tpu.memory_space<vmem>>) dst(%dma_wait3A_1103 : memref<50048x32xf32, #tpu.memory_space<vmem_shared>>)
        tpu.yield
      }) : () -> ()
      %dma_start3A_593 = arith.constant 720 : i32
      %dma_start3A_594 = tpu.memref_slice %arg8[%dma_start3A_593] : memref<800xi32, #tpu.memory_space<vmem>> -> memref<80xi32, #tpu.memory_space<vmem>>
      %dma_start3A_595 = arith.constant 0 : i32
      %dma_start3A_596 = arith.constant 0 : i32
      %dma_start3A_597 = tpu.memref_slice %arg2[%dma_start3A_595, %dma_start3A_596] : memref<100000x32xf32, #tpu.memory_space<hbm>> -> memref<100000x32xf32, #tpu.memory_space<hbm>>
      tpu.enqueue_indirect_dma source(%dma_start3A_597 : memref<100000x32xf32, #tpu.memory_space<hbm>>) target(%arg14 : memref<80x32xf32, #tpu.memory_space<vmem>>) offsets(%dma_start3A_594 : memref<80xi32, #tpu.memory_space<vmem>>) semaphore(%arg20 : memref<!tpu.dma_semaphore, #tpu.memory_space<semaphore_mem>>)
      %dma_wait3A_598 = arith.constant 400 : i32
      %dma_wait3A_599 = tpu.memref_slice %arg8[%dma_wait3A_598] : memref<800xi32, #tpu.memory_space<vmem>> -> memref<80xi32, #tpu.memory_space<vmem>>
      %dma_wait3A_600 = arith.constant 0 : i32
      %dma_wait3A_601 = arith.constant 0 : i32
      %dma_wait3A_602 = tpu.memref_slice %arg2[%dma_wait3A_600, %dma_wait3A_601] : memref<100000x32xf32, #tpu.memory_space<hbm>> -> memref<100000x32xf32, #tpu.memory_space<hbm>>
      tpu.wait_indirect_dma semaphore(%arg20 : memref<!tpu.dma_semaphore, #tpu.memory_space<semaphore_mem>>) src(%dma_wait3A_602 : memref<100000x32xf32, #tpu.memory_space<hbm>>) dst(%arg10 : memref<80x32xf32, #tpu.memory_space<vmem>>)
      %get3A_603 = arith.constant 400 : index
      %get3A_604 = tpu.vector_load %arg9[%get3A_603] {strides = array<i32>} : memref<800xi32, #tpu.memory_space<vmem>>, vector<16xi32>,
      %get3A_605 = vector.shape_cast %get3A_604 : vector<16xi32> to vector<16xi32>
      %sub3A_606 = vector.broadcast %mul3A_0 : i32 to vector<16xi32>
      %sub3A_607 = arith.subi %get3A_605, %sub3A_606 : vector<16xi32>
      %ge3A_608 = arith.constant 0 : i32
      %ge3A_609 = vector.broadcast %ge3A_608 : i32 to vector<16xi32>
      %ge3A_610 = arith.cmpi sge, %sub3A_607, %ge3A_609 : vector<16xi32>
      %lt3A_611 = arith.constant 50000 : i32
      %lt3A_612 = vector.broadcast %lt3A_611 : i32 to vector<16xi32>
      %lt3A_613 = arith.cmpi slt, %sub3A_607, %lt3A_612 : vector<16xi32>
      %and3A_614 = arith.andi %ge3A_610, %lt3A_613 : vector<16xi1>
      %jit3A_615 = arith.constant 50000 : i32
      %broadcast_in_dim3A_616 = vector.broadcast %jit3A_615 : i32 to vector<16xi32>
      %select_n3A_617 = arith.select %and3A_614, %sub3A_607, %broadcast_in_dim3A_616 : vector<16xi1>, vector<16xi32>
      %swap3A_618 = arith.constant 0 : index
      %swap3A_619 = tpu.vector_load %arg15[%swap3A_618] {strides = array<i32>} : memref<80xi32, #tpu.memory_space<vmem>>, vector<16xi32>,
      %swap3A_620 = vector.shape_cast %swap3A_619 : vector<16xi32> to vector<16xi32>
      %swap3A_621 = vector.shape_cast %select_n3A_617 : vector<16xi32> to vector<16xi32>
      tpu.vector_store %arg15[%swap3A_618], %swap3A_621 {strides = array<i32>} : memref<80xi32, #tpu.memory_space<vmem>>, vector<16xi32>,
      %get3A_622 = arith.constant 416 : index
      %get3A_623 = tpu.vector_load %arg9[%get3A_622] {strides = array<i32>} : memref<800xi32, #tpu.memory_space<vmem>>, vector<16xi32>,
      %get3A_624 = vector.shape_cast %get3A_623 : vector<16xi32> to vector<16xi32>
      %sub3A_625 = vector.broadcast %mul3A_0 : i32 to vector<16xi32>
      %sub3A_626 = arith.subi %get3A_624, %sub3A_625 : vector<16xi32>
      %ge3A_627 = arith.constant 0 : i32
      %ge3A_628 = vector.broadcast %ge3A_627 : i32 to vector<16xi32>
      %ge3A_629 = arith.cmpi sge, %sub3A_626, %ge3A_628 : vector<16xi32>
      %lt3A_630 = arith.constant 50000 : i32
      %lt3A_631 = vector.broadcast %lt3A_630 : i32 to vector<16xi32>
      %lt3A_632 = arith.cmpi slt, %sub3A_626, %lt3A_631 : vector<16xi32>
      %and3A_633 = arith.andi %ge3A_629, %lt3A_632 : vector<16xi1>
      %jit3A_634 = arith.constant 50000 : i32
      %broadcast_in_dim3A_635 = vector.broadcast %jit3A_634 : i32 to vector<16xi32>
      %select_n3A_636 = arith.select %and3A_633, %sub3A_626, %broadcast_in_dim3A_635 : vector<16xi1>, vector<16xi32>
      %swap3A_637 = arith.constant 16 : index
      %swap3A_638 = tpu.vector_load %arg15[%swap3A_637] {strides = array<i32>} : memref<80xi32, #tpu.memory_space<vmem>>, vector<16xi32>,
      %swap3A_639 = vector.shape_cast %swap3A_638 : vector<16xi32> to vector<16xi32>
      %swap3A_640 = vector.shape_cast %select_n3A_636 : vector<16xi32> to vector<16xi32>
      tpu.vector_store %arg15[%swap3A_637], %swap3A_640 {strides = array<i32>} : memref<80xi32, #tpu.memory_space<vmem>>, vector<16xi32>,
      %get3A_641 = arith.constant 432 : index
      %get3A_642 = tpu.vector_load %arg9[%get3A_641] {strides = array<i32>} : memref<800xi32, #tpu.memory_space<vmem>>, vector<16xi32>,
      %get3A_643 = vector.shape_cast %get3A_642 : vector<16xi32> to vector<16xi32>
      %sub3A_644 = vector.broadcast %mul3A_0 : i32 to vector<16xi32>
      %sub3A_645 = arith.subi %get3A_643, %sub3A_644 : vector<16xi32>
      %ge3A_646 = arith.constant 0 : i32
      %ge3A_647 = vector.broadcast %ge3A_646 : i32 to vector<16xi32>
      %ge3A_648 = arith.cmpi sge, %sub3A_645, %ge3A_647 : vector<16xi32>
      %lt3A_649 = arith.constant 50000 : i32
      %lt3A_650 = vector.broadcast %lt3A_649 : i32 to vector<16xi32>
      %lt3A_651 = arith.cmpi slt, %sub3A_645, %lt3A_650 : vector<16xi32>
      %and3A_652 = arith.andi %ge3A_648, %lt3A_651 : vector<16xi1>
      %jit3A_653 = arith.constant 50000 : i32
      %broadcast_in_dim3A_654 = vector.broadcast %jit3A_653 : i32 to vector<16xi32>
      %select_n3A_655 = arith.select %and3A_652, %sub3A_645, %broadcast_in_dim3A_654 : vector<16xi1>, vector<16xi32>
      %swap3A_656 = arith.constant 32 : index
      %swap3A_657 = tpu.vector_load %arg15[%swap3A_656] {strides = array<i32>} : memref<80xi32, #tpu.memory_space<vmem>>, vector<16xi32>,
      %swap3A_658 = vector.shape_cast %swap3A_657 : vector<16xi32> to vector<16xi32>
      %swap3A_659 = vector.shape_cast %select_n3A_655 : vector<16xi32> to vector<16xi32>
      tpu.vector_store %arg15[%swap3A_656], %swap3A_659 {strides = array<i32>} : memref<80xi32, #tpu.memory_space<vmem>>, vector<16xi32>,
      %get3A_660 = arith.constant 448 : index
      %get3A_661 = tpu.vector_load %arg9[%get3A_660] {strides = array<i32>} : memref<800xi32, #tpu.memory_space<vmem>>, vector<16xi32>,
      %get3A_662 = vector.shape_cast %get3A_661 : vector<16xi32> to vector<16xi32>
      %sub3A_663 = vector.broadcast %mul3A_0 : i32 to vector<16xi32>
      %sub3A_664 = arith.subi %get3A_662, %sub3A_663 : vector<16xi32>
      %ge3A_665 = arith.constant 0 : i32
      %ge3A_666 = vector.broadcast %ge3A_665 : i32 to vector<16xi32>
      %ge3A_667 = arith.cmpi sge, %sub3A_664, %ge3A_666 : vector<16xi32>
      %lt3A_668 = arith.constant 50000 : i32
      %lt3A_669 = vector.broadcast %lt3A_668 : i32 to vector<16xi32>
      %lt3A_670 = arith.cmpi slt, %sub3A_664, %lt3A_669 : vector<16xi32>
      %and3A_671 = arith.andi %ge3A_667, %lt3A_670 : vector<16xi1>
      %jit3A_672 = arith.constant 50000 : i32
      %broadcast_in_dim3A_673 = vector.broadcast %jit3A_672 : i32 to vector<16xi32>
      %select_n3A_674 = arith.select %and3A_671, %sub3A_664, %broadcast_in_dim3A_673 : vector<16xi1>, vector<16xi32>
      %swap3A_675 = arith.constant 48 : index
      %swap3A_676 = tpu.vector_load %arg15[%swap3A_675] {strides = array<i32>} : memref<80xi32, #tpu.memory_space<vmem>>, vector<16xi32>,
      %swap3A_677 = vector.shape_cast %swap3A_676 : vector<16xi32> to vector<16xi32>
      %swap3A_678 = vector.shape_cast %select_n3A_674 : vector<16xi32> to vector<16xi32>
      tpu.vector_store %arg15[%swap3A_675], %swap3A_678 {strides = array<i32>} : memref<80xi32, #tpu.memory_space<vmem>>, vector<16xi32>,
      %get3A_679 = arith.constant 464 : index
      %get3A_680 = tpu.vector_load %arg9[%get3A_679] {strides = array<i32>} : memref<800xi32, #tpu.memory_space<vmem>>, vector<16xi32>,
      %get3A_681 = vector.shape_cast %get3A_680 : vector<16xi32> to vector<16xi32>
      %sub3A_682 = vector.broadcast %mul3A_0 : i32 to vector<16xi32>
      %sub3A_683 = arith.subi %get3A_681, %sub3A_682 : vector<16xi32>
      %ge3A_684 = arith.constant 0 : i32
      %ge3A_685 = vector.broadcast %ge3A_684 : i32 to vector<16xi32>
      %ge3A_686 = arith.cmpi sge, %sub3A_683, %ge3A_685 : vector<16xi32>
      %lt3A_687 = arith.constant 50000 : i32
      %lt3A_688 = vector.broadcast %lt3A_687 : i32 to vector<16xi32>
      %lt3A_689 = arith.cmpi slt, %sub3A_683, %lt3A_688 : vector<16xi32>
      %and3A_690 = arith.andi %ge3A_686, %lt3A_689 : vector<16xi1>
      %jit3A_691 = arith.constant 50000 : i32
      %broadcast_in_dim3A_692 = vector.broadcast %jit3A_691 : i32 to vector<16xi32>
      %select_n3A_693 = arith.select %and3A_690, %sub3A_683, %broadcast_in_dim3A_692 : vector<16xi1>, vector<16xi32>
      %swap3A_694 = arith.constant 64 : index
      %swap3A_695 = tpu.vector_load %arg15[%swap3A_694] {strides = array<i32>} : memref<80xi32, #tpu.memory_space<vmem>>, vector<16xi32>,
      %swap3A_696 = vector.shape_cast %swap3A_695 : vector<16xi32> to vector<16xi32>
      %swap3A_697 = vector.shape_cast %select_n3A_693 : vector<16xi32> to vector<16xi32>
      tpu.vector_store %arg15[%swap3A_694], %swap3A_697 {strides = array<i32>} : memref<80xi32, #tpu.memory_space<vmem>>, vector<16xi32>,
      "tpu.region"() ({
        %run_scoped3A = tpu.sem_alloc : memref<!tpu.dma_semaphore, #tpu.memory_space<semaphore_mem>>
        %dma_start3A_1098 = arith.constant 0 : i32
        %dma_start3A_1099 = arith.constant 0 : i32
        %dma_start3A_1100 = tpu.memref_slice %arg6[%dma_start3A_1098, %dma_start3A_1099] : memref<50048x32xf32, #tpu.memory_space<vmem_shared>> -> memref<50048x32xf32, #tpu.memory_space<vmem_shared>>
        tpu.enqueue_indirect_dma source(%arg10 : memref<80x32xf32, #tpu.memory_space<vmem>>) target(%dma_start3A_1100 : memref<50048x32xf32, #tpu.memory_space<vmem_shared>>) offsets(%arg15 : memref<80xi32, #tpu.memory_space<vmem>>) semaphore(%run_scoped3A : memref<!tpu.dma_semaphore, #tpu.memory_space<semaphore_mem>>) {add = true}
        %dma_wait3A_1101 = arith.constant 0 : i32
        %dma_wait3A_1102 = arith.constant 0 : i32
        %dma_wait3A_1103 = tpu.memref_slice %arg6[%dma_wait3A_1101, %dma_wait3A_1102] : memref<50048x32xf32, #tpu.memory_space<vmem_shared>> -> memref<50048x32xf32, #tpu.memory_space<vmem_shared>>
        tpu.wait_indirect_dma semaphore(%run_scoped3A : memref<!tpu.dma_semaphore, #tpu.memory_space<semaphore_mem>>) src(%arg10 : memref<80x32xf32, #tpu.memory_space<vmem>>) dst(%dma_wait3A_1103 : memref<50048x32xf32, #tpu.memory_space<vmem_shared>>)
        tpu.yield
      }) : () -> ()
      %dma_wait3A_698 = arith.constant 480 : i32
      %dma_wait3A_699 = tpu.memref_slice %arg8[%dma_wait3A_698] : memref<800xi32, #tpu.memory_space<vmem>> -> memref<80xi32, #tpu.memory_space<vmem>>
      %dma_wait3A_700 = arith.constant 0 : i32
      %dma_wait3A_701 = arith.constant 0 : i32
      %dma_wait3A_702 = tpu.memref_slice %arg2[%dma_wait3A_700, %dma_wait3A_701] : memref<100000x32xf32, #tpu.memory_space<hbm>> -> memref<100000x32xf32, #tpu.memory_space<hbm>>
      tpu.wait_indirect_dma semaphore(%arg20 : memref<!tpu.dma_semaphore, #tpu.memory_space<semaphore_mem>>) src(%dma_wait3A_702 : memref<100000x32xf32, #tpu.memory_space<hbm>>) dst(%arg11 : memref<80x32xf32, #tpu.memory_space<vmem>>)
      %get3A_703 = arith.constant 480 : index
      %get3A_704 = tpu.vector_load %arg9[%get3A_703] {strides = array<i32>} : memref<800xi32, #tpu.memory_space<vmem>>, vector<16xi32>,
      %get3A_705 = vector.shape_cast %get3A_704 : vector<16xi32> to vector<16xi32>
      %sub3A_706 = vector.broadcast %mul3A_0 : i32 to vector<16xi32>
      %sub3A_707 = arith.subi %get3A_705, %sub3A_706 : vector<16xi32>
      %ge3A_708 = arith.constant 0 : i32
      %ge3A_709 = vector.broadcast %ge3A_708 : i32 to vector<16xi32>
      %ge3A_710 = arith.cmpi sge, %sub3A_707, %ge3A_709 : vector<16xi32>
      %lt3A_711 = arith.constant 50000 : i32
      %lt3A_712 = vector.broadcast %lt3A_711 : i32 to vector<16xi32>
      %lt3A_713 = arith.cmpi slt, %sub3A_707, %lt3A_712 : vector<16xi32>
      %and3A_714 = arith.andi %ge3A_710, %lt3A_713 : vector<16xi1>
      %jit3A_715 = arith.constant 50000 : i32
      %broadcast_in_dim3A_716 = vector.broadcast %jit3A_715 : i32 to vector<16xi32>
      %select_n3A_717 = arith.select %and3A_714, %sub3A_707, %broadcast_in_dim3A_716 : vector<16xi1>, vector<16xi32>
      %swap3A_718 = arith.constant 0 : index
      %swap3A_719 = tpu.vector_load %arg16[%swap3A_718] {strides = array<i32>} : memref<80xi32, #tpu.memory_space<vmem>>, vector<16xi32>,
      %swap3A_720 = vector.shape_cast %swap3A_719 : vector<16xi32> to vector<16xi32>
      %swap3A_721 = vector.shape_cast %select_n3A_717 : vector<16xi32> to vector<16xi32>
      tpu.vector_store %arg16[%swap3A_718], %swap3A_721 {strides = array<i32>} : memref<80xi32, #tpu.memory_space<vmem>>, vector<16xi32>,
      %get3A_722 = arith.constant 496 : index
      %get3A_723 = tpu.vector_load %arg9[%get3A_722] {strides = array<i32>} : memref<800xi32, #tpu.memory_space<vmem>>, vector<16xi32>,
      %get3A_724 = vector.shape_cast %get3A_723 : vector<16xi32> to vector<16xi32>
      %sub3A_725 = vector.broadcast %mul3A_0 : i32 to vector<16xi32>
      %sub3A_726 = arith.subi %get3A_724, %sub3A_725 : vector<16xi32>
      %ge3A_727 = arith.constant 0 : i32
      %ge3A_728 = vector.broadcast %ge3A_727 : i32 to vector<16xi32>
      %ge3A_729 = arith.cmpi sge, %sub3A_726, %ge3A_728 : vector<16xi32>
      %lt3A_730 = arith.constant 50000 : i32
      %lt3A_731 = vector.broadcast %lt3A_730 : i32 to vector<16xi32>
      %lt3A_732 = arith.cmpi slt, %sub3A_726, %lt3A_731 : vector<16xi32>
      %and3A_733 = arith.andi %ge3A_729, %lt3A_732 : vector<16xi1>
      %jit3A_734 = arith.constant 50000 : i32
      %broadcast_in_dim3A_735 = vector.broadcast %jit3A_734 : i32 to vector<16xi32>
      %select_n3A_736 = arith.select %and3A_733, %sub3A_726, %broadcast_in_dim3A_735 : vector<16xi1>, vector<16xi32>
      %swap3A_737 = arith.constant 16 : index
      %swap3A_738 = tpu.vector_load %arg16[%swap3A_737] {strides = array<i32>} : memref<80xi32, #tpu.memory_space<vmem>>, vector<16xi32>,
      %swap3A_739 = vector.shape_cast %swap3A_738 : vector<16xi32> to vector<16xi32>
      %swap3A_740 = vector.shape_cast %select_n3A_736 : vector<16xi32> to vector<16xi32>
      tpu.vector_store %arg16[%swap3A_737], %swap3A_740 {strides = array<i32>} : memref<80xi32, #tpu.memory_space<vmem>>, vector<16xi32>,
      %get3A_741 = arith.constant 512 : index
      %get3A_742 = tpu.vector_load %arg9[%get3A_741] {strides = array<i32>} : memref<800xi32, #tpu.memory_space<vmem>>, vector<16xi32>,
      %get3A_743 = vector.shape_cast %get3A_742 : vector<16xi32> to vector<16xi32>
      %sub3A_744 = vector.broadcast %mul3A_0 : i32 to vector<16xi32>
      %sub3A_745 = arith.subi %get3A_743, %sub3A_744 : vector<16xi32>
      %ge3A_746 = arith.constant 0 : i32
      %ge3A_747 = vector.broadcast %ge3A_746 : i32 to vector<16xi32>
      %ge3A_748 = arith.cmpi sge, %sub3A_745, %ge3A_747 : vector<16xi32>
      %lt3A_749 = arith.constant 50000 : i32
      %lt3A_750 = vector.broadcast %lt3A_749 : i32 to vector<16xi32>
      %lt3A_751 = arith.cmpi slt, %sub3A_745, %lt3A_750 : vector<16xi32>
      %and3A_752 = arith.andi %ge3A_748, %lt3A_751 : vector<16xi1>
      %jit3A_753 = arith.constant 50000 : i32
      %broadcast_in_dim3A_754 = vector.broadcast %jit3A_753 : i32 to vector<16xi32>
      %select_n3A_755 = arith.select %and3A_752, %sub3A_745, %broadcast_in_dim3A_754 : vector<16xi1>, vector<16xi32>
      %swap3A_756 = arith.constant 32 : index
      %swap3A_757 = tpu.vector_load %arg16[%swap3A_756] {strides = array<i32>} : memref<80xi32, #tpu.memory_space<vmem>>, vector<16xi32>,
      %swap3A_758 = vector.shape_cast %swap3A_757 : vector<16xi32> to vector<16xi32>
      %swap3A_759 = vector.shape_cast %select_n3A_755 : vector<16xi32> to vector<16xi32>
      tpu.vector_store %arg16[%swap3A_756], %swap3A_759 {strides = array<i32>} : memref<80xi32, #tpu.memory_space<vmem>>, vector<16xi32>,
      %get3A_760 = arith.constant 528 : index
      %get3A_761 = tpu.vector_load %arg9[%get3A_760] {strides = array<i32>} : memref<800xi32, #tpu.memory_space<vmem>>, vector<16xi32>,
      %get3A_762 = vector.shape_cast %get3A_761 : vector<16xi32> to vector<16xi32>
      %sub3A_763 = vector.broadcast %mul3A_0 : i32 to vector<16xi32>
      %sub3A_764 = arith.subi %get3A_762, %sub3A_763 : vector<16xi32>
      %ge3A_765 = arith.constant 0 : i32
      %ge3A_766 = vector.broadcast %ge3A_765 : i32 to vector<16xi32>
      %ge3A_767 = arith.cmpi sge, %sub3A_764, %ge3A_766 : vector<16xi32>
      %lt3A_768 = arith.constant 50000 : i32
      %lt3A_769 = vector.broadcast %lt3A_768 : i32 to vector<16xi32>
      %lt3A_770 = arith.cmpi slt, %sub3A_764, %lt3A_769 : vector<16xi32>
      %and3A_771 = arith.andi %ge3A_767, %lt3A_770 : vector<16xi1>
      %jit3A_772 = arith.constant 50000 : i32
      %broadcast_in_dim3A_773 = vector.broadcast %jit3A_772 : i32 to vector<16xi32>
      %select_n3A_774 = arith.select %and3A_771, %sub3A_764, %broadcast_in_dim3A_773 : vector<16xi1>, vector<16xi32>
      %swap3A_775 = arith.constant 48 : index
      %swap3A_776 = tpu.vector_load %arg16[%swap3A_775] {strides = array<i32>} : memref<80xi32, #tpu.memory_space<vmem>>, vector<16xi32>,
      %swap3A_777 = vector.shape_cast %swap3A_776 : vector<16xi32> to vector<16xi32>
      %swap3A_778 = vector.shape_cast %select_n3A_774 : vector<16xi32> to vector<16xi32>
      tpu.vector_store %arg16[%swap3A_775], %swap3A_778 {strides = array<i32>} : memref<80xi32, #tpu.memory_space<vmem>>, vector<16xi32>,
      %get3A_779 = arith.constant 544 : index
      %get3A_780 = tpu.vector_load %arg9[%get3A_779] {strides = array<i32>} : memref<800xi32, #tpu.memory_space<vmem>>, vector<16xi32>,
      %get3A_781 = vector.shape_cast %get3A_780 : vector<16xi32> to vector<16xi32>
      %sub3A_782 = vector.broadcast %mul3A_0 : i32 to vector<16xi32>
      %sub3A_783 = arith.subi %get3A_781, %sub3A_782 : vector<16xi32>
      %ge3A_784 = arith.constant 0 : i32
      %ge3A_785 = vector.broadcast %ge3A_784 : i32 to vector<16xi32>
      %ge3A_786 = arith.cmpi sge, %sub3A_783, %ge3A_785 : vector<16xi32>
      %lt3A_787 = arith.constant 50000 : i32
      %lt3A_788 = vector.broadcast %lt3A_787 : i32 to vector<16xi32>
      %lt3A_789 = arith.cmpi slt, %sub3A_783, %lt3A_788 : vector<16xi32>
      %and3A_790 = arith.andi %ge3A_786, %lt3A_789 : vector<16xi1>
      %jit3A_791 = arith.constant 50000 : i32
      %broadcast_in_dim3A_792 = vector.broadcast %jit3A_791 : i32 to vector<16xi32>
      %select_n3A_793 = arith.select %and3A_790, %sub3A_783, %broadcast_in_dim3A_792 : vector<16xi1>, vector<16xi32>
      %swap3A_794 = arith.constant 64 : index
      %swap3A_795 = tpu.vector_load %arg16[%swap3A_794] {strides = array<i32>} : memref<80xi32, #tpu.memory_space<vmem>>, vector<16xi32>,
      %swap3A_796 = vector.shape_cast %swap3A_795 : vector<16xi32> to vector<16xi32>
      %swap3A_797 = vector.shape_cast %select_n3A_793 : vector<16xi32> to vector<16xi32>
      tpu.vector_store %arg16[%swap3A_794], %swap3A_797 {strides = array<i32>} : memref<80xi32, #tpu.memory_space<vmem>>, vector<16xi32>,
      "tpu.region"() ({
        %run_scoped3A = tpu.sem_alloc : memref<!tpu.dma_semaphore, #tpu.memory_space<semaphore_mem>>
        %dma_start3A_1098 = arith.constant 0 : i32
        %dma_start3A_1099 = arith.constant 0 : i32
        %dma_start3A_1100 = tpu.memref_slice %arg6[%dma_start3A_1098, %dma_start3A_1099] : memref<50048x32xf32, #tpu.memory_space<vmem_shared>> -> memref<50048x32xf32, #tpu.memory_space<vmem_shared>>
        tpu.enqueue_indirect_dma source(%arg11 : memref<80x32xf32, #tpu.memory_space<vmem>>) target(%dma_start3A_1100 : memref<50048x32xf32, #tpu.memory_space<vmem_shared>>) offsets(%arg16 : memref<80xi32, #tpu.memory_space<vmem>>) semaphore(%run_scoped3A : memref<!tpu.dma_semaphore, #tpu.memory_space<semaphore_mem>>) {add = true}
        %dma_wait3A_1101 = arith.constant 0 : i32
        %dma_wait3A_1102 = arith.constant 0 : i32
        %dma_wait3A_1103 = tpu.memref_slice %arg6[%dma_wait3A_1101, %dma_wait3A_1102] : memref<50048x32xf32, #tpu.memory_space<vmem_shared>> -> memref<50048x32xf32, #tpu.memory_space<vmem_shared>>
        tpu.wait_indirect_dma semaphore(%run_scoped3A : memref<!tpu.dma_semaphore, #tpu.memory_space<semaphore_mem>>) src(%arg11 : memref<80x32xf32, #tpu.memory_space<vmem>>) dst(%dma_wait3A_1103 : memref<50048x32xf32, #tpu.memory_space<vmem_shared>>)
        tpu.yield
      }) : () -> ()
      %dma_wait3A_798 = arith.constant 560 : i32
      %dma_wait3A_799 = tpu.memref_slice %arg8[%dma_wait3A_798] : memref<800xi32, #tpu.memory_space<vmem>> -> memref<80xi32, #tpu.memory_space<vmem>>
      %dma_wait3A_800 = arith.constant 0 : i32
      %dma_wait3A_801 = arith.constant 0 : i32
      %dma_wait3A_802 = tpu.memref_slice %arg2[%dma_wait3A_800, %dma_wait3A_801] : memref<100000x32xf32, #tpu.memory_space<hbm>> -> memref<100000x32xf32, #tpu.memory_space<hbm>>
      tpu.wait_indirect_dma semaphore(%arg20 : memref<!tpu.dma_semaphore, #tpu.memory_space<semaphore_mem>>) src(%dma_wait3A_802 : memref<100000x32xf32, #tpu.memory_space<hbm>>) dst(%arg12 : memref<80x32xf32, #tpu.memory_space<vmem>>)
      %get3A_803 = arith.constant 560 : index
      %get3A_804 = tpu.vector_load %arg9[%get3A_803] {strides = array<i32>} : memref<800xi32, #tpu.memory_space<vmem>>, vector<16xi32>,
      %get3A_805 = vector.shape_cast %get3A_804 : vector<16xi32> to vector<16xi32>
      %sub3A_806 = vector.broadcast %mul3A_0 : i32 to vector<16xi32>
      %sub3A_807 = arith.subi %get3A_805, %sub3A_806 : vector<16xi32>
      %ge3A_808 = arith.constant 0 : i32
      %ge3A_809 = vector.broadcast %ge3A_808 : i32 to vector<16xi32>
      %ge3A_810 = arith.cmpi sge, %sub3A_807, %ge3A_809 : vector<16xi32>
      %lt3A_811 = arith.constant 50000 : i32
      %lt3A_812 = vector.broadcast %lt3A_811 : i32 to vector<16xi32>
      %lt3A_813 = arith.cmpi slt, %sub3A_807, %lt3A_812 : vector<16xi32>
      %and3A_814 = arith.andi %ge3A_810, %lt3A_813 : vector<16xi1>
      %jit3A_815 = arith.constant 50000 : i32
      %broadcast_in_dim3A_816 = vector.broadcast %jit3A_815 : i32 to vector<16xi32>
      %select_n3A_817 = arith.select %and3A_814, %sub3A_807, %broadcast_in_dim3A_816 : vector<16xi1>, vector<16xi32>
      %swap3A_818 = arith.constant 0 : index
      %swap3A_819 = tpu.vector_load %arg17[%swap3A_818] {strides = array<i32>} : memref<80xi32, #tpu.memory_space<vmem>>, vector<16xi32>,
      %swap3A_820 = vector.shape_cast %swap3A_819 : vector<16xi32> to vector<16xi32>
      %swap3A_821 = vector.shape_cast %select_n3A_817 : vector<16xi32> to vector<16xi32>
      tpu.vector_store %arg17[%swap3A_818], %swap3A_821 {strides = array<i32>} : memref<80xi32, #tpu.memory_space<vmem>>, vector<16xi32>,
      %get3A_822 = arith.constant 576 : index
      %get3A_823 = tpu.vector_load %arg9[%get3A_822] {strides = array<i32>} : memref<800xi32, #tpu.memory_space<vmem>>, vector<16xi32>,
      %get3A_824 = vector.shape_cast %get3A_823 : vector<16xi32> to vector<16xi32>
      %sub3A_825 = vector.broadcast %mul3A_0 : i32 to vector<16xi32>
      %sub3A_826 = arith.subi %get3A_824, %sub3A_825 : vector<16xi32>
      %ge3A_827 = arith.constant 0 : i32
      %ge3A_828 = vector.broadcast %ge3A_827 : i32 to vector<16xi32>
      %ge3A_829 = arith.cmpi sge, %sub3A_826, %ge3A_828 : vector<16xi32>
      %lt3A_830 = arith.constant 50000 : i32
      %lt3A_831 = vector.broadcast %lt3A_830 : i32 to vector<16xi32>
      %lt3A_832 = arith.cmpi slt, %sub3A_826, %lt3A_831 : vector<16xi32>
      %and3A_833 = arith.andi %ge3A_829, %lt3A_832 : vector<16xi1>
      %jit3A_834 = arith.constant 50000 : i32
      %broadcast_in_dim3A_835 = vector.broadcast %jit3A_834 : i32 to vector<16xi32>
      %select_n3A_836 = arith.select %and3A_833, %sub3A_826, %broadcast_in_dim3A_835 : vector<16xi1>, vector<16xi32>
      %swap3A_837 = arith.constant 16 : index
      %swap3A_838 = tpu.vector_load %arg17[%swap3A_837] {strides = array<i32>} : memref<80xi32, #tpu.memory_space<vmem>>, vector<16xi32>,
      %swap3A_839 = vector.shape_cast %swap3A_838 : vector<16xi32> to vector<16xi32>
      %swap3A_840 = vector.shape_cast %select_n3A_836 : vector<16xi32> to vector<16xi32>
      tpu.vector_store %arg17[%swap3A_837], %swap3A_840 {strides = array<i32>} : memref<80xi32, #tpu.memory_space<vmem>>, vector<16xi32>,
      %get3A_841 = arith.constant 592 : index
      %get3A_842 = tpu.vector_load %arg9[%get3A_841] {strides = array<i32>} : memref<800xi32, #tpu.memory_space<vmem>>, vector<16xi32>,
      %get3A_843 = vector.shape_cast %get3A_842 : vector<16xi32> to vector<16xi32>
      %sub3A_844 = vector.broadcast %mul3A_0 : i32 to vector<16xi32>
      %sub3A_845 = arith.subi %get3A_843, %sub3A_844 : vector<16xi32>
      %ge3A_846 = arith.constant 0 : i32
      %ge3A_847 = vector.broadcast %ge3A_846 : i32 to vector<16xi32>
      %ge3A_848 = arith.cmpi sge, %sub3A_845, %ge3A_847 : vector<16xi32>
      %lt3A_849 = arith.constant 50000 : i32
      %lt3A_850 = vector.broadcast %lt3A_849 : i32 to vector<16xi32>
      %lt3A_851 = arith.cmpi slt, %sub3A_845, %lt3A_850 : vector<16xi32>
      %and3A_852 = arith.andi %ge3A_848, %lt3A_851 : vector<16xi1>
      %jit3A_853 = arith.constant 50000 : i32
      %broadcast_in_dim3A_854 = vector.broadcast %jit3A_853 : i32 to vector<16xi32>
      %select_n3A_855 = arith.select %and3A_852, %sub3A_845, %broadcast_in_dim3A_854 : vector<16xi1>, vector<16xi32>
      %swap3A_856 = arith.constant 32 : index
      %swap3A_857 = tpu.vector_load %arg17[%swap3A_856] {strides = array<i32>} : memref<80xi32, #tpu.memory_space<vmem>>, vector<16xi32>,
      %swap3A_858 = vector.shape_cast %swap3A_857 : vector<16xi32> to vector<16xi32>
      %swap3A_859 = vector.shape_cast %select_n3A_855 : vector<16xi32> to vector<16xi32>
      tpu.vector_store %arg17[%swap3A_856], %swap3A_859 {strides = array<i32>} : memref<80xi32, #tpu.memory_space<vmem>>, vector<16xi32>,
      %get3A_860 = arith.constant 608 : index
      %get3A_861 = tpu.vector_load %arg9[%get3A_860] {strides = array<i32>} : memref<800xi32, #tpu.memory_space<vmem>>, vector<16xi32>,
      %get3A_862 = vector.shape_cast %get3A_861 : vector<16xi32> to vector<16xi32>
      %sub3A_863 = vector.broadcast %mul3A_0 : i32 to vector<16xi32>
      %sub3A_864 = arith.subi %get3A_862, %sub3A_863 : vector<16xi32>
      %ge3A_865 = arith.constant 0 : i32
      %ge3A_866 = vector.broadcast %ge3A_865 : i32 to vector<16xi32>
      %ge3A_867 = arith.cmpi sge, %sub3A_864, %ge3A_866 : vector<16xi32>
      %lt3A_868 = arith.constant 50000 : i32
      %lt3A_869 = vector.broadcast %lt3A_868 : i32 to vector<16xi32>
      %lt3A_870 = arith.cmpi slt, %sub3A_864, %lt3A_869 : vector<16xi32>
      %and3A_871 = arith.andi %ge3A_867, %lt3A_870 : vector<16xi1>
      %jit3A_872 = arith.constant 50000 : i32
      %broadcast_in_dim3A_873 = vector.broadcast %jit3A_872 : i32 to vector<16xi32>
      %select_n3A_874 = arith.select %and3A_871, %sub3A_864, %broadcast_in_dim3A_873 : vector<16xi1>, vector<16xi32>
      %swap3A_875 = arith.constant 48 : index
      %swap3A_876 = tpu.vector_load %arg17[%swap3A_875] {strides = array<i32>} : memref<80xi32, #tpu.memory_space<vmem>>, vector<16xi32>,
      %swap3A_877 = vector.shape_cast %swap3A_876 : vector<16xi32> to vector<16xi32>
      %swap3A_878 = vector.shape_cast %select_n3A_874 : vector<16xi32> to vector<16xi32>
      tpu.vector_store %arg17[%swap3A_875], %swap3A_878 {strides = array<i32>} : memref<80xi32, #tpu.memory_space<vmem>>, vector<16xi32>,
      %get3A_879 = arith.constant 624 : index
      %get3A_880 = tpu.vector_load %arg9[%get3A_879] {strides = array<i32>} : memref<800xi32, #tpu.memory_space<vmem>>, vector<16xi32>,
      %get3A_881 = vector.shape_cast %get3A_880 : vector<16xi32> to vector<16xi32>
      %sub3A_882 = vector.broadcast %mul3A_0 : i32 to vector<16xi32>
      %sub3A_883 = arith.subi %get3A_881, %sub3A_882 : vector<16xi32>
      %ge3A_884 = arith.constant 0 : i32
      %ge3A_885 = vector.broadcast %ge3A_884 : i32 to vector<16xi32>
      %ge3A_886 = arith.cmpi sge, %sub3A_883, %ge3A_885 : vector<16xi32>
      %lt3A_887 = arith.constant 50000 : i32
      %lt3A_888 = vector.broadcast %lt3A_887 : i32 to vector<16xi32>
      %lt3A_889 = arith.cmpi slt, %sub3A_883, %lt3A_888 : vector<16xi32>
      %and3A_890 = arith.andi %ge3A_886, %lt3A_889 : vector<16xi1>
      %jit3A_891 = arith.constant 50000 : i32
      %broadcast_in_dim3A_892 = vector.broadcast %jit3A_891 : i32 to vector<16xi32>
      %select_n3A_893 = arith.select %and3A_890, %sub3A_883, %broadcast_in_dim3A_892 : vector<16xi1>, vector<16xi32>
      %swap3A_894 = arith.constant 64 : index
      %swap3A_895 = tpu.vector_load %arg17[%swap3A_894] {strides = array<i32>} : memref<80xi32, #tpu.memory_space<vmem>>, vector<16xi32>,
      %swap3A_896 = vector.shape_cast %swap3A_895 : vector<16xi32> to vector<16xi32>
      %swap3A_897 = vector.shape_cast %select_n3A_893 : vector<16xi32> to vector<16xi32>
      tpu.vector_store %arg17[%swap3A_894], %swap3A_897 {strides = array<i32>} : memref<80xi32, #tpu.memory_space<vmem>>, vector<16xi32>,
      "tpu.region"() ({
        %run_scoped3A = tpu.sem_alloc : memref<!tpu.dma_semaphore, #tpu.memory_space<semaphore_mem>>
        %dma_start3A_1098 = arith.constant 0 : i32
        %dma_start3A_1099 = arith.constant 0 : i32
        %dma_start3A_1100 = tpu.memref_slice %arg6[%dma_start3A_1098, %dma_start3A_1099] : memref<50048x32xf32, #tpu.memory_space<vmem_shared>> -> memref<50048x32xf32, #tpu.memory_space<vmem_shared>>
        tpu.enqueue_indirect_dma source(%arg12 : memref<80x32xf32, #tpu.memory_space<vmem>>) target(%dma_start3A_1100 : memref<50048x32xf32, #tpu.memory_space<vmem_shared>>) offsets(%arg17 : memref<80xi32, #tpu.memory_space<vmem>>) semaphore(%run_scoped3A : memref<!tpu.dma_semaphore, #tpu.memory_space<semaphore_mem>>) {add = true}
        %dma_wait3A_1101 = arith.constant 0 : i32
        %dma_wait3A_1102 = arith.constant 0 : i32
        %dma_wait3A_1103 = tpu.memref_slice %arg6[%dma_wait3A_1101, %dma_wait3A_1102] : memref<50048x32xf32, #tpu.memory_space<vmem_shared>> -> memref<50048x32xf32, #tpu.memory_space<vmem_shared>>
        tpu.wait_indirect_dma semaphore(%run_scoped3A : memref<!tpu.dma_semaphore, #tpu.memory_space<semaphore_mem>>) src(%arg12 : memref<80x32xf32, #tpu.memory_space<vmem>>) dst(%dma_wait3A_1103 : memref<50048x32xf32, #tpu.memory_space<vmem_shared>>)
        tpu.yield
      }) : () -> ()
      %dma_wait3A_898 = arith.constant 640 : i32
      %dma_wait3A_899 = tpu.memref_slice %arg8[%dma_wait3A_898] : memref<800xi32, #tpu.memory_space<vmem>> -> memref<80xi32, #tpu.memory_space<vmem>>
      %dma_wait3A_900 = arith.constant 0 : i32
      %dma_wait3A_901 = arith.constant 0 : i32
      %dma_wait3A_902 = tpu.memref_slice %arg2[%dma_wait3A_900, %dma_wait3A_901] : memref<100000x32xf32, #tpu.memory_space<hbm>> -> memref<100000x32xf32, #tpu.memory_space<hbm>>
      tpu.wait_indirect_dma semaphore(%arg20 : memref<!tpu.dma_semaphore, #tpu.memory_space<semaphore_mem>>) src(%dma_wait3A_902 : memref<100000x32xf32, #tpu.memory_space<hbm>>) dst(%arg13 : memref<80x32xf32, #tpu.memory_space<vmem>>)
      %get3A_903 = arith.constant 640 : index
      %get3A_904 = tpu.vector_load %arg9[%get3A_903] {strides = array<i32>} : memref<800xi32, #tpu.memory_space<vmem>>, vector<16xi32>,
      %get3A_905 = vector.shape_cast %get3A_904 : vector<16xi32> to vector<16xi32>
      %sub3A_906 = vector.broadcast %mul3A_0 : i32 to vector<16xi32>
      %sub3A_907 = arith.subi %get3A_905, %sub3A_906 : vector<16xi32>
      %ge3A_908 = arith.constant 0 : i32
      %ge3A_909 = vector.broadcast %ge3A_908 : i32 to vector<16xi32>
      %ge3A_910 = arith.cmpi sge, %sub3A_907, %ge3A_909 : vector<16xi32>
      %lt3A_911 = arith.constant 50000 : i32
      %lt3A_912 = vector.broadcast %lt3A_911 : i32 to vector<16xi32>
      %lt3A_913 = arith.cmpi slt, %sub3A_907, %lt3A_912 : vector<16xi32>
      %and3A_914 = arith.andi %ge3A_910, %lt3A_913 : vector<16xi1>
      %jit3A_915 = arith.constant 50000 : i32
      %broadcast_in_dim3A_916 = vector.broadcast %jit3A_915 : i32 to vector<16xi32>
      %select_n3A_917 = arith.select %and3A_914, %sub3A_907, %broadcast_in_dim3A_916 : vector<16xi1>, vector<16xi32>
      %swap3A_918 = arith.constant 0 : index
      %swap3A_919 = tpu.vector_load %arg18[%swap3A_918] {strides = array<i32>} : memref<80xi32, #tpu.memory_space<vmem>>, vector<16xi32>,
      %swap3A_920 = vector.shape_cast %swap3A_919 : vector<16xi32> to vector<16xi32>
      %swap3A_921 = vector.shape_cast %select_n3A_917 : vector<16xi32> to vector<16xi32>
      tpu.vector_store %arg18[%swap3A_918], %swap3A_921 {strides = array<i32>} : memref<80xi32, #tpu.memory_space<vmem>>, vector<16xi32>,
      %get3A_922 = arith.constant 656 : index
      %get3A_923 = tpu.vector_load %arg9[%get3A_922] {strides = array<i32>} : memref<800xi32, #tpu.memory_space<vmem>>, vector<16xi32>,
      %get3A_924 = vector.shape_cast %get3A_923 : vector<16xi32> to vector<16xi32>
      %sub3A_925 = vector.broadcast %mul3A_0 : i32 to vector<16xi32>
      %sub3A_926 = arith.subi %get3A_924, %sub3A_925 : vector<16xi32>
      %ge3A_927 = arith.constant 0 : i32
      %ge3A_928 = vector.broadcast %ge3A_927 : i32 to vector<16xi32>
      %ge3A_929 = arith.cmpi sge, %sub3A_926, %ge3A_928 : vector<16xi32>
      %lt3A_930 = arith.constant 50000 : i32
      %lt3A_931 = vector.broadcast %lt3A_930 : i32 to vector<16xi32>
      %lt3A_932 = arith.cmpi slt, %sub3A_926, %lt3A_931 : vector<16xi32>
      %and3A_933 = arith.andi %ge3A_929, %lt3A_932 : vector<16xi1>
      %jit3A_934 = arith.constant 50000 : i32
      %broadcast_in_dim3A_935 = vector.broadcast %jit3A_934 : i32 to vector<16xi32>
      %select_n3A_936 = arith.select %and3A_933, %sub3A_926, %broadcast_in_dim3A_935 : vector<16xi1>, vector<16xi32>
      %swap3A_937 = arith.constant 16 : index
      %swap3A_938 = tpu.vector_load %arg18[%swap3A_937] {strides = array<i32>} : memref<80xi32, #tpu.memory_space<vmem>>, vector<16xi32>,
      %swap3A_939 = vector.shape_cast %swap3A_938 : vector<16xi32> to vector<16xi32>
      %swap3A_940 = vector.shape_cast %select_n3A_936 : vector<16xi32> to vector<16xi32>
      tpu.vector_store %arg18[%swap3A_937], %swap3A_940 {strides = array<i32>} : memref<80xi32, #tpu.memory_space<vmem>>, vector<16xi32>,
      %get3A_941 = arith.constant 672 : index
      %get3A_942 = tpu.vector_load %arg9[%get3A_941] {strides = array<i32>} : memref<800xi32, #tpu.memory_space<vmem>>, vector<16xi32>,
      %get3A_943 = vector.shape_cast %get3A_942 : vector<16xi32> to vector<16xi32>
      %sub3A_944 = vector.broadcast %mul3A_0 : i32 to vector<16xi32>
      %sub3A_945 = arith.subi %get3A_943, %sub3A_944 : vector<16xi32>
      %ge3A_946 = arith.constant 0 : i32
      %ge3A_947 = vector.broadcast %ge3A_946 : i32 to vector<16xi32>
      %ge3A_948 = arith.cmpi sge, %sub3A_945, %ge3A_947 : vector<16xi32>
      %lt3A_949 = arith.constant 50000 : i32
      %lt3A_950 = vector.broadcast %lt3A_949 : i32 to vector<16xi32>
      %lt3A_951 = arith.cmpi slt, %sub3A_945, %lt3A_950 : vector<16xi32>
      %and3A_952 = arith.andi %ge3A_948, %lt3A_951 : vector<16xi1>
      %jit3A_953 = arith.constant 50000 : i32
      %broadcast_in_dim3A_954 = vector.broadcast %jit3A_953 : i32 to vector<16xi32>
      %select_n3A_955 = arith.select %and3A_952, %sub3A_945, %broadcast_in_dim3A_954 : vector<16xi1>, vector<16xi32>
      %swap3A_956 = arith.constant 32 : index
      %swap3A_957 = tpu.vector_load %arg18[%swap3A_956] {strides = array<i32>} : memref<80xi32, #tpu.memory_space<vmem>>, vector<16xi32>,
      %swap3A_958 = vector.shape_cast %swap3A_957 : vector<16xi32> to vector<16xi32>
      %swap3A_959 = vector.shape_cast %select_n3A_955 : vector<16xi32> to vector<16xi32>
      tpu.vector_store %arg18[%swap3A_956], %swap3A_959 {strides = array<i32>} : memref<80xi32, #tpu.memory_space<vmem>>, vector<16xi32>,
      %get3A_960 = arith.constant 688 : index
      %get3A_961 = tpu.vector_load %arg9[%get3A_960] {strides = array<i32>} : memref<800xi32, #tpu.memory_space<vmem>>, vector<16xi32>,
      %get3A_962 = vector.shape_cast %get3A_961 : vector<16xi32> to vector<16xi32>
      %sub3A_963 = vector.broadcast %mul3A_0 : i32 to vector<16xi32>
      %sub3A_964 = arith.subi %get3A_962, %sub3A_963 : vector<16xi32>
      %ge3A_965 = arith.constant 0 : i32
      %ge3A_966 = vector.broadcast %ge3A_965 : i32 to vector<16xi32>
      %ge3A_967 = arith.cmpi sge, %sub3A_964, %ge3A_966 : vector<16xi32>
      %lt3A_968 = arith.constant 50000 : i32
      %lt3A_969 = vector.broadcast %lt3A_968 : i32 to vector<16xi32>
      %lt3A_970 = arith.cmpi slt, %sub3A_964, %lt3A_969 : vector<16xi32>
      %and3A_971 = arith.andi %ge3A_967, %lt3A_970 : vector<16xi1>
      %jit3A_972 = arith.constant 50000 : i32
      %broadcast_in_dim3A_973 = vector.broadcast %jit3A_972 : i32 to vector<16xi32>
      %select_n3A_974 = arith.select %and3A_971, %sub3A_964, %broadcast_in_dim3A_973 : vector<16xi1>, vector<16xi32>
      %swap3A_975 = arith.constant 48 : index
      %swap3A_976 = tpu.vector_load %arg18[%swap3A_975] {strides = array<i32>} : memref<80xi32, #tpu.memory_space<vmem>>, vector<16xi32>,
      %swap3A_977 = vector.shape_cast %swap3A_976 : vector<16xi32> to vector<16xi32>
      %swap3A_978 = vector.shape_cast %select_n3A_974 : vector<16xi32> to vector<16xi32>
      tpu.vector_store %arg18[%swap3A_975], %swap3A_978 {strides = array<i32>} : memref<80xi32, #tpu.memory_space<vmem>>, vector<16xi32>,
      %get3A_979 = arith.constant 704 : index
      %get3A_980 = tpu.vector_load %arg9[%get3A_979] {strides = array<i32>} : memref<800xi32, #tpu.memory_space<vmem>>, vector<16xi32>,
      %get3A_981 = vector.shape_cast %get3A_980 : vector<16xi32> to vector<16xi32>
      %sub3A_982 = vector.broadcast %mul3A_0 : i32 to vector<16xi32>
      %sub3A_983 = arith.subi %get3A_981, %sub3A_982 : vector<16xi32>
      %ge3A_984 = arith.constant 0 : i32
      %ge3A_985 = vector.broadcast %ge3A_984 : i32 to vector<16xi32>
      %ge3A_986 = arith.cmpi sge, %sub3A_983, %ge3A_985 : vector<16xi32>
      %lt3A_987 = arith.constant 50000 : i32
      %lt3A_988 = vector.broadcast %lt3A_987 : i32 to vector<16xi32>
      %lt3A_989 = arith.cmpi slt, %sub3A_983, %lt3A_988 : vector<16xi32>
      %and3A_990 = arith.andi %ge3A_986, %lt3A_989 : vector<16xi1>
      %jit3A_991 = arith.constant 50000 : i32
      %broadcast_in_dim3A_992 = vector.broadcast %jit3A_991 : i32 to vector<16xi32>
      %select_n3A_993 = arith.select %and3A_990, %sub3A_983, %broadcast_in_dim3A_992 : vector<16xi1>, vector<16xi32>
      %swap3A_994 = arith.constant 64 : index
      %swap3A_995 = tpu.vector_load %arg18[%swap3A_994] {strides = array<i32>} : memref<80xi32, #tpu.memory_space<vmem>>, vector<16xi32>,
      %swap3A_996 = vector.shape_cast %swap3A_995 : vector<16xi32> to vector<16xi32>
      %swap3A_997 = vector.shape_cast %select_n3A_993 : vector<16xi32> to vector<16xi32>
      tpu.vector_store %arg18[%swap3A_994], %swap3A_997 {strides = array<i32>} : memref<80xi32, #tpu.memory_space<vmem>>, vector<16xi32>,
      "tpu.region"() ({
        %run_scoped3A = tpu.sem_alloc : memref<!tpu.dma_semaphore, #tpu.memory_space<semaphore_mem>>
        %dma_start3A_1098 = arith.constant 0 : i32
        %dma_start3A_1099 = arith.constant 0 : i32
        %dma_start3A_1100 = tpu.memref_slice %arg6[%dma_start3A_1098, %dma_start3A_1099] : memref<50048x32xf32, #tpu.memory_space<vmem_shared>> -> memref<50048x32xf32, #tpu.memory_space<vmem_shared>>
        tpu.enqueue_indirect_dma source(%arg13 : memref<80x32xf32, #tpu.memory_space<vmem>>) target(%dma_start3A_1100 : memref<50048x32xf32, #tpu.memory_space<vmem_shared>>) offsets(%arg18 : memref<80xi32, #tpu.memory_space<vmem>>) semaphore(%run_scoped3A : memref<!tpu.dma_semaphore, #tpu.memory_space<semaphore_mem>>) {add = true}
        %dma_wait3A_1101 = arith.constant 0 : i32
        %dma_wait3A_1102 = arith.constant 0 : i32
        %dma_wait3A_1103 = tpu.memref_slice %arg6[%dma_wait3A_1101, %dma_wait3A_1102] : memref<50048x32xf32, #tpu.memory_space<vmem_shared>> -> memref<50048x32xf32, #tpu.memory_space<vmem_shared>>
        tpu.wait_indirect_dma semaphore(%run_scoped3A : memref<!tpu.dma_semaphore, #tpu.memory_space<semaphore_mem>>) src(%arg13 : memref<80x32xf32, #tpu.memory_space<vmem>>) dst(%dma_wait3A_1103 : memref<50048x32xf32, #tpu.memory_space<vmem_shared>>)
        tpu.yield
      }) : () -> ()
      %dma_wait3A_998 = arith.constant 720 : i32
      %dma_wait3A_999 = tpu.memref_slice %arg8[%dma_wait3A_998] : memref<800xi32, #tpu.memory_space<vmem>> -> memref<80xi32, #tpu.memory_space<vmem>>
      %dma_wait3A_1000 = arith.constant 0 : i32
      %dma_wait3A_1001 = arith.constant 0 : i32
      %dma_wait3A_1002 = tpu.memref_slice %arg2[%dma_wait3A_1000, %dma_wait3A_1001] : memref<100000x32xf32, #tpu.memory_space<hbm>> -> memref<100000x32xf32, #tpu.memory_space<hbm>>
      tpu.wait_indirect_dma semaphore(%arg20 : memref<!tpu.dma_semaphore, #tpu.memory_space<semaphore_mem>>) src(%dma_wait3A_1002 : memref<100000x32xf32, #tpu.memory_space<hbm>>) dst(%arg14 : memref<80x32xf32, #tpu.memory_space<vmem>>)
      %get3A_1003 = arith.constant 720 : index
      %get3A_1004 = tpu.vector_load %arg9[%get3A_1003] {strides = array<i32>} : memref<800xi32, #tpu.memory_space<vmem>>, vector<16xi32>,
      %get3A_1005 = vector.shape_cast %get3A_1004 : vector<16xi32> to vector<16xi32>
      %sub3A_1006 = vector.broadcast %mul3A_0 : i32 to vector<16xi32>
      %sub3A_1007 = arith.subi %get3A_1005, %sub3A_1006 : vector<16xi32>
      %ge3A_1008 = arith.constant 0 : i32
      %ge3A_1009 = vector.broadcast %ge3A_1008 : i32 to vector<16xi32>
      %ge3A_1010 = arith.cmpi sge, %sub3A_1007, %ge3A_1009 : vector<16xi32>
      %lt3A_1011 = arith.constant 50000 : i32
      %lt3A_1012 = vector.broadcast %lt3A_1011 : i32 to vector<16xi32>
      %lt3A_1013 = arith.cmpi slt, %sub3A_1007, %lt3A_1012 : vector<16xi32>
      %and3A_1014 = arith.andi %ge3A_1010, %lt3A_1013 : vector<16xi1>
      %jit3A_1015 = arith.constant 50000 : i32
      %broadcast_in_dim3A_1016 = vector.broadcast %jit3A_1015 : i32 to vector<16xi32>
      %select_n3A_1017 = arith.select %and3A_1014, %sub3A_1007, %broadcast_in_dim3A_1016 : vector<16xi1>, vector<16xi32>
      %swap3A_1018 = arith.constant 0 : index
      %swap3A_1019 = tpu.vector_load %arg19[%swap3A_1018] {strides = array<i32>} : memref<80xi32, #tpu.memory_space<vmem>>, vector<16xi32>,
      %swap3A_1020 = vector.shape_cast %swap3A_1019 : vector<16xi32> to vector<16xi32>
      %swap3A_1021 = vector.shape_cast %select_n3A_1017 : vector<16xi32> to vector<16xi32>
      tpu.vector_store %arg19[%swap3A_1018], %swap3A_1021 {strides = array<i32>} : memref<80xi32, #tpu.memory_space<vmem>>, vector<16xi32>,
      %get3A_1022 = arith.constant 736 : index
      %get3A_1023 = tpu.vector_load %arg9[%get3A_1022] {strides = array<i32>} : memref<800xi32, #tpu.memory_space<vmem>>, vector<16xi32>,
      %get3A_1024 = vector.shape_cast %get3A_1023 : vector<16xi32> to vector<16xi32>
      %sub3A_1025 = vector.broadcast %mul3A_0 : i32 to vector<16xi32>
      %sub3A_1026 = arith.subi %get3A_1024, %sub3A_1025 : vector<16xi32>
      %ge3A_1027 = arith.constant 0 : i32
      %ge3A_1028 = vector.broadcast %ge3A_1027 : i32 to vector<16xi32>
      %ge3A_1029 = arith.cmpi sge, %sub3A_1026, %ge3A_1028 : vector<16xi32>
      %lt3A_1030 = arith.constant 50000 : i32
      %lt3A_1031 = vector.broadcast %lt3A_1030 : i32 to vector<16xi32>
      %lt3A_1032 = arith.cmpi slt, %sub3A_1026, %lt3A_1031 : vector<16xi32>
      %and3A_1033 = arith.andi %ge3A_1029, %lt3A_1032 : vector<16xi1>
      %jit3A_1034 = arith.constant 50000 : i32
      %broadcast_in_dim3A_1035 = vector.broadcast %jit3A_1034 : i32 to vector<16xi32>
      %select_n3A_1036 = arith.select %and3A_1033, %sub3A_1026, %broadcast_in_dim3A_1035 : vector<16xi1>, vector<16xi32>
      %swap3A_1037 = arith.constant 16 : index
      %swap3A_1038 = tpu.vector_load %arg19[%swap3A_1037] {strides = array<i32>} : memref<80xi32, #tpu.memory_space<vmem>>, vector<16xi32>,
      %swap3A_1039 = vector.shape_cast %swap3A_1038 : vector<16xi32> to vector<16xi32>
      %swap3A_1040 = vector.shape_cast %select_n3A_1036 : vector<16xi32> to vector<16xi32>
      tpu.vector_store %arg19[%swap3A_1037], %swap3A_1040 {strides = array<i32>} : memref<80xi32, #tpu.memory_space<vmem>>, vector<16xi32>,
      %get3A_1041 = arith.constant 752 : index
      %get3A_1042 = tpu.vector_load %arg9[%get3A_1041] {strides = array<i32>} : memref<800xi32, #tpu.memory_space<vmem>>, vector<16xi32>,
      %get3A_1043 = vector.shape_cast %get3A_1042 : vector<16xi32> to vector<16xi32>
      %sub3A_1044 = vector.broadcast %mul3A_0 : i32 to vector<16xi32>
      %sub3A_1045 = arith.subi %get3A_1043, %sub3A_1044 : vector<16xi32>
      %ge3A_1046 = arith.constant 0 : i32
      %ge3A_1047 = vector.broadcast %ge3A_1046 : i32 to vector<16xi32>
      %ge3A_1048 = arith.cmpi sge, %sub3A_1045, %ge3A_1047 : vector<16xi32>
      %lt3A_1049 = arith.constant 50000 : i32
      %lt3A_1050 = vector.broadcast %lt3A_1049 : i32 to vector<16xi32>
      %lt3A_1051 = arith.cmpi slt, %sub3A_1045, %lt3A_1050 : vector<16xi32>
      %and3A_1052 = arith.andi %ge3A_1048, %lt3A_1051 : vector<16xi1>
      %jit3A_1053 = arith.constant 50000 : i32
      %broadcast_in_dim3A_1054 = vector.broadcast %jit3A_1053 : i32 to vector<16xi32>
      %select_n3A_1055 = arith.select %and3A_1052, %sub3A_1045, %broadcast_in_dim3A_1054 : vector<16xi1>, vector<16xi32>
      %swap3A_1056 = arith.constant 32 : index
      %swap3A_1057 = tpu.vector_load %arg19[%swap3A_1056] {strides = array<i32>} : memref<80xi32, #tpu.memory_space<vmem>>, vector<16xi32>,
      %swap3A_1058 = vector.shape_cast %swap3A_1057 : vector<16xi32> to vector<16xi32>
      %swap3A_1059 = vector.shape_cast %select_n3A_1055 : vector<16xi32> to vector<16xi32>
      tpu.vector_store %arg19[%swap3A_1056], %swap3A_1059 {strides = array<i32>} : memref<80xi32, #tpu.memory_space<vmem>>, vector<16xi32>,
      %get3A_1060 = arith.constant 768 : index
      %get3A_1061 = tpu.vector_load %arg9[%get3A_1060] {strides = array<i32>} : memref<800xi32, #tpu.memory_space<vmem>>, vector<16xi32>,
      %get3A_1062 = vector.shape_cast %get3A_1061 : vector<16xi32> to vector<16xi32>
      %sub3A_1063 = vector.broadcast %mul3A_0 : i32 to vector<16xi32>
      %sub3A_1064 = arith.subi %get3A_1062, %sub3A_1063 : vector<16xi32>
      %ge3A_1065 = arith.constant 0 : i32
      %ge3A_1066 = vector.broadcast %ge3A_1065 : i32 to vector<16xi32>
      %ge3A_1067 = arith.cmpi sge, %sub3A_1064, %ge3A_1066 : vector<16xi32>
      %lt3A_1068 = arith.constant 50000 : i32
      %lt3A_1069 = vector.broadcast %lt3A_1068 : i32 to vector<16xi32>
      %lt3A_1070 = arith.cmpi slt, %sub3A_1064, %lt3A_1069 : vector<16xi32>
      %and3A_1071 = arith.andi %ge3A_1067, %lt3A_1070 : vector<16xi1>
      %jit3A_1072 = arith.constant 50000 : i32
      %broadcast_in_dim3A_1073 = vector.broadcast %jit3A_1072 : i32 to vector<16xi32>
      %select_n3A_1074 = arith.select %and3A_1071, %sub3A_1064, %broadcast_in_dim3A_1073 : vector<16xi1>, vector<16xi32>
      %swap3A_1075 = arith.constant 48 : index
      %swap3A_1076 = tpu.vector_load %arg19[%swap3A_1075] {strides = array<i32>} : memref<80xi32, #tpu.memory_space<vmem>>, vector<16xi32>,
      %swap3A_1077 = vector.shape_cast %swap3A_1076 : vector<16xi32> to vector<16xi32>
      %swap3A_1078 = vector.shape_cast %select_n3A_1074 : vector<16xi32> to vector<16xi32>
      tpu.vector_store %arg19[%swap3A_1075], %swap3A_1078 {strides = array<i32>} : memref<80xi32, #tpu.memory_space<vmem>>, vector<16xi32>,
      %get3A_1079 = arith.constant 784 : index
      %get3A_1080 = tpu.vector_load %arg9[%get3A_1079] {strides = array<i32>} : memref<800xi32, #tpu.memory_space<vmem>>, vector<16xi32>,
      %get3A_1081 = vector.shape_cast %get3A_1080 : vector<16xi32> to vector<16xi32>
      %sub3A_1082 = vector.broadcast %mul3A_0 : i32 to vector<16xi32>
      %sub3A_1083 = arith.subi %get3A_1081, %sub3A_1082 : vector<16xi32>
      %ge3A_1084 = arith.constant 0 : i32
      %ge3A_1085 = vector.broadcast %ge3A_1084 : i32 to vector<16xi32>
      %ge3A_1086 = arith.cmpi sge, %sub3A_1083, %ge3A_1085 : vector<16xi32>
      %lt3A_1087 = arith.constant 50000 : i32
      %lt3A_1088 = vector.broadcast %lt3A_1087 : i32 to vector<16xi32>
      %lt3A_1089 = arith.cmpi slt, %sub3A_1083, %lt3A_1088 : vector<16xi32>
      %and3A_1090 = arith.andi %ge3A_1086, %lt3A_1089 : vector<16xi1>
      %jit3A_1091 = arith.constant 50000 : i32
      %broadcast_in_dim3A_1092 = vector.broadcast %jit3A_1091 : i32 to vector<16xi32>
      %select_n3A_1093 = arith.select %and3A_1090, %sub3A_1083, %broadcast_in_dim3A_1092 : vector<16xi1>, vector<16xi32>
      %swap3A_1094 = arith.constant 64 : index
      %swap3A_1095 = tpu.vector_load %arg19[%swap3A_1094] {strides = array<i32>} : memref<80xi32, #tpu.memory_space<vmem>>, vector<16xi32>,
      %swap3A_1096 = vector.shape_cast %swap3A_1095 : vector<16xi32> to vector<16xi32>
      %swap3A_1097 = vector.shape_cast %select_n3A_1093 : vector<16xi32> to vector<16xi32>
      tpu.vector_store %arg19[%swap3A_1094], %swap3A_1097 {strides = array<i32>} : memref<80xi32, #tpu.memory_space<vmem>>, vector<16xi32>,
      "tpu.region"() ({
        %run_scoped3A = tpu.sem_alloc : memref<!tpu.dma_semaphore, #tpu.memory_space<semaphore_mem>>
        %dma_start3A_1098 = arith.constant 0 : i32
        %dma_start3A_1099 = arith.constant 0 : i32
        %dma_start3A_1100 = tpu.memref_slice %arg6[%dma_start3A_1098, %dma_start3A_1099] : memref<50048x32xf32, #tpu.memory_space<vmem_shared>> -> memref<50048x32xf32, #tpu.memory_space<vmem_shared>>
        tpu.enqueue_indirect_dma source(%arg14 : memref<80x32xf32, #tpu.memory_space<vmem>>) target(%dma_start3A_1100 : memref<50048x32xf32, #tpu.memory_space<vmem_shared>>) offsets(%arg19 : memref<80xi32, #tpu.memory_space<vmem>>) semaphore(%run_scoped3A : memref<!tpu.dma_semaphore, #tpu.memory_space<semaphore_mem>>) {add = true}
        %dma_wait3A_1101 = arith.constant 0 : i32
        %dma_wait3A_1102 = arith.constant 0 : i32
        %dma_wait3A_1103 = tpu.memref_slice %arg6[%dma_wait3A_1101, %dma_wait3A_1102] : memref<50048x32xf32, #tpu.memory_space<vmem_shared>> -> memref<50048x32xf32, #tpu.memory_space<vmem_shared>>
        tpu.wait_indirect_dma semaphore(%run_scoped3A : memref<!tpu.dma_semaphore, #tpu.memory_space<semaphore_mem>>) src(%arg14 : memref<80x32xf32, #tpu.memory_space<vmem>>) dst(%dma_wait3A_1103 : memref<50048x32xf32, #tpu.memory_space<vmem_shared>>)
        tpu.yield
      }) : () -> ()
    }
    %scan3A_45 = arith.constant 125 : i32
    %barrier3A_46 = arith.constant 0 : index
    tpu.barrier barrier_id(%barrier3A_46)
    %lt3A = arith.constant 15 : i32
    %lt3A_47 = arith.cmpi slt, %arg1, %lt3A : i32
    %convert_element_type3A = arith.extui %lt3A_47 : i1 to i32
    %cond3A = arith.constant 0 : i32
    %cond3A_48 = arith.cmpi ne, %convert_element_type3A, %cond3A : i32
    scf.if %cond3A_48 {
      %mul3A_53 = arith.constant 3128 : i32
      %mul3A_54 = arith.muli %arg1, %mul3A_53 : i32
      %multiple_of3A = tpu.assume_multiple %mul3A_54, 8 : i32
      %add3A_55 = arith.addi %mul3A_0, %multiple_of3A : i32
      %multiple_of3A_56 = tpu.assume_multiple %add3A_55, 8 : i32
      "tpu.region"() ({
        %run_scoped3A = tpu.sem_alloc : memref<!tpu.dma_semaphore, #tpu.memory_space<semaphore_mem>>
        %dma_start3A = arith.constant 0 : i32
        %dma_start3A_57 = tpu.memref_slice %arg5[%multiple_of3A_56, %dma_start3A] : memref<100000x32xf32, #tpu.memory_space<hbm>> -> memref<3128x32xf32, #tpu.memory_space<hbm>>
        %dma_start3A_58 = arith.constant 0 : i32
        %dma_start3A_59 = tpu.memref_slice %arg6[%multiple_of3A, %dma_start3A_58] : memref<50048x32xf32, #tpu.memory_space<vmem_shared>> -> memref<3128x32xf32, #tpu.memory_space<vmem_shared>>
        tpu.enqueue_dma source(%dma_start3A_59 : memref<3128x32xf32, #tpu.memory_space<vmem_shared>>) target(%dma_start3A_57 : memref<3128x32xf32, #tpu.memory_space<hbm>>) target_semaphore(%run_scoped3A : memref<!tpu.dma_semaphore, #tpu.memory_space<semaphore_mem>>)
        %dma_wait3A = arith.constant 0 : i32
        %dma_wait3A_60 = tpu.memref_slice %arg5[%multiple_of3A_56, %dma_wait3A] : memref<100000x32xf32, #tpu.memory_space<hbm>> -> memref<3128x32xf32, #tpu.memory_space<hbm>>
        %dma_wait3A_61 = arith.constant 0 : i32
        %dma_wait3A_62 = tpu.memref_slice %arg6[%multiple_of3A, %dma_wait3A_61] : memref<50048x32xf32, #tpu.memory_space<vmem_shared>> -> memref<3128x32xf32, #tpu.memory_space<vmem_shared>>
        tpu.wait_dma2 semaphore(%run_scoped3A : memref<!tpu.dma_semaphore, #tpu.memory_space<semaphore_mem>>) src(%dma_wait3A_62 : memref<3128x32xf32, #tpu.memory_space<vmem_shared>>) dst(%dma_wait3A_60 : memref<3128x32xf32, #tpu.memory_space<hbm>>)
        tpu.yield
      }) : () -> ()
    } else {
    }
    %eq3A = arith.constant 15 : i32
    %eq3A_49 = arith.cmpi eq, %arg1, %eq3A : i32
    %convert_element_type3A_50 = arith.extui %eq3A_49 : i1 to i32
    %cond3A_51 = arith.constant 0 : i32
    %cond3A_52 = arith.cmpi ne, %convert_element_type3A_50, %cond3A_51 : i32
    scf.if %cond3A_52 {
      %add3A_53 = arith.constant 46920 : i32
      %add3A_54 = arith.addi %mul3A_0, %add3A_53 : i32
      %multiple_of3A = tpu.assume_multiple %add3A_54, 8 : i32
      "tpu.region"() ({
        %run_scoped3A = tpu.sem_alloc : memref<!tpu.dma_semaphore, #tpu.memory_space<semaphore_mem>>
        %dma_start3A = arith.constant 0 : i32
        %dma_start3A_55 = tpu.memref_slice %arg5[%multiple_of3A, %dma_start3A] : memref<100000x32xf32, #tpu.memory_space<hbm>> -> memref<3080x32xf32, #tpu.memory_space<hbm>>
        %dma_start3A_56 = arith.constant 46920 : i32
        %dma_start3A_57 = arith.constant 0 : i32
        %dma_start3A_58 = tpu.memref_slice %arg6[%dma_start3A_56, %dma_start3A_57] : memref<50048x32xf32, #tpu.memory_space<vmem_shared>> -> memref<3080x32xf32, #tpu.memory_space<vmem_shared>>
        tpu.enqueue_dma source(%dma_start3A_58 : memref<3080x32xf32, #tpu.memory_space<vmem_shared>>) target(%dma_start3A_55 : memref<3080x32xf32, #tpu.memory_space<hbm>>) target_semaphore(%run_scoped3A : memref<!tpu.dma_semaphore, #tpu.memory_space<semaphore_mem>>)
        %dma_wait3A = arith.constant 0 : i32
        %dma_wait3A_59 = tpu.memref_slice %arg5[%multiple_of3A, %dma_wait3A] : memref<100000x32xf32, #tpu.memory_space<hbm>> -> memref<3080x32xf32, #tpu.memory_space<hbm>>
        %dma_wait3A_60 = arith.constant 46920 : i32
        %dma_wait3A_61 = arith.constant 0 : i32
        %dma_wait3A_62 = tpu.memref_slice %arg6[%dma_wait3A_60, %dma_wait3A_61] : memref<50048x32xf32, #tpu.memory_space<vmem_shared>> -> memref<3080x32xf32, #tpu.memory_space<vmem_shared>>
        tpu.wait_dma2 semaphore(%run_scoped3A : memref<!tpu.dma_semaphore, #tpu.memory_space<semaphore_mem>>) src(%dma_wait3A_62 : memref<3080x32xf32, #tpu.memory_space<vmem_shared>>) dst(%dma_wait3A_59 : memref<3080x32xf32, #tpu.memory_space<hbm>>)
        tpu.yield
      }) : () -> ()
    } else {
    }
    return
  }
}

module attributes {stable_mosaic.version = 14 : i64} {
  func.func @_tc1_body(%arg0: i32, %arg1: memref<1000x128xf32, #tpu.memory_space<vmem>>, %arg2: memref<1000x128xf32, #tpu.memory_space<vmem>>, %arg3: memref<1000x128xf32, #tpu.memory_space<vmem>>, %arg4: memref<1000x128xf32, #tpu.memory_space<vmem>>) attributes {dimension_semantics = [#tpu.dimension_semantics<arbitrary>], iteration_bounds = array<i64: 25>, scalar_prefetch = 0 : i64, scratch_operands = 0 : i64, tpu.core_type = #tpu.core_type<tc>, window_params = [{transform_indices = @transform_0, window_bounds = array<i64: 1000, 128>}, {transform_indices = @transform_1, window_bounds = array<i64: 1000, 128>}, {transform_indices = @transform_2, window_bounds = array<i64: 1000, 128>}, {transform_indices = @transform_3, window_bounds = array<i64: 1000, 128>}]} {
    %get3A = arith.constant 0 : index
    %get3A_0 = arith.constant 0 : index
    %get3A_1 = vector.load %arg1[%get3A, %get3A_0] : memref<1000x128xf32, #tpu.memory_space<vmem>>, vector<1000x128xf32>
    %max3A = arith.constant 1.000000e+00 : f32
    %max3A_2 = vector.broadcast %max3A : f32 to vector<1000x128xf32>
    %max3A_3 = arith.maximumf %get3A_1, %max3A_2 : vector<1000x128xf32>
    %rsqrt3A = math.rsqrt %max3A_3 : vector<1000x128xf32>
    %swap3A = arith.constant 0 : index
    %swap3A_4 = arith.constant 0 : index
    %swap3A_5 = vector.load %arg3[%swap3A, %swap3A_4] : memref<1000x128xf32, #tpu.memory_space<vmem>>, vector<1000x128xf32>
    tpu.vector_store %arg3[%swap3A, %swap3A_4], %rsqrt3A {strides = array<i32>} : memref<1000x128xf32, #tpu.memory_space<vmem>>, vector<1000x128xf32>,
    %get3A_6 = arith.constant 0 : index
    %get3A_7 = arith.constant 0 : index
    %get3A_8 = vector.load %arg2[%get3A_6, %get3A_7] : memref<1000x128xf32, #tpu.memory_space<vmem>>, vector<1000x128xf32>
    %mul3A = arith.mulf %get3A_8, %rsqrt3A : vector<1000x128xf32>
    %swap3A_9 = arith.constant 0 : index
    %swap3A_10 = arith.constant 0 : index
    %swap3A_11 = vector.load %arg4[%swap3A_9, %swap3A_10] : memref<1000x128xf32, #tpu.memory_space<vmem>>, vector<1000x128xf32>
    tpu.vector_store %arg4[%swap3A_9, %swap3A_10], %mul3A {strides = array<i32>} : memref<1000x128xf32, #tpu.memory_space<vmem>>, vector<1000x128xf32>,
    return
  }
  func.func @transform_0(%arg0: i32) -> (i32, i32) {
    %c0_i32 = arith.constant 0 : i32
    %c0_i32_0 = arith.constant 0 : i32
    return %arg0, %c0_i32 : i32, i32
  }
  func.func @transform_1(%arg0: i32) -> (i32, i32) {
    %c0_i32 = arith.constant 0 : i32
    %c0_i32_0 = arith.constant 0 : i32
    return %arg0, %c0_i32 : i32, i32
  }
  func.func @transform_2(%arg0: i32) -> (i32, i32) {
    %c0_i32 = arith.constant 0 : i32
    %c0_i32_0 = arith.constant 0 : i32
    return %arg0, %c0_i32 : i32, i32
  }
  func.func @transform_3(%arg0: i32) -> (i32, i32) {
    %c0_i32 = arith.constant 0 : i32
    %c0_i32_0 = arith.constant 0 : i32
    return %arg0, %c0_i32 : i32, i32
  }
}

module attributes {stable_mosaic.version = 14 : i64} {
  func.func @_tc2_body(%arg0: i32, %arg1: memref<1000x128xf32, #tpu.memory_space<vmem>>, %arg2: memref<1000x128xf32, #tpu.memory_space<vmem>>, %arg3: memref<1000x128xf32, #tpu.memory_space<vmem>>, %arg4: memref<1000x128xf32, #tpu.memory_space<vmem>>) attributes {dimension_semantics = [#tpu.dimension_semantics<arbitrary>], iteration_bounds = array<i64: 25>, scalar_prefetch = 0 : i64, scratch_operands = 0 : i64, tpu.core_type = #tpu.core_type<tc>, window_params = [{transform_indices = @transform_0, window_bounds = array<i64: 1000, 128>}, {transform_indices = @transform_1, window_bounds = array<i64: 1000, 128>}, {transform_indices = @transform_2, window_bounds = array<i64: 1000, 128>}, {transform_indices = @transform_3, window_bounds = array<i64: 1000, 128>}]} {
    %get3A = arith.constant 0 : index
    %get3A_0 = arith.constant 0 : index
    %get3A_1 = vector.load %arg2[%get3A, %get3A_0] : memref<1000x128xf32, #tpu.memory_space<vmem>>, vector<1000x128xf32>
    %get3A_2 = arith.constant 0 : index
    %get3A_3 = arith.constant 0 : index
    %get3A_4 = vector.load %arg1[%get3A_2, %get3A_3] : memref<1000x128xf32, #tpu.memory_space<vmem>>, vector<1000x128xf32>
    %mul3A = arith.mulf %get3A_4, %get3A_1 : vector<1000x128xf32>
    %swap3A = arith.constant 0 : index
    %swap3A_5 = arith.constant 0 : index
    %swap3A_6 = vector.load %arg3[%swap3A, %swap3A_5] : memref<1000x128xf32, #tpu.memory_space<vmem>>, vector<1000x128xf32>
    tpu.vector_store %arg3[%swap3A, %swap3A_5], %mul3A {strides = array<i32>} : memref<1000x128xf32, #tpu.memory_space<vmem>>, vector<1000x128xf32>,
    %mul3A_7 = arith.mulf %mul3A, %get3A_1 : vector<1000x128xf32>
    %swap3A_8 = arith.constant 0 : index
    %swap3A_9 = arith.constant 0 : index
    %swap3A_10 = vector.load %arg4[%swap3A_8, %swap3A_9] : memref<1000x128xf32, #tpu.memory_space<vmem>>, vector<1000x128xf32>
    tpu.vector_store %arg4[%swap3A_8, %swap3A_9], %mul3A_7 {strides = array<i32>} : memref<1000x128xf32, #tpu.memory_space<vmem>>, vector<1000x128xf32>,
    return
  }
  func.func @transform_0(%arg0: i32) -> (i32, i32) {
    %c0_i32 = arith.constant 0 : i32
    %c0_i32_0 = arith.constant 0 : i32
    return %arg0, %c0_i32 : i32, i32
  }
  func.func @transform_1(%arg0: i32) -> (i32, i32) {
    %c0_i32 = arith.constant 0 : i32
    %c0_i32_0 = arith.constant 0 : i32
    return %arg0, %c0_i32 : i32, i32
  }
  func.func @transform_2(%arg0: i32) -> (i32, i32) {
    %c0_i32 = arith.constant 0 : i32
    %c0_i32_0 = arith.constant 0 : i32
    return %arg0, %c0_i32 : i32, i32
  }
  func.func @transform_3(%arg0: i32) -> (i32, i32) {
    %c0_i32 = arith.constant 0 : i32
    %c0_i32_0 = arith.constant 0 : i32
    return %arg0, %c0_i32 : i32, i32
  }
}

module attributes {stable_mosaic.version = 14 : i64} {
  func.func @_tc3_body(%arg0: i32, %arg1: memref<1000x128xf32, #tpu.memory_space<vmem>>, %arg2: memref<1000x128xf32, #tpu.memory_space<vmem>>, %arg3: memref<1000x128xf32, #tpu.memory_space<vmem>>, %arg4: memref<1000x128xf32, #tpu.memory_space<vmem>>, %arg5: memref<1000x128xf32, #tpu.memory_space<vmem>>) attributes {dimension_semantics = [#tpu.dimension_semantics<arbitrary>], iteration_bounds = array<i64: 25>, scalar_prefetch = 0 : i64, scratch_operands = 0 : i64, tpu.core_type = #tpu.core_type<tc>, window_params = [{transform_indices = @transform_0, window_bounds = array<i64: 1000, 128>}, {transform_indices = @transform_1, window_bounds = array<i64: 1000, 128>}, {transform_indices = @transform_2, window_bounds = array<i64: 1000, 128>}, {transform_indices = @transform_3, window_bounds = array<i64: 1000, 128>}, {transform_indices = @transform_4, window_bounds = array<i64: 1000, 128>}]} {
    %get3A = arith.constant 0 : index
    %get3A_0 = arith.constant 0 : index
    %get3A_1 = vector.load %arg1[%get3A, %get3A_0] : memref<1000x128xf32, #tpu.memory_space<vmem>>, vector<1000x128xf32>
    %get3A_2 = arith.constant 0 : index
    %get3A_3 = arith.constant 0 : index
    %get3A_4 = vector.load %arg2[%get3A_2, %get3A_3] : memref<1000x128xf32, #tpu.memory_space<vmem>>, vector<1000x128xf32>
    %add3A = arith.addf %get3A_1, %get3A_4 : vector<1000x128xf32>
    %get3A_5 = arith.constant 0 : index
    %get3A_6 = arith.constant 0 : index
    %get3A_7 = vector.load %arg3[%get3A_5, %get3A_6] : memref<1000x128xf32, #tpu.memory_space<vmem>>, vector<1000x128xf32>
    %get3A_8 = arith.constant 0 : index
    %get3A_9 = arith.constant 0 : index
    %get3A_10 = vector.load %arg4[%get3A_8, %get3A_9] : memref<1000x128xf32, #tpu.memory_space<vmem>>, vector<1000x128xf32>
    %mul3A = arith.mulf %get3A_7, %get3A_10 : vector<1000x128xf32>
    %add3A_11 = arith.addf %add3A, %mul3A : vector<1000x128xf32>
    %mul3A_12 = arith.constant 0.333333343 : f32
    %mul3A_13 = vector.broadcast %mul3A_12 : f32 to vector<1000x128xf32>
    %mul3A_14 = arith.mulf %add3A_11, %mul3A_13 : vector<1000x128xf32>
    %swap3A = arith.constant 0 : index
    %swap3A_15 = arith.constant 0 : index
    %swap3A_16 = vector.load %arg5[%swap3A, %swap3A_15] : memref<1000x128xf32, #tpu.memory_space<vmem>>, vector<1000x128xf32>
    tpu.vector_store %arg5[%swap3A, %swap3A_15], %mul3A_14 {strides = array<i32>} : memref<1000x128xf32, #tpu.memory_space<vmem>>, vector<1000x128xf32>,
    return
  }
  func.func @transform_0(%arg0: i32) -> (i32, i32) {
    %c0_i32 = arith.constant 0 : i32
    %c0_i32_0 = arith.constant 0 : i32
    return %arg0, %c0_i32 : i32, i32
  }
  func.func @transform_1(%arg0: i32) -> (i32, i32) {
    %c0_i32 = arith.constant 0 : i32
    %c0_i32_0 = arith.constant 0 : i32
    return %arg0, %c0_i32 : i32, i32
  }
  func.func @transform_2(%arg0: i32) -> (i32, i32) {
    %c0_i32 = arith.constant 0 : i32
    %c0_i32_0 = arith.constant 0 : i32
    return %arg0, %c0_i32 : i32, i32
  }
  func.func @transform_3(%arg0: i32) -> (i32, i32) {
    %c0_i32 = arith.constant 0 : i32
    %c0_i32_0 = arith.constant 0 : i32
    return %arg0, %c0_i32 : i32, i32
  }
  func.func @transform_4(%arg0: i32) -> (i32, i32) {
    %c0_i32 = arith.constant 0 : i32
    %c0_i32_0 = arith.constant 0 : i32
    return %arg0, %c0_i32 : i32, i32
  }
}

module attributes {stable_mosaic.version = 14 : i64} {
  func.func @_tc4_body(%arg0: memref<4096x32xf32, #tpu.memory_space<vmem>>, %arg1: memref<4096x32xf32, #tpu.memory_space<vmem>>, %arg2: memref<4096x32xf32, #tpu.memory_space<vmem>>, %arg3: memref<4096x1xf32, #tpu.memory_space<vmem>>, %arg4: memref<4096x1xf32, #tpu.memory_space<vmem>>) attributes {dimension_semantics = [], scalar_prefetch = 0 : i64, scratch_operands = 0 : i64, tpu.core_type = #tpu.core_type<tc>} {
    %get3A = arith.constant 0 : index
    %get3A_0 = arith.constant 0 : index
    %get3A_1 = vector.load %arg0[%get3A, %get3A_0] : memref<4096x32xf32, #tpu.memory_space<vmem>>, vector<4096x32xf32>
    %get3A_2 = arith.constant 0 : index
    %get3A_3 = arith.constant 0 : index
    %get3A_4 = vector.load %arg1[%get3A_2, %get3A_3] : memref<4096x32xf32, #tpu.memory_space<vmem>>, vector<4096x32xf32>
    %mul3A = arith.mulf %get3A_1, %get3A_4 : vector<4096x32xf32>
    %reduce_sum3A = arith.constant dense<0.000000e+00> : vector<4096xf32>
    %reduce_sum3A_5 = vector.multi_reduction <add>, %mul3A, %reduce_sum3A [1] : vector<4096x32xf32> to vector<4096xf32>
    %broadcast_in_dim3A = vector.shape_cast %reduce_sum3A_5 : vector<4096xf32> to vector<4096x1xf32>
    %swap3A = arith.constant 0 : index
    %swap3A_6 = arith.constant 0 : index
    %swap3A_7 = vector.load %arg3[%swap3A, %swap3A_6] : memref<4096x1xf32, #tpu.memory_space<vmem>>, vector<4096x1xf32>
    tpu.vector_store %arg3[%swap3A, %swap3A_6], %broadcast_in_dim3A {strides = array<i32>} : memref<4096x1xf32, #tpu.memory_space<vmem>>, vector<4096x1xf32>,
    %get3A_8 = arith.constant 0 : index
    %get3A_9 = arith.constant 0 : index
    %get3A_10 = vector.load %arg2[%get3A_8, %get3A_9] : memref<4096x32xf32, #tpu.memory_space<vmem>>, vector<4096x32xf32>
    %mul3A_11 = arith.mulf %get3A_1, %get3A_10 : vector<4096x32xf32>
    %reduce_sum3A_12 = arith.constant dense<0.000000e+00> : vector<4096xf32>
    %reduce_sum3A_13 = vector.multi_reduction <add>, %mul3A_11, %reduce_sum3A_12 [1] : vector<4096x32xf32> to vector<4096xf32>
    %broadcast_in_dim3A_14 = vector.shape_cast %reduce_sum3A_13 : vector<4096xf32> to vector<4096x1xf32>
    %swap3A_15 = arith.constant 0 : index
    %swap3A_16 = arith.constant 0 : index
    %swap3A_17 = vector.load %arg4[%swap3A_15, %swap3A_16] : memref<4096x1xf32, #tpu.memory_space<vmem>>, vector<4096x1xf32>
    tpu.vector_store %arg4[%swap3A_15, %swap3A_16], %broadcast_in_dim3A_14 {strides = array<i32>} : memref<4096x1xf32, #tpu.memory_space<vmem>>, vector<4096x1xf32>,
    return
  }
}

</mosaic_0001>

<sc_bundles>
// kernel: kernel.10.cloned.1.call-start
scs
__scs_entry_jumppad:
0x0: {  	(pc) =	sbr.rel $0x88, $3  }
0x1: {  	(tag) =	ssettag $0x0;
	lr =	simm.s32 $0x1  }
0x2: {  	[smem:$0x3F9C] =	sst lr;
	_ =	strace $0xD0000000  }
0x3: {  	_ = 	snop  }
0x4: {  	_ = 	snop  }
0x5: {  	_ = 	snop  }
0x6: {  	_ = 	snop  }
0x7: {  	_ = 	snop  }
__scs_overlays_trampoline_lowered:
0x8: {  	[smem:$0x3FAB] =	sst s0  }
0x9: {  	[smem:$0x3FAC] =	sst s1  }
0xa: {  	[smem:$0x3FAD] =	sst s2  }
0xb: {  	[smem:$0x3FAE] =	sst s3  }
0xc: {  	[smem:$0x3FAF] =	sst s4  }
0xd: {  	[smem:$0x3FB0] =	sst s5  }
0xe: {  	[smem:$0x3FB1] =	sst s6  }
0xf: {  	[smem:$0x3FB2] =	sst s7  }
0x10: {  	[smem:$0x3FB3] =	sst s8  }
0x11: {  	[smem:$0x3FB4] =	sst s9;
	s0 =	simm.s32 @!p0 $0x0  }
0x12: {  	s1 =	sld [smem:$0x3F9A];
	s0 =	simm.s32 @p0 $0x1  }
0x13: {  	[smem:$0x3FB5] =	sst s0;
	s0 =	simm.s32 @!p1 $0x0  }
0x14: {  	s2 =	sld [smem:$0x3F99];
	s0 =	simm.s32 @p1 $0x1  }
0x15: {  	[smem:$0x3FB6] =	sst s0;
	s0 =	simm.s32 @!p2 $0x0  }
0x16: {  	s3 =	sld [smem:$0x3FDB];
	s0 =	simm.s32 @p2 $0x1  }
0x17: {  	s4 =	simm.s32 $0x1BF5;
	[smem:$0x3FB8] =	sst s0  }
0x18: {  	s0 =	sld [smem:$0x3F9B];
	_ =	swait.ge [sflag:s4], $0x0  }
0x19: {  	s7 =	sld [smem:$0x3F9C]  }
0x1a: {  	s8 =	sadd.s32 $0xFFFFE003, lr  }
0x1b: {  	s9 =	sadd.s32 $0xFFFFFEF7, lr;
	s5 =	simm.s32 $0xFFFFFFFF;
	p2 =	slt.u32 s8, $0xFFFFF086  }
0x1c: {  	p1 =	slt.u32 s9, $0xF7A;
	s5 =	simm.s32 @!p2 $0x0  }
0x1d: {  	s5 =	simm.s32 @p1 $0x1;
	p0 =	seq.s32 s7, s2  }
0x1e: {  	s7 =	smul.u32 @!p0 $0xF7A, s2;
	p2 =	seq.s32 @!p0 s5, $0x0  }
0x1f: {  	s9 =	smul.u32 $0xF7A, s1;
	s8 =	simm.s32 @!p0 $0x1BF5;
	p2 =	por !p2, p0  }
0x20: {  	[sflag:s8] =	ssyncset.s32 @!p0 $0xFFFFF086;
	s6 =	sadd.s32 @!p0 s3, s7;
	s7 =	simm.s32 @!p0 $0x108  }
0x21: {  	s3 =	sadd.s32 s3, s9;
	s6 =	sadd.s32 @!p0 $0x88, s6;
	s7 =	simm.s32 @p2 $0x1082  }
0x22: {  	[simem:s7], [sflag:s8] =	dma.local @!p0 [hbm:s6], $0xF7A  }
0x23: {  	s9 =	sor.u32 $0xD0000000, s2;
	s6 =	simm.s32 $0x108;
	_ =	swait.ge @!p0 [sflag:s8], $0x0  }
0x24: {  	s3 =	sadd.s32 $0x88, s3;
	s6 =	simm.s32 @!p1 $0x1082;
	[sflag:s4] =	ssyncset.s32 $0xFFFFF086  }
0x25: {  	[simem:s6], [sflag:s4] =	dma.local [hbm:s3], $0xF7A  }
0x26: {  	[smem:$0x3F9C] =	sst s1;
	(tag) =	ssettag s2;
	_ =	strace s9  }
0x27: {  	s1 =	sld [smem:$0x3FAC]  }
0x28: {  	s2 =	sld [smem:$0x3FAD]  }
0x29: {  	s4 =	sld [smem:$0x3FAF]  }
0x2a: {  	p0 =	seq.s32 s5, $0x0;
	s5 =	sld [smem:$0x3FB0]  }
0x2b: {  	s6 =	sld [smem:$0x3FB1]  }
0x2c: {  	s7 =	sld [smem:$0x3FB2]  }
0x2d: {  	s3 =	simm.s32 $0x108;
	s8 =	sld [smem:$0x3FB3]  }
0x2e: {  	s3 =	simm.s32 @!p0 $0x1082;
	s9 =	sld [smem:$0x3FB4]  }
0x2f: {  	lr =	sadd.s32 s0, s3;
	s0 =	sld [smem:$0x3FAB]  }
0x30: {  	s3 =	sld [smem:$0x3FAE]  }
0x31: {  	[smem:$0x3FB7] =	sst s10  }
0x32: {  	s10 =	sld [smem:$0x3FB5];
	_ =	sdelay $0x3  }
0x33: {  	p0 =	seq.s32 s10, $0x1;
	s10 =	sld [smem:$0x3FB7];
	_ =	sdelay $0x3  }
0x34: {  	[smem:$0x3FB7] =	sst s10  }
0x35: {  	s10 =	sld [smem:$0x3FB6];
	_ =	sdelay $0x3  }
0x36: {  	p1 =	seq.s32 s10, $0x1;
	s10 =	sld [smem:$0x3FB7];
	_ =	sdelay $0x3  }
0x37: {  	[smem:$0x3FB7] =	sst s10  }
0x38: {  	s10 =	sld [smem:$0x3FB8]  }
0x39: {  	_ = 	snop;
	(pc) =	sbr.ind lr, $3  }
0x3a: {  	_ = 	snop  }
0x3b: {  	_ = 	snop  }
0x3c: {  	p2 =	seq.s32 s10, $0x1;
	s10 =	sld [smem:$0x3FB7]  }
0x3d: {  	_ =	shalt  }
0x3e: {  	_ =	shalt  }
0x3f: {  	_ =	shalt  }
0x40: {  	_ =	shalt  }
0x41: {  	_ =	shalt  }
0x42: {  	_ =	shalt  }
0x43: {  	_ =	shalt  }
0x44: {  	_ =	shalt  }
0x45: {  	_ =	shalt  }
0x46: {  	_ =	shalt  }
0x47: {  	_ =	shalt  }
0x48: {  	_ =	shalt  }
0x49: {  	_ =	shalt  }
0x4a: {  	_ =	shalt  }
0x4b: {  	_ =	shalt  }
0x4c: {  	_ =	shalt  }
0x4d: {  	_ =	shalt  }
0x4e: {  	_ =	shalt  }
0x4f: {  	_ =	shalt  }
0x50: {  	_ =	shalt  }
0x51: {  	_ =	shalt  }
0x52: {  	_ =	shalt  }
0x53: {  	_ =	shalt  }
0x54: {  	_ =	shalt  }
0x55: {  	_ =	shalt  }
0x56: {  	_ =	shalt  }
0x57: {  	_ =	shalt  }
0x58: {  	_ =	shalt  }
0x59: {  	_ =	shalt  }
0x5a: {  	_ =	shalt  }
0x5b: {  	_ =	shalt  }
0x5c: {  	_ =	shalt  }
0x5d: {  	_ =	shalt  }
0x5e: {  	_ =	shalt  }
0x5f: {  	_ =	shalt  }
0x60: {  	_ =	shalt  }
0x61: {  	_ =	shalt  }
0x62: {  	_ =	shalt  }
0x63: {  	_ =	shalt  }
0x64: {  	_ =	shalt  }
0x65: {  	_ =	shalt  }
0x66: {  	_ =	shalt  }
0x67: {  	_ =	shalt  }
0x68: {  	_ =	shalt  }
0x69: {  	_ =	shalt  }
0x6a: {  	_ =	shalt  }
0x6b: {  	_ =	shalt  }
0x6c: {  	_ =	shalt  }
0x6d: {  	_ =	shalt  }
0x6e: {  	_ =	shalt  }
0x6f: {  	_ =	shalt  }
0x70: {  	_ =	shalt  }
0x71: {  	_ =	shalt  }
0x72: {  	_ =	shalt  }
0x73: {  	_ =	shalt  }
0x74: {  	_ =	shalt  }
0x75: {  	_ =	shalt  }
0x76: {  	_ =	shalt  }
0x77: {  	_ =	shalt  }
0x78: {  	_ =	shalt  }
0x79: {  	_ =	shalt  }
0x7a: {  	_ =	shalt  }
0x7b: {  	_ =	shalt  }
0x7c: {  	_ =	shalt  }
0x7d: {  	_ =	shalt  }
0x7e: {  	_ =	shalt  }
0x7f: {  	_ =	shalt  }
0x80: {  	_ =	shalt  }
0x81: {  	_ =	shalt  }
0x82: {  	_ =	shalt  }
0x83: {  	_ =	shalt  }
0x84: {  	_ =	shalt  }
0x85: {  	_ =	shalt  }
0x86: {  	_ =	shalt  }
0x87: {  	_ =	shalt  }
.Lfunc_end0:
.L_simem_size_0:
called_computation_lowered:
.L_overlay_start_0:
0x88: {  	s2 =	sld [smem:$0x3FD9]  }
0x89: {  	s3 =	sld [smem:$0x3FFE];
	_ =	sdelay $0x1  }
0x8a: {  	s1 =	srdreg.scid  }
0x8b: {  	s0 =	sand.u32 $0x1, s1  }
0x8c: {  	s16 =	sshll.u32 s0, $0xA;
	s2 =	sadd.s32 s3, s2  }
0x8d: {  	s2 =	sadd.s32 s2, s16  }
0x8e: {  	[smem:$0x3FC3] =	sst s2  }
0x8f: {  	_ = 	snop  }
0x90: {  	(tm) =	ssettm $0x1  }
0x91: {  	s17 =	sld [smem:$0x3FFB];
	_ =	sdelay $0x3  }
0x92: {  	_ =	strace s17  }
0x93: {  	s2 =	sld [smem:$0x3FFC];
	_ =	sdelay $0x3  }
0x94: {  	_ =	strace s2  }
0x95: {  	s2 =	sld [smem:$0x3FFD];
	_ =	sdelay $0x3  }
0x96: {  	_ =	strace s2  }
0x97: {  	_ =	strace $0x8FFFFFFF  }
0x98: {  	s18 =	sld [smem:$0x3FDB];
	_ =	sdelay $0x1  }
0x99: {  	s19 =	simm.s32 $_scs_section_size  }
0x9a: {  	s4 =	simm.s32 $_size__tile_overlayer_lowered;
	s5 =	simm.s32 $_tile_overlayer_lowered  }
0x9b: {  	s22 =	simm.s32 $0x1BFF;
	s21 =	sshll.u32 s5, $0x1;
	s2 =	sadd.s32 s19, s18  }
0x9c: {  	s6 =	simm.s32 $0x0;
	s20 =	sshll.u32 s4, $0x1;
	s4 =	sadd.s32 s21, s2  }
0x9d: {  	[timem:s6], [sflag:s22] =	dma.local [hbm:s4], s20  }
0x9e: {  	_ =	swait.ge [sflag:s22], s20  }
0x9f: {  	s3 =	ssub.s32 $0x0, s20;
	[sflag:s22] =	ssyncset.done $0x0  }
0xa0: {  	[sflag:s22] =	ssyncadd.s32 s3;
	_ =	sdelay $0x1  }
0xa1: {  	s23 =	simm.s32 $0x1B8B  }
0xa2: {  	_ =	swait.ge [sflag:s23], $0x1  }
0xa3: {  	[sflag:s23] =	ssyncset.done $0x0  }
0xa4: {  	s25 =	simm.s32 $0x1B8E;
	s24 =	sld [smem:$0x3FFE];
	[sflag:s23] =	ssyncadd.s32 $0xFFFFFFFF  }
0xa5: {  	s26 =	simm.s32 $execute0_lowered;
	[smem:$0x3FD2] =	sst s25  }
0xa6: {  	s4 =	sshll.u32 s26, $0x1;
	_ =	strace $0x80000046;
	[dreg:$0x1] =	wrdreg $0xFFFFFFFF  }
0xa7: {  	s28 =	simm.s32 $_size_execute0_lowered;
	s2 =	sadd.s32 s2, s4;
	[dreg:$0x0] =	wrdreg $0x0  }
0xa8: {  	s4 =	sshll.u32 s28, $0x1;
	[dreg:$0x2] =	wrdreg s2  }
0xa9: {  	[dreg:$0x3] =	wrdreg s4  }
0xaa: {  	[dreg:$0x4] =	wrdreg $0xC0  }
0xab: {  	_ =	task [dreg:s6], $0x5FFFF  }
0xac: {  	[dreg:$0x1] =	wrdreg $0xFFFFFFFF  }
0xad: {  	[dreg:$0x0] =	wrdreg $0x60  }
0xae: {  	[dreg:$0x2] =	wrdreg s24  }
0xaf: {  	[dreg:$0x3] =	wrdreg $0x0  }
0xb0: {  	[dreg:$0x4] =	wrdreg $0x9  }
0xb1: {  	_ =	task.clear_ibuf [dreg:s6], $0x5FFFF;
	_ =	strace $0x90000046  }
0xb2: {  	s29 =	simm.s32 $0x9;
	_ =	strace $0x80000048  }
0xb3: {  	_ =	swait.ge [sflag:s29], $0x1  }
0xb4: {  	[sflag:s29] =	ssyncadd.s32 $0xFFFFFFFF  }
0xb5: {  	_ =	strace $0x90000048  }
0xb6: {  	_ =	sfence  }
0xb7: {  	s30 =	sld [smem:$0x0];
	_ =	sdelay $0x2  }
0xb8: {  	s31 =	sshll.u32 s1, $0xD;
	s1 =	sshrl.u32 s1, $0x2  }
0xb9: {  	s3 =	sand.u32 $0x4000, s31;
	s1 =	sadd.s32 s1, s30  }
0xba: {  	s0 =	sor.u32 s3, s0;
	s1 =	sshll.u32 s1, $0x11  }
0xbb: {  	s0 =	sor.u32 s1, s0  }
0xbc: {  	s0 =	sadd.s32 $0x8F2B, s0  }
0xbd: {  	[sflag:s0] =	ssyncadd.remote.s32 $0x1  }
0xbe: {  	_ =	sfence.sel $0xFFFF  }
0xbf: {  	[dreg:$0x0] =	wrdreg $0xFFFFFFFF;
	(pc) =	sbr.abs _section_cstart, $3  }
0xc0: {  	[dreg:$0x1] =	wrdreg $0xFFFFFFFF  }
0xc1: {  	_ =	task.clear_ibuf [dreg:s6], $0x2FFFF;
	_ =	strace $0x9FFFFFFF  }
0xc2: {  	(tm) =	ssettm $0x7FFFFFFF  }
0xc3: {  	_ =	shalt  }
tec
execute0_lowered:
.L_overlay_start_1:
0x0: {  	(tag) =	ssettag $0x1  }
0x1: {  	s0 =	rddreg [dreg:$0x0]  }
0x2: {  	s2 =	rddreg [dreg:$0x1];
	s3 =	simm.s32 $0x0  }
0x3: {  	s9 =	stileid.u32;
	s4 =	srdreg.scid;
	s16 =	simm.s32 $0x18700  }
0x4: {  	s17 =	simm.s32 $0x2;
	s18 =	simm.s32 $0x1C1E0;
	s19 =	simm.s32 $0x50  }
0x5: {  	s20 =	simm.s32 $0x1C500;
	s28 =	simm.s32 $0x1C690;
	s1 =	smul.u32 $0x30D4, s9  }
0x6: {  	s29 =	simm.s32 $0x1C6E0;
	s30 =	simm.s32 $0x1C730;
	s21 =	smul.u32 $0x61C00, s9  }
0x7: {  	s31 =	simm.s32 $0x1C780;
	s5 =	sand.u32 $0x1, s4;
	s22 =	smul.u32 $0xC38, s9  }
0x8: {  	[smem:$0x7FF] =	sst s3;
	p0 =	seq.s32 s9, $0xF;
	s8 =	smul.u32 $0xC350, s5  }
0x9: {  	_ =	strace $0x80000047;
	s6 =	ssub.s32 $0x2, s5;
	s5 =	smul.u32 $0x186A00, s5  }
0xa: {  	s1 =	sadd.s32 s1, s0;
	s0 =	sadd.s32 $0x64800, s0;
	s7 =	sshrl.u32 s6, $0x1  }
0xb: {  	s4 =	sshrl.u32 s21, $0x2;
	s21 =	simm.s32 $0x1B7E0;
	s6 =	ssub.s32 s6, s7  }
0xc: {  	s4 =	sadd.s32 s4, s2;
	s7 =	sadd.s32 s22, s8;
	s5 =	sshrl.u32 s5, $0x3  }
0xd: {  	s15 =	sadd.s32 $0x33A00, s1;
	s22 =	simm.s32 $0x1C550;
	s10 =	sadd.s32 $0x30E0, s4  }
0xe: {  	s1 =	simm.s32 $0x1;
	s23 =	sadd.s32 $0x61C0, s4;
	[dreg:$0x3] =	wrdreg s10  }
0xf: {  	s24 =	sadd.s32 $0x92A0, s4;
	s25 =	sadd.s32 $0xC380, s4;
	[dreg:$0x4] =	wrdreg s23  }
0x10: {  	s26 =	sadd.s32 $0xF460, s4;
	s11 =	sadd.s32 $0x15620, s4;
	[dreg:$0x5] =	wrdreg s24  }
0x11: {  	s7 =	sshll.u32 s7, $0x2;
	s5 =	sadd.s32 s0, s5;
	[dreg:$0x6] =	wrdreg s25  }
0x12: {  	s14 =	smax.u32 s6, $0x1;
	[dreg:$0x7] =	wrdreg s26;
	s10 =	sadd.s32 $0x12540, s4  }
0x13: {  	s12 =	sadd.s32 s0, s7;
	s13 =	sadd.s32 $0x2DD20, s5;
	s0 =	sadd.s32 $0x16E900, s2  }
0x14: {  	s23 =	simm.s32 $0x1C5A0;
	s25 =	simm.s32 $0x1C5F0;
	s26 =	simm.s32 $0x1C640  }
0x15: {  	v1 =	vimm.f32 $0.0e+00;
	v2 =	vimm.f32 $1.000000000e+00;
	v0 =	vmov s8;
	s5 =	simm.s32 $0x0;
	s24 =	sshrl.u32 @p0 s0, $0x3;
	s0 =	simm.s32 $0x1C7D0  }
.LBB2_1:
0x16: {  	s6 =	sand.u32 $0xFF80, s3  }
0x17: {  	s7 =	sand.u32 $0x10, s3;
	s8 =	sshrl.u32 s6, $0x2  }
0x18: {  	s6 =	simm.s32 $0x40;
	s8 =	sor.u32 s7, s8;
	s7 =	simm.s32 $0x0  }
.LBB2_2:
0x19: {  	p1 =	sne.s32 s6, $0xC340  }
0x1a: {  	[tilespmem:s8+$0x18700] =	vst v1;
	s7 =	sadd.s32 $0x10, s7;
	s8 =	smov.u32 s6;
	s6 =	sadd.s32 $0x40, s6  }
.Ltmp0:
0x1b: {  	(pc) =	sbr.rel @p1 .LBB2_2-.Ltmp0, $4  }
0x1c: {  	_ = 	snop  }
0x1d: {  	s8 =	sand.u32 $0xFF80, s8  }
0x1e: {  	s9 =	sand.u32 $0x10, s7;
	s8 =	sshrl.u32 s8, $0x2  }
0x1f: {  	s8 =	sor.u32 s9, s8  }
0x20: {  	[tilespmem:s8+$0x18700] =	vst v1  }
0x21: {  	[spmem:s4] =	stream.linear.scatter [tilespmem:s16], [sflag:$0x2], $0x30E0, $0x38;
	[tilespmem:$0x1C820] =	vst v63  }
0x22: {  	_ =	swait.ge [sflag:s17], $0x30E0  }
0x23: {  	[sflag:s17] =	ssyncset.done $0x0  }
0x24: {  	s6 =	rddreg [dreg:$0x3];
	[sflag:s17] =	ssyncadd.s32 $0xFFFFCF20  }
0x25: {  	[spmem:s6] =	stream.linear.scatter [tilespmem:s16], [sflag:$0x2], $0x30E0, $0x38;
	[tilespmem:$0x1C820] =	vst v63  }
0x26: {  	_ =	swait.ge [sflag:s17], $0x30E0  }
0x27: {  	[sflag:s17] =	ssyncset.done $0x0  }
0x28: {  	s9 =	rddreg [dreg:$0x4];
	[sflag:s17] =	ssyncadd.s32 $0xFFFFCF20  }
0x29: {  	[spmem:s9] =	stream.linear.scatter [tilespmem:s16], [sflag:$0x2], $0x30E0, $0x38;
	[tilespmem:$0x1C820] =	vst v63  }
0x2a: {  	_ =	swait.ge [sflag:s17], $0x30E0  }
0x2b: {  	[sflag:s17] =	ssyncset.done $0x0  }
0x2c: {  	s7 =	rddreg [dreg:$0x5];
	[sflag:s17] =	ssyncadd.s32 $0xFFFFCF20  }
0x2d: {  	[spmem:s7] =	stream.linear.scatter [tilespmem:s16], [sflag:$0x2], $0x30E0, $0x38;
	[tilespmem:$0x1C820] =	vst v63  }
0x2e: {  	_ =	swait.ge [sflag:s17], $0x30E0  }
0x2f: {  	[sflag:s17] =	ssyncset.done $0x0  }
0x30: {  	s8 =	rddreg [dreg:$0x6];
	[sflag:s17] =	ssyncadd.s32 $0xFFFFCF20  }
0x31: {  	[spmem:s8] =	stream.linear.scatter [tilespmem:s16], [sflag:$0x2], $0x30E0, $0x38;
	[tilespmem:$0x1C820] =	vst v63  }
0x32: {  	_ =	swait.ge [sflag:s17], $0x30E0  }
0x33: {  	[sflag:s17] =	ssyncset.done $0x0  }
0x34: {  	s9 =	rddreg [dreg:$0x7];
	[sflag:s17] =	ssyncadd.s32 $0xFFFFCF20  }
0x35: {  	[spmem:s9] =	stream.linear.scatter [tilespmem:s16], [sflag:$0x2], $0x30E0, $0x38;
	[tilespmem:$0x1C820] =	vst v63  }
0x36: {  	_ =	swait.ge [sflag:s17], $0x30E0  }
0x37: {  	[sflag:s17] =	ssyncset.done $0x0  }
0x38: {  	[sflag:s17] =	ssyncadd.s32 $0xFFFFCF20  }
0x39: {  	[spmem:s10] =	stream.linear.scatter [tilespmem:s16], [sflag:$0x2], $0x30E0, $0x38;
	[tilespmem:$0x1C820] =	vst v63  }
0x3a: {  	_ =	swait.ge [sflag:s17], $0x30E0  }
0x3b: {  	[sflag:s17] =	ssyncset.done $0x0  }
0x3c: {  	s6 =	simm.s32 $0x0;
	[sflag:s17] =	ssyncadd.s32 $0xFFFFCF20  }
0x3d: {  	[spmem:s11] =	stream.linear.scatter [tilespmem:s16], [sflag:$0x2], $0x30E0, $0x38;
	[tilespmem:$0x1C820] =	vst v63  }
0x3e: {  	s7 =	sand.u32 $0x3F80, s6;
	_ =	swait.ge [sflag:s17], $0x30E0  }
0x3f: {  	s8 =	sand.u32 $0x10, s6;
	s9 =	sshrl.u32 s7, $0x2;
	[sflag:s17] =	ssyncset.done $0x0  }
0x40: {  	s7 =	simm.s32 $0x40;
	s8 =	sor.u32 s8, s9;
	[sflag:s17] =	ssyncadd.s32 $0xFFFFCF20  }
.LBB2_4:
0x41: {  	p1 =	sne.s32 s7, $0x27C0  }
0x42: {  	[tilespmem:s8+$0x1B7E0] =	vst v2;
	s6 =	sadd.s32 $0x10, s6;
	s8 =	smov.u32 s7;
	s7 =	sadd.s32 $0x40, s7  }
.Ltmp1:
0x43: {  	(pc) =	sbr.rel @p1 .LBB2_4-.Ltmp1, $4  }
0x44: {  	_ = 	snop  }
0x45: {  	s8 =	sand.u32 $0x3F80, s8  }
0x46: {  	s9 =	sand.u32 $0x10, s6;
	s8 =	sshrl.u32 s8, $0x2  }
0x47: {  	s8 =	sor.u32 s9, s8  }
0x48: {  	[tilespmem:s8+$0x1B7E0] =	vst v2  }
0x49: {  	s6 =	simm.s32 $0x0;
	[bflag:$0x0] =	sbarrier.arrive $0xFFFF  }
.LBB2_6:
0x4a: {  	s7 =	sadd.s32 s6, s15  }
0x4b: {  	[tilespmem:s18], [sflag:$0x2] =	stream.linear.gather [hbm4b:s7+s3], $0x320, $0x38;
	[tilespmem:$0x1C820] =	vst v63  }
0x4c: {  	_ =	swait.ge [sflag:s17], $0x320  }
0x4d: {  	[sflag:s17] =	ssyncset.done $0x0  }
0x4e: {  	[sflag:s17] =	ssyncadd.s32 $0xFFFFFCE0  }
0x4f: {  	v3 =	vld [tilespmem:$0x1C1E0]  }
0x50: {  	v4 =	vld [tilespmem:$0x1C1F0]  }
0x51: {  	v5 =	vld [tilespmem:$0x1C200]  }
0x52: {  	v6 =	vld [tilespmem:$0x1C210]  }
0x53: {  	v7 =	vld [tilespmem:$0x1C220]  }
0x54: {  	v8 =	vld [tilespmem:$0x1C230];
	v3 =	vsub.s32 v3, v0  }
0x55: {  	v9 =	vld [tilespmem:$0x1C240];
	v4 =	vsub.s32 v4, v0;
	v3 =	vmin.u32 v3, $0xC350  }
0x56: {  	v26 =	vld [tilespmem:$0x1C250];
	v25 =	vsub.s32 v5, v0;
	[tilespmem:$0x1C500] =	vst v3;
	v3 =	vmin.u32 v4, $0xC350  }
0x57: {  	v28 =	vld [tilespmem:$0x1C260];
	v27 =	vsub.s32 v6, v0;
	[tilespmem:$0x1C510] =	vst v3;
	v3 =	vmin.u32 v25, $0xC350  }
0x58: {  	v30 =	vld [tilespmem:$0x1C270];
	v29 =	vsub.s32 v7, v0;
	[tilespmem:$0x1C520] =	vst v3;
	v3 =	vmin.u32 v27, $0xC350  }
0x59: {  	v32 =	vld [tilespmem:$0x1C280];
	v31 =	vsub.s32 v8, v0;
	[tilespmem:$0x1C530] =	vst v3;
	v3 =	vmin.u32 v29, $0xC350  }
0x5a: {  	v34 =	vld [tilespmem:$0x1C290];
	v33 =	vsub.s32 v9, v0;
	[tilespmem:$0x1C540] =	vst v3;
	v3 =	vmin.u32 v31, $0xC350  }
0x5b: {  	v36 =	vld [tilespmem:$0x1C2A0];
	v35 =	vsub.s32 v26, v0;
	[tilespmem:$0x1C550] =	vst v3;
	v3 =	vmin.u32 v33, $0xC350  }
0x5c: {  	v38 =	vld [tilespmem:$0x1C2B0];
	v37 =	vsub.s32 v28, v0;
	[tilespmem:$0x1C560] =	vst v3;
	v3 =	vmin.u32 v35, $0xC350  }
0x5d: {  	v40 =	vld [tilespmem:$0x1C2C0];
	v39 =	vsub.s32 v30, v0;
	[tilespmem:$0x1C570] =	vst v3;
	v3 =	vmin.u32 v37, $0xC350  }
0x5e: {  	v42 =	vld [tilespmem:$0x1C2D0];
	v41 =	vsub.s32 v32, v0;
	[tilespmem:$0x1C580] =	vst v3;
	v3 =	vmin.u32 v39, $0xC350  }
0x5f: {  	v44 =	vld [tilespmem:$0x1C2E0];
	v43 =	vsub.s32 v34, v0;
	[tilespmem:$0x1C590] =	vst v3;
	v3 =	vmin.u32 v41, $0xC350  }
0x60: {  	v46 =	vld [tilespmem:$0x1C2F0];
	v45 =	vsub.s32 v36, v0;
	[tilespmem:$0x1C5A0] =	vst v3;
	v3 =	vmin.u32 v43, $0xC350  }
0x61: {  	v48 =	vld [tilespmem:$0x1C300];
	v47 =	vsub.s32 v38, v0;
	[tilespmem:$0x1C5B0] =	vst v3;
	v3 =	vmin.u32 v45, $0xC350  }
0x62: {  	v50 =	vld [tilespmem:$0x1C310];
	v49 =	vsub.s32 v40, v0;
	[tilespmem:$0x1C5C0] =	vst v3;
	v3 =	vmin.u32 v47, $0xC350  }
0x63: {  	v52 =	vld [tilespmem:$0x1C320];
	v51 =	vsub.s32 v42, v0;
	[tilespmem:$0x1C5D0] =	vst v3;
	v3 =	vmin.u32 v49, $0xC350  }
0x64: {  	v54 =	vld [tilespmem:$0x1C330];
	v53 =	vsub.s32 v44, v0;
	[tilespmem:$0x1C5E0] =	vst v3;
	v3 =	vmin.u32 v51, $0xC350  }
0x65: {  	v56 =	vld [tilespmem:$0x1C340];
	v55 =	vsub.s32 v46, v0;
	[tilespmem:$0x1C5F0] =	vst v3;
	v3 =	vmin.u32 v53, $0xC350  }
0x66: {  	v58 =	vld [tilespmem:$0x1C350];
	v57 =	vsub.s32 v48, v0;
	[tilespmem:$0x1C600] =	vst v3;
	v3 =	vmin.u32 v55, $0xC350  }
0x67: {  	v60 =	vld [tilespmem:$0x1C360];
	v59 =	vsub.s32 v50, v0;
	[tilespmem:$0x1C610] =	vst v3;
	v3 =	vmin.u32 v57, $0xC350  }
0x68: {  	v62 =	vld [tilespmem:$0x1C370];
	v61 =	vsub.s32 v52, v0;
	[tilespmem:$0x1C620] =	vst v3;
	v3 =	vmin.u32 v59, $0xC350  }
0x69: {  	v12 =	vld [tilespmem:$0x1C380];
	v63 =	vsub.s32 v54, v0;
	[tilespmem:$0x1C630] =	vst v3;
	v3 =	vmin.u32 v61, $0xC350  }
0x6a: {  	v14 =	vld [tilespmem:$0x1C390];
	v13 =	vsub.s32 v56, v0;
	[tilespmem:$0x1C640] =	vst v3;
	v3 =	vmin.u32 v63, $0xC350  }
0x6b: {  	v16 =	vld [tilespmem:$0x1C3A0];
	v15 =	vsub.s32 v58, v0;
	[tilespmem:$0x1C650] =	vst v3;
	v3 =	vmin.u32 v13, $0xC350  }
0x6c: {  	v18 =	vld [tilespmem:$0x1C3B0];
	v17 =	vsub.s32 v60, v0;
	[tilespmem:$0x1C660] =	vst v3;
	v3 =	vmin.u32 v15, $0xC350  }
0x6d: {  	v20 =	vld [tilespmem:$0x1C3C0];
	v19 =	vsub.s32 v62, v0;
	[tilespmem:$0x1C670] =	vst v3;
	v3 =	vmin.u32 v17, $0xC350  }
0x6e: {  	v22 =	vld [tilespmem:$0x1C3D0];
	v21 =	vsub.s32 v12, v0;
	[tilespmem:$0x1C680] =	vst v3;
	v3 =	vmin.u32 v19, $0xC350  }
0x6f: {  	v24 =	vld [tilespmem:$0x1C3E0];
	v23 =	vsub.s32 v14, v0;
	[tilespmem:$0x1C690] =	vst v3;
	v3 =	vmin.u32 v21, $0xC350  }
0x70: {  	v26 =	vld [tilespmem:$0x1C3F0];
	v25 =	vsub.s32 v16, v0;
	[tilespmem:$0x1C6A0] =	vst v3;
	v3 =	vmin.u32 v23, $0xC350  }
0x71: {  	v28 =	vld [tilespmem:$0x1C400];
	v27 =	vsub.s32 v18, v0;
	[tilespmem:$0x1C6B0] =	vst v3;
	v3 =	vmin.u32 v25, $0xC350  }
0x72: {  	v30 =	vld [tilespmem:$0x1C410];
	v29 =	vsub.s32 v20, v0;
	[tilespmem:$0x1C6C0] =	vst v3;
	v3 =	vmin.u32 v27, $0xC350  }
0x73: {  	v32 =	vld [tilespmem:$0x1C420];
	v31 =	vsub.s32 v22, v0;
	[tilespmem:$0x1C6D0] =	vst v3;
	v3 =	vmin.u32 v29, $0xC350  }
0x74: {  	v34 =	vld [tilespmem:$0x1C430];
	v33 =	vsub.s32 v24, v0;
	[tilespmem:$0x1C6E0] =	vst v3;
	v3 =	vmin.u32 v31, $0xC350  }
0x75: {  	v36 =	vld [tilespmem:$0x1C440];
	v35 =	vsub.s32 v26, v0;
	[tilespmem:$0x1C6F0] =	vst v3;
	v3 =	vmin.u32 v33, $0xC350  }
0x76: {  	v38 =	vld [tilespmem:$0x1C450];
	v37 =	vsub.s32 v28, v0;
	[tilespmem:$0x1C700] =	vst v3;
	v3 =	vmin.u32 v35, $0xC350  }
0x77: {  	v40 =	vld [tilespmem:$0x1C460];
	v39 =	vsub.s32 v30, v0;
	[tilespmem:$0x1C710] =	vst v3;
	v3 =	vmin.u32 v37, $0xC350  }
0x78: {  	v42 =	vld [tilespmem:$0x1C470];
	v41 =	vsub.s32 v32, v0;
	[tilespmem:$0x1C720] =	vst v3;
	v3 =	vmin.u32 v39, $0xC350  }
0x79: {  	v44 =	vld [tilespmem:$0x1C480];
	v43 =	vsub.s32 v34, v0;
	[tilespmem:$0x1C730] =	vst v3;
	v3 =	vmin.u32 v41, $0xC350  }
0x7a: {  	v46 =	vld [tilespmem:$0x1C490];
	v45 =	vsub.s32 v36, v0;
	[tilespmem:$0x1C740] =	vst v3;
	v3 =	vmin.u32 v43, $0xC350  }
0x7b: {  	v48 =	vld [tilespmem:$0x1C4A0];
	v47 =	vsub.s32 v38, v0;
	[tilespmem:$0x1C750] =	vst v3;
	v3 =	vmin.u32 v45, $0xC350  }
0x7c: {  	v50 =	vld [tilespmem:$0x1C4B0];
	v49 =	vsub.s32 v40, v0;
	[tilespmem:$0x1C760] =	vst v3;
	v3 =	vmin.u32 v47, $0xC350  }
0x7d: {  	v52 =	vld [tilespmem:$0x1C4C0];
	v51 =	vsub.s32 v42, v0;
	[tilespmem:$0x1C770] =	vst v3;
	v3 =	vmin.u32 v49, $0xC350  }
0x7e: {  	v54 =	vld [tilespmem:$0x1C4D0];
	v53 =	vsub.s32 v44, v0;
	[tilespmem:$0x1C780] =	vst v3;
	v3 =	vmin.u32 v51, $0xC350  }
0x7f: {  	v56 =	vld [tilespmem:$0x1C4E0];
	v55 =	vsub.s32 v46, v0;
	[tilespmem:$0x1C790] =	vst v3;
	v3 =	vmin.u32 v53, $0xC350  }
0x80: {  	v58 =	vld [tilespmem:$0x1C4F0];
	v57 =	vsub.s32 v48, v0;
	[tilespmem:$0x1C7A0] =	vst v3;
	v3 =	vmin.u32 v55, $0xC350  }
0x81: {  	v59 =	vsub.s32 v50, v0;
	[tilespmem:$0x1C7B0] =	vst v3;
	v3 =	vmin.u32 v57, $0xC350  }
0x82: {  	v60 =	vsub.s32 v52, v0;
	[tilespmem:$0x1C7C0] =	vst v3;
	v3 =	vmin.u32 v59, $0xC350  }
0x83: {  	v61 =	vsub.s32 v54, v0;
	[tilespmem:$0x1C7D0] =	vst v3;
	v3 =	vmin.u32 v60, $0xC350  }
0x84: {  	v62 =	vsub.s32 v56, v0;
	[tilespmem:$0x1C7E0] =	vst v3;
	v3 =	vmin.u32 v61, $0xC350  }
0x85: {  	v63 =	vsub.s32 v58, v0;
	[tilespmem:$0x1C7F0] =	vst v3;
	v3 =	vmin.u32 v62, $0xC350  }
0x86: {  	[tilespmem:$0x1C800] =	vst v3;
	v3 =	vmin.u32 v63, $0xC350  }
0x87: {  	[tilespmem:$0x1C810] =	vst v3  }
0x88: {  	[spmem:s2] =	stream.indirect.scatter.add.f32 [tilespmem:s21], [sflag:$0x1], $0x20, s20, s19, $0xb8;
	[tilespmem:$0x1C820] =	vst v63  }
0x89: {  	_ = 	snop  }
0x8a: {  	[spmem:s2] =	stream.indirect.scatter.add.f32 [tilespmem:s21], [sflag:$0x1], $0x20, s22, s19, $0xb8;
	[tilespmem:$0x1C820] =	vst v63  }
0x8b: {  	_ = 	snop  }
0x8c: {  	[spmem:s2] =	stream.indirect.scatter.add.f32 [tilespmem:s21], [sflag:$0x1], $0x20, s23, s19, $0xb8;
	[tilespmem:$0x1C820] =	vst v63  }
0x8d: {  	_ = 	snop  }
0x8e: {  	[spmem:s2] =	stream.indirect.scatter.add.f32 [tilespmem:s21], [sflag:$0x1], $0x20, s25, s19, $0xb8;
	[tilespmem:$0x1C820] =	vst v63  }
0x8f: {  	_ = 	snop  }
0x90: {  	[spmem:s2] =	stream.indirect.scatter.add.f32 [tilespmem:s21], [sflag:$0x1], $0x20, s26, s19, $0xb8;
	[tilespmem:$0x1C820] =	vst v63  }
0x91: {  	_ = 	snop  }
0x92: {  	[spmem:s2] =	stream.indirect.scatter.add.f32 [tilespmem:s21], [sflag:$0x1], $0x20, s28, s19, $0xb8;
	[tilespmem:$0x1C820] =	vst v63  }
0x93: {  	_ = 	snop  }
0x94: {  	[spmem:s2] =	stream.indirect.scatter.add.f32 [tilespmem:s21], [sflag:$0x1], $0x20, s29, s19, $0xb8;
	[tilespmem:$0x1C820] =	vst v63  }
0x95: {  	_ = 	snop  }
0x96: {  	[spmem:s2] =	stream.indirect.scatter.add.f32 [tilespmem:s21], [sflag:$0x1], $0x20, s30, s19, $0xb8;
	[tilespmem:$0x1C820] =	vst v63  }
0x97: {  	_ = 	snop  }
0x98: {  	[spmem:s2] =	stream.indirect.scatter.add.f32 [tilespmem:s21], [sflag:$0x1], $0x20, s31, s19, $0xb8;
	[tilespmem:$0x1C820] =	vst v63  }
0x99: {  	_ = 	snop  }
0x9a: {  	[spmem:s2] =	stream.indirect.scatter.add.f32 [tilespmem:s21], [sflag:$0x1], $0x20, s0, s19, $0xb8;
	[tilespmem:$0x1C820] =	vst v63  }
0x9b: {  	_ =	swait.ge [sflag:s1], $0xA00  }
0x9c: {  	[sflag:s1] =	ssyncset.done $0x0  }
0x9d: {  	[sflag:s1] =	ssyncadd.s32 $0xFFFFF600  }
0x9e: {  	_ =	swait.ge [sflag:s1], $0xA00  }
0x9f: {  	[sflag:s1] =	ssyncset.done $0x0  }
0xa0: {  	[sflag:s1] =	ssyncadd.s32 $0xFFFFF600  }
0xa1: {  	_ =	swait.ge [sflag:s1], $0xA00  }
0xa2: {  	[sflag:s1] =	ssyncset.done $0x0  }
0xa3: {  	[sflag:s1] =	ssyncadd.s32 $0xFFFFF600  }
0xa4: {  	_ =	swait.ge [sflag:s1], $0xA00  }
0xa5: {  	[sflag:s1] =	ssyncset.done $0x0  }
0xa6: {  	[sflag:s1] =	ssyncadd.s32 $0xFFFFF600  }
0xa7: {  	_ =	swait.ge [sflag:s1], $0xA00  }
0xa8: {  	[sflag:s1] =	ssyncset.done $0x0  }
0xa9: {  	[sflag:s1] =	ssyncadd.s32 $0xFFFFF600  }
0xaa: {  	_ =	swait.ge [sflag:s1], $0xA00  }
0xab: {  	[sflag:s1] =	ssyncset.done $0x0  }
0xac: {  	[sflag:s1] =	ssyncadd.s32 $0xFFFFF600  }
0xad: {  	_ =	swait.ge [sflag:s1], $0xA00  }
0xae: {  	[sflag:s1] =	ssyncset.done $0x0  }
0xaf: {  	[sflag:s1] =	ssyncadd.s32 $0xFFFFF600  }
0xb0: {  	_ =	swait.ge [sflag:s1], $0xA00  }
0xb1: {  	[sflag:s1] =	ssyncset.done $0x0  }
0xb2: {  	[sflag:s1] =	ssyncadd.s32 $0xFFFFF600  }
0xb3: {  	p1 =	sne.s32 s6, $0x3070;
	_ =	swait.ge [sflag:s1], $0xA00  }
.Ltmp2:
0xb4: {  	[sflag:s1] =	ssyncset.done $0x0;
	(pc) =	sbr.rel @p1 .LBB2_6-.Ltmp2, $4  }
0xb5: {  	[sflag:s1] =	ssyncadd.s32 $0xFFFFF600  }
0xb6: {  	_ =	swait.ge [sflag:s1], $0xA00  }
0xb7: {  	[sflag:s1] =	ssyncset.done $0x0  }
0xb8: {  	s6 =	sadd.s32 $0x64, s6;
	[sflag:s1] =	ssyncadd.s32 $0xFFFFF600  }
0xb9: {  	[bflag:$0x0] =	sbarrier.arrive $0xFFFF;
	s6 =	simm.s32 @p0 $0x1FC2  }
0xba: {  	[hbm:s13], [sflag:s6] =	dma.local @p0 [spmem:s24], $0x3020  }
0xbb: {  	s6 =	simm.s32 @p0 $0x2  }
0xbc: {  	s7 =	stileid.u32;
	s5 =	sadd.s32 $0x1, s5;
	_ =	swait.ge @p0 [sflag:s6], $0x3020  }
0xbd: {  	s7 =	sshll.u32 @!p0 s7, $0x6;
	p1 =	sne.s32 s5, s14;
	[sflag:s6] =	ssyncset.done @p0 $0x0  }
0xbe: {  	[sflag:s6] =	ssyncadd.s32 @p0 $0xFFFFCFE0;
	s6 =	sor.u32 @!p0 $0x1C02, s7;
	s7 =	sshrl.u32 @!p0 s4, $0x3  }
0xbf: {  	[hbm:s12], [sflag:s6] =	dma.local @!p0 [spmem:s7], $0x30E0  }
.Ltmp3:
0xc0: {  	_ = 	snop;
	(pc) =	sbr.rel @p1 .LBB2_1-.Ltmp3, $4  }
0xc1: {  	s6 =	simm.s32 @!p0 $0x2  }
0xc2: {  	_ =	swait.ge @!p0 [sflag:s6], $0x30E0  }
0xc3: {  	[sflag:s6] =	ssyncset.done @!p0 $0x0  }
0xc4: {  	[sflag:s6] =	ssyncadd.s32 @!p0 $0xFFFFCF20  }
0xc5: {  	_ =	sfence.sel $0x180000  }
0xc6: {  	[bflag:$0x0] =	sbarrier.arrive $0xFFFF  }
0xc7: {  	_ =	strace $0x90000047  }
0xc8: {  	s0 =	stileid.u32;
	[bflag:$0x2] =	sbarrier.arrive $0xFFFF  }
0xc9: {  	p0 =	sne.s32 s0, $0x0;
	s0 =	rddreg [dreg:$0x2]  }
0xca: {  	s0 =	sadd.s32 @!p0 $0x100000, s0  }
0xcb: {  	[sflag:s0] =	ssyncadd.tile.s32 @!p0 $0x1;
	_ =	shalt  }
.Lfunc_end2:
_tile_overlayer_lowered:
.L_overlay_start_2:
0xcc: {  	(tag) =	ssettag $0x2  }
0xcd: {  	s0 =	rddreg [dreg:$0x0];
	s2 =	stileid.u32  }
0xce: {  	s1 =	rddreg [dreg:$0x1];
	p0 =	sne.s32 s2, $0x0  }
0xcf: {  	s3 =	rddreg [dreg:$0x2];
	[bflag:$0x3] =	sbarrier.arrive $0xFFFF;
	s2 =	simm.s32 @!p0 $0x1C02  }
0xd0: {  	[timem:s3], [sflag:s2] =	dma.local @!p0 [hbm:s0], s1  }
0xd1: {  	s0 =	simm.s32 @!p0 $0x2  }
0xd2: {  	_ =	swait.ge @!p0 [sflag:s0], s1  }
0xd3: {  	s1 =	ssub.s32 @!p0 $0x0, s1;
	[sflag:s0] =	ssyncset.done @!p0 $0x0  }
0xd4: {  	[sflag:s0] =	ssyncadd.s32 @!p0 s1  }
0xd5: {  	[bflag:$0x3] =	sbarrier.arrive $0xFFFF  }
0xd6: {  	_ =	shalt  }

// kernel: kernel.13.cloned.1.call-start
scs
__scs_entry_jumppad:
0x0: {  	(pc) =	sbr.rel $0x88, $3  }
0x1: {  	(tag) =	ssettag $0x0;
	lr =	simm.s32 $0x1  }
0x2: {  	[smem:$0x3F9C] =	sst lr;
	_ =	strace $0xD0000000  }
0x3: {  	_ = 	snop  }
0x4: {  	_ = 	snop  }
0x5: {  	_ = 	snop  }
0x6: {  	_ = 	snop  }
0x7: {  	_ = 	snop  }
__scs_overlays_trampoline_lowered:
0x8: {  	[smem:$0x3FAB] =	sst s0  }
0x9: {  	[smem:$0x3FAC] =	sst s1  }
0xa: {  	[smem:$0x3FAD] =	sst s2  }
0xb: {  	[smem:$0x3FAE] =	sst s3  }
0xc: {  	[smem:$0x3FAF] =	sst s4  }
0xd: {  	[smem:$0x3FB0] =	sst s5  }
0xe: {  	[smem:$0x3FB1] =	sst s6  }
0xf: {  	[smem:$0x3FB2] =	sst s7  }
0x10: {  	[smem:$0x3FB3] =	sst s8  }
0x11: {  	[smem:$0x3FB4] =	sst s9;
	s0 =	simm.s32 @!p0 $0x0  }
0x12: {  	s1 =	sld [smem:$0x3F9A];
	s0 =	simm.s32 @p0 $0x1  }
0x13: {  	[smem:$0x3FB5] =	sst s0;
	s0 =	simm.s32 @!p1 $0x0  }
0x14: {  	s2 =	sld [smem:$0x3F99];
	s0 =	simm.s32 @p1 $0x1  }
0x15: {  	[smem:$0x3FB6] =	sst s0;
	s0 =	simm.s32 @!p2 $0x0  }
0x16: {  	s3 =	sld [smem:$0x3FDB];
	s0 =	simm.s32 @p2 $0x1  }
0x17: {  	s4 =	simm.s32 $0x1BF5;
	[smem:$0x3FB8] =	sst s0  }
0x18: {  	s0 =	sld [smem:$0x3F9B];
	_ =	swait.ge [sflag:s4], $0x0  }
0x19: {  	s7 =	sld [smem:$0x3F9C]  }
0x1a: {  	s8 =	sadd.s32 $0xFFFFE003, lr  }
0x1b: {  	s9 =	sadd.s32 $0xFFFFFEF7, lr;
	s5 =	simm.s32 $0xFFFFFFFF;
	p2 =	slt.u32 s8, $0xFFFFF086  }
0x1c: {  	p1 =	slt.u32 s9, $0xF7A;
	s5 =	simm.s32 @!p2 $0x0  }
0x1d: {  	s5 =	simm.s32 @p1 $0x1;
	p0 =	seq.s32 s7, s2  }
0x1e: {  	s7 =	smul.u32 @!p0 $0xF7A, s2;
	p2 =	seq.s32 @!p0 s5, $0x0  }
0x1f: {  	s9 =	smul.u32 $0xF7A, s1;
	s8 =	simm.s32 @!p0 $0x1BF5;
	p2 =	por !p2, p0  }
0x20: {  	[sflag:s8] =	ssyncset.s32 @!p0 $0xFFFFF086;
	s6 =	sadd.s32 @!p0 s3, s7;
	s7 =	simm.s32 @!p0 $0x108  }
0x21: {  	s3 =	sadd.s32 s3, s9;
	s6 =	sadd.s32 @!p0 $0x88, s6;
	s7 =	simm.s32 @p2 $0x1082  }
0x22: {  	[simem:s7], [sflag:s8] =	dma.local @!p0 [hbm:s6], $0xF7A  }
0x23: {  	s9 =	sor.u32 $0xD0000000, s2;
	s6 =	simm.s32 $0x108;
	_ =	swait.ge @!p0 [sflag:s8], $0x0  }
0x24: {  	s3 =	sadd.s32 $0x88, s3;
	s6 =	simm.s32 @!p1 $0x1082;
	[sflag:s4] =	ssyncset.s32 $0xFFFFF086  }
0x25: {  	[simem:s6], [sflag:s4] =	dma.local [hbm:s3], $0xF7A  }
0x26: {  	[smem:$0x3F9C] =	sst s1;
	(tag) =	ssettag s2;
	_ =	strace s9  }
0x27: {  	s1 =	sld [smem:$0x3FAC]  }
0x28: {  	s2 =	sld [smem:$0x3FAD]  }
0x29: {  	s4 =	sld [smem:$0x3FAF]  }
0x2a: {  	p0 =	seq.s32 s5, $0x0;
	s5 =	sld [smem:$0x3FB0]  }
0x2b: {  	s6 =	sld [smem:$0x3FB1]  }
0x2c: {  	s7 =	sld [smem:$0x3FB2]  }
0x2d: {  	s3 =	simm.s32 $0x108;
	s8 =	sld [smem:$0x3FB3]  }
0x2e: {  	s3 =	simm.s32 @!p0 $0x1082;
	s9 =	sld [smem:$0x3FB4]  }
0x2f: {  	lr =	sadd.s32 s0, s3;
	s0 =	sld [smem:$0x3FAB]  }
0x30: {  	s3 =	sld [smem:$0x3FAE]  }
0x31: {  	[smem:$0x3FB7] =	sst s10  }
0x32: {  	s10 =	sld [smem:$0x3FB5];
	_ =	sdelay $0x3  }
0x33: {  	p0 =	seq.s32 s10, $0x1;
	s10 =	sld [smem:$0x3FB7];
	_ =	sdelay $0x3  }
0x34: {  	[smem:$0x3FB7] =	sst s10  }
0x35: {  	s10 =	sld [smem:$0x3FB6];
	_ =	sdelay $0x3  }
0x36: {  	p1 =	seq.s32 s10, $0x1;
	s10 =	sld [smem:$0x3FB7];
	_ =	sdelay $0x3  }
0x37: {  	[smem:$0x3FB7] =	sst s10  }
0x38: {  	s10 =	sld [smem:$0x3FB8]  }
0x39: {  	_ = 	snop;
	(pc) =	sbr.ind lr, $3  }
0x3a: {  	_ = 	snop  }
0x3b: {  	_ = 	snop  }
0x3c: {  	p2 =	seq.s32 s10, $0x1;
	s10 =	sld [smem:$0x3FB7]  }
0x3d: {  	_ =	shalt  }
0x3e: {  	_ =	shalt  }
0x3f: {  	_ =	shalt  }
0x40: {  	_ =	shalt  }
0x41: {  	_ =	shalt  }
0x42: {  	_ =	shalt  }
0x43: {  	_ =	shalt  }
0x44: {  	_ =	shalt  }
0x45: {  	_ =	shalt  }
0x46: {  	_ =	shalt  }
0x47: {  	_ =	shalt  }
0x48: {  	_ =	shalt  }
0x49: {  	_ =	shalt  }
0x4a: {  	_ =	shalt  }
0x4b: {  	_ =	shalt  }
0x4c: {  	_ =	shalt  }
0x4d: {  	_ =	shalt  }
0x4e: {  	_ =	shalt  }
0x4f: {  	_ =	shalt  }
0x50: {  	_ =	shalt  }
0x51: {  	_ =	shalt  }
0x52: {  	_ =	shalt  }
0x53: {  	_ =	shalt  }
0x54: {  	_ =	shalt  }
0x55: {  	_ =	shalt  }
0x56: {  	_ =	shalt  }
0x57: {  	_ =	shalt  }
0x58: {  	_ =	shalt  }
0x59: {  	_ =	shalt  }
0x5a: {  	_ =	shalt  }
0x5b: {  	_ =	shalt  }
0x5c: {  	_ =	shalt  }
0x5d: {  	_ =	shalt  }
0x5e: {  	_ =	shalt  }
0x5f: {  	_ =	shalt  }
0x60: {  	_ =	shalt  }
0x61: {  	_ =	shalt  }
0x62: {  	_ =	shalt  }
0x63: {  	_ =	shalt  }
0x64: {  	_ =	shalt  }
0x65: {  	_ =	shalt  }
0x66: {  	_ =	shalt  }
0x67: {  	_ =	shalt  }
0x68: {  	_ =	shalt  }
0x69: {  	_ =	shalt  }
0x6a: {  	_ =	shalt  }
0x6b: {  	_ =	shalt  }
0x6c: {  	_ =	shalt  }
0x6d: {  	_ =	shalt  }
0x6e: {  	_ =	shalt  }
0x6f: {  	_ =	shalt  }
0x70: {  	_ =	shalt  }
0x71: {  	_ =	shalt  }
0x72: {  	_ =	shalt  }
0x73: {  	_ =	shalt  }
0x74: {  	_ =	shalt  }
0x75: {  	_ =	shalt  }
0x76: {  	_ =	shalt  }
0x77: {  	_ =	shalt  }
0x78: {  	_ =	shalt  }
0x79: {  	_ =	shalt  }
0x7a: {  	_ =	shalt  }
0x7b: {  	_ =	shalt  }
0x7c: {  	_ =	shalt  }
0x7d: {  	_ =	shalt  }
0x7e: {  	_ =	shalt  }
0x7f: {  	_ =	shalt  }
0x80: {  	_ =	shalt  }
0x81: {  	_ =	shalt  }
0x82: {  	_ =	shalt  }
0x83: {  	_ =	shalt  }
0x84: {  	_ =	shalt  }
0x85: {  	_ =	shalt  }
0x86: {  	_ =	shalt  }
0x87: {  	_ =	shalt  }
.Lfunc_end0:
.L_simem_size_0:
called_computation.1_lowered:
.L_overlay_start_0:
0x88: {  	s2 =	sld [smem:$0x3FD9]  }
0x89: {  	s3 =	sld [smem:$0x3FFE];
	_ =	sdelay $0x1  }
0x8a: {  	s1 =	srdreg.scid  }
0x8b: {  	s0 =	sand.u32 $0x1, s1  }
0x8c: {  	s16 =	sshll.u32 s0, $0xA;
	s2 =	sadd.s32 s3, s2  }
0x8d: {  	s2 =	sadd.s32 s2, s16  }
0x8e: {  	[smem:$0x3FC3] =	sst s2  }
0x8f: {  	_ = 	snop  }
0x90: {  	(tm) =	ssettm $0x1  }
0x91: {  	s17 =	sld [smem:$0x3FFB];
	_ =	sdelay $0x3  }
0x92: {  	_ =	strace s17  }
0x93: {  	s2 =	sld [smem:$0x3FFC];
	_ =	sdelay $0x3  }
0x94: {  	_ =	strace s2  }
0x95: {  	s2 =	sld [smem:$0x3FFD];
	_ =	sdelay $0x3  }
0x96: {  	_ =	strace s2  }
0x97: {  	_ =	strace $0x8FFFFFFF  }
0x98: {  	s18 =	sld [smem:$0x3FDB];
	_ =	sdelay $0x1  }
0x99: {  	s19 =	simm.s32 $_scs_section_size  }
0x9a: {  	s4 =	simm.s32 $_size__tile_overlayer_lowered;
	s5 =	simm.s32 $_tile_overlayer_lowered  }
0x9b: {  	s22 =	simm.s32 $0x1BFF;
	s21 =	sshll.u32 s5, $0x1;
	s2 =	sadd.s32 s19, s18  }
0x9c: {  	s6 =	simm.s32 $0x0;
	s20 =	sshll.u32 s4, $0x1;
	s4 =	sadd.s32 s21, s2  }
0x9d: {  	[timem:s6], [sflag:s22] =	dma.local [hbm:s4], s20  }
0x9e: {  	_ =	swait.ge [sflag:s22], s20  }
0x9f: {  	s3 =	ssub.s32 $0x0, s20;
	[sflag:s22] =	ssyncset.done $0x0  }
0xa0: {  	[sflag:s22] =	ssyncadd.s32 s3;
	_ =	sdelay $0x1  }
0xa1: {  	s23 =	simm.s32 $0x1B8B  }
0xa2: {  	_ =	swait.ge [sflag:s23], $0x1  }
0xa3: {  	[sflag:s23] =	ssyncset.done $0x0  }
0xa4: {  	s25 =	simm.s32 $0x1B8E;
	s24 =	sld [smem:$0x3FFE];
	[sflag:s23] =	ssyncadd.s32 $0xFFFFFFFF  }
0xa5: {  	s26 =	simm.s32 $execute0_lowered;
	[smem:$0x3FD2] =	sst s25  }
0xa6: {  	s4 =	sshll.u32 s26, $0x1;
	_ =	strace $0x80000049;
	[dreg:$0x1] =	wrdreg $0xFFFFFFFF  }
0xa7: {  	s28 =	simm.s32 $_size_execute0_lowered;
	s2 =	sadd.s32 s2, s4;
	[dreg:$0x0] =	wrdreg $0x0  }
0xa8: {  	s4 =	sshll.u32 s28, $0x1;
	[dreg:$0x2] =	wrdreg s2  }
0xa9: {  	[dreg:$0x3] =	wrdreg s4  }
0xaa: {  	[dreg:$0x4] =	wrdreg $0xC0  }
0xab: {  	_ =	task [dreg:s6], $0x5FFFF  }
0xac: {  	[dreg:$0x1] =	wrdreg $0xFFFFFFFF  }
0xad: {  	[dreg:$0x0] =	wrdreg $0x60  }
0xae: {  	[dreg:$0x2] =	wrdreg s24  }
0xaf: {  	[dreg:$0x3] =	wrdreg $0x0  }
0xb0: {  	[dreg:$0x4] =	wrdreg $0x9  }
0xb1: {  	_ =	task.clear_ibuf [dreg:s6], $0x5FFFF;
	_ =	strace $0x90000049  }
0xb2: {  	s29 =	simm.s32 $0x9;
	_ =	strace $0x8000004B  }
0xb3: {  	_ =	swait.ge [sflag:s29], $0x1  }
0xb4: {  	[sflag:s29] =	ssyncadd.s32 $0xFFFFFFFF  }
0xb5: {  	_ =	strace $0x9000004B  }
0xb6: {  	_ =	sfence  }
0xb7: {  	s30 =	sld [smem:$0x0];
	_ =	sdelay $0x2  }
0xb8: {  	s31 =	sshll.u32 s1, $0xD;
	s1 =	sshrl.u32 s1, $0x2  }
0xb9: {  	s3 =	sand.u32 $0x4000, s31;
	s1 =	sadd.s32 s1, s30  }
0xba: {  	s0 =	sor.u32 s3, s0;
	s1 =	sshll.u32 s1, $0x11  }
0xbb: {  	s0 =	sor.u32 s1, s0  }
0xbc: {  	s0 =	sadd.s32 $0x8F2B, s0  }
0xbd: {  	[sflag:s0] =	ssyncadd.remote.s32 $0x1  }
0xbe: {  	_ =	sfence.sel $0xFFFF  }
0xbf: {  	[dreg:$0x0] =	wrdreg $0xFFFFFFFF;
	(pc) =	sbr.abs _section_cstart, $3  }
0xc0: {  	[dreg:$0x1] =	wrdreg $0xFFFFFFFF  }
0xc1: {  	_ =	task.clear_ibuf [dreg:s6], $0x2FFFF;
	_ =	strace $0x9FFFFFFF  }
0xc2: {  	(tm) =	ssettm $0x7FFFFFFF  }
0xc3: {  	_ =	shalt  }
tec
execute0_lowered:
.L_overlay_start_1:
0x0: {  	(tag) =	ssettag $0x1  }
0x1: {  	s0 =	rddreg [dreg:$0x0]  }
0x2: {  	s2 =	rddreg [dreg:$0x1]  }
0x3: {  	s3 =	simm.s32 $0x0;
	s9 =	stileid.u32;
	s5 =	srdreg.scid  }
0x4: {  	s28 =	simm.s32 $0x1B8D0;
	s29 =	simm.s32 $0x1DC20;
	s30 =	simm.s32 $0x1B920  }
0x5: {  	s31 =	simm.s32 $0x1E620;
	s10 =	simm.s32 $0x1BA10;
	s11 =	simm.s32 $0x1F110  }
0x6: {  	s12 =	simm.s32 $0x1BA60;
	[smem:$0x7FF] =	sst s3;
	s1 =	smul.u32 $0x30D4, s9  }
0x7: {  	s4 =	sadd.s32 $0xC6400, s0;
	s5 =	sand.u32 $0x1, s5;
	s6 =	smul.u32 $0x61C00, s9  }
0x8: {  	s14 =	smul.u32 $0xC38, s9;
	p0 =	seq.s32 s9, $0xF;
	s9 =	simm.s32 $0x1F0C0  }
0x9: {  	_ =	strace $0x8000004A;
	s7 =	ssub.s32 $0x2, s5;
	s13 =	smul.u32 $0xC350, s5  }
0xa: {  	s5 =	smul.u32 $0x186A00, s5;
	s1 =	sadd.s32 s1, s0;
	s8 =	sshrl.u32 s7, $0x1  }
0xb: {  	s0 =	sadd.s32 $0x128000, s0;
	s6 =	sshrl.u32 s6, $0x2;
	s7 =	ssub.s32 s7, s8  }
0xc: {  	s16 =	sadd.s32 s6, s2;
	s21 =	sadd.s32 s14, s13;
	s24 =	sadd.s32 $0x33A00, s1  }
0xd: {  	s5 =	sshrl.u32 s5, $0x3;
	s25 =	sadd.s32 $0x2C00, s1;
	[dreg:$0x3] =	wrdreg s24  }
0xe: {  	s1 =	simm.s32 $0x1F020;
	s6 =	sadd.s32 $0x30E0, s16;
	[dreg:$0x4] =	wrdreg s25  }
0xf: {  	s8 =	simm.s32 $0x1B9C0;
	s15 =	sadd.s32 $0x61C0, s16;
	[dreg:$0x5] =	wrdreg s6  }
0x10: {  	v0 =	vmov s13;
	s13 =	simm.s32 $0x1F160;
	s17 =	sadd.s32 $0x92A0, s16;
	[dreg:$0x6] =	wrdreg s15  }
0x11: {  	s14 =	simm.s32 $0x1BAB0;
	s18 =	sadd.s32 $0xC380, s16;
	[dreg:$0x7] =	wrdreg s17  }
0x12: {  	s19 =	sadd.s32 $0xF460, s16;
	s20 =	sadd.s32 $0x12540, s16;
	[dreg:$0x8] =	wrdreg s18  }
0x13: {  	s22 =	sadd.s32 $0x15620, s16;
	s5 =	sadd.s32 s0, s5;
	[dreg:$0x9] =	wrdreg s19  }
0x14: {  	s26 =	smax.u32 s7, $0x1;
	s25 =	simm.s32 $0x1B880;
	[dreg:$0xa] =	wrdreg s20  }
0x15: {  	s7 =	simm.s32 $0x1F070;
	[dreg:$0xb] =	wrdreg s22;
	s6 =	sshll.u32 s21, $0x2  }
0x16: {  	s23 =	sadd.s32 $0x2DD20, s5;
	s5 =	sadd.s32 $0x16E900, s2;
	[dreg:$0xe] =	wrdreg s26  }
0x17: {  	s17 =	simm.s32 $0x2;
	s18 =	simm.s32 $0x1B7E0;
	s20 =	simm.s32 $0x50  }
0x18: {  	s21 =	simm.s32 $0x1BE20;
	s22 =	simm.s32 $0x1B830;
	s26 =	simm.s32 $0x1D220  }
0x19: {  	s19 =	simm.s32 $0x0;
	s0 =	sadd.s32 s0, s6;
	[dreg:$0xd] =	wrdreg s23  }
0x1a: {  	s23 =	simm.s32 $0x1C820;
	[dreg:$0xc] =	wrdreg s0;
	s0 =	sshrl.u32 @p0 s5, $0x3  }
0x1b: {  	v1 =	vimm.f32 $0.0e+00;
	s6 =	simm.s32 $0x1B970;
	[dreg:$0xf] =	wrdreg s0;
	s0 =	simm.s32 $0x1  }
.LBB2_1:
0x1c: {  	[dreg:$0x10] =	wrdreg s19;
	s5 =	sand.u32 $0xFF80, s3  }
0x1d: {  	s19 =	smov.u32 s16;
	s15 =	sand.u32 $0x10, s3;
	s5 =	sshrl.u32 s5, $0x2  }
0x1e: {  	s24 =	simm.s32 $0x40;
	s16 =	sor.u32 s15, s5;
	s5 =	simm.s32 $0x0  }
.LBB2_2:
0x1f: {  	p1 =	sne.s32 s24, $0xC340  }
0x20: {  	[tilespmem:s16+$0x18700] =	vst v1;
	s5 =	sadd.s32 $0x10, s5;
	s16 =	smov.u32 s24;
	s24 =	sadd.s32 $0x40, s24  }
.Ltmp0:
0x21: {  	(pc) =	sbr.rel @p1 .LBB2_2-.Ltmp0, $4  }
0x22: {  	_ = 	snop  }
0x23: {  	s16 =	sand.u32 $0xFF80, s16  }
0x24: {  	s15 =	sand.u32 $0x10, s5;
	s16 =	sshrl.u32 s16, $0x2  }
0x25: {  	s16 =	sor.u32 s15, s16  }
0x26: {  	[tilespmem:s16+$0x18700] =	vst v1;
	s15 =	simm.s32 $0x18700  }
0x27: {  	[spmem:s19] =	stream.linear.scatter [tilespmem:s15], [sflag:$0x2], $0x30E0, $0x38;
	[tilespmem:$0x1F1B0] =	vst v63  }
0x28: {  	_ =	swait.ge [sflag:s17], $0x30E0  }
0x29: {  	[sflag:s17] =	ssyncset.done $0x0  }
0x2a: {  	s5 =	rddreg [dreg:$0x5];
	[sflag:s17] =	ssyncadd.s32 $0xFFFFCF20  }
0x2b: {  	[spmem:s5] =	stream.linear.scatter [tilespmem:s15], [sflag:$0x2], $0x30E0, $0x38;
	[tilespmem:$0x1F1B0] =	vst v63  }
0x2c: {  	_ =	swait.ge [sflag:s17], $0x30E0  }
0x2d: {  	[sflag:s17] =	ssyncset.done $0x0  }
0x2e: {  	s16 =	smov.u32 s19;
	s19 =	rddreg [dreg:$0x6];
	[sflag:s17] =	ssyncadd.s32 $0xFFFFCF20  }
0x2f: {  	[spmem:s19] =	stream.linear.scatter [tilespmem:s15], [sflag:$0x2], $0x30E0, $0x38;
	[tilespmem:$0x1F1B0] =	vst v63  }
0x30: {  	_ =	swait.ge [sflag:s17], $0x30E0  }
0x31: {  	[sflag:s17] =	ssyncset.done $0x0  }
0x32: {  	s24 =	rddreg [dreg:$0x7];
	[sflag:s17] =	ssyncadd.s32 $0xFFFFCF20  }
0x33: {  	[spmem:s24] =	stream.linear.scatter [tilespmem:s15], [sflag:$0x2], $0x30E0, $0x38;
	[tilespmem:$0x1F1B0] =	vst v63  }
0x34: {  	_ =	swait.ge [sflag:s17], $0x30E0  }
0x35: {  	[sflag:s17] =	ssyncset.done $0x0  }
0x36: {  	s19 =	rddreg [dreg:$0x8];
	[sflag:s17] =	ssyncadd.s32 $0xFFFFCF20  }
0x37: {  	[spmem:s19] =	stream.linear.scatter [tilespmem:s15], [sflag:$0x2], $0x30E0, $0x38;
	[tilespmem:$0x1F1B0] =	vst v63  }
0x38: {  	_ =	swait.ge [sflag:s17], $0x30E0  }
0x39: {  	[sflag:s17] =	ssyncset.done $0x0  }
0x3a: {  	s24 =	rddreg [dreg:$0x9];
	[sflag:s17] =	ssyncadd.s32 $0xFFFFCF20  }
0x3b: {  	[spmem:s24] =	stream.linear.scatter [tilespmem:s15], [sflag:$0x2], $0x30E0, $0x38;
	[tilespmem:$0x1F1B0] =	vst v63  }
0x3c: {  	_ =	swait.ge [sflag:s17], $0x30E0  }
0x3d: {  	[sflag:s17] =	ssyncset.done $0x0  }
0x3e: {  	s19 =	rddreg [dreg:$0xa];
	[sflag:s17] =	ssyncadd.s32 $0xFFFFCF20  }
0x3f: {  	[spmem:s19] =	stream.linear.scatter [tilespmem:s15], [sflag:$0x2], $0x30E0, $0x38;
	[tilespmem:$0x1F1B0] =	vst v63  }
0x40: {  	_ =	swait.ge [sflag:s17], $0x30E0  }
0x41: {  	[sflag:s17] =	ssyncset.done $0x0  }
0x42: {  	s24 =	rddreg [dreg:$0xb];
	[sflag:s17] =	ssyncadd.s32 $0xFFFFCF20  }
0x43: {  	[spmem:s24] =	stream.linear.scatter [tilespmem:s15], [sflag:$0x2], $0x30E0, $0x38;
	[tilespmem:$0x1F1B0] =	vst v63  }
0x44: {  	_ =	swait.ge [sflag:s17], $0x30E0  }
0x45: {  	[sflag:s17] =	ssyncset.done $0x0  }
0x46: {  	[sflag:s17] =	ssyncadd.s32 $0xFFFFCF20  }
0x47: {  	s24 =	simm.s32 $0x0;
	s15 =	simm.s32 $0x1BB00;
	[bflag:$0x0] =	sbarrier.arrive $0xFFFF  }
.LBB2_4:
0x48: {  	s5 =	rddreg [dreg:$0x4]  }
0x49: {  	s5 =	sadd.s32 s24, s5  }
0x4a: {  	[tilespmem:s18], [sflag:$0x2] =	stream.linear.gather [hbm4b:s5+s3], $0x320, $0x38;
	[tilespmem:$0x1F1B0] =	vst v63  }
0x4b: {  	_ =	swait.ge [sflag:s17], $0x320  }
0x4c: {  	s19 =	rddreg [dreg:$0x3];
	[sflag:s17] =	ssyncset.done $0x0  }
0x4d: {  	[sflag:s17] =	ssyncadd.s32 $0xFFFFFCE0;
	s5 =	sadd.s32 s24, s19  }
0x4e: {  	[tilespmem:s15], [sflag:$0x2] =	stream.linear.gather [hbm4b:s5+s3], $0x320, $0x38;
	[tilespmem:$0x1F1B0] =	vst v63  }
0x4f: {  	_ =	swait.ge [sflag:s17], $0x320  }
0x50: {  	[sflag:s17] =	ssyncset.done $0x0  }
0x51: {  	[sflag:s17] =	ssyncadd.s32 $0xFFFFFCE0  }
0x52: {  	[tilespmem:s21], [sflag:$0x1] =	stream.indirect.gather [hbm4b:s4+s20], $0x20, s18, s20, $0xb8;
	[tilespmem:$0x1F1B0] =	vst v63  }
0x53: {  	_ = 	snop  }
0x54: {  	[tilespmem:s23], [sflag:$0x1] =	stream.indirect.gather [hbm4b:s4+s20], $0x20, s22, s20, $0xb8;
	[tilespmem:$0x1F1B0] =	vst v63  }
0x55: {  	_ = 	snop  }
0x56: {  	[tilespmem:s26], [sflag:$0x1] =	stream.indirect.gather [hbm4b:s4+s20], $0x20, s25, s20, $0xb8;
	[tilespmem:$0x1F1B0] =	vst v63  }
0x57: {  	_ = 	snop  }
0x58: {  	[tilespmem:s29], [sflag:$0x1] =	stream.indirect.gather [hbm4b:s4+s20], $0x20, s28, s20, $0xb8;
	[tilespmem:$0x1F1B0] =	vst v63  }
0x59: {  	_ = 	snop  }
0x5a: {  	[tilespmem:s31], [sflag:$0x1] =	stream.indirect.gather [hbm4b:s4+s20], $0x20, s30, s20, $0xb8;
	[tilespmem:$0x1F1B0] =	vst v63  }
0x5b: {  	_ =	swait.ge [sflag:s0], $0xA00  }
0x5c: {  	[sflag:s0] =	ssyncset.done $0x0  }
0x5d: {  	[sflag:s0] =	ssyncadd.s32 $0xFFFFF600  }
0x5e: {  	v2 =	vld [tilespmem:$0x1BB00]  }
0x5f: {  	v3 =	vld [tilespmem:$0x1BB10]  }
0x60: {  	v4 =	vld [tilespmem:$0x1BB20]  }
0x61: {  	v5 =	vld [tilespmem:$0x1BB30]  }
0x62: {  	v6 =	vld [tilespmem:$0x1BB40]  }
0x63: {  	v2 =	vsub.s32 v2, v0  }
0x64: {  	v3 =	vsub.s32 v3, v0;
	v2 =	vmin.u32 v2, $0xC350  }
0x65: {  	[tilespmem:$0x1F020] =	vst v2;
	v2 =	vmin.u32 v3, $0xC350;
	v3 =	vsub.s32 v4, v0  }
0x66: {  	[tilespmem:$0x1F030] =	vst v2;
	v2 =	vmin.u32 v3, $0xC350;
	v3 =	vsub.s32 v5, v0  }
0x67: {  	[tilespmem:$0x1F040] =	vst v2;
	v2 =	vmin.u32 v3, $0xC350;
	v3 =	vsub.s32 v6, v0  }
0x68: {  	[tilespmem:$0x1F050] =	vst v2;
	v2 =	vmin.u32 v3, $0xC350  }
0x69: {  	[tilespmem:$0x1F060] =	vst v2  }
0x6a: {  	[spmem:s2] =	stream.indirect.scatter.add.f32 [tilespmem:s21], [sflag:$0x2], $0x20, s1, s20, $0xb8;
	[tilespmem:$0x1F1B0] =	vst v63  }
0x6b: {  	_ =	swait.ge [sflag:s17], $0xA00  }
0x6c: {  	[sflag:s17] =	ssyncset.done $0x0  }
0x6d: {  	[sflag:s17] =	ssyncadd.s32 $0xFFFFF600  }
0x6e: {  	[tilespmem:s21], [sflag:$0x1] =	stream.indirect.gather [hbm4b:s4+s20], $0x20, s6, s20, $0xb8;
	[tilespmem:$0x1F1B0] =	vst v63  }
0x6f: {  	_ =	swait.ge [sflag:s0], $0xA00  }
0x70: {  	[sflag:s0] =	ssyncset.done $0x0  }
0x71: {  	[sflag:s0] =	ssyncadd.s32 $0xFFFFF600  }
0x72: {  	v2 =	vld [tilespmem:$0x1BB50]  }
0x73: {  	v3 =	vld [tilespmem:$0x1BB60]  }
0x74: {  	v37 =	vld [tilespmem:$0x1BB70]  }
0x75: {  	v38 =	vld [tilespmem:$0x1BB80]  }
0x76: {  	v39 =	vld [tilespmem:$0x1BB90]  }
0x77: {  	v2 =	vsub.s32 v2, v0  }
0x78: {  	v3 =	vsub.s32 v3, v0;
	v2 =	vmin.u32 v2, $0xC350  }
0x79: {  	[tilespmem:$0x1F070] =	vst v2;
	v2 =	vmin.u32 v3, $0xC350;
	v3 =	vsub.s32 v37, v0  }
0x7a: {  	[tilespmem:$0x1F080] =	vst v2;
	v2 =	vmin.u32 v3, $0xC350;
	v3 =	vsub.s32 v38, v0  }
0x7b: {  	[tilespmem:$0x1F090] =	vst v2;
	v2 =	vmin.u32 v3, $0xC350;
	v3 =	vsub.s32 v39, v0  }
0x7c: {  	[tilespmem:$0x1F0A0] =	vst v2;
	v2 =	vmin.u32 v3, $0xC350  }
0x7d: {  	[tilespmem:$0x1F0B0] =	vst v2  }
0x7e: {  	[spmem:s2] =	stream.indirect.scatter.add.f32 [tilespmem:s23], [sflag:$0x2], $0x20, s7, s20, $0xb8;
	[tilespmem:$0x1F1B0] =	vst v63  }
0x7f: {  	_ =	swait.ge [sflag:s17], $0xA00  }
0x80: {  	[sflag:s17] =	ssyncset.done $0x0  }
0x81: {  	[sflag:s17] =	ssyncadd.s32 $0xFFFFF600  }
0x82: {  	[tilespmem:s23], [sflag:$0x1] =	stream.indirect.gather [hbm4b:s4+s20], $0x20, s8, s20, $0xb8;
	[tilespmem:$0x1F1B0] =	vst v63  }
0x83: {  	_ =	swait.ge [sflag:s0], $0xA00  }
0x84: {  	[sflag:s0] =	ssyncset.done $0x0  }
0x85: {  	[sflag:s0] =	ssyncadd.s32 $0xFFFFF600  }
0x86: {  	v2 =	vld [tilespmem:$0x1BBA0]  }
0x87: {  	v3 =	vld [tilespmem:$0x1BBB0]  }
0x88: {  	v40 =	vld [tilespmem:$0x1BBC0]  }
0x89: {  	v41 =	vld [tilespmem:$0x1BBD0]  }
0x8a: {  	v42 =	vld [tilespmem:$0x1BBE0]  }
0x8b: {  	v2 =	vsub.s32 v2, v0  }
0x8c: {  	v3 =	vsub.s32 v3, v0;
	v2 =	vmin.u32 v2, $0xC350  }
0x8d: {  	[tilespmem:$0x1F0C0] =	vst v2;
	v2 =	vmin.u32 v3, $0xC350;
	v3 =	vsub.s32 v40, v0  }
0x8e: {  	[tilespmem:$0x1F0D0] =	vst v2;
	v2 =	vmin.u32 v3, $0xC350;
	v3 =	vsub.s32 v41, v0  }
0x8f: {  	[tilespmem:$0x1F0E0] =	vst v2;
	v2 =	vmin.u32 v3, $0xC350;
	v3 =	vsub.s32 v42, v0  }
0x90: {  	[tilespmem:$0x1F0F0] =	vst v2;
	v2 =	vmin.u32 v3, $0xC350  }
0x91: {  	[tilespmem:$0x1F100] =	vst v2  }
0x92: {  	[spmem:s2] =	stream.indirect.scatter.add.f32 [tilespmem:s26], [sflag:$0x2], $0x20, s9, s20, $0xb8;
	[tilespmem:$0x1F1B0] =	vst v63  }
0x93: {  	_ =	swait.ge [sflag:s17], $0xA00  }
0x94: {  	[sflag:s17] =	ssyncset.done $0x0  }
0x95: {  	[sflag:s17] =	ssyncadd.s32 $0xFFFFF600  }
0x96: {  	[tilespmem:s26], [sflag:$0x1] =	stream.indirect.gather [hbm4b:s4+s20], $0x20, s10, s20, $0xb8;
	[tilespmem:$0x1F1B0] =	vst v63  }
0x97: {  	_ =	swait.ge [sflag:s0], $0xA00  }
0x98: {  	[sflag:s0] =	ssyncset.done $0x0  }
0x99: {  	[sflag:s0] =	ssyncadd.s32 $0xFFFFF600  }
0x9a: {  	v2 =	vld [tilespmem:$0x1BBF0]  }
0x9b: {  	v3 =	vld [tilespmem:$0x1BC00]  }
0x9c: {  	v43 =	vld [tilespmem:$0x1BC10]  }
0x9d: {  	v44 =	vld [tilespmem:$0x1BC20]  }
0x9e: {  	v45 =	vld [tilespmem:$0x1BC30]  }
0x9f: {  	v2 =	vsub.s32 v2, v0  }
0xa0: {  	v3 =	vsub.s32 v3, v0;
	v2 =	vmin.u32 v2, $0xC350  }
0xa1: {  	[tilespmem:$0x1F110] =	vst v2;
	v2 =	vmin.u32 v3, $0xC350;
	v3 =	vsub.s32 v43, v0  }
0xa2: {  	[tilespmem:$0x1F120] =	vst v2;
	v2 =	vmin.u32 v3, $0xC350;
	v3 =	vsub.s32 v44, v0  }
0xa3: {  	[tilespmem:$0x1F130] =	vst v2;
	v2 =	vmin.u32 v3, $0xC350;
	v3 =	vsub.s32 v45, v0  }
0xa4: {  	[tilespmem:$0x1F140] =	vst v2;
	v2 =	vmin.u32 v3, $0xC350  }
0xa5: {  	[tilespmem:$0x1F150] =	vst v2  }
0xa6: {  	[spmem:s2] =	stream.indirect.scatter.add.f32 [tilespmem:s29], [sflag:$0x2], $0x20, s11, s20, $0xb8;
	[tilespmem:$0x1F1B0] =	vst v63  }
0xa7: {  	_ =	swait.ge [sflag:s17], $0xA00  }
0xa8: {  	[sflag:s17] =	ssyncset.done $0x0  }
0xa9: {  	[sflag:s17] =	ssyncadd.s32 $0xFFFFF600  }
0xaa: {  	[tilespmem:s29], [sflag:$0x1] =	stream.indirect.gather [hbm4b:s4+s20], $0x20, s12, s20, $0xb8;
	[tilespmem:$0x1F1B0] =	vst v63  }
0xab: {  	_ =	swait.ge [sflag:s0], $0xA00  }
0xac: {  	[sflag:s0] =	ssyncset.done $0x0  }
0xad: {  	[sflag:s0] =	ssyncadd.s32 $0xFFFFF600  }
0xae: {  	v2 =	vld [tilespmem:$0x1BC40]  }
0xaf: {  	v3 =	vld [tilespmem:$0x1BC50]  }
0xb0: {  	v46 =	vld [tilespmem:$0x1BC60]  }
0xb1: {  	v47 =	vld [tilespmem:$0x1BC70]  }
0xb2: {  	v48 =	vld [tilespmem:$0x1BC80]  }
0xb3: {  	v2 =	vsub.s32 v2, v0  }
0xb4: {  	v3 =	vsub.s32 v3, v0;
	v2 =	vmin.u32 v2, $0xC350  }
0xb5: {  	[tilespmem:$0x1F160] =	vst v2;
	v2 =	vmin.u32 v3, $0xC350;
	v3 =	vsub.s32 v46, v0  }
0xb6: {  	[tilespmem:$0x1F170] =	vst v2;
	v2 =	vmin.u32 v3, $0xC350;
	v3 =	vsub.s32 v47, v0  }
0xb7: {  	[tilespmem:$0x1F180] =	vst v2;
	v2 =	vmin.u32 v3, $0xC350;
	v3 =	vsub.s32 v48, v0  }
0xb8: {  	[tilespmem:$0x1F190] =	vst v2;
	v2 =	vmin.u32 v3, $0xC350  }
0xb9: {  	[tilespmem:$0x1F1A0] =	vst v2  }
0xba: {  	[spmem:s2] =	stream.indirect.scatter.add.f32 [tilespmem:s31], [sflag:$0x2], $0x20, s13, s20, $0xb8;
	[tilespmem:$0x1F1B0] =	vst v63  }
0xbb: {  	_ =	swait.ge [sflag:s17], $0xA00  }
0xbc: {  	[sflag:s17] =	ssyncset.done $0x0  }
0xbd: {  	[sflag:s17] =	ssyncadd.s32 $0xFFFFF600  }
0xbe: {  	[tilespmem:s31], [sflag:$0x1] =	stream.indirect.gather [hbm4b:s4+s20], $0x20, s14, s20, $0xb8;
	[tilespmem:$0x1F1B0] =	vst v63  }
0xbf: {  	_ =	swait.ge [sflag:s0], $0xA00  }
0xc0: {  	[sflag:s0] =	ssyncset.done $0x0  }
0xc1: {  	[sflag:s0] =	ssyncadd.s32 $0xFFFFF600  }
0xc2: {  	v2 =	vld [tilespmem:$0x1BC90]  }
0xc3: {  	v3 =	vld [tilespmem:$0x1BCA0]  }
0xc4: {  	v49 =	vld [tilespmem:$0x1BCB0]  }
0xc5: {  	v50 =	vld [tilespmem:$0x1BCC0]  }
0xc6: {  	v51 =	vld [tilespmem:$0x1BCD0]  }
0xc7: {  	v2 =	vsub.s32 v2, v0  }
0xc8: {  	v3 =	vsub.s32 v3, v0;
	v2 =	vmin.u32 v2, $0xC350  }
0xc9: {  	[tilespmem:$0x1F020] =	vst v2;
	v2 =	vmin.u32 v3, $0xC350;
	v3 =	vsub.s32 v49, v0  }
0xca: {  	[tilespmem:$0x1F030] =	vst v2;
	v2 =	vmin.u32 v3, $0xC350;
	v3 =	vsub.s32 v50, v0  }
0xcb: {  	[tilespmem:$0x1F040] =	vst v2;
	v2 =	vmin.u32 v3, $0xC350;
	v3 =	vsub.s32 v51, v0  }
0xcc: {  	[tilespmem:$0x1F050] =	vst v2;
	v2 =	vmin.u32 v3, $0xC350  }
0xcd: {  	[tilespmem:$0x1F060] =	vst v2  }
0xce: {  	[spmem:s2] =	stream.indirect.scatter.add.f32 [tilespmem:s21], [sflag:$0x2], $0x20, s1, s20, $0xb8;
	[tilespmem:$0x1F1B0] =	vst v63  }
0xcf: {  	_ =	swait.ge [sflag:s17], $0xA00  }
0xd0: {  	[sflag:s17] =	ssyncset.done $0x0  }
0xd1: {  	[sflag:s17] =	ssyncadd.s32 $0xFFFFF600  }
0xd2: {  	_ =	swait.ge [sflag:s0], $0xA00  }
0xd3: {  	[sflag:s0] =	ssyncset.done $0x0  }
0xd4: {  	[sflag:s0] =	ssyncadd.s32 $0xFFFFF600  }
0xd5: {  	v2 =	vld [tilespmem:$0x1BCE0]  }
0xd6: {  	v3 =	vld [tilespmem:$0x1BCF0]  }
0xd7: {  	v52 =	vld [tilespmem:$0x1BD00]  }
0xd8: {  	v53 =	vld [tilespmem:$0x1BD10]  }
0xd9: {  	v54 =	vld [tilespmem:$0x1BD20]  }
0xda: {  	v2 =	vsub.s32 v2, v0  }
0xdb: {  	v3 =	vsub.s32 v3, v0;
	v2 =	vmin.u32 v2, $0xC350  }
0xdc: {  	[tilespmem:$0x1F070] =	vst v2;
	v2 =	vmin.u32 v3, $0xC350;
	v3 =	vsub.s32 v52, v0  }
0xdd: {  	[tilespmem:$0x1F080] =	vst v2;
	v2 =	vmin.u32 v3, $0xC350;
	v3 =	vsub.s32 v53, v0  }
0xde: {  	[tilespmem:$0x1F090] =	vst v2;
	v2 =	vmin.u32 v3, $0xC350;
	v3 =	vsub.s32 v54, v0  }
0xdf: {  	[tilespmem:$0x1F0A0] =	vst v2;
	v2 =	vmin.u32 v3, $0xC350  }
0xe0: {  	[tilespmem:$0x1F0B0] =	vst v2  }
0xe1: {  	[spmem:s2] =	stream.indirect.scatter.add.f32 [tilespmem:s23], [sflag:$0x2], $0x20, s7, s20, $0xb8;
	[tilespmem:$0x1F1B0] =	vst v63  }
0xe2: {  	_ =	swait.ge [sflag:s17], $0xA00  }
0xe3: {  	[sflag:s17] =	ssyncset.done $0x0  }
0xe4: {  	[sflag:s17] =	ssyncadd.s32 $0xFFFFF600  }
0xe5: {  	_ =	swait.ge [sflag:s0], $0xA00  }
0xe6: {  	[sflag:s0] =	ssyncset.done $0x0  }
0xe7: {  	[sflag:s0] =	ssyncadd.s32 $0xFFFFF600  }
0xe8: {  	v2 =	vld [tilespmem:$0x1BD30]  }
0xe9: {  	v3 =	vld [tilespmem:$0x1BD40]  }
0xea: {  	v55 =	vld [tilespmem:$0x1BD50]  }
0xeb: {  	v56 =	vld [tilespmem:$0x1BD60]  }
0xec: {  	v57 =	vld [tilespmem:$0x1BD70]  }
0xed: {  	v2 =	vsub.s32 v2, v0  }
0xee: {  	v3 =	vsub.s32 v3, v0;
	v2 =	vmin.u32 v2, $0xC350  }
0xef: {  	[tilespmem:$0x1F0C0] =	vst v2;
	v2 =	vmin.u32 v3, $0xC350;
	v3 =	vsub.s32 v55, v0  }
0xf0: {  	[tilespmem:$0x1F0D0] =	vst v2;
	v2 =	vmin.u32 v3, $0xC350;
	v3 =	vsub.s32 v56, v0  }
0xf1: {  	[tilespmem:$0x1F0E0] =	vst v2;
	v2 =	vmin.u32 v3, $0xC350;
	v3 =	vsub.s32 v57, v0  }
0xf2: {  	[tilespmem:$0x1F0F0] =	vst v2;
	v2 =	vmin.u32 v3, $0xC350  }
0xf3: {  	[tilespmem:$0x1F100] =	vst v2  }
0xf4: {  	[spmem:s2] =	stream.indirect.scatter.add.f32 [tilespmem:s26], [sflag:$0x2], $0x20, s9, s20, $0xb8;
	[tilespmem:$0x1F1B0] =	vst v63  }
0xf5: {  	_ =	swait.ge [sflag:s17], $0xA00  }
0xf6: {  	[sflag:s17] =	ssyncset.done $0x0  }
0xf7: {  	[sflag:s17] =	ssyncadd.s32 $0xFFFFF600  }
0xf8: {  	_ =	swait.ge [sflag:s0], $0xA00  }
0xf9: {  	[sflag:s0] =	ssyncset.done $0x0  }
0xfa: {  	[sflag:s0] =	ssyncadd.s32 $0xFFFFF600  }
0xfb: {  	v2 =	vld [tilespmem:$0x1BD80]  }
0xfc: {  	v3 =	vld [tilespmem:$0x1BD90]  }
0xfd: {  	v58 =	vld [tilespmem:$0x1BDA0]  }
0xfe: {  	v59 =	vld [tilespmem:$0x1BDB0]  }
0xff: {  	v60 =	vld [tilespmem:$0x1BDC0]  }
0x100: {  	v2 =	vsub.s32 v2, v0  }
0x101: {  	v3 =	vsub.s32 v3, v0;
	v2 =	vmin.u32 v2, $0xC350  }
0x102: {  	[tilespmem:$0x1F110] =	vst v2;
	v2 =	vmin.u32 v3, $0xC350;
	v3 =	vsub.s32 v58, v0  }
0x103: {  	[tilespmem:$0x1F120] =	vst v2;
	v2 =	vmin.u32 v3, $0xC350;
	v3 =	vsub.s32 v59, v0  }
0x104: {  	[tilespmem:$0x1F130] =	vst v2;
	v2 =	vmin.u32 v3, $0xC350;
	v3 =	vsub.s32 v60, v0  }
0x105: {  	[tilespmem:$0x1F140] =	vst v2;
	v2 =	vmin.u32 v3, $0xC350  }
0x106: {  	[tilespmem:$0x1F150] =	vst v2  }
0x107: {  	[spmem:s2] =	stream.indirect.scatter.add.f32 [tilespmem:s29], [sflag:$0x2], $0x20, s11, s20, $0xb8;
	[tilespmem:$0x1F1B0] =	vst v63  }
0x108: {  	_ =	swait.ge [sflag:s17], $0xA00  }
0x109: {  	[sflag:s17] =	ssyncset.done $0x0  }
0x10a: {  	[sflag:s17] =	ssyncadd.s32 $0xFFFFF600  }
0x10b: {  	_ =	swait.ge [sflag:s0], $0xA00  }
0x10c: {  	[sflag:s0] =	ssyncset.done $0x0  }
0x10d: {  	[sflag:s0] =	ssyncadd.s32 $0xFFFFF600  }
0x10e: {  	v2 =	vld [tilespmem:$0x1BDD0]  }
0x10f: {  	v3 =	vld [tilespmem:$0x1BDE0]  }
0x110: {  	v61 =	vld [tilespmem:$0x1BDF0]  }
0x111: {  	v62 =	vld [tilespmem:$0x1BE00]  }
0x112: {  	v63 =	vld [tilespmem:$0x1BE10]  }
0x113: {  	v2 =	vsub.s32 v2, v0  }
0x114: {  	v3 =	vsub.s32 v3, v0;
	v2 =	vmin.u32 v2, $0xC350  }
0x115: {  	[tilespmem:$0x1F160] =	vst v2;
	v2 =	vmin.u32 v3, $0xC350;
	v3 =	vsub.s32 v61, v0  }
0x116: {  	[tilespmem:$0x1F170] =	vst v2;
	v2 =	vmin.u32 v3, $0xC350;
	v3 =	vsub.s32 v62, v0  }
0x117: {  	[tilespmem:$0x1F180] =	vst v2;
	v2 =	vmin.u32 v3, $0xC350;
	v3 =	vsub.s32 v63, v0  }
0x118: {  	p1 =	sne.s32 s24, $0x3070;
	[tilespmem:$0x1F190] =	vst v2;
	v2 =	vmin.u32 v3, $0xC350  }
.Ltmp1:
0x119: {  	[tilespmem:$0x1F1A0] =	vst v2;
	(pc) =	sbr.rel @p1 .LBB2_4-.Ltmp1, $4  }
0x11a: {  	[spmem:s2] =	stream.indirect.scatter.add.f32 [tilespmem:s31], [sflag:$0x2], $0x20, s13, s20, $0xb8;
	[tilespmem:$0x1F1B0] =	vst v63  }
0x11b: {  	_ =	swait.ge [sflag:s17], $0xA00  }
0x11c: {  	[sflag:s17] =	ssyncset.done $0x0  }
0x11d: {  	s24 =	sadd.s32 $0x64, s24;
	[sflag:s17] =	ssyncadd.s32 $0xFFFFF600  }
0x11e: {  	[bflag:$0x0] =	sbarrier.arrive $0xFFFF  }
0x11f: {  	s15 =	rddreg [dreg:$0xd]  }
0x120: {  	s5 =	simm.s32 @p0 $0x1FC2;
	s19 =	rddreg [dreg:$0xf]  }
0x121: {  	[hbm:s15], [sflag:s5] =	dma.local @p0 [spmem:s19], $0x3020  }
0x122: {  	s5 =	simm.s32 @p0 $0x2  }
0x123: {  	s15 =	stileid.u32;
	_ =	swait.ge @p0 [sflag:s5], $0x3020  }
0x124: {  	s15 =	sshll.u32 @!p0 s15, $0x6;
	[sflag:s5] =	ssyncset.done @p0 $0x0;
	s19 =	rddreg [dreg:$0xc]  }
0x125: {  	[sflag:s5] =	ssyncadd.s32 @p0 $0xFFFFCFE0;
	s5 =	sor.u32 @!p0 $0x1C02, s15;
	s15 =	sshrl.u32 @!p0 s16, $0x3  }
0x126: {  	[hbm:s19], [sflag:s5] =	dma.local @!p0 [spmem:s15], $0x30E0  }
0x127: {  	s5 =	simm.s32 @!p0 $0x2  }
0x128: {  	_ =	swait.ge @!p0 [sflag:s5], $0x30E0  }
0x129: {  	s15 =	rddreg [dreg:$0x10]  }
0x12a: {  	s24 =	rddreg [dreg:$0xe];
	s19 =	sadd.s32 $0x1, s15  }
0x12b: {  	p1 =	sne.s32 s19, s24  }
.Ltmp2:
0x12c: {  	_ = 	snop;
	(pc) =	sbr.rel @p1 .LBB2_1-.Ltmp2, $3  }
0x12d: {  	_ =	sdelay $0x1  }
0x12e: {  	[sflag:s5] =	ssyncset.done @!p0 $0x0  }
0x12f: {  	[sflag:s5] =	ssyncadd.s32 @!p0 $0xFFFFCF20  }
0x130: {  	_ =	sfence.sel $0x180000  }
0x131: {  	[bflag:$0x0] =	sbarrier.arrive $0xFFFF  }
0x132: {  	_ =	strace $0x9000004A  }
0x133: {  	s0 =	stileid.u32;
	[bflag:$0x2] =	sbarrier.arrive $0xFFFF  }
0x134: {  	p0 =	sne.s32 s0, $0x0;
	s0 =	rddreg [dreg:$0x2]  }
0x135: {  	s0 =	sadd.s32 @!p0 $0x100000, s0  }
0x136: {  	[sflag:s0] =	ssyncadd.tile.s32 @!p0 $0x1;
	_ =	shalt  }
.Lfunc_end2:
_tile_overlayer_lowered:
.L_overlay_start_2:
0x137: {  	(tag) =	ssettag $0x2  }
0x138: {  	s0 =	rddreg [dreg:$0x0];
	s2 =	stileid.u32  }
0x139: {  	s1 =	rddreg [dreg:$0x1];
	p0 =	sne.s32 s2, $0x0  }
0x13a: {  	s3 =	rddreg [dreg:$0x2];
	[bflag:$0x3] =	sbarrier.arrive $0xFFFF;
	s2 =	simm.s32 @!p0 $0x1C02  }
0x13b: {  	[timem:s3], [sflag:s2] =	dma.local @!p0 [hbm:s0], s1  }
0x13c: {  	s0 =	simm.s32 @!p0 $0x2  }
0x13d: {  	_ =	swait.ge @!p0 [sflag:s0], s1  }
0x13e: {  	s1 =	ssub.s32 @!p0 $0x0, s1;
	[sflag:s0] =	ssyncset.done @!p0 $0x0  }
0x13f: {  	[sflag:s0] =	ssyncadd.s32 @!p0 s1  }
0x140: {  	[bflag:$0x3] =	sbarrier.arrive $0xFFFF  }
0x141: {  	_ =	shalt  }

// kernel: kernel.16.cloned.1.call-start
scs
__scs_entry_jumppad:
0x0: {  	(pc) =	sbr.rel $0x88, $3  }
0x1: {  	(tag) =	ssettag $0x0;
	lr =	simm.s32 $0x1  }
0x2: {  	[smem:$0x3F9C] =	sst lr;
	_ =	strace $0xD0000000  }
0x3: {  	_ = 	snop  }
0x4: {  	_ = 	snop  }
0x5: {  	_ = 	snop  }
0x6: {  	_ = 	snop  }
0x7: {  	_ = 	snop  }
__scs_overlays_trampoline_lowered:
0x8: {  	[smem:$0x3FAB] =	sst s0  }
0x9: {  	[smem:$0x3FAC] =	sst s1  }
0xa: {  	[smem:$0x3FAD] =	sst s2  }
0xb: {  	[smem:$0x3FAE] =	sst s3  }
0xc: {  	[smem:$0x3FAF] =	sst s4  }
0xd: {  	[smem:$0x3FB0] =	sst s5  }
0xe: {  	[smem:$0x3FB1] =	sst s6  }
0xf: {  	[smem:$0x3FB2] =	sst s7  }
0x10: {  	[smem:$0x3FB3] =	sst s8  }
0x11: {  	[smem:$0x3FB4] =	sst s9;
	s0 =	simm.s32 @!p0 $0x0  }
0x12: {  	s1 =	sld [smem:$0x3F9A];
	s0 =	simm.s32 @p0 $0x1  }
0x13: {  	[smem:$0x3FB5] =	sst s0;
	s0 =	simm.s32 @!p1 $0x0  }
0x14: {  	s2 =	sld [smem:$0x3F99];
	s0 =	simm.s32 @p1 $0x1  }
0x15: {  	[smem:$0x3FB6] =	sst s0;
	s0 =	simm.s32 @!p2 $0x0  }
0x16: {  	s3 =	sld [smem:$0x3FDB];
	s0 =	simm.s32 @p2 $0x1  }
0x17: {  	s4 =	simm.s32 $0x1BF5;
	[smem:$0x3FB8] =	sst s0  }
0x18: {  	s0 =	sld [smem:$0x3F9B];
	_ =	swait.ge [sflag:s4], $0x0  }
0x19: {  	s7 =	sld [smem:$0x3F9C]  }
0x1a: {  	s8 =	sadd.s32 $0xFFFFE003, lr  }
0x1b: {  	s9 =	sadd.s32 $0xFFFFFEF7, lr;
	s5 =	simm.s32 $0xFFFFFFFF;
	p2 =	slt.u32 s8, $0xFFFFF086  }
0x1c: {  	p1 =	slt.u32 s9, $0xF7A;
	s5 =	simm.s32 @!p2 $0x0  }
0x1d: {  	s5 =	simm.s32 @p1 $0x1;
	p0 =	seq.s32 s7, s2  }
0x1e: {  	s7 =	smul.u32 @!p0 $0xF7A, s2;
	p2 =	seq.s32 @!p0 s5, $0x0  }
0x1f: {  	s9 =	smul.u32 $0xF7A, s1;
	s8 =	simm.s32 @!p0 $0x1BF5;
	p2 =	por !p2, p0  }
0x20: {  	[sflag:s8] =	ssyncset.s32 @!p0 $0xFFFFF086;
	s6 =	sadd.s32 @!p0 s3, s7;
	s7 =	simm.s32 @!p0 $0x108  }
0x21: {  	s3 =	sadd.s32 s3, s9;
	s6 =	sadd.s32 @!p0 $0x88, s6;
	s7 =	simm.s32 @p2 $0x1082  }
0x22: {  	[simem:s7], [sflag:s8] =	dma.local @!p0 [hbm:s6], $0xF7A  }
0x23: {  	s9 =	sor.u32 $0xD0000000, s2;
	s6 =	simm.s32 $0x108;
	_ =	swait.ge @!p0 [sflag:s8], $0x0  }
0x24: {  	s3 =	sadd.s32 $0x88, s3;
	s6 =	simm.s32 @!p1 $0x1082;
	[sflag:s4] =	ssyncset.s32 $0xFFFFF086  }
0x25: {  	[simem:s6], [sflag:s4] =	dma.local [hbm:s3], $0xF7A  }
0x26: {  	[smem:$0x3F9C] =	sst s1;
	(tag) =	ssettag s2;
	_ =	strace s9  }
0x27: {  	s1 =	sld [smem:$0x3FAC]  }
0x28: {  	s2 =	sld [smem:$0x3FAD]  }
0x29: {  	s4 =	sld [smem:$0x3FAF]  }
0x2a: {  	p0 =	seq.s32 s5, $0x0;
	s5 =	sld [smem:$0x3FB0]  }
0x2b: {  	s6 =	sld [smem:$0x3FB1]  }
0x2c: {  	s7 =	sld [smem:$0x3FB2]  }
0x2d: {  	s3 =	simm.s32 $0x108;
	s8 =	sld [smem:$0x3FB3]  }
0x2e: {  	s3 =	simm.s32 @!p0 $0x1082;
	s9 =	sld [smem:$0x3FB4]  }
0x2f: {  	lr =	sadd.s32 s0, s3;
	s0 =	sld [smem:$0x3FAB]  }
0x30: {  	s3 =	sld [smem:$0x3FAE]  }
0x31: {  	[smem:$0x3FB7] =	sst s10  }
0x32: {  	s10 =	sld [smem:$0x3FB5];
	_ =	sdelay $0x3  }
0x33: {  	p0 =	seq.s32 s10, $0x1;
	s10 =	sld [smem:$0x3FB7];
	_ =	sdelay $0x3  }
0x34: {  	[smem:$0x3FB7] =	sst s10  }
0x35: {  	s10 =	sld [smem:$0x3FB6];
	_ =	sdelay $0x3  }
0x36: {  	p1 =	seq.s32 s10, $0x1;
	s10 =	sld [smem:$0x3FB7];
	_ =	sdelay $0x3  }
0x37: {  	[smem:$0x3FB7] =	sst s10  }
0x38: {  	s10 =	sld [smem:$0x3FB8]  }
0x39: {  	_ = 	snop;
	(pc) =	sbr.ind lr, $3  }
0x3a: {  	_ = 	snop  }
0x3b: {  	_ = 	snop  }
0x3c: {  	p2 =	seq.s32 s10, $0x1;
	s10 =	sld [smem:$0x3FB7]  }
0x3d: {  	_ =	shalt  }
0x3e: {  	_ =	shalt  }
0x3f: {  	_ =	shalt  }
0x40: {  	_ =	shalt  }
0x41: {  	_ =	shalt  }
0x42: {  	_ =	shalt  }
0x43: {  	_ =	shalt  }
0x44: {  	_ =	shalt  }
0x45: {  	_ =	shalt  }
0x46: {  	_ =	shalt  }
0x47: {  	_ =	shalt  }
0x48: {  	_ =	shalt  }
0x49: {  	_ =	shalt  }
0x4a: {  	_ =	shalt  }
0x4b: {  	_ =	shalt  }
0x4c: {  	_ =	shalt  }
0x4d: {  	_ =	shalt  }
0x4e: {  	_ =	shalt  }
0x4f: {  	_ =	shalt  }
0x50: {  	_ =	shalt  }
0x51: {  	_ =	shalt  }
0x52: {  	_ =	shalt  }
0x53: {  	_ =	shalt  }
0x54: {  	_ =	shalt  }
0x55: {  	_ =	shalt  }
0x56: {  	_ =	shalt  }
0x57: {  	_ =	shalt  }
0x58: {  	_ =	shalt  }
0x59: {  	_ =	shalt  }
0x5a: {  	_ =	shalt  }
0x5b: {  	_ =	shalt  }
0x5c: {  	_ =	shalt  }
0x5d: {  	_ =	shalt  }
0x5e: {  	_ =	shalt  }
0x5f: {  	_ =	shalt  }
0x60: {  	_ =	shalt  }
0x61: {  	_ =	shalt  }
0x62: {  	_ =	shalt  }
0x63: {  	_ =	shalt  }
0x64: {  	_ =	shalt  }
0x65: {  	_ =	shalt  }
0x66: {  	_ =	shalt  }
0x67: {  	_ =	shalt  }
0x68: {  	_ =	shalt  }
0x69: {  	_ =	shalt  }
0x6a: {  	_ =	shalt  }
0x6b: {  	_ =	shalt  }
0x6c: {  	_ =	shalt  }
0x6d: {  	_ =	shalt  }
0x6e: {  	_ =	shalt  }
0x6f: {  	_ =	shalt  }
0x70: {  	_ =	shalt  }
0x71: {  	_ =	shalt  }
0x72: {  	_ =	shalt  }
0x73: {  	_ =	shalt  }
0x74: {  	_ =	shalt  }
0x75: {  	_ =	shalt  }
0x76: {  	_ =	shalt  }
0x77: {  	_ =	shalt  }
0x78: {  	_ =	shalt  }
0x79: {  	_ =	shalt  }
0x7a: {  	_ =	shalt  }
0x7b: {  	_ =	shalt  }
0x7c: {  	_ =	shalt  }
0x7d: {  	_ =	shalt  }
0x7e: {  	_ =	shalt  }
0x7f: {  	_ =	shalt  }
0x80: {  	_ =	shalt  }
0x81: {  	_ =	shalt  }
0x82: {  	_ =	shalt  }
0x83: {  	_ =	shalt  }
0x84: {  	_ =	shalt  }
0x85: {  	_ =	shalt  }
0x86: {  	_ =	shalt  }
0x87: {  	_ =	shalt  }
.Lfunc_end0:
.L_simem_size_0:
called_computation.2_lowered:
.L_overlay_start_0:
0x88: {  	s2 =	sld [smem:$0x3FD9]  }
0x89: {  	s3 =	sld [smem:$0x3FFE];
	_ =	sdelay $0x1  }
0x8a: {  	s1 =	srdreg.scid  }
0x8b: {  	s0 =	sand.u32 $0x1, s1  }
0x8c: {  	s16 =	sshll.u32 s0, $0xA;
	s2 =	sadd.s32 s3, s2  }
0x8d: {  	s2 =	sadd.s32 s2, s16  }
0x8e: {  	[smem:$0x3FC3] =	sst s2  }
0x8f: {  	_ = 	snop  }
0x90: {  	(tm) =	ssettm $0x1  }
0x91: {  	s17 =	sld [smem:$0x3FFB];
	_ =	sdelay $0x3  }
0x92: {  	_ =	strace s17  }
0x93: {  	s2 =	sld [smem:$0x3FFC];
	_ =	sdelay $0x3  }
0x94: {  	_ =	strace s2  }
0x95: {  	s2 =	sld [smem:$0x3FFD];
	_ =	sdelay $0x3  }
0x96: {  	_ =	strace s2  }
0x97: {  	_ =	strace $0x8FFFFFFF  }
0x98: {  	s18 =	sld [smem:$0x3FDB];
	_ =	sdelay $0x1  }
0x99: {  	s19 =	simm.s32 $_scs_section_size  }
0x9a: {  	s4 =	simm.s32 $_size__tile_overlayer_lowered;
	s5 =	simm.s32 $_tile_overlayer_lowered  }
0x9b: {  	s22 =	simm.s32 $0x1BFF;
	s21 =	sshll.u32 s5, $0x1;
	s2 =	sadd.s32 s19, s18  }
0x9c: {  	s6 =	simm.s32 $0x0;
	s20 =	sshll.u32 s4, $0x1;
	s4 =	sadd.s32 s21, s2  }
0x9d: {  	[timem:s6], [sflag:s22] =	dma.local [hbm:s4], s20  }
0x9e: {  	_ =	swait.ge [sflag:s22], s20  }
0x9f: {  	s3 =	ssub.s32 $0x0, s20;
	[sflag:s22] =	ssyncset.done $0x0  }
0xa0: {  	[sflag:s22] =	ssyncadd.s32 s3;
	_ =	sdelay $0x1  }
0xa1: {  	s23 =	simm.s32 $0x1B8B  }
0xa2: {  	_ =	swait.ge [sflag:s23], $0x1  }
0xa3: {  	[sflag:s23] =	ssyncset.done $0x0  }
0xa4: {  	s25 =	simm.s32 $0x1B8E;
	s24 =	sld [smem:$0x3FFE];
	[sflag:s23] =	ssyncadd.s32 $0xFFFFFFFF  }
0xa5: {  	s26 =	simm.s32 $execute0_lowered;
	[smem:$0x3FD2] =	sst s25  }
0xa6: {  	s4 =	sshll.u32 s26, $0x1;
	_ =	strace $0x8000004C;
	[dreg:$0x1] =	wrdreg $0xFFFFFFFF  }
0xa7: {  	s28 =	simm.s32 $_size_execute0_lowered;
	s2 =	sadd.s32 s2, s4;
	[dreg:$0x0] =	wrdreg $0x0  }
0xa8: {  	s4 =	sshll.u32 s28, $0x1;
	[dreg:$0x2] =	wrdreg s2  }
0xa9: {  	[dreg:$0x3] =	wrdreg s4  }
0xaa: {  	[dreg:$0x4] =	wrdreg $0xC0  }
0xab: {  	_ =	task [dreg:s6], $0x5FFFF  }
0xac: {  	[dreg:$0x1] =	wrdreg $0xFFFFFFFF  }
0xad: {  	[dreg:$0x0] =	wrdreg $0x60  }
0xae: {  	[dreg:$0x2] =	wrdreg s24  }
0xaf: {  	[dreg:$0x3] =	wrdreg $0x0  }
0xb0: {  	[dreg:$0x4] =	wrdreg $0x9  }
0xb1: {  	_ =	task.clear_ibuf [dreg:s6], $0x5FFFF;
	_ =	strace $0x9000004C  }
0xb2: {  	s29 =	simm.s32 $0x9;
	_ =	strace $0x8000004E  }
0xb3: {  	_ =	swait.ge [sflag:s29], $0x1  }
0xb4: {  	[sflag:s29] =	ssyncadd.s32 $0xFFFFFFFF  }
0xb5: {  	_ =	strace $0x9000004E  }
0xb6: {  	_ =	sfence  }
0xb7: {  	s30 =	sld [smem:$0x0];
	_ =	sdelay $0x2  }
0xb8: {  	s31 =	sshll.u32 s1, $0xD;
	s1 =	sshrl.u32 s1, $0x2  }
0xb9: {  	s3 =	sand.u32 $0x4000, s31;
	s1 =	sadd.s32 s1, s30  }
0xba: {  	s0 =	sor.u32 s3, s0;
	s1 =	sshll.u32 s1, $0x11  }
0xbb: {  	s0 =	sor.u32 s1, s0  }
0xbc: {  	s0 =	sadd.s32 $0x8F2B, s0  }
0xbd: {  	[sflag:s0] =	ssyncadd.remote.s32 $0x1  }
0xbe: {  	_ =	sfence.sel $0xFFFF  }
0xbf: {  	[dreg:$0x0] =	wrdreg $0xFFFFFFFF;
	(pc) =	sbr.abs _section_cstart, $3  }
0xc0: {  	[dreg:$0x1] =	wrdreg $0xFFFFFFFF  }
0xc1: {  	_ =	task.clear_ibuf [dreg:s6], $0x2FFFF;
	_ =	strace $0x9FFFFFFF  }
0xc2: {  	(tm) =	ssettm $0x7FFFFFFF  }
0xc3: {  	_ =	shalt  }
tec
execute0_lowered:
.L_overlay_start_1:
0x0: {  	(tag) =	ssettag $0x1  }
0x1: {  	s0 =	rddreg [dreg:$0x0]  }
0x2: {  	s2 =	rddreg [dreg:$0x1]  }
0x3: {  	s3 =	simm.s32 $0x0;
	s9 =	stileid.u32;
	s5 =	srdreg.scid  }
0x4: {  	s28 =	simm.s32 $0x1B8D0;
	s29 =	simm.s32 $0x1DC20;
	s30 =	simm.s32 $0x1B920  }
0x5: {  	s31 =	simm.s32 $0x1E620;
	s10 =	simm.s32 $0x1BA10;
	s11 =	simm.s32 $0x1F110  }
0x6: {  	s12 =	simm.s32 $0x1BA60;
	[smem:$0x7FF] =	sst s3;
	s1 =	smul.u32 $0x30D4, s9  }
0x7: {  	s4 =	sadd.s32 $0xC6400, s0;
	s5 =	sand.u32 $0x1, s5;
	s6 =	smul.u32 $0x61C00, s9  }
0x8: {  	s14 =	smul.u32 $0xC38, s9;
	p0 =	seq.s32 s9, $0xF;
	s9 =	simm.s32 $0x1F0C0  }
0x9: {  	_ =	strace $0x8000004D;
	s7 =	ssub.s32 $0x2, s5;
	s13 =	smul.u32 $0xC350, s5  }
0xa: {  	s5 =	smul.u32 $0x186A00, s5;
	s1 =	sadd.s32 s1, s0;
	s8 =	sshrl.u32 s7, $0x1  }
0xb: {  	s0 =	sadd.s32 $0x189C00, s0;
	s6 =	sshrl.u32 s6, $0x2;
	s7 =	ssub.s32 s7, s8  }
0xc: {  	s16 =	sadd.s32 s6, s2;
	s21 =	sadd.s32 s14, s13;
	s24 =	sadd.s32 $0x33A00, s1  }
0xd: {  	s5 =	sshrl.u32 s5, $0x3;
	s25 =	sadd.s32 $0x2C00, s1;
	[dreg:$0x3] =	wrdreg s24  }
0xe: {  	s1 =	simm.s32 $0x1F020;
	s6 =	sadd.s32 $0x30E0, s16;
	[dreg:$0x4] =	wrdreg s25  }
0xf: {  	s8 =	simm.s32 $0x1B9C0;
	s15 =	sadd.s32 $0x61C0, s16;
	[dreg:$0x5] =	wrdreg s6  }
0x10: {  	v0 =	vmov s13;
	s13 =	simm.s32 $0x1F160;
	s17 =	sadd.s32 $0x92A0, s16;
	[dreg:$0x6] =	wrdreg s15  }
0x11: {  	s14 =	simm.s32 $0x1BAB0;
	s18 =	sadd.s32 $0xC380, s16;
	[dreg:$0x7] =	wrdreg s17  }
0x12: {  	s19 =	sadd.s32 $0xF460, s16;
	s20 =	sadd.s32 $0x12540, s16;
	[dreg:$0x8] =	wrdreg s18  }
0x13: {  	s22 =	sadd.s32 $0x15620, s16;
	s5 =	sadd.s32 s0, s5;
	[dreg:$0x9] =	wrdreg s19  }
0x14: {  	s26 =	smax.u32 s7, $0x1;
	s25 =	simm.s32 $0x1B880;
	[dreg:$0xa] =	wrdreg s20  }
0x15: {  	s7 =	simm.s32 $0x1F070;
	[dreg:$0xb] =	wrdreg s22;
	s6 =	sshll.u32 s21, $0x2  }
0x16: {  	s23 =	sadd.s32 $0x2DD20, s5;
	s5 =	sadd.s32 $0x16E900, s2;
	[dreg:$0xe] =	wrdreg s26  }
0x17: {  	s17 =	simm.s32 $0x2;
	s18 =	simm.s32 $0x1B7E0;
	s20 =	simm.s32 $0x50  }
0x18: {  	s21 =	simm.s32 $0x1BE20;
	s22 =	simm.s32 $0x1B830;
	s26 =	simm.s32 $0x1D220  }
0x19: {  	s19 =	simm.s32 $0x0;
	s0 =	sadd.s32 s0, s6;
	[dreg:$0xd] =	wrdreg s23  }
0x1a: {  	s23 =	simm.s32 $0x1C820;
	[dreg:$0xc] =	wrdreg s0;
	s0 =	sshrl.u32 @p0 s5, $0x3  }
0x1b: {  	v1 =	vimm.f32 $0.0e+00;
	s6 =	simm.s32 $0x1B970;
	[dreg:$0xf] =	wrdreg s0;
	s0 =	simm.s32 $0x1  }
.LBB2_1:
0x1c: {  	[dreg:$0x10] =	wrdreg s19;
	s5 =	sand.u32 $0xFF80, s3  }
0x1d: {  	s19 =	smov.u32 s16;
	s15 =	sand.u32 $0x10, s3;
	s5 =	sshrl.u32 s5, $0x2  }
0x1e: {  	s24 =	simm.s32 $0x40;
	s16 =	sor.u32 s15, s5;
	s5 =	simm.s32 $0x0  }
.LBB2_2:
0x1f: {  	p1 =	sne.s32 s24, $0xC340  }
0x20: {  	[tilespmem:s16+$0x18700] =	vst v1;
	s5 =	sadd.s32 $0x10, s5;
	s16 =	smov.u32 s24;
	s24 =	sadd.s32 $0x40, s24  }
.Ltmp0:
0x21: {  	(pc) =	sbr.rel @p1 .LBB2_2-.Ltmp0, $4  }
0x22: {  	_ = 	snop  }
0x23: {  	s16 =	sand.u32 $0xFF80, s16  }
0x24: {  	s15 =	sand.u32 $0x10, s5;
	s16 =	sshrl.u32 s16, $0x2  }
0x25: {  	s16 =	sor.u32 s15, s16  }
0x26: {  	[tilespmem:s16+$0x18700] =	vst v1;
	s15 =	simm.s32 $0x18700  }
0x27: {  	[spmem:s19] =	stream.linear.scatter [tilespmem:s15], [sflag:$0x2], $0x30E0, $0x38;
	[tilespmem:$0x1F1B0] =	vst v63  }
0x28: {  	_ =	swait.ge [sflag:s17], $0x30E0  }
0x29: {  	[sflag:s17] =	ssyncset.done $0x0  }
0x2a: {  	s5 =	rddreg [dreg:$0x5];
	[sflag:s17] =	ssyncadd.s32 $0xFFFFCF20  }
0x2b: {  	[spmem:s5] =	stream.linear.scatter [tilespmem:s15], [sflag:$0x2], $0x30E0, $0x38;
	[tilespmem:$0x1F1B0] =	vst v63  }
0x2c: {  	_ =	swait.ge [sflag:s17], $0x30E0  }
0x2d: {  	[sflag:s17] =	ssyncset.done $0x0  }
0x2e: {  	s16 =	smov.u32 s19;
	s19 =	rddreg [dreg:$0x6];
	[sflag:s17] =	ssyncadd.s32 $0xFFFFCF20  }
0x2f: {  	[spmem:s19] =	stream.linear.scatter [tilespmem:s15], [sflag:$0x2], $0x30E0, $0x38;
	[tilespmem:$0x1F1B0] =	vst v63  }
0x30: {  	_ =	swait.ge [sflag:s17], $0x30E0  }
0x31: {  	[sflag:s17] =	ssyncset.done $0x0  }
0x32: {  	s24 =	rddreg [dreg:$0x7];
	[sflag:s17] =	ssyncadd.s32 $0xFFFFCF20  }
0x33: {  	[spmem:s24] =	stream.linear.scatter [tilespmem:s15], [sflag:$0x2], $0x30E0, $0x38;
	[tilespmem:$0x1F1B0] =	vst v63  }
0x34: {  	_ =	swait.ge [sflag:s17], $0x30E0  }
0x35: {  	[sflag:s17] =	ssyncset.done $0x0  }
0x36: {  	s19 =	rddreg [dreg:$0x8];
	[sflag:s17] =	ssyncadd.s32 $0xFFFFCF20  }
0x37: {  	[spmem:s19] =	stream.linear.scatter [tilespmem:s15], [sflag:$0x2], $0x30E0, $0x38;
	[tilespmem:$0x1F1B0] =	vst v63  }
0x38: {  	_ =	swait.ge [sflag:s17], $0x30E0  }
0x39: {  	[sflag:s17] =	ssyncset.done $0x0  }
0x3a: {  	s24 =	rddreg [dreg:$0x9];
	[sflag:s17] =	ssyncadd.s32 $0xFFFFCF20  }
0x3b: {  	[spmem:s24] =	stream.linear.scatter [tilespmem:s15], [sflag:$0x2], $0x30E0, $0x38;
	[tilespmem:$0x1F1B0] =	vst v63  }
0x3c: {  	_ =	swait.ge [sflag:s17], $0x30E0  }
0x3d: {  	[sflag:s17] =	ssyncset.done $0x0  }
0x3e: {  	s19 =	rddreg [dreg:$0xa];
	[sflag:s17] =	ssyncadd.s32 $0xFFFFCF20  }
0x3f: {  	[spmem:s19] =	stream.linear.scatter [tilespmem:s15], [sflag:$0x2], $0x30E0, $0x38;
	[tilespmem:$0x1F1B0] =	vst v63  }
0x40: {  	_ =	swait.ge [sflag:s17], $0x30E0  }
0x41: {  	[sflag:s17] =	ssyncset.done $0x0  }
0x42: {  	s24 =	rddreg [dreg:$0xb];
	[sflag:s17] =	ssyncadd.s32 $0xFFFFCF20  }
0x43: {  	[spmem:s24] =	stream.linear.scatter [tilespmem:s15], [sflag:$0x2], $0x30E0, $0x38;
	[tilespmem:$0x1F1B0] =	vst v63  }
0x44: {  	_ =	swait.ge [sflag:s17], $0x30E0  }
0x45: {  	[sflag:s17] =	ssyncset.done $0x0  }
0x46: {  	[sflag:s17] =	ssyncadd.s32 $0xFFFFCF20  }
0x47: {  	s24 =	simm.s32 $0x0;
	s15 =	simm.s32 $0x1BB00;
	[bflag:$0x0] =	sbarrier.arrive $0xFFFF  }
.LBB2_4:
0x48: {  	s5 =	rddreg [dreg:$0x4]  }
0x49: {  	s5 =	sadd.s32 s24, s5  }
0x4a: {  	[tilespmem:s18], [sflag:$0x2] =	stream.linear.gather [hbm4b:s5+s3], $0x320, $0x38;
	[tilespmem:$0x1F1B0] =	vst v63  }
0x4b: {  	_ =	swait.ge [sflag:s17], $0x320  }
0x4c: {  	s19 =	rddreg [dreg:$0x3];
	[sflag:s17] =	ssyncset.done $0x0  }
0x4d: {  	[sflag:s17] =	ssyncadd.s32 $0xFFFFFCE0;
	s5 =	sadd.s32 s24, s19  }
0x4e: {  	[tilespmem:s15], [sflag:$0x2] =	stream.linear.gather [hbm4b:s5+s3], $0x320, $0x38;
	[tilespmem:$0x1F1B0] =	vst v63  }
0x4f: {  	_ =	swait.ge [sflag:s17], $0x320  }
0x50: {  	[sflag:s17] =	ssyncset.done $0x0  }
0x51: {  	[sflag:s17] =	ssyncadd.s32 $0xFFFFFCE0  }
0x52: {  	[tilespmem:s21], [sflag:$0x1] =	stream.indirect.gather [hbm4b:s4+s20], $0x20, s18, s20, $0xb8;
	[tilespmem:$0x1F1B0] =	vst v63  }
0x53: {  	_ = 	snop  }
0x54: {  	[tilespmem:s23], [sflag:$0x1] =	stream.indirect.gather [hbm4b:s4+s20], $0x20, s22, s20, $0xb8;
	[tilespmem:$0x1F1B0] =	vst v63  }
0x55: {  	_ = 	snop  }
0x56: {  	[tilespmem:s26], [sflag:$0x1] =	stream.indirect.gather [hbm4b:s4+s20], $0x20, s25, s20, $0xb8;
	[tilespmem:$0x1F1B0] =	vst v63  }
0x57: {  	_ = 	snop  }
0x58: {  	[tilespmem:s29], [sflag:$0x1] =	stream.indirect.gather [hbm4b:s4+s20], $0x20, s28, s20, $0xb8;
	[tilespmem:$0x1F1B0] =	vst v63  }
0x59: {  	_ = 	snop  }
0x5a: {  	[tilespmem:s31], [sflag:$0x1] =	stream.indirect.gather [hbm4b:s4+s20], $0x20, s30, s20, $0xb8;
	[tilespmem:$0x1F1B0] =	vst v63  }
0x5b: {  	_ =	swait.ge [sflag:s0], $0xA00  }
0x5c: {  	[sflag:s0] =	ssyncset.done $0x0  }
0x5d: {  	[sflag:s0] =	ssyncadd.s32 $0xFFFFF600  }
0x5e: {  	v2 =	vld [tilespmem:$0x1BB00]  }
0x5f: {  	v3 =	vld [tilespmem:$0x1BB10]  }
0x60: {  	v4 =	vld [tilespmem:$0x1BB20]  }
0x61: {  	v5 =	vld [tilespmem:$0x1BB30]  }
0x62: {  	v6 =	vld [tilespmem:$0x1BB40]  }
0x63: {  	v2 =	vsub.s32 v2, v0  }
0x64: {  	v3 =	vsub.s32 v3, v0;
	v2 =	vmin.u32 v2, $0xC350  }
0x65: {  	[tilespmem:$0x1F020] =	vst v2;
	v2 =	vmin.u32 v3, $0xC350;
	v3 =	vsub.s32 v4, v0  }
0x66: {  	[tilespmem:$0x1F030] =	vst v2;
	v2 =	vmin.u32 v3, $0xC350;
	v3 =	vsub.s32 v5, v0  }
0x67: {  	[tilespmem:$0x1F040] =	vst v2;
	v2 =	vmin.u32 v3, $0xC350;
	v3 =	vsub.s32 v6, v0  }
0x68: {  	[tilespmem:$0x1F050] =	vst v2;
	v2 =	vmin.u32 v3, $0xC350  }
0x69: {  	[tilespmem:$0x1F060] =	vst v2  }
0x6a: {  	[spmem:s2] =	stream.indirect.scatter.add.f32 [tilespmem:s21], [sflag:$0x2], $0x20, s1, s20, $0xb8;
	[tilespmem:$0x1F1B0] =	vst v63  }
0x6b: {  	_ =	swait.ge [sflag:s17], $0xA00  }
0x6c: {  	[sflag:s17] =	ssyncset.done $0x0  }
0x6d: {  	[sflag:s17] =	ssyncadd.s32 $0xFFFFF600  }
0x6e: {  	[tilespmem:s21], [sflag:$0x1] =	stream.indirect.gather [hbm4b:s4+s20], $0x20, s6, s20, $0xb8;
	[tilespmem:$0x1F1B0] =	vst v63  }
0x6f: {  	_ =	swait.ge [sflag:s0], $0xA00  }
0x70: {  	[sflag:s0] =	ssyncset.done $0x0  }
0x71: {  	[sflag:s0] =	ssyncadd.s32 $0xFFFFF600  }
0x72: {  	v2 =	vld [tilespmem:$0x1BB50]  }
0x73: {  	v3 =	vld [tilespmem:$0x1BB60]  }
0x74: {  	v37 =	vld [tilespmem:$0x1BB70]  }
0x75: {  	v38 =	vld [tilespmem:$0x1BB80]  }
0x76: {  	v39 =	vld [tilespmem:$0x1BB90]  }
0x77: {  	v2 =	vsub.s32 v2, v0  }
0x78: {  	v3 =	vsub.s32 v3, v0;
	v2 =	vmin.u32 v2, $0xC350  }
0x79: {  	[tilespmem:$0x1F070] =	vst v2;
	v2 =	vmin.u32 v3, $0xC350;
	v3 =	vsub.s32 v37, v0  }
0x7a: {  	[tilespmem:$0x1F080] =	vst v2;
	v2 =	vmin.u32 v3, $0xC350;
	v3 =	vsub.s32 v38, v0  }
0x7b: {  	[tilespmem:$0x1F090] =	vst v2;
	v2 =	vmin.u32 v3, $0xC350;
	v3 =	vsub.s32 v39, v0  }
0x7c: {  	[tilespmem:$0x1F0A0] =	vst v2;
	v2 =	vmin.u32 v3, $0xC350  }
0x7d: {  	[tilespmem:$0x1F0B0] =	vst v2  }
0x7e: {  	[spmem:s2] =	stream.indirect.scatter.add.f32 [tilespmem:s23], [sflag:$0x2], $0x20, s7, s20, $0xb8;
	[tilespmem:$0x1F1B0] =	vst v63  }
0x7f: {  	_ =	swait.ge [sflag:s17], $0xA00  }
0x80: {  	[sflag:s17] =	ssyncset.done $0x0  }
0x81: {  	[sflag:s17] =	ssyncadd.s32 $0xFFFFF600  }
0x82: {  	[tilespmem:s23], [sflag:$0x1] =	stream.indirect.gather [hbm4b:s4+s20], $0x20, s8, s20, $0xb8;
	[tilespmem:$0x1F1B0] =	vst v63  }
0x83: {  	_ =	swait.ge [sflag:s0], $0xA00  }
0x84: {  	[sflag:s0] =	ssyncset.done $0x0  }
0x85: {  	[sflag:s0] =	ssyncadd.s32 $0xFFFFF600  }
0x86: {  	v2 =	vld [tilespmem:$0x1BBA0]  }
0x87: {  	v3 =	vld [tilespmem:$0x1BBB0]  }
0x88: {  	v40 =	vld [tilespmem:$0x1BBC0]  }
0x89: {  	v41 =	vld [tilespmem:$0x1BBD0]  }
0x8a: {  	v42 =	vld [tilespmem:$0x1BBE0]  }
0x8b: {  	v2 =	vsub.s32 v2, v0  }
0x8c: {  	v3 =	vsub.s32 v3, v0;
	v2 =	vmin.u32 v2, $0xC350  }
0x8d: {  	[tilespmem:$0x1F0C0] =	vst v2;
	v2 =	vmin.u32 v3, $0xC350;
	v3 =	vsub.s32 v40, v0  }
0x8e: {  	[tilespmem:$0x1F0D0] =	vst v2;
	v2 =	vmin.u32 v3, $0xC350;
	v3 =	vsub.s32 v41, v0  }
0x8f: {  	[tilespmem:$0x1F0E0] =	vst v2;
	v2 =	vmin.u32 v3, $0xC350;
	v3 =	vsub.s32 v42, v0  }
0x90: {  	[tilespmem:$0x1F0F0] =	vst v2;
	v2 =	vmin.u32 v3, $0xC350  }
0x91: {  	[tilespmem:$0x1F100] =	vst v2  }
0x92: {  	[spmem:s2] =	stream.indirect.scatter.add.f32 [tilespmem:s26], [sflag:$0x2], $0x20, s9, s20, $0xb8;
	[tilespmem:$0x1F1B0] =	vst v63  }
0x93: {  	_ =	swait.ge [sflag:s17], $0xA00  }
0x94: {  	[sflag:s17] =	ssyncset.done $0x0  }
0x95: {  	[sflag:s17] =	ssyncadd.s32 $0xFFFFF600  }
0x96: {  	[tilespmem:s26], [sflag:$0x1] =	stream.indirect.gather [hbm4b:s4+s20], $0x20, s10, s20, $0xb8;
	[tilespmem:$0x1F1B0] =	vst v63  }
0x97: {  	_ =	swait.ge [sflag:s0], $0xA00  }
0x98: {  	[sflag:s0] =	ssyncset.done $0x0  }
0x99: {  	[sflag:s0] =	ssyncadd.s32 $0xFFFFF600  }
0x9a: {  	v2 =	vld [tilespmem:$0x1BBF0]  }
0x9b: {  	v3 =	vld [tilespmem:$0x1BC00]  }
0x9c: {  	v43 =	vld [tilespmem:$0x1BC10]  }
0x9d: {  	v44 =	vld [tilespmem:$0x1BC20]  }
0x9e: {  	v45 =	vld [tilespmem:$0x1BC30]  }
0x9f: {  	v2 =	vsub.s32 v2, v0  }
0xa0: {  	v3 =	vsub.s32 v3, v0;
	v2 =	vmin.u32 v2, $0xC350  }
0xa1: {  	[tilespmem:$0x1F110] =	vst v2;
	v2 =	vmin.u32 v3, $0xC350;
	v3 =	vsub.s32 v43, v0  }
0xa2: {  	[tilespmem:$0x1F120] =	vst v2;
	v2 =	vmin.u32 v3, $0xC350;
	v3 =	vsub.s32 v44, v0  }
0xa3: {  	[tilespmem:$0x1F130] =	vst v2;
	v2 =	vmin.u32 v3, $0xC350;
	v3 =	vsub.s32 v45, v0  }
0xa4: {  	[tilespmem:$0x1F140] =	vst v2;
	v2 =	vmin.u32 v3, $0xC350  }
0xa5: {  	[tilespmem:$0x1F150] =	vst v2  }
0xa6: {  	[spmem:s2] =	stream.indirect.scatter.add.f32 [tilespmem:s29], [sflag:$0x2], $0x20, s11, s20, $0xb8;
	[tilespmem:$0x1F1B0] =	vst v63  }
0xa7: {  	_ =	swait.ge [sflag:s17], $0xA00  }
0xa8: {  	[sflag:s17] =	ssyncset.done $0x0  }
0xa9: {  	[sflag:s17] =	ssyncadd.s32 $0xFFFFF600  }
0xaa: {  	[tilespmem:s29], [sflag:$0x1] =	stream.indirect.gather [hbm4b:s4+s20], $0x20, s12, s20, $0xb8;
	[tilespmem:$0x1F1B0] =	vst v63  }
0xab: {  	_ =	swait.ge [sflag:s0], $0xA00  }
0xac: {  	[sflag:s0] =	ssyncset.done $0x0  }
0xad: {  	[sflag:s0] =	ssyncadd.s32 $0xFFFFF600  }
0xae: {  	v2 =	vld [tilespmem:$0x1BC40]  }
0xaf: {  	v3 =	vld [tilespmem:$0x1BC50]  }
0xb0: {  	v46 =	vld [tilespmem:$0x1BC60]  }
0xb1: {  	v47 =	vld [tilespmem:$0x1BC70]  }
0xb2: {  	v48 =	vld [tilespmem:$0x1BC80]  }
0xb3: {  	v2 =	vsub.s32 v2, v0  }
0xb4: {  	v3 =	vsub.s32 v3, v0;
	v2 =	vmin.u32 v2, $0xC350  }
0xb5: {  	[tilespmem:$0x1F160] =	vst v2;
	v2 =	vmin.u32 v3, $0xC350;
	v3 =	vsub.s32 v46, v0  }
0xb6: {  	[tilespmem:$0x1F170] =	vst v2;
	v2 =	vmin.u32 v3, $0xC350;
	v3 =	vsub.s32 v47, v0  }
0xb7: {  	[tilespmem:$0x1F180] =	vst v2;
	v2 =	vmin.u32 v3, $0xC350;
	v3 =	vsub.s32 v48, v0  }
0xb8: {  	[tilespmem:$0x1F190] =	vst v2;
	v2 =	vmin.u32 v3, $0xC350  }
0xb9: {  	[tilespmem:$0x1F1A0] =	vst v2  }
0xba: {  	[spmem:s2] =	stream.indirect.scatter.add.f32 [tilespmem:s31], [sflag:$0x2], $0x20, s13, s20, $0xb8;
	[tilespmem:$0x1F1B0] =	vst v63  }
0xbb: {  	_ =	swait.ge [sflag:s17], $0xA00  }
0xbc: {  	[sflag:s17] =	ssyncset.done $0x0  }
0xbd: {  	[sflag:s17] =	ssyncadd.s32 $0xFFFFF600  }
0xbe: {  	[tilespmem:s31], [sflag:$0x1] =	stream.indirect.gather [hbm4b:s4+s20], $0x20, s14, s20, $0xb8;
	[tilespmem:$0x1F1B0] =	vst v63  }
0xbf: {  	_ =	swait.ge [sflag:s0], $0xA00  }
0xc0: {  	[sflag:s0] =	ssyncset.done $0x0  }
0xc1: {  	[sflag:s0] =	ssyncadd.s32 $0xFFFFF600  }
0xc2: {  	v2 =	vld [tilespmem:$0x1BC90]  }
0xc3: {  	v3 =	vld [tilespmem:$0x1BCA0]  }
0xc4: {  	v49 =	vld [tilespmem:$0x1BCB0]  }
0xc5: {  	v50 =	vld [tilespmem:$0x1BCC0]  }
0xc6: {  	v51 =	vld [tilespmem:$0x1BCD0]  }
0xc7: {  	v2 =	vsub.s32 v2, v0  }
0xc8: {  	v3 =	vsub.s32 v3, v0;
	v2 =	vmin.u32 v2, $0xC350  }
0xc9: {  	[tilespmem:$0x1F020] =	vst v2;
	v2 =	vmin.u32 v3, $0xC350;
	v3 =	vsub.s32 v49, v0  }
0xca: {  	[tilespmem:$0x1F030] =	vst v2;
	v2 =	vmin.u32 v3, $0xC350;
	v3 =	vsub.s32 v50, v0  }
0xcb: {  	[tilespmem:$0x1F040] =	vst v2;
	v2 =	vmin.u32 v3, $0xC350;
	v3 =	vsub.s32 v51, v0  }
0xcc: {  	[tilespmem:$0x1F050] =	vst v2;
	v2 =	vmin.u32 v3, $0xC350  }
0xcd: {  	[tilespmem:$0x1F060] =	vst v2  }
0xce: {  	[spmem:s2] =	stream.indirect.scatter.add.f32 [tilespmem:s21], [sflag:$0x2], $0x20, s1, s20, $0xb8;
	[tilespmem:$0x1F1B0] =	vst v63  }
0xcf: {  	_ =	swait.ge [sflag:s17], $0xA00  }
0xd0: {  	[sflag:s17] =	ssyncset.done $0x0  }
0xd1: {  	[sflag:s17] =	ssyncadd.s32 $0xFFFFF600  }
0xd2: {  	_ =	swait.ge [sflag:s0], $0xA00  }
0xd3: {  	[sflag:s0] =	ssyncset.done $0x0  }
0xd4: {  	[sflag:s0] =	ssyncadd.s32 $0xFFFFF600  }
0xd5: {  	v2 =	vld [tilespmem:$0x1BCE0]  }
0xd6: {  	v3 =	vld [tilespmem:$0x1BCF0]  }
0xd7: {  	v52 =	vld [tilespmem:$0x1BD00]  }
0xd8: {  	v53 =	vld [tilespmem:$0x1BD10]  }
0xd9: {  	v54 =	vld [tilespmem:$0x1BD20]  }
0xda: {  	v2 =	vsub.s32 v2, v0  }
0xdb: {  	v3 =	vsub.s32 v3, v0;
	v2 =	vmin.u32 v2, $0xC350  }
0xdc: {  	[tilespmem:$0x1F070] =	vst v2;
	v2 =	vmin.u32 v3, $0xC350;
	v3 =	vsub.s32 v52, v0  }
0xdd: {  	[tilespmem:$0x1F080] =	vst v2;
	v2 =	vmin.u32 v3, $0xC350;
	v3 =	vsub.s32 v53, v0  }
0xde: {  	[tilespmem:$0x1F090] =	vst v2;
	v2 =	vmin.u32 v3, $0xC350;
	v3 =	vsub.s32 v54, v0  }
0xdf: {  	[tilespmem:$0x1F0A0] =	vst v2;
	v2 =	vmin.u32 v3, $0xC350  }
0xe0: {  	[tilespmem:$0x1F0B0] =	vst v2  }
0xe1: {  	[spmem:s2] =	stream.indirect.scatter.add.f32 [tilespmem:s23], [sflag:$0x2], $0x20, s7, s20, $0xb8;
	[tilespmem:$0x1F1B0] =	vst v63  }
0xe2: {  	_ =	swait.ge [sflag:s17], $0xA00  }
0xe3: {  	[sflag:s17] =	ssyncset.done $0x0  }
0xe4: {  	[sflag:s17] =	ssyncadd.s32 $0xFFFFF600  }
0xe5: {  	_ =	swait.ge [sflag:s0], $0xA00  }
0xe6: {  	[sflag:s0] =	ssyncset.done $0x0  }
0xe7: {  	[sflag:s0] =	ssyncadd.s32 $0xFFFFF600  }
0xe8: {  	v2 =	vld [tilespmem:$0x1BD30]  }
0xe9: {  	v3 =	vld [tilespmem:$0x1BD40]  }
0xea: {  	v55 =	vld [tilespmem:$0x1BD50]  }
0xeb: {  	v56 =	vld [tilespmem:$0x1BD60]  }
0xec: {  	v57 =	vld [tilespmem:$0x1BD70]  }
0xed: {  	v2 =	vsub.s32 v2, v0  }
0xee: {  	v3 =	vsub.s32 v3, v0;
	v2 =	vmin.u32 v2, $0xC350  }
0xef: {  	[tilespmem:$0x1F0C0] =	vst v2;
	v2 =	vmin.u32 v3, $0xC350;
	v3 =	vsub.s32 v55, v0  }
0xf0: {  	[tilespmem:$0x1F0D0] =	vst v2;
	v2 =	vmin.u32 v3, $0xC350;
	v3 =	vsub.s32 v56, v0  }
0xf1: {  	[tilespmem:$0x1F0E0] =	vst v2;
	v2 =	vmin.u32 v3, $0xC350;
	v3 =	vsub.s32 v57, v0  }
0xf2: {  	[tilespmem:$0x1F0F0] =	vst v2;
	v2 =	vmin.u32 v3, $0xC350  }
0xf3: {  	[tilespmem:$0x1F100] =	vst v2  }
0xf4: {  	[spmem:s2] =	stream.indirect.scatter.add.f32 [tilespmem:s26], [sflag:$0x2], $0x20, s9, s20, $0xb8;
	[tilespmem:$0x1F1B0] =	vst v63  }
0xf5: {  	_ =	swait.ge [sflag:s17], $0xA00  }
0xf6: {  	[sflag:s17] =	ssyncset.done $0x0  }
0xf7: {  	[sflag:s17] =	ssyncadd.s32 $0xFFFFF600  }
0xf8: {  	_ =	swait.ge [sflag:s0], $0xA00  }
0xf9: {  	[sflag:s0] =	ssyncset.done $0x0  }
0xfa: {  	[sflag:s0] =	ssyncadd.s32 $0xFFFFF600  }
0xfb: {  	v2 =	vld [tilespmem:$0x1BD80]  }
0xfc: {  	v3 =	vld [tilespmem:$0x1BD90]  }
0xfd: {  	v58 =	vld [tilespmem:$0x1BDA0]  }
0xfe: {  	v59 =	vld [tilespmem:$0x1BDB0]  }
0xff: {  	v60 =	vld [tilespmem:$0x1BDC0]  }
0x100: {  	v2 =	vsub.s32 v2, v0  }
0x101: {  	v3 =	vsub.s32 v3, v0;
	v2 =	vmin.u32 v2, $0xC350  }
0x102: {  	[tilespmem:$0x1F110] =	vst v2;
	v2 =	vmin.u32 v3, $0xC350;
	v3 =	vsub.s32 v58, v0  }
0x103: {  	[tilespmem:$0x1F120] =	vst v2;
	v2 =	vmin.u32 v3, $0xC350;
	v3 =	vsub.s32 v59, v0  }
0x104: {  	[tilespmem:$0x1F130] =	vst v2;
	v2 =	vmin.u32 v3, $0xC350;
	v3 =	vsub.s32 v60, v0  }
0x105: {  	[tilespmem:$0x1F140] =	vst v2;
	v2 =	vmin.u32 v3, $0xC350  }
0x106: {  	[tilespmem:$0x1F150] =	vst v2  }
0x107: {  	[spmem:s2] =	stream.indirect.scatter.add.f32 [tilespmem:s29], [sflag:$0x2], $0x20, s11, s20, $0xb8;
	[tilespmem:$0x1F1B0] =	vst v63  }
0x108: {  	_ =	swait.ge [sflag:s17], $0xA00  }
0x109: {  	[sflag:s17] =	ssyncset.done $0x0  }
0x10a: {  	[sflag:s17] =	ssyncadd.s32 $0xFFFFF600  }
0x10b: {  	_ =	swait.ge [sflag:s0], $0xA00  }
0x10c: {  	[sflag:s0] =	ssyncset.done $0x0  }
0x10d: {  	[sflag:s0] =	ssyncadd.s32 $0xFFFFF600  }
0x10e: {  	v2 =	vld [tilespmem:$0x1BDD0]  }
0x10f: {  	v3 =	vld [tilespmem:$0x1BDE0]  }
0x110: {  	v61 =	vld [tilespmem:$0x1BDF0]  }
0x111: {  	v62 =	vld [tilespmem:$0x1BE00]  }
0x112: {  	v63 =	vld [tilespmem:$0x1BE10]  }
0x113: {  	v2 =	vsub.s32 v2, v0  }
0x114: {  	v3 =	vsub.s32 v3, v0;
	v2 =	vmin.u32 v2, $0xC350  }
0x115: {  	[tilespmem:$0x1F160] =	vst v2;
	v2 =	vmin.u32 v3, $0xC350;
	v3 =	vsub.s32 v61, v0  }
0x116: {  	[tilespmem:$0x1F170] =	vst v2;
	v2 =	vmin.u32 v3, $0xC350;
	v3 =	vsub.s32 v62, v0  }
0x117: {  	[tilespmem:$0x1F180] =	vst v2;
	v2 =	vmin.u32 v3, $0xC350;
	v3 =	vsub.s32 v63, v0  }
0x118: {  	p1 =	sne.s32 s24, $0x3070;
	[tilespmem:$0x1F190] =	vst v2;
	v2 =	vmin.u32 v3, $0xC350  }
.Ltmp1:
0x119: {  	[tilespmem:$0x1F1A0] =	vst v2;
	(pc) =	sbr.rel @p1 .LBB2_4-.Ltmp1, $4  }
0x11a: {  	[spmem:s2] =	stream.indirect.scatter.add.f32 [tilespmem:s31], [sflag:$0x2], $0x20, s13, s20, $0xb8;
	[tilespmem:$0x1F1B0] =	vst v63  }
0x11b: {  	_ =	swait.ge [sflag:s17], $0xA00  }
0x11c: {  	[sflag:s17] =	ssyncset.done $0x0  }
0x11d: {  	s24 =	sadd.s32 $0x64, s24;
	[sflag:s17] =	ssyncadd.s32 $0xFFFFF600  }
0x11e: {  	[bflag:$0x0] =	sbarrier.arrive $0xFFFF  }
0x11f: {  	s15 =	rddreg [dreg:$0xd]  }
0x120: {  	s5 =	simm.s32 @p0 $0x1FC2;
	s19 =	rddreg [dreg:$0xf]  }
0x121: {  	[hbm:s15], [sflag:s5] =	dma.local @p0 [spmem:s19], $0x3020  }
0x122: {  	s5 =	simm.s32 @p0 $0x2  }
0x123: {  	s15 =	stileid.u32;
	_ =	swait.ge @p0 [sflag:s5], $0x3020  }
0x124: {  	s15 =	sshll.u32 @!p0 s15, $0x6;
	[sflag:s5] =	ssyncset.done @p0 $0x0;
	s19 =	rddreg [dreg:$0xc]  }
0x125: {  	[sflag:s5] =	ssyncadd.s32 @p0 $0xFFFFCFE0;
	s5 =	sor.u32 @!p0 $0x1C02, s15;
	s15 =	sshrl.u32 @!p0 s16, $0x3  }
0x126: {  	[hbm:s19], [sflag:s5] =	dma.local @!p0 [spmem:s15], $0x30E0  }
0x127: {  	s5 =	simm.s32 @!p0 $0x2  }
0x128: {  	_ =	swait.ge @!p0 [sflag:s5], $0x30E0  }
0x129: {  	s15 =	rddreg [dreg:$0x10]  }
0x12a: {  	s24 =	rddreg [dreg:$0xe];
	s19 =	sadd.s32 $0x1, s15  }
0x12b: {  	p1 =	sne.s32 s19, s24  }
.Ltmp2:
0x12c: {  	_ = 	snop;
	(pc) =	sbr.rel @p1 .LBB2_1-.Ltmp2, $3  }
0x12d: {  	_ =	sdelay $0x1  }
0x12e: {  	[sflag:s5] =	ssyncset.done @!p0 $0x0  }
0x12f: {  	[sflag:s5] =	ssyncadd.s32 @!p0 $0xFFFFCF20  }
0x130: {  	_ =	sfence.sel $0x180000  }
0x131: {  	[bflag:$0x0] =	sbarrier.arrive $0xFFFF  }
0x132: {  	_ =	strace $0x9000004D  }
0x133: {  	s0 =	stileid.u32;
	[bflag:$0x2] =	sbarrier.arrive $0xFFFF  }
0x134: {  	p0 =	sne.s32 s0, $0x0;
	s0 =	rddreg [dreg:$0x2]  }
0x135: {  	s0 =	sadd.s32 @!p0 $0x100000, s0  }
0x136: {  	[sflag:s0] =	ssyncadd.tile.s32 @!p0 $0x1;
	_ =	shalt  }
.Lfunc_end2:
_tile_overlayer_lowered:
.L_overlay_start_2:
0x137: {  	(tag) =	ssettag $0x2  }
0x138: {  	s0 =	rddreg [dreg:$0x0];
	s2 =	stileid.u32  }
0x139: {  	s1 =	rddreg [dreg:$0x1];
	p0 =	sne.s32 s2, $0x0  }
0x13a: {  	s3 =	rddreg [dreg:$0x2];
	[bflag:$0x3] =	sbarrier.arrive $0xFFFF;
	s2 =	simm.s32 @!p0 $0x1C02  }
0x13b: {  	[timem:s3], [sflag:s2] =	dma.local @!p0 [hbm:s0], s1  }
0x13c: {  	s0 =	simm.s32 @!p0 $0x2  }
0x13d: {  	_ =	swait.ge @!p0 [sflag:s0], s1  }
0x13e: {  	s1 =	ssub.s32 @!p0 $0x0, s1;
	[sflag:s0] =	ssyncset.done @!p0 $0x0  }
0x13f: {  	[sflag:s0] =	ssyncadd.s32 @!p0 s1  }
0x140: {  	[bflag:$0x3] =	sbarrier.arrive $0xFFFF  }
0x141: {  	_ =	shalt  }

// kernel: kernel.19.cloned.1.call-start
scs
__scs_entry_jumppad:
0x0: {  	(pc) =	sbr.rel $0x88, $3  }
0x1: {  	(tag) =	ssettag $0x0;
	lr =	simm.s32 $0x1  }
0x2: {  	[smem:$0x3F9C] =	sst lr;
	_ =	strace $0xD0000000  }
0x3: {  	_ = 	snop  }
0x4: {  	_ = 	snop  }
0x5: {  	_ = 	snop  }
0x6: {  	_ = 	snop  }
0x7: {  	_ = 	snop  }
__scs_overlays_trampoline_lowered:
0x8: {  	[smem:$0x3FAB] =	sst s0  }
0x9: {  	[smem:$0x3FAC] =	sst s1  }
0xa: {  	[smem:$0x3FAD] =	sst s2  }
0xb: {  	[smem:$0x3FAE] =	sst s3  }
0xc: {  	[smem:$0x3FAF] =	sst s4  }
0xd: {  	[smem:$0x3FB0] =	sst s5  }
0xe: {  	[smem:$0x3FB1] =	sst s6  }
0xf: {  	[smem:$0x3FB2] =	sst s7  }
0x10: {  	[smem:$0x3FB3] =	sst s8  }
0x11: {  	[smem:$0x3FB4] =	sst s9;
	s0 =	simm.s32 @!p0 $0x0  }
0x12: {  	s1 =	sld [smem:$0x3F9A];
	s0 =	simm.s32 @p0 $0x1  }
0x13: {  	[smem:$0x3FB5] =	sst s0;
	s0 =	simm.s32 @!p1 $0x0  }
0x14: {  	s2 =	sld [smem:$0x3F99];
	s0 =	simm.s32 @p1 $0x1  }
0x15: {  	[smem:$0x3FB6] =	sst s0;
	s0 =	simm.s32 @!p2 $0x0  }
0x16: {  	s3 =	sld [smem:$0x3FDB];
	s0 =	simm.s32 @p2 $0x1  }
0x17: {  	s4 =	simm.s32 $0x1BF5;
	[smem:$0x3FB8] =	sst s0  }
0x18: {  	s0 =	sld [smem:$0x3F9B];
	_ =	swait.ge [sflag:s4], $0x0  }
0x19: {  	s7 =	sld [smem:$0x3F9C]  }
0x1a: {  	s8 =	sadd.s32 $0xFFFFE003, lr  }
0x1b: {  	s9 =	sadd.s32 $0xFFFFFEF7, lr;
	s5 =	simm.s32 $0xFFFFFFFF;
	p2 =	slt.u32 s8, $0xFFFFF086  }
0x1c: {  	p1 =	slt.u32 s9, $0xF7A;
	s5 =	simm.s32 @!p2 $0x0  }
0x1d: {  	s5 =	simm.s32 @p1 $0x1;
	p0 =	seq.s32 s7, s2  }
0x1e: {  	s7 =	smul.u32 @!p0 $0xF7A, s2;
	p2 =	seq.s32 @!p0 s5, $0x0  }
0x1f: {  	s9 =	smul.u32 $0xF7A, s1;
	s8 =	simm.s32 @!p0 $0x1BF5;
	p2 =	por !p2, p0  }
0x20: {  	[sflag:s8] =	ssyncset.s32 @!p0 $0xFFFFF086;
	s6 =	sadd.s32 @!p0 s3, s7;
	s7 =	simm.s32 @!p0 $0x108  }
0x21: {  	s3 =	sadd.s32 s3, s9;
	s6 =	sadd.s32 @!p0 $0x88, s6;
	s7 =	simm.s32 @p2 $0x1082  }
0x22: {  	[simem:s7], [sflag:s8] =	dma.local @!p0 [hbm:s6], $0xF7A  }
0x23: {  	s9 =	sor.u32 $0xD0000000, s2;
	s6 =	simm.s32 $0x108;
	_ =	swait.ge @!p0 [sflag:s8], $0x0  }
0x24: {  	s3 =	sadd.s32 $0x88, s3;
	s6 =	simm.s32 @!p1 $0x1082;
	[sflag:s4] =	ssyncset.s32 $0xFFFFF086  }
0x25: {  	[simem:s6], [sflag:s4] =	dma.local [hbm:s3], $0xF7A  }
0x26: {  	[smem:$0x3F9C] =	sst s1;
	(tag) =	ssettag s2;
	_ =	strace s9  }
0x27: {  	s1 =	sld [smem:$0x3FAC]  }
0x28: {  	s2 =	sld [smem:$0x3FAD]  }
0x29: {  	s4 =	sld [smem:$0x3FAF]  }
0x2a: {  	p0 =	seq.s32 s5, $0x0;
	s5 =	sld [smem:$0x3FB0]  }
0x2b: {  	s6 =	sld [smem:$0x3FB1]  }
0x2c: {  	s7 =	sld [smem:$0x3FB2]  }
0x2d: {  	s3 =	simm.s32 $0x108;
	s8 =	sld [smem:$0x3FB3]  }
0x2e: {  	s3 =	simm.s32 @!p0 $0x1082;
	s9 =	sld [smem:$0x3FB4]  }
0x2f: {  	lr =	sadd.s32 s0, s3;
	s0 =	sld [smem:$0x3FAB]  }
0x30: {  	s3 =	sld [smem:$0x3FAE]  }
0x31: {  	[smem:$0x3FB7] =	sst s10  }
0x32: {  	s10 =	sld [smem:$0x3FB5];
	_ =	sdelay $0x3  }
0x33: {  	p0 =	seq.s32 s10, $0x1;
	s10 =	sld [smem:$0x3FB7];
	_ =	sdelay $0x3  }
0x34: {  	[smem:$0x3FB7] =	sst s10  }
0x35: {  	s10 =	sld [smem:$0x3FB6];
	_ =	sdelay $0x3  }
0x36: {  	p1 =	seq.s32 s10, $0x1;
	s10 =	sld [smem:$0x3FB7];
	_ =	sdelay $0x3  }
0x37: {  	[smem:$0x3FB7] =	sst s10  }
0x38: {  	s10 =	sld [smem:$0x3FB8]  }
0x39: {  	_ = 	snop;
	(pc) =	sbr.ind lr, $3  }
0x3a: {  	_ = 	snop  }
0x3b: {  	_ = 	snop  }
0x3c: {  	p2 =	seq.s32 s10, $0x1;
	s10 =	sld [smem:$0x3FB7]  }
0x3d: {  	_ =	shalt  }
0x3e: {  	_ =	shalt  }
0x3f: {  	_ =	shalt  }
0x40: {  	_ =	shalt  }
0x41: {  	_ =	shalt  }
0x42: {  	_ =	shalt  }
0x43: {  	_ =	shalt  }
0x44: {  	_ =	shalt  }
0x45: {  	_ =	shalt  }
0x46: {  	_ =	shalt  }
0x47: {  	_ =	shalt  }
0x48: {  	_ =	shalt  }
0x49: {  	_ =	shalt  }
0x4a: {  	_ =	shalt  }
0x4b: {  	_ =	shalt  }
0x4c: {  	_ =	shalt  }
0x4d: {  	_ =	shalt  }
0x4e: {  	_ =	shalt  }
0x4f: {  	_ =	shalt  }
0x50: {  	_ =	shalt  }
0x51: {  	_ =	shalt  }
0x52: {  	_ =	shalt  }
0x53: {  	_ =	shalt  }
0x54: {  	_ =	shalt  }
0x55: {  	_ =	shalt  }
0x56: {  	_ =	shalt  }
0x57: {  	_ =	shalt  }
0x58: {  	_ =	shalt  }
0x59: {  	_ =	shalt  }
0x5a: {  	_ =	shalt  }
0x5b: {  	_ =	shalt  }
0x5c: {  	_ =	shalt  }
0x5d: {  	_ =	shalt  }
0x5e: {  	_ =	shalt  }
0x5f: {  	_ =	shalt  }
0x60: {  	_ =	shalt  }
0x61: {  	_ =	shalt  }
0x62: {  	_ =	shalt  }
0x63: {  	_ =	shalt  }
0x64: {  	_ =	shalt  }
0x65: {  	_ =	shalt  }
0x66: {  	_ =	shalt  }
0x67: {  	_ =	shalt  }
0x68: {  	_ =	shalt  }
0x69: {  	_ =	shalt  }
0x6a: {  	_ =	shalt  }
0x6b: {  	_ =	shalt  }
0x6c: {  	_ =	shalt  }
0x6d: {  	_ =	shalt  }
0x6e: {  	_ =	shalt  }
0x6f: {  	_ =	shalt  }
0x70: {  	_ =	shalt  }
0x71: {  	_ =	shalt  }
0x72: {  	_ =	shalt  }
0x73: {  	_ =	shalt  }
0x74: {  	_ =	shalt  }
0x75: {  	_ =	shalt  }
0x76: {  	_ =	shalt  }
0x77: {  	_ =	shalt  }
0x78: {  	_ =	shalt  }
0x79: {  	_ =	shalt  }
0x7a: {  	_ =	shalt  }
0x7b: {  	_ =	shalt  }
0x7c: {  	_ =	shalt  }
0x7d: {  	_ =	shalt  }
0x7e: {  	_ =	shalt  }
0x7f: {  	_ =	shalt  }
0x80: {  	_ =	shalt  }
0x81: {  	_ =	shalt  }
0x82: {  	_ =	shalt  }
0x83: {  	_ =	shalt  }
0x84: {  	_ =	shalt  }
0x85: {  	_ =	shalt  }
0x86: {  	_ =	shalt  }
0x87: {  	_ =	shalt  }
.Lfunc_end0:
.L_simem_size_0:
called_computation.3_lowered:
.L_overlay_start_0:
0x88: {  	s2 =	sld [smem:$0x3FD9]  }
0x89: {  	s3 =	sld [smem:$0x3FFE];
	_ =	sdelay $0x1  }
0x8a: {  	s1 =	srdreg.scid  }
0x8b: {  	s0 =	sand.u32 $0x1, s1  }
0x8c: {  	s14 =	sshll.u32 s0, $0xA;
	s2 =	sadd.s32 s3, s2  }
0x8d: {  	s2 =	sadd.s32 s2, s14  }
0x8e: {  	[smem:$0x3FC3] =	sst s2  }
0x8f: {  	_ = 	snop  }
0x90: {  	s2 =	sld [smem:$0x3FD0];
	_ =	sdelay $0x2  }
0x91: {  	s4 =	simm.s32 $0xA;
	s5 =	simm.s32 $0x10;
	s15 =	sld [smem:$0x3FC8]  }
0x92: {  	[smem:s5], [sflag:s4] =	dma.local [hbm:s2], $0x1  }
0x93: {  	_ =	swait.eq [sflag:s4], $0x1  }
0x94: {  	[sflag:s4] =	ssyncset.done $0x0  }
0x95: {  	s16 =	sld [smem:$0x10];
	[sflag:s4] =	ssyncadd.s32 $0xFFFFFFFF  }
0x96: {  	s17 =	sld [smem:$0x11];
	(tm) =	ssettm $0x1  }
0x97: {  	s18 =	sld [smem:$0x3FFB];
	_ =	sdelay $0x3  }
0x98: {  	_ =	strace s18  }
0x99: {  	s5 =	sld [smem:$0x3FFC];
	_ =	sdelay $0x3  }
0x9a: {  	_ =	strace s5  }
0x9b: {  	s5 =	sld [smem:$0x3FFD];
	_ =	sdelay $0x3  }
0x9c: {  	_ =	strace s5  }
0x9d: {  	_ =	strace $0x8FFFFFFF  }
0x9e: {  	s19 =	sld [smem:$0x3FDB];
	_ =	sdelay $0x1  }
0x9f: {  	s6 =	simm.s32 $_scs_section_size  }
0xa0: {  	s7 =	simm.s32 $_size__tile_overlayer_lowered;
	s8 =	simm.s32 $_tile_overlayer_lowered  }
0xa1: {  	s22 =	simm.s32 $0x1BFF;
	s21 =	sshll.u32 s8, $0x1;
	s5 =	sadd.s32 s6, s19  }
0xa2: {  	s9 =	simm.s32 $0x0;
	s20 =	sshll.u32 s7, $0x1;
	s7 =	sadd.s32 s21, s5  }
0xa3: {  	[timem:s9], [sflag:s22] =	dma.local [hbm:s7], s20  }
0xa4: {  	_ =	swait.ge [sflag:s22], s20  }
0xa5: {  	s6 =	ssub.s32 $0x0, s20;
	[sflag:s22] =	ssyncset.done $0x0  }
0xa6: {  	[sflag:s22] =	ssyncadd.s32 s6;
	_ =	sdelay $0x1  }
0xa7: {  	s23 =	simm.s32 $0x1B8B  }
0xa8: {  	_ =	swait.ge [sflag:s23], $0x1  }
0xa9: {  	[sflag:s23] =	ssyncset.done $0x0  }
0xaa: {  	s25 =	simm.s32 $0x1B8E;
	s24 =	sld [smem:$0x3FFE];
	[sflag:s23] =	ssyncadd.s32 $0xFFFFFFFF  }
0xab: {  	s26 =	simm.s32 $execute0_lowered;
	[smem:$0x3FD2] =	sst s25  }
0xac: {  	s7 =	sshll.u32 s26, $0x1;
	_ =	strace $0x8000004F;
	[dreg:$0x1] =	wrdreg $0xFFFFFFFF  }
0xad: {  	s28 =	simm.s32 $_size_execute0_lowered;
	s5 =	sadd.s32 s5, s7;
	[dreg:$0x0] =	wrdreg $0x0  }
0xae: {  	s7 =	sshll.u32 s28, $0x1;
	[dreg:$0x2] =	wrdreg s5  }
0xaf: {  	[dreg:$0x3] =	wrdreg s7  }
0xb0: {  	[dreg:$0x4] =	wrdreg $0xC0  }
0xb1: {  	_ =	task [dreg:s9], $0x5FFFF  }
0xb2: {  	[dreg:$0x1] =	wrdreg $0xFFFFFFFF  }
0xb3: {  	[dreg:$0x0] =	wrdreg $0x60  }
0xb4: {  	[dreg:$0x2] =	wrdreg s24  }
0xb5: {  	[dreg:$0x3] =	wrdreg s15  }
0xb6: {  	[dreg:$0x4] =	wrdreg s17  }
0xb7: {  	[dreg:$0x5] =	wrdreg s16  }
0xb8: {  	[dreg:$0x6] =	wrdreg $0x9  }
0xb9: {  	_ =	task.clear_ibuf [dreg:s9], $0x7FFFF;
	_ =	strace $0x9000004F  }
0xba: {  	s29 =	simm.s32 $0x9;
	_ =	strace $0x80000051  }
0xbb: {  	_ =	swait.ge [sflag:s29], $0x1  }
0xbc: {  	[sflag:s29] =	ssyncadd.s32 $0xFFFFFFFF  }
0xbd: {  	_ =	strace $0x90000051  }
0xbe: {  	_ =	sfence  }
0xbf: {  	s30 =	sld [smem:$0x0];
	_ =	sdelay $0x2  }
0xc0: {  	s31 =	sshll.u32 s1, $0xD;
	s1 =	sshrl.u32 s1, $0x2  }
0xc1: {  	s3 =	sand.u32 $0x4000, s31;
	s1 =	sadd.s32 s1, s30  }
0xc2: {  	s0 =	sor.u32 s3, s0;
	s1 =	sshll.u32 s1, $0x11  }
0xc3: {  	s0 =	sor.u32 s1, s0  }
0xc4: {  	s0 =	sadd.s32 $0x8F2B, s0  }
0xc5: {  	[sflag:s0] =	ssyncadd.remote.s32 $0x1  }
0xc6: {  	_ =	sfence.sel $0xFFFF  }
0xc7: {  	[dreg:$0x0] =	wrdreg $0xFFFFFFFF;
	(pc) =	sbr.abs _section_cstart, $3  }
0xc8: {  	[dreg:$0x1] =	wrdreg $0xFFFFFFFF  }
0xc9: {  	_ =	task.clear_ibuf [dreg:s9], $0x2FFFF;
	_ =	strace $0x9FFFFFFF  }
0xca: {  	(tm) =	ssettm $0x7FFFFFFF  }
0xcb: {  	_ =	shalt  }
tec
execute0_lowered:
.L_overlay_start_1:
0x0: {  	(tag) =	ssettag $0x1  }
0x1: {  	s8 =	rddreg [dreg:$0x0]  }
0x2: {  	s3 =	rddreg [dreg:$0x1];
	s1 =	srdreg.scid  }
0x3: {  	s9 =	rddreg [dreg:$0x2];
	s0 =	stileid.u32;
	s12 =	sand.u32 $0x1, s1  }
0x4: {  	s11 =	rddreg [dreg:$0x3];
	s4 =	sshll.u32 s0, $0x8;
	s5 =	sshll.u32 s12, $0x7  }
0x5: {  	s2 =	simm.s32 $0x0;
	s1 =	rddreg [dreg:$0x4];
	s10 =	sor.u32 s5, s4  }
0x6: {  	[smem:$0x7FF] =	sst s2;
	s13 =	sshrl.u32 s10, $0x3  }
0x7: {  	_ =	strace $0x80000050;
	s4 =	sadd.s32 s3, s13;
	s3 =	simm.s32 $0x2  }
0x8: {  	[tilespmem:s2], [sflag:$0x2] =	stream.linear.gather [hbm4b:s4+s2], $0x80, $0x38;
	[tilespmem:$0x1080] =	vst v63  }
0x9: {  	_ =	swait.ge [sflag:s3], $0x80  }
0xa: {  	s6 =	simm.s32 $0x80;
	[sflag:s3] =	ssyncset.done $0x0  }
0xb: {  	s7 =	simm.s32 $0x1;
	s5 =	sadd.s32 $0x2C00, s8;
	[sflag:s3] =	ssyncadd.s32 $0xFFFFFF80  }
0xc: {  	[tilespmem:s6], [sflag:$0x1] =	stream.indirect.gather [hbm4b:s5+s6], $0x20, s2, s6, $0xb8;
	[tilespmem:$0x1080] =	vst v63  }
0xd: {  	s10 =	sshll.u32 s10, $0x2;
	_ =	swait.ge [sflag:s7], $0x1000  }
0xe: {  	s14 =	sadd.s32 s10, s8;
	[sflag:s7] =	ssyncset.done $0x0  }
0xf: {  	s8 =	sadd.s32 $0x64800, s14;
	[sflag:s7] =	ssyncadd.s32 $0xFFFFF000  }
0x10: {  	[hbm4b:s8+s2] =	stream.linear.scatter [tilespmem:s6], [sflag:$0x2], $0x1000, $0x38;
	[tilespmem:$0x1080] =	vst v63  }
0x11: {  	_ =	swait.ge [sflag:s3], $0x1000  }
0x12: {  	[sflag:s3] =	ssyncset.done $0x0  }
0x13: {  	s9 =	sadd.s32 s9, s13;
	[sflag:s3] =	ssyncadd.s32 $0xFFFFF000  }
0x14: {  	[tilespmem:s2], [sflag:$0x2] =	stream.linear.gather [hbm4b:s9+s2], $0x80, $0x38;
	[tilespmem:$0x1080] =	vst v63  }
0x15: {  	_ =	swait.ge [sflag:s3], $0x80  }
0x16: {  	[sflag:s3] =	ssyncset.done $0x0  }
0x17: {  	[sflag:s3] =	ssyncadd.s32 $0xFFFFFF80  }
0x18: {  	[tilespmem:s6], [sflag:$0x1] =	stream.indirect.gather [hbm4b:s5+s6], $0x20, s2, s6, $0xb8;
	[tilespmem:$0x1080] =	vst v63  }
0x19: {  	_ =	swait.ge [sflag:s7], $0x1000  }
0x1a: {  	[sflag:s7] =	ssyncset.done $0x0  }
0x1b: {  	s10 =	sadd.s32 $0x68800, s14;
	[sflag:s7] =	ssyncadd.s32 $0xFFFFF000  }
0x1c: {  	[hbm4b:s10+s2] =	stream.linear.scatter [tilespmem:s6], [sflag:$0x2], $0x1000, $0x38;
	[tilespmem:$0x1080] =	vst v63  }
0x1d: {  	_ =	swait.ge [sflag:s3], $0x1000  }
0x1e: {  	[sflag:s3] =	ssyncset.done $0x0  }
0x1f: {  	s12 =	ssub.s32 $0x2, s12;
	s11 =	sadd.s32 s11, s13;
	[sflag:s3] =	ssyncadd.s32 $0xFFFFF000  }
0x20: {  	[tilespmem:s2], [sflag:$0x2] =	stream.linear.gather [hbm4b:s11+s2], $0x80, $0x38;
	[tilespmem:$0x1080] =	vst v63  }
0x21: {  	s31 =	sshrl.u32 s12, $0x1;
	_ =	swait.ge [sflag:s3], $0x80  }
0x22: {  	s13 =	ssub.s32 s12, s31;
	[sflag:s3] =	ssyncset.done $0x0  }
0x23: {  	s13 =	smax.u32 s13, $0x1;
	[sflag:s3] =	ssyncadd.s32 $0xFFFFFF80  }
0x24: {  	[tilespmem:s6], [sflag:$0x1] =	stream.indirect.gather [hbm4b:s5+s6], $0x20, s2, s6, $0xb8;
	[tilespmem:$0x1080] =	vst v63  }
0x25: {  	p0 =	sne.s32 s13, $0x1;
	_ =	swait.ge [sflag:s7], $0x1000  }
.Ltmp0:
0x26: {  	[sflag:s7] =	ssyncset.done $0x0;
	(pc) =	sbr.rel @!p0 .LBB2_2-.Ltmp0, $4  }
0x27: {  	s12 =	sadd.s32 $0x6C800, s14;
	[sflag:s7] =	ssyncadd.s32 $0xFFFFF000  }
0x28: {  	[hbm4b:s12+s2] =	stream.linear.scatter [tilespmem:s6], [sflag:$0x2], $0x1000, $0x38;
	[tilespmem:$0x1080] =	vst v63  }
0x29: {  	_ =	swait.ge [sflag:s3], $0x1000  }
0x2a: {  	s13 =	sadd.s32 $0xFFFFFFFF, s13;
	[sflag:s3] =	ssyncset.done $0x0  }
.LBB2_1:
0x2b: {  	p0 =	sne.s32 s13, $0x1;
	s13 =	sadd.s32 $0xFFFFFFFF, s13;
	[sflag:s3] =	ssyncadd.s32 $0xFFFFF000  }
0x2c: {  	[tilespmem:s2], [sflag:$0x2] =	stream.linear.gather [hbm4b:s4+s2], $0x80, $0x38;
	[tilespmem:$0x1080] =	vst v63  }
0x2d: {  	_ =	swait.ge [sflag:s3], $0x80  }
0x2e: {  	[sflag:s3] =	ssyncset.done $0x0  }
0x2f: {  	[sflag:s3] =	ssyncadd.s32 $0xFFFFFF80  }
0x30: {  	[tilespmem:s6], [sflag:$0x1] =	stream.indirect.gather [hbm4b:s5+s6], $0x20, s2, s6, $0xb8;
	[tilespmem:$0x1080] =	vst v63  }
0x31: {  	_ =	swait.ge [sflag:s7], $0x1000  }
0x32: {  	[sflag:s7] =	ssyncset.done $0x0  }
0x33: {  	[sflag:s7] =	ssyncadd.s32 $0xFFFFF000  }
0x34: {  	[hbm4b:s8+s2] =	stream.linear.scatter [tilespmem:s6], [sflag:$0x2], $0x1000, $0x38;
	[tilespmem:$0x1080] =	vst v63  }
0x35: {  	_ =	swait.ge [sflag:s3], $0x1000  }
0x36: {  	[sflag:s3] =	ssyncset.done $0x0  }
0x37: {  	[sflag:s3] =	ssyncadd.s32 $0xFFFFF000  }
0x38: {  	[tilespmem:s2], [sflag:$0x2] =	stream.linear.gather [hbm4b:s9+s2], $0x80, $0x38;
	[tilespmem:$0x1080] =	vst v63  }
0x39: {  	_ =	swait.ge [sflag:s3], $0x80  }
0x3a: {  	[sflag:s3] =	ssyncset.done $0x0  }
0x3b: {  	[sflag:s3] =	ssyncadd.s32 $0xFFFFFF80  }
0x3c: {  	[tilespmem:s6], [sflag:$0x1] =	stream.indirect.gather [hbm4b:s5+s6], $0x20, s2, s6, $0xb8;
	[tilespmem:$0x1080] =	vst v63  }
0x3d: {  	_ =	swait.ge [sflag:s7], $0x1000  }
0x3e: {  	[sflag:s7] =	ssyncset.done $0x0  }
0x3f: {  	[sflag:s7] =	ssyncadd.s32 $0xFFFFF000  }
0x40: {  	[hbm4b:s10+s2] =	stream.linear.scatter [tilespmem:s6], [sflag:$0x2], $0x1000, $0x38;
	[tilespmem:$0x1080] =	vst v63  }
0x41: {  	_ =	swait.ge [sflag:s3], $0x1000  }
0x42: {  	[sflag:s3] =	ssyncset.done $0x0  }
0x43: {  	[sflag:s3] =	ssyncadd.s32 $0xFFFFF000  }
0x44: {  	[tilespmem:s2], [sflag:$0x2] =	stream.linear.gather [hbm4b:s11+s2], $0x80, $0x38;
	[tilespmem:$0x1080] =	vst v63  }
0x45: {  	_ =	swait.ge [sflag:s3], $0x80  }
0x46: {  	[sflag:s3] =	ssyncset.done $0x0  }
0x47: {  	[sflag:s3] =	ssyncadd.s32 $0xFFFFFF80  }
0x48: {  	[tilespmem:s6], [sflag:$0x1] =	stream.indirect.gather [hbm4b:s5+s6], $0x20, s2, s6, $0xb8;
	[tilespmem:$0x1080] =	vst v63  }
0x49: {  	_ =	swait.ge [sflag:s7], $0x1000  }
.Ltmp1:
0x4a: {  	[sflag:s7] =	ssyncset.done $0x0;
	(pc) =	sbr.rel @p0 .LBB2_1-.Ltmp1, $4  }
0x4b: {  	[sflag:s7] =	ssyncadd.s32 $0xFFFFF000  }
0x4c: {  	[hbm4b:s12+s2] =	stream.linear.scatter [tilespmem:s6], [sflag:$0x2], $0x1000, $0x38;
	[tilespmem:$0x1080] =	vst v63  }
0x4d: {  	_ =	swait.ge [sflag:s3], $0x1000  }
0x4e: {  	[sflag:s3] =	ssyncset.done $0x0  }
.LBB2_2:
0x4f: {  	[sflag:s3] =	ssyncadd.s32 $0xFFFFF000  }
0x50: {  	_ =	sfence.sel $0x180000  }
0x51: {  	[bflag:$0x0] =	sbarrier.arrive $0xFFFF  }
0x52: {  	p0 =	sne.s32 s0, $0x0;
	_ =	strace $0x90000050  }
0x53: {  	s0 =	sadd.s32 @!p0 $0x100000, s1;
	[bflag:$0x2] =	sbarrier.arrive $0xFFFF  }
0x54: {  	[sflag:s0] =	ssyncadd.tile.s32 @!p0 $0x1;
	_ =	shalt  }
.Lfunc_end2:
_tile_overlayer_lowered:
.L_overlay_start_2:
0x55: {  	(tag) =	ssettag $0x2  }
0x56: {  	s0 =	rddreg [dreg:$0x0];
	s2 =	stileid.u32  }
0x57: {  	s1 =	rddreg [dreg:$0x1];
	p0 =	sne.s32 s2, $0x0  }
0x58: {  	s3 =	rddreg [dreg:$0x2];
	[bflag:$0x3] =	sbarrier.arrive $0xFFFF;
	s2 =	simm.s32 @!p0 $0x1C02  }
0x59: {  	[timem:s3], [sflag:s2] =	dma.local @!p0 [hbm:s0], s1  }
0x5a: {  	s0 =	simm.s32 @!p0 $0x2  }
0x5b: {  	_ =	swait.ge @!p0 [sflag:s0], s1  }
0x5c: {  	s1 =	ssub.s32 @!p0 $0x0, s1;
	[sflag:s0] =	ssyncset.done @!p0 $0x0  }
0x5d: {  	[sflag:s0] =	ssyncadd.s32 @!p0 s1  }
0x5e: {  	[bflag:$0x3] =	sbarrier.arrive $0xFFFF  }
0x5f: {  	_ =	shalt  }

</sc_bundles>
